<compile_context>
chip_gen: v7x
topology: tpu7x:2x2x1
jax: 0.10.2.dev20260603
libtpu: 0.0.44.dev20260713+nightly
codegen_flags: <defaults>
</compile_context>

<pallas_src>
import jax
import jax.numpy as jnp
from jax import lax
from jax.experimental import pallas as pl
from jax.experimental.pallas import tpu as pltpu
from jax.experimental.pallas import tpu_sc as plsc

THRESH = 0.10536051565782628
N_MIN = 110000

B = 8
CLS = 19
HW = 512 * 512
N = B * HW

NC, NS = 2, 16
NW = NC * NS
PW = N // NW
COLS = HW // NW
CCH = 2048
CPB = COLS // CCH
NCHUNK = B * CPB

LN2 = 0.6931471805599453
SQRT2 = 1.4142135623730951
UNROLL = 4


_LOG_COEFS = (0.9998871088027954, -0.4991101622581482, 0.33800554275512695,
              -0.27407950162887573, 0.1722455769777298)


def _poly_log_multi(ss):
    iv = [lax.bitcast_convert_type(s, jnp.int32) for s in ss]
    ev = [lax.shift_right_arithmetic(i, 23) - 127 for i in iv]
    mv = [lax.bitcast_convert_type((i & 0x7FFFFF) | 0x3F800000, jnp.float32)
          for i in iv]
    bigv = [m > jnp.float32(SQRT2) for m in mv]
    mv = [jnp.where(b, m * jnp.float32(0.5), m) for b, m in zip(bigv, mv)]
    ev = [jnp.where(b, e + 1, e) for b, e in zip(bigv, ev)]
    rv = [m - jnp.float32(1.0) for m in mv]
    pv = [jnp.full((16,), _LOG_COEFS[-1], jnp.float32) for _ in rv]
    for c in _LOG_COEFS[-2::-1]:
        pv = [jnp.float32(c) + r * p for r, p in zip(rv, pv)]
    return [e.astype(jnp.float32) * jnp.float32(LN2) + r * p
            for e, r, p in zip(ev, rv, pv)]


def _sc_body(x_hbm, lab_hbm, part_hbm, loss_hbm,
             xb0, xb1, lb0, lb1, ob0, ob1, pstage,
             xs0, xs1, ls0, ls1, os0, os1):
    wid = lax.axis_index("s") * NC + lax.axis_index("c")
    colbase = wid * COLS
    xbufs = (xb0, xb1)
    lbufs = (lb0, lb1)
    obufs = (ob0, ob1)
    xsems = (xs0, xs1)
    lsems = (ls0, ls1)
    osems = (os0, os1)
    lane = lax.iota(jnp.int32, 16)

    def issue(k, ph):
        b = k // CPB
        tile = wid * (CPB * 2) + (k % CPB) * 2
        rr = (tile // 4) * 8
        col = (tile % 4) * 128
        for cc in range(CLS):
            pltpu.async_copy(
                x_hbm.at[b, cc, pl.ds(rr, 8), pl.ds(col, 256)],
                xbufs[ph].at[cc],
                xsems[ph])
        pltpu.async_copy(
            lab_hbm.at[b, pl.ds(rr, 8), pl.ds(col, 256)], lbufs[ph], lsems[ph])

    issue(0, 0)
    issue(1, 1)

    def outer(t2, acc):
        for ph in range(2):
            k = t2 * 2 + ph
            @pl.when(t2 >= 1)
            def _():
                pltpu.make_async_copy(
                    obufs[ph], loss_hbm.at[pl.ds(0, CCH)], osems[ph]).wait()

            pltpu.make_async_copy(
                x_hbm.at[0, :, pl.ds(0, 8), pl.ds(0, 256)],
                xbufs[ph], xsems[ph]).wait()
            pltpu.make_async_copy(
                lab_hbm.at[0, pl.ds(0, 8), pl.ds(0, 256)],
                lbufs[ph], lsems[ph]).wait()

            def start(i2, ph=ph):
                r = i2 // 4
                cb = (i2 % 4) * 64
                labs = [lbufs[ph][r, pl.ds(cb + u * 16, 16)]
                        for u in range(UNROLL)]
                ps = [[None, None] for _ in range(UNROLL)]
                for cc in range(CLS):
                    for u in range(UNROLL):
                        e = jnp.exp(
                            xbufs[ph][cc, r, pl.ds(cb + u * 16, 16)])
                        p = ps[u][cc & 1]
                        ps[u][cc & 1] = e if p is None else p + e
                sums = tuple(ps[u][0] + ps[u][1] for u in range(UNROLL))
                rvec = jnp.full((16,), r, jnp.int32)
                cvec = cb + lane
                xsels = tuple(
                    plsc.load_gather(
                        xbufs[ph], [labs[u], rvec, cvec + u * 16])
                    for u in range(UNROLL))
                return sums + xsels

            def finish(i2, state, accs, ph=ph):
                accs = list(accs)
                sums = state[:UNROLL]
                xsels = state[UNROLL:]
                lses = _poly_log_multi(list(sums))
                ob = i2 * (UNROLL * 16)
                for u in range(UNROLL):
                    nll = lses[u] - xsels[u]
                    obufs[ph][pl.ds(ob + u * 16, 16)] = nll
                    msk = nll > jnp.float32(THRESH)
                    accs[2 * u] = accs[2 * u] + jnp.where(
                        msk, nll, jnp.float32(0.0))
                    accs[2 * u + 1] = accs[2 * u + 1] + jnp.where(
                        msk, jnp.float32(1.0), jnp.float32(0.0))
                return tuple(accs)

            nit = CCH // 16 // UNROLL

            @plsc.parallel_loop(0, nit, unroll=2, carry=tuple(acc))
            def _ploop(i2, accs, ph=ph):
                state = start(i2)
                return finish(i2, state, accs)

            acc = _ploop

            b = k // CPB
            pltpu.async_copy(
                obufs[ph],
                loss_hbm.at[pl.ds(b * HW + colbase + (k % CPB) * CCH, CCH)],
                osems[ph])

            @pl.when(k + 2 < NCHUNK)
            def _():
                issue(k + 2, ph)
        return acc

    z = jnp.zeros((16,), jnp.float32)
    acc = lax.fori_loop(0, NCHUNK // 2, outer, (z,) * (2 * UNROLL))
    sumv = acc[0]
    cntv = acc[1]
    for u in range(1, UNROLL):
        sumv = sumv + acc[2 * u]
        cntv = cntv + acc[2 * u + 1]

    pstage[pl.ds(0, 16)] = sumv
    pstage[pl.ds(16, 16)] = cntv
    pltpu.sync_copy(pstage, part_hbm.at[wid])
    for ph in range(2):
        pltpu.make_async_copy(
            obufs[ph], loss_hbm.at[pl.ds(0, CCH)], osems[ph]).wait()


_sc_pass = pl.kernel(
    _sc_body,
    out_type=(
        jax.ShapeDtypeStruct((NW, 32), jnp.float32),
        jax.ShapeDtypeStruct((N,), jnp.float32),
    ),
    mesh=plsc.VectorSubcoreMesh(core_axis_name="c", subcore_axis_name="s"),
    compiler_params=pltpu.CompilerParams(needs_layout_passes=False),
    scratch_types=[
        pltpu.VMEM((CLS, 8, 256), jnp.float32),
        pltpu.VMEM((CLS, 8, 256), jnp.float32),
        pltpu.VMEM((8, 256), jnp.int32),
        pltpu.VMEM((8, 256), jnp.int32),
        pltpu.VMEM((CCH,), jnp.float32),
        pltpu.VMEM((CCH,), jnp.float32),
        pltpu.VMEM((32,), jnp.float32),
        pltpu.SemaphoreType.DMA,
        pltpu.SemaphoreType.DMA,
        pltpu.SemaphoreType.DMA,
        pltpu.SemaphoreType.DMA,
        pltpu.SemaphoreType.DMA,
        pltpu.SemaphoreType.DMA,
    ],
)


def _topk_body(x_ref, o_ref):
    x = x_ref[...]

    def bis(_, lohi):
        lo, hi = lohi
        mid = lax.div(lo + hi, jnp.int32(2))
        t = lax.bitcast_convert_type(mid, jnp.float32)
        c = jnp.sum(jnp.where(x > t, jnp.float32(1.0), jnp.float32(0.0)))
        big = c >= jnp.float32(N_MIN)
        return jnp.where(big, mid, lo), jnp.where(big, hi, mid)

    lo, hi = lax.fori_loop(0, 32, bis, (jnp.int32(-1), jnp.int32(0x7F800000)))
    t = lax.bitcast_convert_type(hi, jnp.float32)
    cgt = jnp.sum(jnp.where(x > t, jnp.float32(1.0), jnp.float32(0.0)))
    sgt = jnp.sum(jnp.where(x > t, x, jnp.float32(0.0)))
    res = (sgt + (jnp.float32(N_MIN) - cgt) * t) / jnp.float32(N_MIN)
    o_ref[...] = jnp.broadcast_to(res, (1, 1))


def _topk_mean(loss_flat):
    x2 = loss_flat.reshape(2048, 1024)
    out = pl.pallas_call(
        _topk_body,
        out_shape=jax.ShapeDtypeStruct((1, 1), jnp.float32),
    )(x2)
    return out[0, 0]


@jax.jit
def kernel(logits, labels):
    part, loss = _sc_pass(logits, labels)
    sc = jnp.sum(part.reshape(NW, 2, 16), axis=(0, 2))
    s = sc[0]
    c = sc[1]
    mean_thresh = s / jnp.maximum(c, 1.0)
    cond = c >= jnp.float32(N_MIN + 1)
    return lax.cond(cond, lambda l: mean_thresh, _topk_mean, loss)

# --- scband reference (transcript-rebuilt; emitter-appended) ---
"""Pipeline reference for scband-ohem-celoss-1-38268158608139 (READ-ONLY COPY).

The authoritative reference and input builder live on the scoring server;
editing this copy changes nothing except your own understanding.
"""

import jax, jax.numpy as jnp
import numpy as np

THRESH = float(-np.log(0.9))
N_MIN = 110000
IGNORE = -1


def setup_inputs(seed: int = 0) -> dict:
    key = jax.random.key(seed)
    k1, k2 = jax.random.split(key)
    logits = jax.random.normal(k1, (8, 19, 512, 512), dtype=jnp.float32)
    labels = jax.random.randint(k2, (8, 512, 512), 0, 19, dtype=jnp.int32)
    return {"logits": logits, "labels": labels}


def reference(logits, labels):
    # per-pixel cross entropy with ignore_index, reduction='none'
    logp = jax.nn.log_softmax(logits, axis=1)
    labels_safe = jnp.where(labels == IGNORE, 0, labels)
    nll = -jnp.take_along_axis(logp, labels_safe[:, None, :, :], axis=1)[:, 0]
    valid = labels != IGNORE
    loss = jnp.where(valid, nll, 0.0).reshape(-1)
    # sort descending (OHEM)
    loss_sorted = jnp.sort(loss)[::-1]
    cond = loss_sorted[N_MIN] > THRESH
    # branch 1: keep losses above thresh
    mask = loss_sorted > THRESH
    cnt = jnp.maximum(jnp.sum(mask), 1)
    mean_thresh = jnp.sum(jnp.where(mask, loss_sorted, 0.0)) / cnt
    # branch 2: keep top n_min losses
    mean_topk = jnp.mean(loss_sorted[:N_MIN])
    return jnp.where(cond, mean_thresh, mean_topk)

if __name__ == "__main__":
    import jax
    _d = setup_inputs()
    print(jax.jit(kernel)(*tuple(_d.values())))

</pallas_src>

<mosaic_0001>
#map = affine_map<(d0, d1) -> (0, 0, 0, 0)>
#map1 = affine_map<(d0, d1) -> (0, 0, 0)>
#map2 = affine_map<(d0, d1) -> (0, 0)>
#map3 = affine_map<(d0, d1) -> (0)>
module attributes {stable_mosaic.version = 14 : i64} {
  func.func @_sc_body(%arg0: i32, %arg1: i32, %arg2: memref<8x19x512x512xf32, #tpu.memory_space<hbm>>, %arg3: memref<8x512x512xi32, #tpu.memory_space<hbm>>, %arg4: memref<32x32xf32, #tpu.memory_space<hbm>>, %arg5: memref<2097152xf32, #tpu.memory_space<hbm>>, %arg6: memref<19x8x256xf32, #tpu.memory_space<vmem>>, %arg7: memref<19x8x256xf32, #tpu.memory_space<vmem>>, %arg8: memref<8x256xi32, #tpu.memory_space<vmem>>, %arg9: memref<8x256xi32, #tpu.memory_space<vmem>>, %arg10: memref<2048xf32, #tpu.memory_space<vmem>>, %arg11: memref<2048xf32, #tpu.memory_space<vmem>>, %arg12: memref<32xf32, #tpu.memory_space<vmem>>, %arg13: memref<!tpu.dma_semaphore, #tpu.memory_space<semaphore_mem>>, %arg14: memref<!tpu.dma_semaphore, #tpu.memory_space<semaphore_mem>>, %arg15: memref<!tpu.dma_semaphore, #tpu.memory_space<semaphore_mem>>, %arg16: memref<!tpu.dma_semaphore, #tpu.memory_space<semaphore_mem>>, %arg17: memref<!tpu.dma_semaphore, #tpu.memory_space<semaphore_mem>>, %arg18: memref<!tpu.dma_semaphore, #tpu.memory_space<semaphore_mem>>) attributes {dimension_semantics = [#tpu.dimension_semantics<core_parallel>, #tpu.dimension_semantics<subcore_parallel>], iteration_bounds = array<i64: 2, 16>, scalar_prefetch = 0 : i64, scratch_operands = 13 : i64, tpu.core_type = #tpu.core_type<sc_vector_subcore>, window_params = [{transform_indices = #map}, {transform_indices = #map1}, {transform_indices = #map2}, {transform_indices = #map3}]} {
    %mul3A = arith.constant 2 : i32
    %mul3A_0 = arith.muli %arg1, %mul3A : i32
    %add3A = arith.addi %mul3A_0, %arg0 : i32
    %mul3A_1 = arith.constant 8192 : i32
    %mul3A_2 = arith.muli %add3A, %mul3A_1 : i32
    %iota3A = tpu.iota {dimensions = array<i32: 0>} : vector<16xi32>
    %mul3A_3 = arith.constant 8 : i32
    %mul3A_4 = arith.muli %add3A, %mul3A_3 : i32
    %add3A_5 = arith.constant 0 : i32
    %add3A_6 = arith.addi %mul3A_4, %add3A_5 : i32
    %jit3A = arith.constant 4 : i32
    %div3A = arith.divsi %add3A_6, %jit3A : i32
    %sign3A = arith.constant 0 : i32
    %sign3A_7 = arith.cmpi sgt, %add3A_6, %sign3A : i32
    %sign3A_8 = arith.extui %sign3A_7 : i1 to i32
    %sign3A_9 = arith.constant 0 : i32
    %sign3A_10 = arith.cmpi slt, %add3A_6, %sign3A_9 : i32
    %sign3A_11 = arith.extui %sign3A_10 : i1 to i32
    %sign3A_12 = arith.subi %sign3A_8, %sign3A_11 : i32
    %sign3A_13 = arith.constant 0 : i32
    %sign3A_14 = arith.cmpi sgt, %jit3A, %sign3A_13 : i32
    %sign3A_15 = arith.extui %sign3A_14 : i1 to i32
    %sign3A_16 = arith.constant 0 : i32
    %sign3A_17 = arith.cmpi slt, %jit3A, %sign3A_16 : i32
    %sign3A_18 = arith.extui %sign3A_17 : i1 to i32
    %sign3A_19 = arith.subi %sign3A_15, %sign3A_18 : i32
    %ne3A = arith.cmpi ne, %sign3A_12, %sign3A_19 : i32
    %rem3A = arith.remsi %add3A_6, %jit3A : i32
    %ne3A_20 = arith.constant 0 : i32
    %ne3A_21 = arith.cmpi ne, %rem3A, %ne3A_20 : i32
    %and3A = arith.andi %ne3A, %ne3A_21 : i1
    %sub3A = arith.constant 1 : i32
    %sub3A_22 = arith.subi %div3A, %sub3A : i32
    %select_n3A = arith.select %and3A, %sub3A_22, %div3A : i32
    %mul3A_23 = arith.constant 8 : i32
    %mul3A_24 = arith.muli %select_n3A, %mul3A_23 : i32
    %jit3A_25 = arith.constant 4 : i32
    %eq3A = arith.constant 0 : i32
    %eq3A_26 = arith.cmpi eq, %jit3A_25, %eq3A : i32
    %jit3A_27 = arith.constant 1 : i32
    %select_n3A_28 = arith.select %eq3A_26, %jit3A_27, %jit3A_25 : i32
    %rem3A_29 = arith.remsi %add3A_6, %select_n3A_28 : i32
    %ne3A_30 = arith.constant 0 : i32
    %ne3A_31 = arith.cmpi ne, %rem3A_29, %ne3A_30 : i32
    %lt3A = arith.constant 0 : i32
    %lt3A_32 = arith.cmpi slt, %rem3A_29, %lt3A : i32
    %lt3A_33 = arith.constant 0 : i32
    %lt3A_34 = arith.cmpi slt, %select_n3A_28, %lt3A_33 : i32
    %ne3A_35 = arith.xori %lt3A_32, %lt3A_34 : i1
    %and3A_36 = arith.andi %ne3A_35, %ne3A_31 : i1
    %add3A_37 = arith.addi %rem3A_29, %select_n3A_28 : i32
    %select_n3A_38 = arith.select %and3A_36, %add3A_37, %rem3A_29 : i32
    %mul3A_39 = arith.constant 128 : i32
    %mul3A_40 = arith.muli %select_n3A_38, %mul3A_39 : i32
    %dma_start3A = arith.constant 0 : i32
    %dma_start3A_41 = arith.constant 0 : i32
    %dma_start3A_42 = arith.constant 0 : i32
    %dma_start3A_43 = arith.constant 0 : i32
    %dma_start3A_44 = arith.constant 0 : i32
    %dma_start3A_45 = tpu.memref_slice %arg6[%dma_start3A_42, %dma_start3A_43, %dma_start3A_44] : memref<19x8x256xf32, #tpu.memory_space<vmem>> -> memref<1x8x256xf32, #tpu.memory_space<vmem>>
    %dma_start3A_46 = tpu.memref_squeeze %dma_start3A_45 : memref<1x8x256xf32, #tpu.memory_space<vmem>> -> memref<8x256xf32, #tpu.memory_space<vmem>>
    %dma_start3A_47 = tpu.memref_slice %arg2[%dma_start3A, %dma_start3A_41, %mul3A_24, %mul3A_40] : memref<8x19x512x512xf32, #tpu.memory_space<hbm>> -> memref<1x1x8x256xf32, #tpu.memory_space<hbm>>
    %dma_start3A_48 = tpu.memref_squeeze %dma_start3A_47 : memref<1x1x8x256xf32, #tpu.memory_space<hbm>> -> memref<8x256xf32, #tpu.memory_space<hbm>>
    %dma_start3A_49 = arith.constant 0 : i32
    %dma_start3A_50 = arith.constant 0 : i32
    %dma_start3A_51 = tpu.memref_slice %arg6[%dma_start3A_42, %dma_start3A_49, %dma_start3A_50] : memref<19x8x256xf32, #tpu.memory_space<vmem>> -> memref<1x8x256xf32, #tpu.memory_space<vmem>>
    %dma_start3A_52 = tpu.memref_squeeze %dma_start3A_51 : memref<1x8x256xf32, #tpu.memory_space<vmem>> -> memref<8x256xf32, #tpu.memory_space<vmem>>
    %dma_start3A_53 = tpu.memref_slice %arg2[%dma_start3A, %dma_start3A_41, %mul3A_24, %mul3A_40] : memref<8x19x512x512xf32, #tpu.memory_space<hbm>> -> memref<1x1x8x256xf32, #tpu.memory_space<hbm>>
    %dma_start3A_54 = tpu.memref_squeeze %dma_start3A_53 : memref<1x1x8x256xf32, #tpu.memory_space<hbm>> -> memref<8x256xf32, #tpu.memory_space<hbm>>
    tpu.enqueue_dma source(%dma_start3A_54 : memref<8x256xf32, #tpu.memory_space<hbm>>) target(%dma_start3A_52 : memref<8x256xf32, #tpu.memory_space<vmem>>) target_semaphore(%arg13 : memref<!tpu.dma_semaphore, #tpu.memory_space<semaphore_mem>>)
    %dma_start3A_55 = arith.constant 0 : i32
    %dma_start3A_56 = arith.constant 1 : i32
    %dma_start3A_57 = arith.constant 1 : i32
    %dma_start3A_58 = arith.constant 0 : i32
    %dma_start3A_59 = arith.constant 0 : i32
    %dma_start3A_60 = tpu.memref_slice %arg6[%dma_start3A_57, %dma_start3A_58, %dma_start3A_59] : memref<19x8x256xf32, #tpu.memory_space<vmem>> -> memref<1x8x256xf32, #tpu.memory_space<vmem>>
    %dma_start3A_61 = tpu.memref_squeeze %dma_start3A_60 : memref<1x8x256xf32, #tpu.memory_space<vmem>> -> memref<8x256xf32, #tpu.memory_space<vmem>>
    %dma_start3A_62 = tpu.memref_slice %arg2[%dma_start3A_55, %dma_start3A_56, %mul3A_24, %mul3A_40] : memref<8x19x512x512xf32, #tpu.memory_space<hbm>> -> memref<1x1x8x256xf32, #tpu.memory_space<hbm>>
    %dma_start3A_63 = tpu.memref_squeeze %dma_start3A_62 : memref<1x1x8x256xf32, #tpu.memory_space<hbm>> -> memref<8x256xf32, #tpu.memory_space<hbm>>
    %dma_start3A_64 = arith.constant 0 : i32
    %dma_start3A_65 = arith.constant 0 : i32
    %dma_start3A_66 = tpu.memref_slice %arg6[%dma_start3A_57, %dma_start3A_64, %dma_start3A_65] : memref<19x8x256xf32, #tpu.memory_space<vmem>> -> memref<1x8x256xf32, #tpu.memory_space<vmem>>
    %dma_start3A_67 = tpu.memref_squeeze %dma_start3A_66 : memref<1x8x256xf32, #tpu.memory_space<vmem>> -> memref<8x256xf32, #tpu.memory_space<vmem>>
    %dma_start3A_68 = tpu.memref_slice %arg2[%dma_start3A_55, %dma_start3A_56, %mul3A_24, %mul3A_40] : memref<8x19x512x512xf32, #tpu.memory_space<hbm>> -> memref<1x1x8x256xf32, #tpu.memory_space<hbm>>
    %dma_start3A_69 = tpu.memref_squeeze %dma_start3A_68 : memref<1x1x8x256xf32, #tpu.memory_space<hbm>> -> memref<8x256xf32, #tpu.memory_space<hbm>>
    tpu.enqueue_dma source(%dma_start3A_69 : memref<8x256xf32, #tpu.memory_space<hbm>>) target(%dma_start3A_67 : memref<8x256xf32, #tpu.memory_space<vmem>>) target_semaphore(%arg13 : memref<!tpu.dma_semaphore, #tpu.memory_space<semaphore_mem>>)
    %dma_start3A_70 = arith.constant 0 : i32
    %dma_start3A_71 = arith.constant 2 : i32
    %dma_start3A_72 = arith.constant 2 : i32
    %dma_start3A_73 = arith.constant 0 : i32
    %dma_start3A_74 = arith.constant 0 : i32
    %dma_start3A_75 = tpu.memref_slice %arg6[%dma_start3A_72, %dma_start3A_73, %dma_start3A_74] : memref<19x8x256xf32, #tpu.memory_space<vmem>> -> memref<1x8x256xf32, #tpu.memory_space<vmem>>
    %dma_start3A_76 = tpu.memref_squeeze %dma_start3A_75 : memref<1x8x256xf32, #tpu.memory_space<vmem>> -> memref<8x256xf32, #tpu.memory_space<vmem>>
    %dma_start3A_77 = tpu.memref_slice %arg2[%dma_start3A_70, %dma_start3A_71, %mul3A_24, %mul3A_40] : memref<8x19x512x512xf32, #tpu.memory_space<hbm>> -> memref<1x1x8x256xf32, #tpu.memory_space<hbm>>
    %dma_start3A_78 = tpu.memref_squeeze %dma_start3A_77 : memref<1x1x8x256xf32, #tpu.memory_space<hbm>> -> memref<8x256xf32, #tpu.memory_space<hbm>>
    %dma_start3A_79 = arith.constant 0 : i32
    %dma_start3A_80 = arith.constant 0 : i32
    %dma_start3A_81 = tpu.memref_slice %arg6[%dma_start3A_72, %dma_start3A_79, %dma_start3A_80] : memref<19x8x256xf32, #tpu.memory_space<vmem>> -> memref<1x8x256xf32, #tpu.memory_space<vmem>>
    %dma_start3A_82 = tpu.memref_squeeze %dma_start3A_81 : memref<1x8x256xf32, #tpu.memory_space<vmem>> -> memref<8x256xf32, #tpu.memory_space<vmem>>
    %dma_start3A_83 = tpu.memref_slice %arg2[%dma_start3A_70, %dma_start3A_71, %mul3A_24, %mul3A_40] : memref<8x19x512x512xf32, #tpu.memory_space<hbm>> -> memref<1x1x8x256xf32, #tpu.memory_space<hbm>>
    %dma_start3A_84 = tpu.memref_squeeze %dma_start3A_83 : memref<1x1x8x256xf32, #tpu.memory_space<hbm>> -> memref<8x256xf32, #tpu.memory_space<hbm>>
    tpu.enqueue_dma source(%dma_start3A_84 : memref<8x256xf32, #tpu.memory_space<hbm>>) target(%dma_start3A_82 : memref<8x256xf32, #tpu.memory_space<vmem>>) target_semaphore(%arg13 : memref<!tpu.dma_semaphore, #tpu.memory_space<semaphore_mem>>)
    %dma_start3A_85 = arith.constant 0 : i32
    %dma_start3A_86 = arith.constant 3 : i32
    %dma_start3A_87 = arith.constant 3 : i32
    %dma_start3A_88 = arith.constant 0 : i32
    %dma_start3A_89 = arith.constant 0 : i32
    %dma_start3A_90 = tpu.memref_slice %arg6[%dma_start3A_87, %dma_start3A_88, %dma_start3A_89] : memref<19x8x256xf32, #tpu.memory_space<vmem>> -> memref<1x8x256xf32, #tpu.memory_space<vmem>>
    %dma_start3A_91 = tpu.memref_squeeze %dma_start3A_90 : memref<1x8x256xf32, #tpu.memory_space<vmem>> -> memref<8x256xf32, #tpu.memory_space<vmem>>
    %dma_start3A_92 = tpu.memref_slice %arg2[%dma_start3A_85, %dma_start3A_86, %mul3A_24, %mul3A_40] : memref<8x19x512x512xf32, #tpu.memory_space<hbm>> -> memref<1x1x8x256xf32, #tpu.memory_space<hbm>>
    %dma_start3A_93 = tpu.memref_squeeze %dma_start3A_92 : memref<1x1x8x256xf32, #tpu.memory_space<hbm>> -> memref<8x256xf32, #tpu.memory_space<hbm>>
    %dma_start3A_94 = arith.constant 0 : i32
    %dma_start3A_95 = arith.constant 0 : i32
    %dma_start3A_96 = tpu.memref_slice %arg6[%dma_start3A_87, %dma_start3A_94, %dma_start3A_95] : memref<19x8x256xf32, #tpu.memory_space<vmem>> -> memref<1x8x256xf32, #tpu.memory_space<vmem>>
    %dma_start3A_97 = tpu.memref_squeeze %dma_start3A_96 : memref<1x8x256xf32, #tpu.memory_space<vmem>> -> memref<8x256xf32, #tpu.memory_space<vmem>>
    %dma_start3A_98 = tpu.memref_slice %arg2[%dma_start3A_85, %dma_start3A_86, %mul3A_24, %mul3A_40] : memref<8x19x512x512xf32, #tpu.memory_space<hbm>> -> memref<1x1x8x256xf32, #tpu.memory_space<hbm>>
    %dma_start3A_99 = tpu.memref_squeeze %dma_start3A_98 : memref<1x1x8x256xf32, #tpu.memory_space<hbm>> -> memref<8x256xf32, #tpu.memory_space<hbm>>
    tpu.enqueue_dma source(%dma_start3A_99 : memref<8x256xf32, #tpu.memory_space<hbm>>) target(%dma_start3A_97 : memref<8x256xf32, #tpu.memory_space<vmem>>) target_semaphore(%arg13 : memref<!tpu.dma_semaphore, #tpu.memory_space<semaphore_mem>>)
    %dma_start3A_100 = arith.constant 0 : i32
    %dma_start3A_101 = arith.constant 4 : i32
    %dma_start3A_102 = arith.constant 4 : i32
    %dma_start3A_103 = arith.constant 0 : i32
    %dma_start3A_104 = arith.constant 0 : i32
    %dma_start3A_105 = tpu.memref_slice %arg6[%dma_start3A_102, %dma_start3A_103, %dma_start3A_104] : memref<19x8x256xf32, #tpu.memory_space<vmem>> -> memref<1x8x256xf32, #tpu.memory_space<vmem>>
    %dma_start3A_106 = tpu.memref_squeeze %dma_start3A_105 : memref<1x8x256xf32, #tpu.memory_space<vmem>> -> memref<8x256xf32, #tpu.memory_space<vmem>>
    %dma_start3A_107 = tpu.memref_slice %arg2[%dma_start3A_100, %dma_start3A_101, %mul3A_24, %mul3A_40] : memref<8x19x512x512xf32, #tpu.memory_space<hbm>> -> memref<1x1x8x256xf32, #tpu.memory_space<hbm>>
    %dma_start3A_108 = tpu.memref_squeeze %dma_start3A_107 : memref<1x1x8x256xf32, #tpu.memory_space<hbm>> -> memref<8x256xf32, #tpu.memory_space<hbm>>
    %dma_start3A_109 = arith.constant 0 : i32
    %dma_start3A_110 = arith.constant 0 : i32
    %dma_start3A_111 = tpu.memref_slice %arg6[%dma_start3A_102, %dma_start3A_109, %dma_start3A_110] : memref<19x8x256xf32, #tpu.memory_space<vmem>> -> memref<1x8x256xf32, #tpu.memory_space<vmem>>
    %dma_start3A_112 = tpu.memref_squeeze %dma_start3A_111 : memref<1x8x256xf32, #tpu.memory_space<vmem>> -> memref<8x256xf32, #tpu.memory_space<vmem>>
    %dma_start3A_113 = tpu.memref_slice %arg2[%dma_start3A_100, %dma_start3A_101, %mul3A_24, %mul3A_40] : memref<8x19x512x512xf32, #tpu.memory_space<hbm>> -> memref<1x1x8x256xf32, #tpu.memory_space<hbm>>
    %dma_start3A_114 = tpu.memref_squeeze %dma_start3A_113 : memref<1x1x8x256xf32, #tpu.memory_space<hbm>> -> memref<8x256xf32, #tpu.memory_space<hbm>>
    tpu.enqueue_dma source(%dma_start3A_114 : memref<8x256xf32, #tpu.memory_space<hbm>>) target(%dma_start3A_112 : memref<8x256xf32, #tpu.memory_space<vmem>>) target_semaphore(%arg13 : memref<!tpu.dma_semaphore, #tpu.memory_space<semaphore_mem>>)
    %dma_start3A_115 = arith.constant 0 : i32
    %dma_start3A_116 = arith.constant 5 : i32
    %dma_start3A_117 = arith.constant 5 : i32
    %dma_start3A_118 = arith.constant 0 : i32
    %dma_start3A_119 = arith.constant 0 : i32
    %dma_start3A_120 = tpu.memref_slice %arg6[%dma_start3A_117, %dma_start3A_118, %dma_start3A_119] : memref<19x8x256xf32, #tpu.memory_space<vmem>> -> memref<1x8x256xf32, #tpu.memory_space<vmem>>
    %dma_start3A_121 = tpu.memref_squeeze %dma_start3A_120 : memref<1x8x256xf32, #tpu.memory_space<vmem>> -> memref<8x256xf32, #tpu.memory_space<vmem>>
    %dma_start3A_122 = tpu.memref_slice %arg2[%dma_start3A_115, %dma_start3A_116, %mul3A_24, %mul3A_40] : memref<8x19x512x512xf32, #tpu.memory_space<hbm>> -> memref<1x1x8x256xf32, #tpu.memory_space<hbm>>
    %dma_start3A_123 = tpu.memref_squeeze %dma_start3A_122 : memref<1x1x8x256xf32, #tpu.memory_space<hbm>> -> memref<8x256xf32, #tpu.memory_space<hbm>>
    %dma_start3A_124 = arith.constant 0 : i32
    %dma_start3A_125 = arith.constant 0 : i32
    %dma_start3A_126 = tpu.memref_slice %arg6[%dma_start3A_117, %dma_start3A_124, %dma_start3A_125] : memref<19x8x256xf32, #tpu.memory_space<vmem>> -> memref<1x8x256xf32, #tpu.memory_space<vmem>>
    %dma_start3A_127 = tpu.memref_squeeze %dma_start3A_126 : memref<1x8x256xf32, #tpu.memory_space<vmem>> -> memref<8x256xf32, #tpu.memory_space<vmem>>
    %dma_start3A_128 = tpu.memref_slice %arg2[%dma_start3A_115, %dma_start3A_116, %mul3A_24, %mul3A_40] : memref<8x19x512x512xf32, #tpu.memory_space<hbm>> -> memref<1x1x8x256xf32, #tpu.memory_space<hbm>>
    %dma_start3A_129 = tpu.memref_squeeze %dma_start3A_128 : memref<1x1x8x256xf32, #tpu.memory_space<hbm>> -> memref<8x256xf32, #tpu.memory_space<hbm>>
    tpu.enqueue_dma source(%dma_start3A_129 : memref<8x256xf32, #tpu.memory_space<hbm>>) target(%dma_start3A_127 : memref<8x256xf32, #tpu.memory_space<vmem>>) target_semaphore(%arg13 : memref<!tpu.dma_semaphore, #tpu.memory_space<semaphore_mem>>)
    %dma_start3A_130 = arith.constant 0 : i32
    %dma_start3A_131 = arith.constant 6 : i32
    %dma_start3A_132 = arith.constant 6 : i32
    %dma_start3A_133 = arith.constant 0 : i32
    %dma_start3A_134 = arith.constant 0 : i32
    %dma_start3A_135 = tpu.memref_slice %arg6[%dma_start3A_132, %dma_start3A_133, %dma_start3A_134] : memref<19x8x256xf32, #tpu.memory_space<vmem>> -> memref<1x8x256xf32, #tpu.memory_space<vmem>>
    %dma_start3A_136 = tpu.memref_squeeze %dma_start3A_135 : memref<1x8x256xf32, #tpu.memory_space<vmem>> -> memref<8x256xf32, #tpu.memory_space<vmem>>
    %dma_start3A_137 = tpu.memref_slice %arg2[%dma_start3A_130, %dma_start3A_131, %mul3A_24, %mul3A_40] : memref<8x19x512x512xf32, #tpu.memory_space<hbm>> -> memref<1x1x8x256xf32, #tpu.memory_space<hbm>>
    %dma_start3A_138 = tpu.memref_squeeze %dma_start3A_137 : memref<1x1x8x256xf32, #tpu.memory_space<hbm>> -> memref<8x256xf32, #tpu.memory_space<hbm>>
    %dma_start3A_139 = arith.constant 0 : i32
    %dma_start3A_140 = arith.constant 0 : i32
    %dma_start3A_141 = tpu.memref_slice %arg6[%dma_start3A_132, %dma_start3A_139, %dma_start3A_140] : memref<19x8x256xf32, #tpu.memory_space<vmem>> -> memref<1x8x256xf32, #tpu.memory_space<vmem>>
    %dma_start3A_142 = tpu.memref_squeeze %dma_start3A_141 : memref<1x8x256xf32, #tpu.memory_space<vmem>> -> memref<8x256xf32, #tpu.memory_space<vmem>>
    %dma_start3A_143 = tpu.memref_slice %arg2[%dma_start3A_130, %dma_start3A_131, %mul3A_24, %mul3A_40] : memref<8x19x512x512xf32, #tpu.memory_space<hbm>> -> memref<1x1x8x256xf32, #tpu.memory_space<hbm>>
    %dma_start3A_144 = tpu.memref_squeeze %dma_start3A_143 : memref<1x1x8x256xf32, #tpu.memory_space<hbm>> -> memref<8x256xf32, #tpu.memory_space<hbm>>
    tpu.enqueue_dma source(%dma_start3A_144 : memref<8x256xf32, #tpu.memory_space<hbm>>) target(%dma_start3A_142 : memref<8x256xf32, #tpu.memory_space<vmem>>) target_semaphore(%arg13 : memref<!tpu.dma_semaphore, #tpu.memory_space<semaphore_mem>>)
    %dma_start3A_145 = arith.constant 0 : i32
    %dma_start3A_146 = arith.constant 7 : i32
    %dma_start3A_147 = arith.constant 7 : i32
    %dma_start3A_148 = arith.constant 0 : i32
    %dma_start3A_149 = arith.constant 0 : i32
    %dma_start3A_150 = tpu.memref_slice %arg6[%dma_start3A_147, %dma_start3A_148, %dma_start3A_149] : memref<19x8x256xf32, #tpu.memory_space<vmem>> -> memref<1x8x256xf32, #tpu.memory_space<vmem>>
    %dma_start3A_151 = tpu.memref_squeeze %dma_start3A_150 : memref<1x8x256xf32, #tpu.memory_space<vmem>> -> memref<8x256xf32, #tpu.memory_space<vmem>>
    %dma_start3A_152 = tpu.memref_slice %arg2[%dma_start3A_145, %dma_start3A_146, %mul3A_24, %mul3A_40] : memref<8x19x512x512xf32, #tpu.memory_space<hbm>> -> memref<1x1x8x256xf32, #tpu.memory_space<hbm>>
    %dma_start3A_153 = tpu.memref_squeeze %dma_start3A_152 : memref<1x1x8x256xf32, #tpu.memory_space<hbm>> -> memref<8x256xf32, #tpu.memory_space<hbm>>
    %dma_start3A_154 = arith.constant 0 : i32
    %dma_start3A_155 = arith.constant 0 : i32
    %dma_start3A_156 = tpu.memref_slice %arg6[%dma_start3A_147, %dma_start3A_154, %dma_start3A_155] : memref<19x8x256xf32, #tpu.memory_space<vmem>> -> memref<1x8x256xf32, #tpu.memory_space<vmem>>
    %dma_start3A_157 = tpu.memref_squeeze %dma_start3A_156 : memref<1x8x256xf32, #tpu.memory_space<vmem>> -> memref<8x256xf32, #tpu.memory_space<vmem>>
    %dma_start3A_158 = tpu.memref_slice %arg2[%dma_start3A_145, %dma_start3A_146, %mul3A_24, %mul3A_40] : memref<8x19x512x512xf32, #tpu.memory_space<hbm>> -> memref<1x1x8x256xf32, #tpu.memory_space<hbm>>
    %dma_start3A_159 = tpu.memref_squeeze %dma_start3A_158 : memref<1x1x8x256xf32, #tpu.memory_space<hbm>> -> memref<8x256xf32, #tpu.memory_space<hbm>>
    tpu.enqueue_dma source(%dma_start3A_159 : memref<8x256xf32, #tpu.memory_space<hbm>>) target(%dma_start3A_157 : memref<8x256xf32, #tpu.memory_space<vmem>>) target_semaphore(%arg13 : memref<!tpu.dma_semaphore, #tpu.memory_space<semaphore_mem>>)
    %dma_start3A_160 = arith.constant 0 : i32
    %dma_start3A_161 = arith.constant 8 : i32
    %dma_start3A_162 = arith.constant 8 : i32
    %dma_start3A_163 = arith.constant 0 : i32
    %dma_start3A_164 = arith.constant 0 : i32
    %dma_start3A_165 = tpu.memref_slice %arg6[%dma_start3A_162, %dma_start3A_163, %dma_start3A_164] : memref<19x8x256xf32, #tpu.memory_space<vmem>> -> memref<1x8x256xf32, #tpu.memory_space<vmem>>
    %dma_start3A_166 = tpu.memref_squeeze %dma_start3A_165 : memref<1x8x256xf32, #tpu.memory_space<vmem>> -> memref<8x256xf32, #tpu.memory_space<vmem>>
    %dma_start3A_167 = tpu.memref_slice %arg2[%dma_start3A_160, %dma_start3A_161, %mul3A_24, %mul3A_40] : memref<8x19x512x512xf32, #tpu.memory_space<hbm>> -> memref<1x1x8x256xf32, #tpu.memory_space<hbm>>
    %dma_start3A_168 = tpu.memref_squeeze %dma_start3A_167 : memref<1x1x8x256xf32, #tpu.memory_space<hbm>> -> memref<8x256xf32, #tpu.memory_space<hbm>>
    %dma_start3A_169 = arith.constant 0 : i32
    %dma_start3A_170 = arith.constant 0 : i32
    %dma_start3A_171 = tpu.memref_slice %arg6[%dma_start3A_162, %dma_start3A_169, %dma_start3A_170] : memref<19x8x256xf32, #tpu.memory_space<vmem>> -> memref<1x8x256xf32, #tpu.memory_space<vmem>>
    %dma_start3A_172 = tpu.memref_squeeze %dma_start3A_171 : memref<1x8x256xf32, #tpu.memory_space<vmem>> -> memref<8x256xf32, #tpu.memory_space<vmem>>
    %dma_start3A_173 = tpu.memref_slice %arg2[%dma_start3A_160, %dma_start3A_161, %mul3A_24, %mul3A_40] : memref<8x19x512x512xf32, #tpu.memory_space<hbm>> -> memref<1x1x8x256xf32, #tpu.memory_space<hbm>>
    %dma_start3A_174 = tpu.memref_squeeze %dma_start3A_173 : memref<1x1x8x256xf32, #tpu.memory_space<hbm>> -> memref<8x256xf32, #tpu.memory_space<hbm>>
    tpu.enqueue_dma source(%dma_start3A_174 : memref<8x256xf32, #tpu.memory_space<hbm>>) target(%dma_start3A_172 : memref<8x256xf32, #tpu.memory_space<vmem>>) target_semaphore(%arg13 : memref<!tpu.dma_semaphore, #tpu.memory_space<semaphore_mem>>)
    %dma_start3A_175 = arith.constant 0 : i32
    %dma_start3A_176 = arith.constant 9 : i32
    %dma_start3A_177 = arith.constant 9 : i32
    %dma_start3A_178 = arith.constant 0 : i32
    %dma_start3A_179 = arith.constant 0 : i32
    %dma_start3A_180 = tpu.memref_slice %arg6[%dma_start3A_177, %dma_start3A_178, %dma_start3A_179] : memref<19x8x256xf32, #tpu.memory_space<vmem>> -> memref<1x8x256xf32, #tpu.memory_space<vmem>>
    %dma_start3A_181 = tpu.memref_squeeze %dma_start3A_180 : memref<1x8x256xf32, #tpu.memory_space<vmem>> -> memref<8x256xf32, #tpu.memory_space<vmem>>
    %dma_start3A_182 = tpu.memref_slice %arg2[%dma_start3A_175, %dma_start3A_176, %mul3A_24, %mul3A_40] : memref<8x19x512x512xf32, #tpu.memory_space<hbm>> -> memref<1x1x8x256xf32, #tpu.memory_space<hbm>>
    %dma_start3A_183 = tpu.memref_squeeze %dma_start3A_182 : memref<1x1x8x256xf32, #tpu.memory_space<hbm>> -> memref<8x256xf32, #tpu.memory_space<hbm>>
    %dma_start3A_184 = arith.constant 0 : i32
    %dma_start3A_185 = arith.constant 0 : i32
    %dma_start3A_186 = tpu.memref_slice %arg6[%dma_start3A_177, %dma_start3A_184, %dma_start3A_185] : memref<19x8x256xf32, #tpu.memory_space<vmem>> -> memref<1x8x256xf32, #tpu.memory_space<vmem>>
    %dma_start3A_187 = tpu.memref_squeeze %dma_start3A_186 : memref<1x8x256xf32, #tpu.memory_space<vmem>> -> memref<8x256xf32, #tpu.memory_space<vmem>>
    %dma_start3A_188 = tpu.memref_slice %arg2[%dma_start3A_175, %dma_start3A_176, %mul3A_24, %mul3A_40] : memref<8x19x512x512xf32, #tpu.memory_space<hbm>> -> memref<1x1x8x256xf32, #tpu.memory_space<hbm>>
    %dma_start3A_189 = tpu.memref_squeeze %dma_start3A_188 : memref<1x1x8x256xf32, #tpu.memory_space<hbm>> -> memref<8x256xf32, #tpu.memory_space<hbm>>
    tpu.enqueue_dma source(%dma_start3A_189 : memref<8x256xf32, #tpu.memory_space<hbm>>) target(%dma_start3A_187 : memref<8x256xf32, #tpu.memory_space<vmem>>) target_semaphore(%arg13 : memref<!tpu.dma_semaphore, #tpu.memory_space<semaphore_mem>>)
    %dma_start3A_190 = arith.constant 0 : i32
    %dma_start3A_191 = arith.constant 10 : i32
    %dma_start3A_192 = arith.constant 10 : i32
    %dma_start3A_193 = arith.constant 0 : i32
    %dma_start3A_194 = arith.constant 0 : i32
    %dma_start3A_195 = tpu.memref_slice %arg6[%dma_start3A_192, %dma_start3A_193, %dma_start3A_194] : memref<19x8x256xf32, #tpu.memory_space<vmem>> -> memref<1x8x256xf32, #tpu.memory_space<vmem>>
    %dma_start3A_196 = tpu.memref_squeeze %dma_start3A_195 : memref<1x8x256xf32, #tpu.memory_space<vmem>> -> memref<8x256xf32, #tpu.memory_space<vmem>>
    %dma_start3A_197 = tpu.memref_slice %arg2[%dma_start3A_190, %dma_start3A_191, %mul3A_24, %mul3A_40] : memref<8x19x512x512xf32, #tpu.memory_space<hbm>> -> memref<1x1x8x256xf32, #tpu.memory_space<hbm>>
    %dma_start3A_198 = tpu.memref_squeeze %dma_start3A_197 : memref<1x1x8x256xf32, #tpu.memory_space<hbm>> -> memref<8x256xf32, #tpu.memory_space<hbm>>
    %dma_start3A_199 = arith.constant 0 : i32
    %dma_start3A_200 = arith.constant 0 : i32
    %dma_start3A_201 = tpu.memref_slice %arg6[%dma_start3A_192, %dma_start3A_199, %dma_start3A_200] : memref<19x8x256xf32, #tpu.memory_space<vmem>> -> memref<1x8x256xf32, #tpu.memory_space<vmem>>
    %dma_start3A_202 = tpu.memref_squeeze %dma_start3A_201 : memref<1x8x256xf32, #tpu.memory_space<vmem>> -> memref<8x256xf32, #tpu.memory_space<vmem>>
    %dma_start3A_203 = tpu.memref_slice %arg2[%dma_start3A_190, %dma_start3A_191, %mul3A_24, %mul3A_40] : memref<8x19x512x512xf32, #tpu.memory_space<hbm>> -> memref<1x1x8x256xf32, #tpu.memory_space<hbm>>
    %dma_start3A_204 = tpu.memref_squeeze %dma_start3A_203 : memref<1x1x8x256xf32, #tpu.memory_space<hbm>> -> memref<8x256xf32, #tpu.memory_space<hbm>>
    tpu.enqueue_dma source(%dma_start3A_204 : memref<8x256xf32, #tpu.memory_space<hbm>>) target(%dma_start3A_202 : memref<8x256xf32, #tpu.memory_space<vmem>>) target_semaphore(%arg13 : memref<!tpu.dma_semaphore, #tpu.memory_space<semaphore_mem>>)
    %dma_start3A_205 = arith.constant 0 : i32
    %dma_start3A_206 = arith.constant 11 : i32
    %dma_start3A_207 = arith.constant 11 : i32
    %dma_start3A_208 = arith.constant 0 : i32
    %dma_start3A_209 = arith.constant 0 : i32
    %dma_start3A_210 = tpu.memref_slice %arg6[%dma_start3A_207, %dma_start3A_208, %dma_start3A_209] : memref<19x8x256xf32, #tpu.memory_space<vmem>> -> memref<1x8x256xf32, #tpu.memory_space<vmem>>
    %dma_start3A_211 = tpu.memref_squeeze %dma_start3A_210 : memref<1x8x256xf32, #tpu.memory_space<vmem>> -> memref<8x256xf32, #tpu.memory_space<vmem>>
    %dma_start3A_212 = tpu.memref_slice %arg2[%dma_start3A_205, %dma_start3A_206, %mul3A_24, %mul3A_40] : memref<8x19x512x512xf32, #tpu.memory_space<hbm>> -> memref<1x1x8x256xf32, #tpu.memory_space<hbm>>
    %dma_start3A_213 = tpu.memref_squeeze %dma_start3A_212 : memref<1x1x8x256xf32, #tpu.memory_space<hbm>> -> memref<8x256xf32, #tpu.memory_space<hbm>>
    %dma_start3A_214 = arith.constant 0 : i32
    %dma_start3A_215 = arith.constant 0 : i32
    %dma_start3A_216 = tpu.memref_slice %arg6[%dma_start3A_207, %dma_start3A_214, %dma_start3A_215] : memref<19x8x256xf32, #tpu.memory_space<vmem>> -> memref<1x8x256xf32, #tpu.memory_space<vmem>>
    %dma_start3A_217 = tpu.memref_squeeze %dma_start3A_216 : memref<1x8x256xf32, #tpu.memory_space<vmem>> -> memref<8x256xf32, #tpu.memory_space<vmem>>
    %dma_start3A_218 = tpu.memref_slice %arg2[%dma_start3A_205, %dma_start3A_206, %mul3A_24, %mul3A_40] : memref<8x19x512x512xf32, #tpu.memory_space<hbm>> -> memref<1x1x8x256xf32, #tpu.memory_space<hbm>>
    %dma_start3A_219 = tpu.memref_squeeze %dma_start3A_218 : memref<1x1x8x256xf32, #tpu.memory_space<hbm>> -> memref<8x256xf32, #tpu.memory_space<hbm>>
    tpu.enqueue_dma source(%dma_start3A_219 : memref<8x256xf32, #tpu.memory_space<hbm>>) target(%dma_start3A_217 : memref<8x256xf32, #tpu.memory_space<vmem>>) target_semaphore(%arg13 : memref<!tpu.dma_semaphore, #tpu.memory_space<semaphore_mem>>)
    %dma_start3A_220 = arith.constant 0 : i32
    %dma_start3A_221 = arith.constant 12 : i32
    %dma_start3A_222 = arith.constant 12 : i32
    %dma_start3A_223 = arith.constant 0 : i32
    %dma_start3A_224 = arith.constant 0 : i32
    %dma_start3A_225 = tpu.memref_slice %arg6[%dma_start3A_222, %dma_start3A_223, %dma_start3A_224] : memref<19x8x256xf32, #tpu.memory_space<vmem>> -> memref<1x8x256xf32, #tpu.memory_space<vmem>>
    %dma_start3A_226 = tpu.memref_squeeze %dma_start3A_225 : memref<1x8x256xf32, #tpu.memory_space<vmem>> -> memref<8x256xf32, #tpu.memory_space<vmem>>
    %dma_start3A_227 = tpu.memref_slice %arg2[%dma_start3A_220, %dma_start3A_221, %mul3A_24, %mul3A_40] : memref<8x19x512x512xf32, #tpu.memory_space<hbm>> -> memref<1x1x8x256xf32, #tpu.memory_space<hbm>>
    %dma_start3A_228 = tpu.memref_squeeze %dma_start3A_227 : memref<1x1x8x256xf32, #tpu.memory_space<hbm>> -> memref<8x256xf32, #tpu.memory_space<hbm>>
    %dma_start3A_229 = arith.constant 0 : i32
    %dma_start3A_230 = arith.constant 0 : i32
    %dma_start3A_231 = tpu.memref_slice %arg6[%dma_start3A_222, %dma_start3A_229, %dma_start3A_230] : memref<19x8x256xf32, #tpu.memory_space<vmem>> -> memref<1x8x256xf32, #tpu.memory_space<vmem>>
    %dma_start3A_232 = tpu.memref_squeeze %dma_start3A_231 : memref<1x8x256xf32, #tpu.memory_space<vmem>> -> memref<8x256xf32, #tpu.memory_space<vmem>>
    %dma_start3A_233 = tpu.memref_slice %arg2[%dma_start3A_220, %dma_start3A_221, %mul3A_24, %mul3A_40] : memref<8x19x512x512xf32, #tpu.memory_space<hbm>> -> memref<1x1x8x256xf32, #tpu.memory_space<hbm>>
    %dma_start3A_234 = tpu.memref_squeeze %dma_start3A_233 : memref<1x1x8x256xf32, #tpu.memory_space<hbm>> -> memref<8x256xf32, #tpu.memory_space<hbm>>
    tpu.enqueue_dma source(%dma_start3A_234 : memref<8x256xf32, #tpu.memory_space<hbm>>) target(%dma_start3A_232 : memref<8x256xf32, #tpu.memory_space<vmem>>) target_semaphore(%arg13 : memref<!tpu.dma_semaphore, #tpu.memory_space<semaphore_mem>>)
    %dma_start3A_235 = arith.constant 0 : i32
    %dma_start3A_236 = arith.constant 13 : i32
    %dma_start3A_237 = arith.constant 13 : i32
    %dma_start3A_238 = arith.constant 0 : i32
    %dma_start3A_239 = arith.constant 0 : i32
    %dma_start3A_240 = tpu.memref_slice %arg6[%dma_start3A_237, %dma_start3A_238, %dma_start3A_239] : memref<19x8x256xf32, #tpu.memory_space<vmem>> -> memref<1x8x256xf32, #tpu.memory_space<vmem>>
    %dma_start3A_241 = tpu.memref_squeeze %dma_start3A_240 : memref<1x8x256xf32, #tpu.memory_space<vmem>> -> memref<8x256xf32, #tpu.memory_space<vmem>>
    %dma_start3A_242 = tpu.memref_slice %arg2[%dma_start3A_235, %dma_start3A_236, %mul3A_24, %mul3A_40] : memref<8x19x512x512xf32, #tpu.memory_space<hbm>> -> memref<1x1x8x256xf32, #tpu.memory_space<hbm>>
    %dma_start3A_243 = tpu.memref_squeeze %dma_start3A_242 : memref<1x1x8x256xf32, #tpu.memory_space<hbm>> -> memref<8x256xf32, #tpu.memory_space<hbm>>
    %dma_start3A_244 = arith.constant 0 : i32
    %dma_start3A_245 = arith.constant 0 : i32
    %dma_start3A_246 = tpu.memref_slice %arg6[%dma_start3A_237, %dma_start3A_244, %dma_start3A_245] : memref<19x8x256xf32, #tpu.memory_space<vmem>> -> memref<1x8x256xf32, #tpu.memory_space<vmem>>
    %dma_start3A_247 = tpu.memref_squeeze %dma_start3A_246 : memref<1x8x256xf32, #tpu.memory_space<vmem>> -> memref<8x256xf32, #tpu.memory_space<vmem>>
    %dma_start3A_248 = tpu.memref_slice %arg2[%dma_start3A_235, %dma_start3A_236, %mul3A_24, %mul3A_40] : memref<8x19x512x512xf32, #tpu.memory_space<hbm>> -> memref<1x1x8x256xf32, #tpu.memory_space<hbm>>
    %dma_start3A_249 = tpu.memref_squeeze %dma_start3A_248 : memref<1x1x8x256xf32, #tpu.memory_space<hbm>> -> memref<8x256xf32, #tpu.memory_space<hbm>>
    tpu.enqueue_dma source(%dma_start3A_249 : memref<8x256xf32, #tpu.memory_space<hbm>>) target(%dma_start3A_247 : memref<8x256xf32, #tpu.memory_space<vmem>>) target_semaphore(%arg13 : memref<!tpu.dma_semaphore, #tpu.memory_space<semaphore_mem>>)
    %dma_start3A_250 = arith.constant 0 : i32
    %dma_start3A_251 = arith.constant 14 : i32
    %dma_start3A_252 = arith.constant 14 : i32
    %dma_start3A_253 = arith.constant 0 : i32
    %dma_start3A_254 = arith.constant 0 : i32
    %dma_start3A_255 = tpu.memref_slice %arg6[%dma_start3A_252, %dma_start3A_253, %dma_start3A_254] : memref<19x8x256xf32, #tpu.memory_space<vmem>> -> memref<1x8x256xf32, #tpu.memory_space<vmem>>
    %dma_start3A_256 = tpu.memref_squeeze %dma_start3A_255 : memref<1x8x256xf32, #tpu.memory_space<vmem>> -> memref<8x256xf32, #tpu.memory_space<vmem>>
    %dma_start3A_257 = tpu.memref_slice %arg2[%dma_start3A_250, %dma_start3A_251, %mul3A_24, %mul3A_40] : memref<8x19x512x512xf32, #tpu.memory_space<hbm>> -> memref<1x1x8x256xf32, #tpu.memory_space<hbm>>
    %dma_start3A_258 = tpu.memref_squeeze %dma_start3A_257 : memref<1x1x8x256xf32, #tpu.memory_space<hbm>> -> memref<8x256xf32, #tpu.memory_space<hbm>>
    %dma_start3A_259 = arith.constant 0 : i32
    %dma_start3A_260 = arith.constant 0 : i32
    %dma_start3A_261 = tpu.memref_slice %arg6[%dma_start3A_252, %dma_start3A_259, %dma_start3A_260] : memref<19x8x256xf32, #tpu.memory_space<vmem>> -> memref<1x8x256xf32, #tpu.memory_space<vmem>>
    %dma_start3A_262 = tpu.memref_squeeze %dma_start3A_261 : memref<1x8x256xf32, #tpu.memory_space<vmem>> -> memref<8x256xf32, #tpu.memory_space<vmem>>
    %dma_start3A_263 = tpu.memref_slice %arg2[%dma_start3A_250, %dma_start3A_251, %mul3A_24, %mul3A_40] : memref<8x19x512x512xf32, #tpu.memory_space<hbm>> -> memref<1x1x8x256xf32, #tpu.memory_space<hbm>>
    %dma_start3A_264 = tpu.memref_squeeze %dma_start3A_263 : memref<1x1x8x256xf32, #tpu.memory_space<hbm>> -> memref<8x256xf32, #tpu.memory_space<hbm>>
    tpu.enqueue_dma source(%dma_start3A_264 : memref<8x256xf32, #tpu.memory_space<hbm>>) target(%dma_start3A_262 : memref<8x256xf32, #tpu.memory_space<vmem>>) target_semaphore(%arg13 : memref<!tpu.dma_semaphore, #tpu.memory_space<semaphore_mem>>)
    %dma_start3A_265 = arith.constant 0 : i32
    %dma_start3A_266 = arith.constant 15 : i32
    %dma_start3A_267 = arith.constant 15 : i32
    %dma_start3A_268 = arith.constant 0 : i32
    %dma_start3A_269 = arith.constant 0 : i32
    %dma_start3A_270 = tpu.memref_slice %arg6[%dma_start3A_267, %dma_start3A_268, %dma_start3A_269] : memref<19x8x256xf32, #tpu.memory_space<vmem>> -> memref<1x8x256xf32, #tpu.memory_space<vmem>>
    %dma_start3A_271 = tpu.memref_squeeze %dma_start3A_270 : memref<1x8x256xf32, #tpu.memory_space<vmem>> -> memref<8x256xf32, #tpu.memory_space<vmem>>
    %dma_start3A_272 = tpu.memref_slice %arg2[%dma_start3A_265, %dma_start3A_266, %mul3A_24, %mul3A_40] : memref<8x19x512x512xf32, #tpu.memory_space<hbm>> -> memref<1x1x8x256xf32, #tpu.memory_space<hbm>>
    %dma_start3A_273 = tpu.memref_squeeze %dma_start3A_272 : memref<1x1x8x256xf32, #tpu.memory_space<hbm>> -> memref<8x256xf32, #tpu.memory_space<hbm>>
    %dma_start3A_274 = arith.constant 0 : i32
    %dma_start3A_275 = arith.constant 0 : i32
    %dma_start3A_276 = tpu.memref_slice %arg6[%dma_start3A_267, %dma_start3A_274, %dma_start3A_275] : memref<19x8x256xf32, #tpu.memory_space<vmem>> -> memref<1x8x256xf32, #tpu.memory_space<vmem>>
    %dma_start3A_277 = tpu.memref_squeeze %dma_start3A_276 : memref<1x8x256xf32, #tpu.memory_space<vmem>> -> memref<8x256xf32, #tpu.memory_space<vmem>>
    %dma_start3A_278 = tpu.memref_slice %arg2[%dma_start3A_265, %dma_start3A_266, %mul3A_24, %mul3A_40] : memref<8x19x512x512xf32, #tpu.memory_space<hbm>> -> memref<1x1x8x256xf32, #tpu.memory_space<hbm>>
    %dma_start3A_279 = tpu.memref_squeeze %dma_start3A_278 : memref<1x1x8x256xf32, #tpu.memory_space<hbm>> -> memref<8x256xf32, #tpu.memory_space<hbm>>
    tpu.enqueue_dma source(%dma_start3A_279 : memref<8x256xf32, #tpu.memory_space<hbm>>) target(%dma_start3A_277 : memref<8x256xf32, #tpu.memory_space<vmem>>) target_semaphore(%arg13 : memref<!tpu.dma_semaphore, #tpu.memory_space<semaphore_mem>>)
    %dma_start3A_280 = arith.constant 0 : i32
    %dma_start3A_281 = arith.constant 16 : i32
    %dma_start3A_282 = arith.constant 16 : i32
    %dma_start3A_283 = arith.constant 0 : i32
    %dma_start3A_284 = arith.constant 0 : i32
    %dma_start3A_285 = tpu.memref_slice %arg6[%dma_start3A_282, %dma_start3A_283, %dma_start3A_284] : memref<19x8x256xf32, #tpu.memory_space<vmem>> -> memref<1x8x256xf32, #tpu.memory_space<vmem>>
    %dma_start3A_286 = tpu.memref_squeeze %dma_start3A_285 : memref<1x8x256xf32, #tpu.memory_space<vmem>> -> memref<8x256xf32, #tpu.memory_space<vmem>>
    %dma_start3A_287 = tpu.memref_slice %arg2[%dma_start3A_280, %dma_start3A_281, %mul3A_24, %mul3A_40] : memref<8x19x512x512xf32, #tpu.memory_space<hbm>> -> memref<1x1x8x256xf32, #tpu.memory_space<hbm>>
    %dma_start3A_288 = tpu.memref_squeeze %dma_start3A_287 : memref<1x1x8x256xf32, #tpu.memory_space<hbm>> -> memref<8x256xf32, #tpu.memory_space<hbm>>
    %dma_start3A_289 = arith.constant 0 : i32
    %dma_start3A_290 = arith.constant 0 : i32
    %dma_start3A_291 = tpu.memref_slice %arg6[%dma_start3A_282, %dma_start3A_289, %dma_start3A_290] : memref<19x8x256xf32, #tpu.memory_space<vmem>> -> memref<1x8x256xf32, #tpu.memory_space<vmem>>
    %dma_start3A_292 = tpu.memref_squeeze %dma_start3A_291 : memref<1x8x256xf32, #tpu.memory_space<vmem>> -> memref<8x256xf32, #tpu.memory_space<vmem>>
    %dma_start3A_293 = tpu.memref_slice %arg2[%dma_start3A_280, %dma_start3A_281, %mul3A_24, %mul3A_40] : memref<8x19x512x512xf32, #tpu.memory_space<hbm>> -> memref<1x1x8x256xf32, #tpu.memory_space<hbm>>
    %dma_start3A_294 = tpu.memref_squeeze %dma_start3A_293 : memref<1x1x8x256xf32, #tpu.memory_space<hbm>> -> memref<8x256xf32, #tpu.memory_space<hbm>>
    tpu.enqueue_dma source(%dma_start3A_294 : memref<8x256xf32, #tpu.memory_space<hbm>>) target(%dma_start3A_292 : memref<8x256xf32, #tpu.memory_space<vmem>>) target_semaphore(%arg13 : memref<!tpu.dma_semaphore, #tpu.memory_space<semaphore_mem>>)
    %dma_start3A_295 = arith.constant 0 : i32
    %dma_start3A_296 = arith.constant 17 : i32
    %dma_start3A_297 = arith.constant 17 : i32
    %dma_start3A_298 = arith.constant 0 : i32
    %dma_start3A_299 = arith.constant 0 : i32
    %dma_start3A_300 = tpu.memref_slice %arg6[%dma_start3A_297, %dma_start3A_298, %dma_start3A_299] : memref<19x8x256xf32, #tpu.memory_space<vmem>> -> memref<1x8x256xf32, #tpu.memory_space<vmem>>
    %dma_start3A_301 = tpu.memref_squeeze %dma_start3A_300 : memref<1x8x256xf32, #tpu.memory_space<vmem>> -> memref<8x256xf32, #tpu.memory_space<vmem>>
    %dma_start3A_302 = tpu.memref_slice %arg2[%dma_start3A_295, %dma_start3A_296, %mul3A_24, %mul3A_40] : memref<8x19x512x512xf32, #tpu.memory_space<hbm>> -> memref<1x1x8x256xf32, #tpu.memory_space<hbm>>
    %dma_start3A_303 = tpu.memref_squeeze %dma_start3A_302 : memref<1x1x8x256xf32, #tpu.memory_space<hbm>> -> memref<8x256xf32, #tpu.memory_space<hbm>>
    %dma_start3A_304 = arith.constant 0 : i32
    %dma_start3A_305 = arith.constant 0 : i32
    %dma_start3A_306 = tpu.memref_slice %arg6[%dma_start3A_297, %dma_start3A_304, %dma_start3A_305] : memref<19x8x256xf32, #tpu.memory_space<vmem>> -> memref<1x8x256xf32, #tpu.memory_space<vmem>>
    %dma_start3A_307 = tpu.memref_squeeze %dma_start3A_306 : memref<1x8x256xf32, #tpu.memory_space<vmem>> -> memref<8x256xf32, #tpu.memory_space<vmem>>
    %dma_start3A_308 = tpu.memref_slice %arg2[%dma_start3A_295, %dma_start3A_296, %mul3A_24, %mul3A_40] : memref<8x19x512x512xf32, #tpu.memory_space<hbm>> -> memref<1x1x8x256xf32, #tpu.memory_space<hbm>>
    %dma_start3A_309 = tpu.memref_squeeze %dma_start3A_308 : memref<1x1x8x256xf32, #tpu.memory_space<hbm>> -> memref<8x256xf32, #tpu.memory_space<hbm>>
    tpu.enqueue_dma source(%dma_start3A_309 : memref<8x256xf32, #tpu.memory_space<hbm>>) target(%dma_start3A_307 : memref<8x256xf32, #tpu.memory_space<vmem>>) target_semaphore(%arg13 : memref<!tpu.dma_semaphore, #tpu.memory_space<semaphore_mem>>)
    %dma_start3A_310 = arith.constant 0 : i32
    %dma_start3A_311 = arith.constant 18 : i32
    %dma_start3A_312 = arith.constant 18 : i32
    %dma_start3A_313 = arith.constant 0 : i32
    %dma_start3A_314 = arith.constant 0 : i32
    %dma_start3A_315 = tpu.memref_slice %arg6[%dma_start3A_312, %dma_start3A_313, %dma_start3A_314] : memref<19x8x256xf32, #tpu.memory_space<vmem>> -> memref<1x8x256xf32, #tpu.memory_space<vmem>>
    %dma_start3A_316 = tpu.memref_squeeze %dma_start3A_315 : memref<1x8x256xf32, #tpu.memory_space<vmem>> -> memref<8x256xf32, #tpu.memory_space<vmem>>
    %dma_start3A_317 = tpu.memref_slice %arg2[%dma_start3A_310, %dma_start3A_311, %mul3A_24, %mul3A_40] : memref<8x19x512x512xf32, #tpu.memory_space<hbm>> -> memref<1x1x8x256xf32, #tpu.memory_space<hbm>>
    %dma_start3A_318 = tpu.memref_squeeze %dma_start3A_317 : memref<1x1x8x256xf32, #tpu.memory_space<hbm>> -> memref<8x256xf32, #tpu.memory_space<hbm>>
    %dma_start3A_319 = arith.constant 0 : i32
    %dma_start3A_320 = arith.constant 0 : i32
    %dma_start3A_321 = tpu.memref_slice %arg6[%dma_start3A_312, %dma_start3A_319, %dma_start3A_320] : memref<19x8x256xf32, #tpu.memory_space<vmem>> -> memref<1x8x256xf32, #tpu.memory_space<vmem>>
    %dma_start3A_322 = tpu.memref_squeeze %dma_start3A_321 : memref<1x8x256xf32, #tpu.memory_space<vmem>> -> memref<8x256xf32, #tpu.memory_space<vmem>>
    %dma_start3A_323 = tpu.memref_slice %arg2[%dma_start3A_310, %dma_start3A_311, %mul3A_24, %mul3A_40] : memref<8x19x512x512xf32, #tpu.memory_space<hbm>> -> memref<1x1x8x256xf32, #tpu.memory_space<hbm>>
    %dma_start3A_324 = tpu.memref_squeeze %dma_start3A_323 : memref<1x1x8x256xf32, #tpu.memory_space<hbm>> -> memref<8x256xf32, #tpu.memory_space<hbm>>
    tpu.enqueue_dma source(%dma_start3A_324 : memref<8x256xf32, #tpu.memory_space<hbm>>) target(%dma_start3A_322 : memref<8x256xf32, #tpu.memory_space<vmem>>) target_semaphore(%arg13 : memref<!tpu.dma_semaphore, #tpu.memory_space<semaphore_mem>>)
    %dma_start3A_325 = arith.constant 0 : i32
    %dma_start3A_326 = tpu.memref_slice %arg3[%dma_start3A_325, %mul3A_24, %mul3A_40] : memref<8x512x512xi32, #tpu.memory_space<hbm>> -> memref<1x8x256xi32, #tpu.memory_space<hbm>>
    %dma_start3A_327 = tpu.memref_squeeze %dma_start3A_326 : memref<1x8x256xi32, #tpu.memory_space<hbm>> -> memref<8x256xi32, #tpu.memory_space<hbm>>
    %dma_start3A_328 = tpu.memref_slice %arg3[%dma_start3A_325, %mul3A_24, %mul3A_40] : memref<8x512x512xi32, #tpu.memory_space<hbm>> -> memref<1x8x256xi32, #tpu.memory_space<hbm>>
    %dma_start3A_329 = tpu.memref_squeeze %dma_start3A_328 : memref<1x8x256xi32, #tpu.memory_space<hbm>> -> memref<8x256xi32, #tpu.memory_space<hbm>>
    tpu.enqueue_dma source(%dma_start3A_329 : memref<8x256xi32, #tpu.memory_space<hbm>>) target(%arg8 : memref<8x256xi32, #tpu.memory_space<vmem>>) target_semaphore(%arg15 : memref<!tpu.dma_semaphore, #tpu.memory_space<semaphore_mem>>)
    %mul3A_330 = arith.constant 8 : i32
    %mul3A_331 = arith.muli %add3A, %mul3A_330 : i32
    %add3A_332 = arith.constant 2 : i32
    %add3A_333 = arith.addi %mul3A_331, %add3A_332 : i32
    %jit3A_334 = arith.constant 4 : i32
    %div3A_335 = arith.divsi %add3A_333, %jit3A_334 : i32
    %sign3A_336 = arith.constant 0 : i32
    %sign3A_337 = arith.cmpi sgt, %add3A_333, %sign3A_336 : i32
    %sign3A_338 = arith.extui %sign3A_337 : i1 to i32
    %sign3A_339 = arith.constant 0 : i32
    %sign3A_340 = arith.cmpi slt, %add3A_333, %sign3A_339 : i32
    %sign3A_341 = arith.extui %sign3A_340 : i1 to i32
    %sign3A_342 = arith.subi %sign3A_338, %sign3A_341 : i32
    %sign3A_343 = arith.constant 0 : i32
    %sign3A_344 = arith.cmpi sgt, %jit3A_334, %sign3A_343 : i32
    %sign3A_345 = arith.extui %sign3A_344 : i1 to i32
    %sign3A_346 = arith.constant 0 : i32
    %sign3A_347 = arith.cmpi slt, %jit3A_334, %sign3A_346 : i32
    %sign3A_348 = arith.extui %sign3A_347 : i1 to i32
    %sign3A_349 = arith.subi %sign3A_345, %sign3A_348 : i32
    %ne3A_350 = arith.cmpi ne, %sign3A_342, %sign3A_349 : i32
    %rem3A_351 = arith.remsi %add3A_333, %jit3A_334 : i32
    %ne3A_352 = arith.constant 0 : i32
    %ne3A_353 = arith.cmpi ne, %rem3A_351, %ne3A_352 : i32
    %and3A_354 = arith.andi %ne3A_350, %ne3A_353 : i1
    %sub3A_355 = arith.constant 1 : i32
    %sub3A_356 = arith.subi %div3A_335, %sub3A_355 : i32
    %select_n3A_357 = arith.select %and3A_354, %sub3A_356, %div3A_335 : i32
    %mul3A_358 = arith.constant 8 : i32
    %mul3A_359 = arith.muli %select_n3A_357, %mul3A_358 : i32
    %jit3A_360 = arith.constant 4 : i32
    %eq3A_361 = arith.constant 0 : i32
    %eq3A_362 = arith.cmpi eq, %jit3A_360, %eq3A_361 : i32
    %jit3A_363 = arith.constant 1 : i32
    %select_n3A_364 = arith.select %eq3A_362, %jit3A_363, %jit3A_360 : i32
    %rem3A_365 = arith.remsi %add3A_333, %select_n3A_364 : i32
    %ne3A_366 = arith.constant 0 : i32
    %ne3A_367 = arith.cmpi ne, %rem3A_365, %ne3A_366 : i32
    %lt3A_368 = arith.constant 0 : i32
    %lt3A_369 = arith.cmpi slt, %rem3A_365, %lt3A_368 : i32
    %lt3A_370 = arith.constant 0 : i32
    %lt3A_371 = arith.cmpi slt, %select_n3A_364, %lt3A_370 : i32
    %ne3A_372 = arith.xori %lt3A_369, %lt3A_371 : i1
    %and3A_373 = arith.andi %ne3A_372, %ne3A_367 : i1
    %add3A_374 = arith.addi %rem3A_365, %select_n3A_364 : i32
    %select_n3A_375 = arith.select %and3A_373, %add3A_374, %rem3A_365 : i32
    %mul3A_376 = arith.constant 128 : i32
    %mul3A_377 = arith.muli %select_n3A_375, %mul3A_376 : i32
    %dma_start3A_378 = arith.constant 0 : i32
    %dma_start3A_379 = arith.constant 0 : i32
    %dma_start3A_380 = arith.constant 0 : i32
    %dma_start3A_381 = arith.constant 0 : i32
    %dma_start3A_382 = arith.constant 0 : i32
    %dma_start3A_383 = tpu.memref_slice %arg7[%dma_start3A_380, %dma_start3A_381, %dma_start3A_382] : memref<19x8x256xf32, #tpu.memory_space<vmem>> -> memref<1x8x256xf32, #tpu.memory_space<vmem>>
    %dma_start3A_384 = tpu.memref_squeeze %dma_start3A_383 : memref<1x8x256xf32, #tpu.memory_space<vmem>> -> memref<8x256xf32, #tpu.memory_space<vmem>>
    %dma_start3A_385 = tpu.memref_slice %arg2[%dma_start3A_378, %dma_start3A_379, %mul3A_359, %mul3A_377] : memref<8x19x512x512xf32, #tpu.memory_space<hbm>> -> memref<1x1x8x256xf32, #tpu.memory_space<hbm>>
    %dma_start3A_386 = tpu.memref_squeeze %dma_start3A_385 : memref<1x1x8x256xf32, #tpu.memory_space<hbm>> -> memref<8x256xf32, #tpu.memory_space<hbm>>
    %dma_start3A_387 = arith.constant 0 : i32
    %dma_start3A_388 = arith.constant 0 : i32
    %dma_start3A_389 = tpu.memref_slice %arg7[%dma_start3A_380, %dma_start3A_387, %dma_start3A_388] : memref<19x8x256xf32, #tpu.memory_space<vmem>> -> memref<1x8x256xf32, #tpu.memory_space<vmem>>
    %dma_start3A_390 = tpu.memref_squeeze %dma_start3A_389 : memref<1x8x256xf32, #tpu.memory_space<vmem>> -> memref<8x256xf32, #tpu.memory_space<vmem>>
    %dma_start3A_391 = tpu.memref_slice %arg2[%dma_start3A_378, %dma_start3A_379, %mul3A_359, %mul3A_377] : memref<8x19x512x512xf32, #tpu.memory_space<hbm>> -> memref<1x1x8x256xf32, #tpu.memory_space<hbm>>
    %dma_start3A_392 = tpu.memref_squeeze %dma_start3A_391 : memref<1x1x8x256xf32, #tpu.memory_space<hbm>> -> memref<8x256xf32, #tpu.memory_space<hbm>>
    tpu.enqueue_dma source(%dma_start3A_392 : memref<8x256xf32, #tpu.memory_space<hbm>>) target(%dma_start3A_390 : memref<8x256xf32, #tpu.memory_space<vmem>>) target_semaphore(%arg14 : memref<!tpu.dma_semaphore, #tpu.memory_space<semaphore_mem>>)
    %dma_start3A_393 = arith.constant 0 : i32
    %dma_start3A_394 = arith.constant 1 : i32
    %dma_start3A_395 = arith.constant 1 : i32
    %dma_start3A_396 = arith.constant 0 : i32
    %dma_start3A_397 = arith.constant 0 : i32
    %dma_start3A_398 = tpu.memref_slice %arg7[%dma_start3A_395, %dma_start3A_396, %dma_start3A_397] : memref<19x8x256xf32, #tpu.memory_space<vmem>> -> memref<1x8x256xf32, #tpu.memory_space<vmem>>
    %dma_start3A_399 = tpu.memref_squeeze %dma_start3A_398 : memref<1x8x256xf32, #tpu.memory_space<vmem>> -> memref<8x256xf32, #tpu.memory_space<vmem>>
    %dma_start3A_400 = tpu.memref_slice %arg2[%dma_start3A_393, %dma_start3A_394, %mul3A_359, %mul3A_377] : memref<8x19x512x512xf32, #tpu.memory_space<hbm>> -> memref<1x1x8x256xf32, #tpu.memory_space<hbm>>
    %dma_start3A_401 = tpu.memref_squeeze %dma_start3A_400 : memref<1x1x8x256xf32, #tpu.memory_space<hbm>> -> memref<8x256xf32, #tpu.memory_space<hbm>>
    %dma_start3A_402 = arith.constant 0 : i32
    %dma_start3A_403 = arith.constant 0 : i32
    %dma_start3A_404 = tpu.memref_slice %arg7[%dma_start3A_395, %dma_start3A_402, %dma_start3A_403] : memref<19x8x256xf32, #tpu.memory_space<vmem>> -> memref<1x8x256xf32, #tpu.memory_space<vmem>>
    %dma_start3A_405 = tpu.memref_squeeze %dma_start3A_404 : memref<1x8x256xf32, #tpu.memory_space<vmem>> -> memref<8x256xf32, #tpu.memory_space<vmem>>
    %dma_start3A_406 = tpu.memref_slice %arg2[%dma_start3A_393, %dma_start3A_394, %mul3A_359, %mul3A_377] : memref<8x19x512x512xf32, #tpu.memory_space<hbm>> -> memref<1x1x8x256xf32, #tpu.memory_space<hbm>>
    %dma_start3A_407 = tpu.memref_squeeze %dma_start3A_406 : memref<1x1x8x256xf32, #tpu.memory_space<hbm>> -> memref<8x256xf32, #tpu.memory_space<hbm>>
    tpu.enqueue_dma source(%dma_start3A_407 : memref<8x256xf32, #tpu.memory_space<hbm>>) target(%dma_start3A_405 : memref<8x256xf32, #tpu.memory_space<vmem>>) target_semaphore(%arg14 : memref<!tpu.dma_semaphore, #tpu.memory_space<semaphore_mem>>)
    %dma_start3A_408 = arith.constant 0 : i32
    %dma_start3A_409 = arith.constant 2 : i32
    %dma_start3A_410 = arith.constant 2 : i32
    %dma_start3A_411 = arith.constant 0 : i32
    %dma_start3A_412 = arith.constant 0 : i32
    %dma_start3A_413 = tpu.memref_slice %arg7[%dma_start3A_410, %dma_start3A_411, %dma_start3A_412] : memref<19x8x256xf32, #tpu.memory_space<vmem>> -> memref<1x8x256xf32, #tpu.memory_space<vmem>>
    %dma_start3A_414 = tpu.memref_squeeze %dma_start3A_413 : memref<1x8x256xf32, #tpu.memory_space<vmem>> -> memref<8x256xf32, #tpu.memory_space<vmem>>
    %dma_start3A_415 = tpu.memref_slice %arg2[%dma_start3A_408, %dma_start3A_409, %mul3A_359, %mul3A_377] : memref<8x19x512x512xf32, #tpu.memory_space<hbm>> -> memref<1x1x8x256xf32, #tpu.memory_space<hbm>>
    %dma_start3A_416 = tpu.memref_squeeze %dma_start3A_415 : memref<1x1x8x256xf32, #tpu.memory_space<hbm>> -> memref<8x256xf32, #tpu.memory_space<hbm>>
    %dma_start3A_417 = arith.constant 0 : i32
    %dma_start3A_418 = arith.constant 0 : i32
    %dma_start3A_419 = tpu.memref_slice %arg7[%dma_start3A_410, %dma_start3A_417, %dma_start3A_418] : memref<19x8x256xf32, #tpu.memory_space<vmem>> -> memref<1x8x256xf32, #tpu.memory_space<vmem>>
    %dma_start3A_420 = tpu.memref_squeeze %dma_start3A_419 : memref<1x8x256xf32, #tpu.memory_space<vmem>> -> memref<8x256xf32, #tpu.memory_space<vmem>>
    %dma_start3A_421 = tpu.memref_slice %arg2[%dma_start3A_408, %dma_start3A_409, %mul3A_359, %mul3A_377] : memref<8x19x512x512xf32, #tpu.memory_space<hbm>> -> memref<1x1x8x256xf32, #tpu.memory_space<hbm>>
    %dma_start3A_422 = tpu.memref_squeeze %dma_start3A_421 : memref<1x1x8x256xf32, #tpu.memory_space<hbm>> -> memref<8x256xf32, #tpu.memory_space<hbm>>
    tpu.enqueue_dma source(%dma_start3A_422 : memref<8x256xf32, #tpu.memory_space<hbm>>) target(%dma_start3A_420 : memref<8x256xf32, #tpu.memory_space<vmem>>) target_semaphore(%arg14 : memref<!tpu.dma_semaphore, #tpu.memory_space<semaphore_mem>>)
    %dma_start3A_423 = arith.constant 0 : i32
    %dma_start3A_424 = arith.constant 3 : i32
    %dma_start3A_425 = arith.constant 3 : i32
    %dma_start3A_426 = arith.constant 0 : i32
    %dma_start3A_427 = arith.constant 0 : i32
    %dma_start3A_428 = tpu.memref_slice %arg7[%dma_start3A_425, %dma_start3A_426, %dma_start3A_427] : memref<19x8x256xf32, #tpu.memory_space<vmem>> -> memref<1x8x256xf32, #tpu.memory_space<vmem>>
    %dma_start3A_429 = tpu.memref_squeeze %dma_start3A_428 : memref<1x8x256xf32, #tpu.memory_space<vmem>> -> memref<8x256xf32, #tpu.memory_space<vmem>>
    %dma_start3A_430 = tpu.memref_slice %arg2[%dma_start3A_423, %dma_start3A_424, %mul3A_359, %mul3A_377] : memref<8x19x512x512xf32, #tpu.memory_space<hbm>> -> memref<1x1x8x256xf32, #tpu.memory_space<hbm>>
    %dma_start3A_431 = tpu.memref_squeeze %dma_start3A_430 : memref<1x1x8x256xf32, #tpu.memory_space<hbm>> -> memref<8x256xf32, #tpu.memory_space<hbm>>
    %dma_start3A_432 = arith.constant 0 : i32
    %dma_start3A_433 = arith.constant 0 : i32
    %dma_start3A_434 = tpu.memref_slice %arg7[%dma_start3A_425, %dma_start3A_432, %dma_start3A_433] : memref<19x8x256xf32, #tpu.memory_space<vmem>> -> memref<1x8x256xf32, #tpu.memory_space<vmem>>
    %dma_start3A_435 = tpu.memref_squeeze %dma_start3A_434 : memref<1x8x256xf32, #tpu.memory_space<vmem>> -> memref<8x256xf32, #tpu.memory_space<vmem>>
    %dma_start3A_436 = tpu.memref_slice %arg2[%dma_start3A_423, %dma_start3A_424, %mul3A_359, %mul3A_377] : memref<8x19x512x512xf32, #tpu.memory_space<hbm>> -> memref<1x1x8x256xf32, #tpu.memory_space<hbm>>
    %dma_start3A_437 = tpu.memref_squeeze %dma_start3A_436 : memref<1x1x8x256xf32, #tpu.memory_space<hbm>> -> memref<8x256xf32, #tpu.memory_space<hbm>>
    tpu.enqueue_dma source(%dma_start3A_437 : memref<8x256xf32, #tpu.memory_space<hbm>>) target(%dma_start3A_435 : memref<8x256xf32, #tpu.memory_space<vmem>>) target_semaphore(%arg14 : memref<!tpu.dma_semaphore, #tpu.memory_space<semaphore_mem>>)
    %dma_start3A_438 = arith.constant 0 : i32
    %dma_start3A_439 = arith.constant 4 : i32
    %dma_start3A_440 = arith.constant 4 : i32
    %dma_start3A_441 = arith.constant 0 : i32
    %dma_start3A_442 = arith.constant 0 : i32
    %dma_start3A_443 = tpu.memref_slice %arg7[%dma_start3A_440, %dma_start3A_441, %dma_start3A_442] : memref<19x8x256xf32, #tpu.memory_space<vmem>> -> memref<1x8x256xf32, #tpu.memory_space<vmem>>
    %dma_start3A_444 = tpu.memref_squeeze %dma_start3A_443 : memref<1x8x256xf32, #tpu.memory_space<vmem>> -> memref<8x256xf32, #tpu.memory_space<vmem>>
    %dma_start3A_445 = tpu.memref_slice %arg2[%dma_start3A_438, %dma_start3A_439, %mul3A_359, %mul3A_377] : memref<8x19x512x512xf32, #tpu.memory_space<hbm>> -> memref<1x1x8x256xf32, #tpu.memory_space<hbm>>
    %dma_start3A_446 = tpu.memref_squeeze %dma_start3A_445 : memref<1x1x8x256xf32, #tpu.memory_space<hbm>> -> memref<8x256xf32, #tpu.memory_space<hbm>>
    %dma_start3A_447 = arith.constant 0 : i32
    %dma_start3A_448 = arith.constant 0 : i32
    %dma_start3A_449 = tpu.memref_slice %arg7[%dma_start3A_440, %dma_start3A_447, %dma_start3A_448] : memref<19x8x256xf32, #tpu.memory_space<vmem>> -> memref<1x8x256xf32, #tpu.memory_space<vmem>>
    %dma_start3A_450 = tpu.memref_squeeze %dma_start3A_449 : memref<1x8x256xf32, #tpu.memory_space<vmem>> -> memref<8x256xf32, #tpu.memory_space<vmem>>
    %dma_start3A_451 = tpu.memref_slice %arg2[%dma_start3A_438, %dma_start3A_439, %mul3A_359, %mul3A_377] : memref<8x19x512x512xf32, #tpu.memory_space<hbm>> -> memref<1x1x8x256xf32, #tpu.memory_space<hbm>>
    %dma_start3A_452 = tpu.memref_squeeze %dma_start3A_451 : memref<1x1x8x256xf32, #tpu.memory_space<hbm>> -> memref<8x256xf32, #tpu.memory_space<hbm>>
    tpu.enqueue_dma source(%dma_start3A_452 : memref<8x256xf32, #tpu.memory_space<hbm>>) target(%dma_start3A_450 : memref<8x256xf32, #tpu.memory_space<vmem>>) target_semaphore(%arg14 : memref<!tpu.dma_semaphore, #tpu.memory_space<semaphore_mem>>)
    %dma_start3A_453 = arith.constant 0 : i32
    %dma_start3A_454 = arith.constant 5 : i32
    %dma_start3A_455 = arith.constant 5 : i32
    %dma_start3A_456 = arith.constant 0 : i32
    %dma_start3A_457 = arith.constant 0 : i32
    %dma_start3A_458 = tpu.memref_slice %arg7[%dma_start3A_455, %dma_start3A_456, %dma_start3A_457] : memref<19x8x256xf32, #tpu.memory_space<vmem>> -> memref<1x8x256xf32, #tpu.memory_space<vmem>>
    %dma_start3A_459 = tpu.memref_squeeze %dma_start3A_458 : memref<1x8x256xf32, #tpu.memory_space<vmem>> -> memref<8x256xf32, #tpu.memory_space<vmem>>
    %dma_start3A_460 = tpu.memref_slice %arg2[%dma_start3A_453, %dma_start3A_454, %mul3A_359, %mul3A_377] : memref<8x19x512x512xf32, #tpu.memory_space<hbm>> -> memref<1x1x8x256xf32, #tpu.memory_space<hbm>>
    %dma_start3A_461 = tpu.memref_squeeze %dma_start3A_460 : memref<1x1x8x256xf32, #tpu.memory_space<hbm>> -> memref<8x256xf32, #tpu.memory_space<hbm>>
    %dma_start3A_462 = arith.constant 0 : i32
    %dma_start3A_463 = arith.constant 0 : i32
    %dma_start3A_464 = tpu.memref_slice %arg7[%dma_start3A_455, %dma_start3A_462, %dma_start3A_463] : memref<19x8x256xf32, #tpu.memory_space<vmem>> -> memref<1x8x256xf32, #tpu.memory_space<vmem>>
    %dma_start3A_465 = tpu.memref_squeeze %dma_start3A_464 : memref<1x8x256xf32, #tpu.memory_space<vmem>> -> memref<8x256xf32, #tpu.memory_space<vmem>>
    %dma_start3A_466 = tpu.memref_slice %arg2[%dma_start3A_453, %dma_start3A_454, %mul3A_359, %mul3A_377] : memref<8x19x512x512xf32, #tpu.memory_space<hbm>> -> memref<1x1x8x256xf32, #tpu.memory_space<hbm>>
    %dma_start3A_467 = tpu.memref_squeeze %dma_start3A_466 : memref<1x1x8x256xf32, #tpu.memory_space<hbm>> -> memref<8x256xf32, #tpu.memory_space<hbm>>
    tpu.enqueue_dma source(%dma_start3A_467 : memref<8x256xf32, #tpu.memory_space<hbm>>) target(%dma_start3A_465 : memref<8x256xf32, #tpu.memory_space<vmem>>) target_semaphore(%arg14 : memref<!tpu.dma_semaphore, #tpu.memory_space<semaphore_mem>>)
    %dma_start3A_468 = arith.constant 0 : i32
    %dma_start3A_469 = arith.constant 6 : i32
    %dma_start3A_470 = arith.constant 6 : i32
    %dma_start3A_471 = arith.constant 0 : i32
    %dma_start3A_472 = arith.constant 0 : i32
    %dma_start3A_473 = tpu.memref_slice %arg7[%dma_start3A_470, %dma_start3A_471, %dma_start3A_472] : memref<19x8x256xf32, #tpu.memory_space<vmem>> -> memref<1x8x256xf32, #tpu.memory_space<vmem>>
    %dma_start3A_474 = tpu.memref_squeeze %dma_start3A_473 : memref<1x8x256xf32, #tpu.memory_space<vmem>> -> memref<8x256xf32, #tpu.memory_space<vmem>>
    %dma_start3A_475 = tpu.memref_slice %arg2[%dma_start3A_468, %dma_start3A_469, %mul3A_359, %mul3A_377] : memref<8x19x512x512xf32, #tpu.memory_space<hbm>> -> memref<1x1x8x256xf32, #tpu.memory_space<hbm>>
    %dma_start3A_476 = tpu.memref_squeeze %dma_start3A_475 : memref<1x1x8x256xf32, #tpu.memory_space<hbm>> -> memref<8x256xf32, #tpu.memory_space<hbm>>
    %dma_start3A_477 = arith.constant 0 : i32
    %dma_start3A_478 = arith.constant 0 : i32
    %dma_start3A_479 = tpu.memref_slice %arg7[%dma_start3A_470, %dma_start3A_477, %dma_start3A_478] : memref<19x8x256xf32, #tpu.memory_space<vmem>> -> memref<1x8x256xf32, #tpu.memory_space<vmem>>
    %dma_start3A_480 = tpu.memref_squeeze %dma_start3A_479 : memref<1x8x256xf32, #tpu.memory_space<vmem>> -> memref<8x256xf32, #tpu.memory_space<vmem>>
    %dma_start3A_481 = tpu.memref_slice %arg2[%dma_start3A_468, %dma_start3A_469, %mul3A_359, %mul3A_377] : memref<8x19x512x512xf32, #tpu.memory_space<hbm>> -> memref<1x1x8x256xf32, #tpu.memory_space<hbm>>
    %dma_start3A_482 = tpu.memref_squeeze %dma_start3A_481 : memref<1x1x8x256xf32, #tpu.memory_space<hbm>> -> memref<8x256xf32, #tpu.memory_space<hbm>>
    tpu.enqueue_dma source(%dma_start3A_482 : memref<8x256xf32, #tpu.memory_space<hbm>>) target(%dma_start3A_480 : memref<8x256xf32, #tpu.memory_space<vmem>>) target_semaphore(%arg14 : memref<!tpu.dma_semaphore, #tpu.memory_space<semaphore_mem>>)
    %dma_start3A_483 = arith.constant 0 : i32
    %dma_start3A_484 = arith.constant 7 : i32
    %dma_start3A_485 = arith.constant 7 : i32
    %dma_start3A_486 = arith.constant 0 : i32
    %dma_start3A_487 = arith.constant 0 : i32
    %dma_start3A_488 = tpu.memref_slice %arg7[%dma_start3A_485, %dma_start3A_486, %dma_start3A_487] : memref<19x8x256xf32, #tpu.memory_space<vmem>> -> memref<1x8x256xf32, #tpu.memory_space<vmem>>
    %dma_start3A_489 = tpu.memref_squeeze %dma_start3A_488 : memref<1x8x256xf32, #tpu.memory_space<vmem>> -> memref<8x256xf32, #tpu.memory_space<vmem>>
    %dma_start3A_490 = tpu.memref_slice %arg2[%dma_start3A_483, %dma_start3A_484, %mul3A_359, %mul3A_377] : memref<8x19x512x512xf32, #tpu.memory_space<hbm>> -> memref<1x1x8x256xf32, #tpu.memory_space<hbm>>
    %dma_start3A_491 = tpu.memref_squeeze %dma_start3A_490 : memref<1x1x8x256xf32, #tpu.memory_space<hbm>> -> memref<8x256xf32, #tpu.memory_space<hbm>>
    %dma_start3A_492 = arith.constant 0 : i32
    %dma_start3A_493 = arith.constant 0 : i32
    %dma_start3A_494 = tpu.memref_slice %arg7[%dma_start3A_485, %dma_start3A_492, %dma_start3A_493] : memref<19x8x256xf32, #tpu.memory_space<vmem>> -> memref<1x8x256xf32, #tpu.memory_space<vmem>>
    %dma_start3A_495 = tpu.memref_squeeze %dma_start3A_494 : memref<1x8x256xf32, #tpu.memory_space<vmem>> -> memref<8x256xf32, #tpu.memory_space<vmem>>
    %dma_start3A_496 = tpu.memref_slice %arg2[%dma_start3A_483, %dma_start3A_484, %mul3A_359, %mul3A_377] : memref<8x19x512x512xf32, #tpu.memory_space<hbm>> -> memref<1x1x8x256xf32, #tpu.memory_space<hbm>>
    %dma_start3A_497 = tpu.memref_squeeze %dma_start3A_496 : memref<1x1x8x256xf32, #tpu.memory_space<hbm>> -> memref<8x256xf32, #tpu.memory_space<hbm>>
    tpu.enqueue_dma source(%dma_start3A_497 : memref<8x256xf32, #tpu.memory_space<hbm>>) target(%dma_start3A_495 : memref<8x256xf32, #tpu.memory_space<vmem>>) target_semaphore(%arg14 : memref<!tpu.dma_semaphore, #tpu.memory_space<semaphore_mem>>)
    %dma_start3A_498 = arith.constant 0 : i32
    %dma_start3A_499 = arith.constant 8 : i32
    %dma_start3A_500 = arith.constant 8 : i32
    %dma_start3A_501 = arith.constant 0 : i32
    %dma_start3A_502 = arith.constant 0 : i32
    %dma_start3A_503 = tpu.memref_slice %arg7[%dma_start3A_500, %dma_start3A_501, %dma_start3A_502] : memref<19x8x256xf32, #tpu.memory_space<vmem>> -> memref<1x8x256xf32, #tpu.memory_space<vmem>>
    %dma_start3A_504 = tpu.memref_squeeze %dma_start3A_503 : memref<1x8x256xf32, #tpu.memory_space<vmem>> -> memref<8x256xf32, #tpu.memory_space<vmem>>
    %dma_start3A_505 = tpu.memref_slice %arg2[%dma_start3A_498, %dma_start3A_499, %mul3A_359, %mul3A_377] : memref<8x19x512x512xf32, #tpu.memory_space<hbm>> -> memref<1x1x8x256xf32, #tpu.memory_space<hbm>>
    %dma_start3A_506 = tpu.memref_squeeze %dma_start3A_505 : memref<1x1x8x256xf32, #tpu.memory_space<hbm>> -> memref<8x256xf32, #tpu.memory_space<hbm>>
    %dma_start3A_507 = arith.constant 0 : i32
    %dma_start3A_508 = arith.constant 0 : i32
    %dma_start3A_509 = tpu.memref_slice %arg7[%dma_start3A_500, %dma_start3A_507, %dma_start3A_508] : memref<19x8x256xf32, #tpu.memory_space<vmem>> -> memref<1x8x256xf32, #tpu.memory_space<vmem>>
    %dma_start3A_510 = tpu.memref_squeeze %dma_start3A_509 : memref<1x8x256xf32, #tpu.memory_space<vmem>> -> memref<8x256xf32, #tpu.memory_space<vmem>>
    %dma_start3A_511 = tpu.memref_slice %arg2[%dma_start3A_498, %dma_start3A_499, %mul3A_359, %mul3A_377] : memref<8x19x512x512xf32, #tpu.memory_space<hbm>> -> memref<1x1x8x256xf32, #tpu.memory_space<hbm>>
    %dma_start3A_512 = tpu.memref_squeeze %dma_start3A_511 : memref<1x1x8x256xf32, #tpu.memory_space<hbm>> -> memref<8x256xf32, #tpu.memory_space<hbm>>
    tpu.enqueue_dma source(%dma_start3A_512 : memref<8x256xf32, #tpu.memory_space<hbm>>) target(%dma_start3A_510 : memref<8x256xf32, #tpu.memory_space<vmem>>) target_semaphore(%arg14 : memref<!tpu.dma_semaphore, #tpu.memory_space<semaphore_mem>>)
    %dma_start3A_513 = arith.constant 0 : i32
    %dma_start3A_514 = arith.constant 9 : i32
    %dma_start3A_515 = arith.constant 9 : i32
    %dma_start3A_516 = arith.constant 0 : i32
    %dma_start3A_517 = arith.constant 0 : i32
    %dma_start3A_518 = tpu.memref_slice %arg7[%dma_start3A_515, %dma_start3A_516, %dma_start3A_517] : memref<19x8x256xf32, #tpu.memory_space<vmem>> -> memref<1x8x256xf32, #tpu.memory_space<vmem>>
    %dma_start3A_519 = tpu.memref_squeeze %dma_start3A_518 : memref<1x8x256xf32, #tpu.memory_space<vmem>> -> memref<8x256xf32, #tpu.memory_space<vmem>>
    %dma_start3A_520 = tpu.memref_slice %arg2[%dma_start3A_513, %dma_start3A_514, %mul3A_359, %mul3A_377] : memref<8x19x512x512xf32, #tpu.memory_space<hbm>> -> memref<1x1x8x256xf32, #tpu.memory_space<hbm>>
    %dma_start3A_521 = tpu.memref_squeeze %dma_start3A_520 : memref<1x1x8x256xf32, #tpu.memory_space<hbm>> -> memref<8x256xf32, #tpu.memory_space<hbm>>
    %dma_start3A_522 = arith.constant 0 : i32
    %dma_start3A_523 = arith.constant 0 : i32
    %dma_start3A_524 = tpu.memref_slice %arg7[%dma_start3A_515, %dma_start3A_522, %dma_start3A_523] : memref<19x8x256xf32, #tpu.memory_space<vmem>> -> memref<1x8x256xf32, #tpu.memory_space<vmem>>
    %dma_start3A_525 = tpu.memref_squeeze %dma_start3A_524 : memref<1x8x256xf32, #tpu.memory_space<vmem>> -> memref<8x256xf32, #tpu.memory_space<vmem>>
    %dma_start3A_526 = tpu.memref_slice %arg2[%dma_start3A_513, %dma_start3A_514, %mul3A_359, %mul3A_377] : memref<8x19x512x512xf32, #tpu.memory_space<hbm>> -> memref<1x1x8x256xf32, #tpu.memory_space<hbm>>
    %dma_start3A_527 = tpu.memref_squeeze %dma_start3A_526 : memref<1x1x8x256xf32, #tpu.memory_space<hbm>> -> memref<8x256xf32, #tpu.memory_space<hbm>>
    tpu.enqueue_dma source(%dma_start3A_527 : memref<8x256xf32, #tpu.memory_space<hbm>>) target(%dma_start3A_525 : memref<8x256xf32, #tpu.memory_space<vmem>>) target_semaphore(%arg14 : memref<!tpu.dma_semaphore, #tpu.memory_space<semaphore_mem>>)
    %dma_start3A_528 = arith.constant 0 : i32
    %dma_start3A_529 = arith.constant 10 : i32
    %dma_start3A_530 = arith.constant 10 : i32
    %dma_start3A_531 = arith.constant 0 : i32
    %dma_start3A_532 = arith.constant 0 : i32
    %dma_start3A_533 = tpu.memref_slice %arg7[%dma_start3A_530, %dma_start3A_531, %dma_start3A_532] : memref<19x8x256xf32, #tpu.memory_space<vmem>> -> memref<1x8x256xf32, #tpu.memory_space<vmem>>
    %dma_start3A_534 = tpu.memref_squeeze %dma_start3A_533 : memref<1x8x256xf32, #tpu.memory_space<vmem>> -> memref<8x256xf32, #tpu.memory_space<vmem>>
    %dma_start3A_535 = tpu.memref_slice %arg2[%dma_start3A_528, %dma_start3A_529, %mul3A_359, %mul3A_377] : memref<8x19x512x512xf32, #tpu.memory_space<hbm>> -> memref<1x1x8x256xf32, #tpu.memory_space<hbm>>
    %dma_start3A_536 = tpu.memref_squeeze %dma_start3A_535 : memref<1x1x8x256xf32, #tpu.memory_space<hbm>> -> memref<8x256xf32, #tpu.memory_space<hbm>>
    %dma_start3A_537 = arith.constant 0 : i32
    %dma_start3A_538 = arith.constant 0 : i32
    %dma_start3A_539 = tpu.memref_slice %arg7[%dma_start3A_530, %dma_start3A_537, %dma_start3A_538] : memref<19x8x256xf32, #tpu.memory_space<vmem>> -> memref<1x8x256xf32, #tpu.memory_space<vmem>>
    %dma_start3A_540 = tpu.memref_squeeze %dma_start3A_539 : memref<1x8x256xf32, #tpu.memory_space<vmem>> -> memref<8x256xf32, #tpu.memory_space<vmem>>
    %dma_start3A_541 = tpu.memref_slice %arg2[%dma_start3A_528, %dma_start3A_529, %mul3A_359, %mul3A_377] : memref<8x19x512x512xf32, #tpu.memory_space<hbm>> -> memref<1x1x8x256xf32, #tpu.memory_space<hbm>>
    %dma_start3A_542 = tpu.memref_squeeze %dma_start3A_541 : memref<1x1x8x256xf32, #tpu.memory_space<hbm>> -> memref<8x256xf32, #tpu.memory_space<hbm>>
    tpu.enqueue_dma source(%dma_start3A_542 : memref<8x256xf32, #tpu.memory_space<hbm>>) target(%dma_start3A_540 : memref<8x256xf32, #tpu.memory_space<vmem>>) target_semaphore(%arg14 : memref<!tpu.dma_semaphore, #tpu.memory_space<semaphore_mem>>)
    %dma_start3A_543 = arith.constant 0 : i32
    %dma_start3A_544 = arith.constant 11 : i32
    %dma_start3A_545 = arith.constant 11 : i32
    %dma_start3A_546 = arith.constant 0 : i32
    %dma_start3A_547 = arith.constant 0 : i32
    %dma_start3A_548 = tpu.memref_slice %arg7[%dma_start3A_545, %dma_start3A_546, %dma_start3A_547] : memref<19x8x256xf32, #tpu.memory_space<vmem>> -> memref<1x8x256xf32, #tpu.memory_space<vmem>>
    %dma_start3A_549 = tpu.memref_squeeze %dma_start3A_548 : memref<1x8x256xf32, #tpu.memory_space<vmem>> -> memref<8x256xf32, #tpu.memory_space<vmem>>
    %dma_start3A_550 = tpu.memref_slice %arg2[%dma_start3A_543, %dma_start3A_544, %mul3A_359, %mul3A_377] : memref<8x19x512x512xf32, #tpu.memory_space<hbm>> -> memref<1x1x8x256xf32, #tpu.memory_space<hbm>>
    %dma_start3A_551 = tpu.memref_squeeze %dma_start3A_550 : memref<1x1x8x256xf32, #tpu.memory_space<hbm>> -> memref<8x256xf32, #tpu.memory_space<hbm>>
    %dma_start3A_552 = arith.constant 0 : i32
    %dma_start3A_553 = arith.constant 0 : i32
    %dma_start3A_554 = tpu.memref_slice %arg7[%dma_start3A_545, %dma_start3A_552, %dma_start3A_553] : memref<19x8x256xf32, #tpu.memory_space<vmem>> -> memref<1x8x256xf32, #tpu.memory_space<vmem>>
    %dma_start3A_555 = tpu.memref_squeeze %dma_start3A_554 : memref<1x8x256xf32, #tpu.memory_space<vmem>> -> memref<8x256xf32, #tpu.memory_space<vmem>>
    %dma_start3A_556 = tpu.memref_slice %arg2[%dma_start3A_543, %dma_start3A_544, %mul3A_359, %mul3A_377] : memref<8x19x512x512xf32, #tpu.memory_space<hbm>> -> memref<1x1x8x256xf32, #tpu.memory_space<hbm>>
    %dma_start3A_557 = tpu.memref_squeeze %dma_start3A_556 : memref<1x1x8x256xf32, #tpu.memory_space<hbm>> -> memref<8x256xf32, #tpu.memory_space<hbm>>
    tpu.enqueue_dma source(%dma_start3A_557 : memref<8x256xf32, #tpu.memory_space<hbm>>) target(%dma_start3A_555 : memref<8x256xf32, #tpu.memory_space<vmem>>) target_semaphore(%arg14 : memref<!tpu.dma_semaphore, #tpu.memory_space<semaphore_mem>>)
    %dma_start3A_558 = arith.constant 0 : i32
    %dma_start3A_559 = arith.constant 12 : i32
    %dma_start3A_560 = arith.constant 12 : i32
    %dma_start3A_561 = arith.constant 0 : i32
    %dma_start3A_562 = arith.constant 0 : i32
    %dma_start3A_563 = tpu.memref_slice %arg7[%dma_start3A_560, %dma_start3A_561, %dma_start3A_562] : memref<19x8x256xf32, #tpu.memory_space<vmem>> -> memref<1x8x256xf32, #tpu.memory_space<vmem>>
    %dma_start3A_564 = tpu.memref_squeeze %dma_start3A_563 : memref<1x8x256xf32, #tpu.memory_space<vmem>> -> memref<8x256xf32, #tpu.memory_space<vmem>>
    %dma_start3A_565 = tpu.memref_slice %arg2[%dma_start3A_558, %dma_start3A_559, %mul3A_359, %mul3A_377] : memref<8x19x512x512xf32, #tpu.memory_space<hbm>> -> memref<1x1x8x256xf32, #tpu.memory_space<hbm>>
    %dma_start3A_566 = tpu.memref_squeeze %dma_start3A_565 : memref<1x1x8x256xf32, #tpu.memory_space<hbm>> -> memref<8x256xf32, #tpu.memory_space<hbm>>
    %dma_start3A_567 = arith.constant 0 : i32
    %dma_start3A_568 = arith.constant 0 : i32
    %dma_start3A_569 = tpu.memref_slice %arg7[%dma_start3A_560, %dma_start3A_567, %dma_start3A_568] : memref<19x8x256xf32, #tpu.memory_space<vmem>> -> memref<1x8x256xf32, #tpu.memory_space<vmem>>
    %dma_start3A_570 = tpu.memref_squeeze %dma_start3A_569 : memref<1x8x256xf32, #tpu.memory_space<vmem>> -> memref<8x256xf32, #tpu.memory_space<vmem>>
    %dma_start3A_571 = tpu.memref_slice %arg2[%dma_start3A_558, %dma_start3A_559, %mul3A_359, %mul3A_377] : memref<8x19x512x512xf32, #tpu.memory_space<hbm>> -> memref<1x1x8x256xf32, #tpu.memory_space<hbm>>
    %dma_start3A_572 = tpu.memref_squeeze %dma_start3A_571 : memref<1x1x8x256xf32, #tpu.memory_space<hbm>> -> memref<8x256xf32, #tpu.memory_space<hbm>>
    tpu.enqueue_dma source(%dma_start3A_572 : memref<8x256xf32, #tpu.memory_space<hbm>>) target(%dma_start3A_570 : memref<8x256xf32, #tpu.memory_space<vmem>>) target_semaphore(%arg14 : memref<!tpu.dma_semaphore, #tpu.memory_space<semaphore_mem>>)
    %dma_start3A_573 = arith.constant 0 : i32
    %dma_start3A_574 = arith.constant 13 : i32
    %dma_start3A_575 = arith.constant 13 : i32
    %dma_start3A_576 = arith.constant 0 : i32
    %dma_start3A_577 = arith.constant 0 : i32
    %dma_start3A_578 = tpu.memref_slice %arg7[%dma_start3A_575, %dma_start3A_576, %dma_start3A_577] : memref<19x8x256xf32, #tpu.memory_space<vmem>> -> memref<1x8x256xf32, #tpu.memory_space<vmem>>
    %dma_start3A_579 = tpu.memref_squeeze %dma_start3A_578 : memref<1x8x256xf32, #tpu.memory_space<vmem>> -> memref<8x256xf32, #tpu.memory_space<vmem>>
    %dma_start3A_580 = tpu.memref_slice %arg2[%dma_start3A_573, %dma_start3A_574, %mul3A_359, %mul3A_377] : memref<8x19x512x512xf32, #tpu.memory_space<hbm>> -> memref<1x1x8x256xf32, #tpu.memory_space<hbm>>
    %dma_start3A_581 = tpu.memref_squeeze %dma_start3A_580 : memref<1x1x8x256xf32, #tpu.memory_space<hbm>> -> memref<8x256xf32, #tpu.memory_space<hbm>>
    %dma_start3A_582 = arith.constant 0 : i32
    %dma_start3A_583 = arith.constant 0 : i32
    %dma_start3A_584 = tpu.memref_slice %arg7[%dma_start3A_575, %dma_start3A_582, %dma_start3A_583] : memref<19x8x256xf32, #tpu.memory_space<vmem>> -> memref<1x8x256xf32, #tpu.memory_space<vmem>>
    %dma_start3A_585 = tpu.memref_squeeze %dma_start3A_584 : memref<1x8x256xf32, #tpu.memory_space<vmem>> -> memref<8x256xf32, #tpu.memory_space<vmem>>
    %dma_start3A_586 = tpu.memref_slice %arg2[%dma_start3A_573, %dma_start3A_574, %mul3A_359, %mul3A_377] : memref<8x19x512x512xf32, #tpu.memory_space<hbm>> -> memref<1x1x8x256xf32, #tpu.memory_space<hbm>>
    %dma_start3A_587 = tpu.memref_squeeze %dma_start3A_586 : memref<1x1x8x256xf32, #tpu.memory_space<hbm>> -> memref<8x256xf32, #tpu.memory_space<hbm>>
    tpu.enqueue_dma source(%dma_start3A_587 : memref<8x256xf32, #tpu.memory_space<hbm>>) target(%dma_start3A_585 : memref<8x256xf32, #tpu.memory_space<vmem>>) target_semaphore(%arg14 : memref<!tpu.dma_semaphore, #tpu.memory_space<semaphore_mem>>)
    %dma_start3A_588 = arith.constant 0 : i32
    %dma_start3A_589 = arith.constant 14 : i32
    %dma_start3A_590 = arith.constant 14 : i32
    %dma_start3A_591 = arith.constant 0 : i32
    %dma_start3A_592 = arith.constant 0 : i32
    %dma_start3A_593 = tpu.memref_slice %arg7[%dma_start3A_590, %dma_start3A_591, %dma_start3A_592] : memref<19x8x256xf32, #tpu.memory_space<vmem>> -> memref<1x8x256xf32, #tpu.memory_space<vmem>>
    %dma_start3A_594 = tpu.memref_squeeze %dma_start3A_593 : memref<1x8x256xf32, #tpu.memory_space<vmem>> -> memref<8x256xf32, #tpu.memory_space<vmem>>
    %dma_start3A_595 = tpu.memref_slice %arg2[%dma_start3A_588, %dma_start3A_589, %mul3A_359, %mul3A_377] : memref<8x19x512x512xf32, #tpu.memory_space<hbm>> -> memref<1x1x8x256xf32, #tpu.memory_space<hbm>>
    %dma_start3A_596 = tpu.memref_squeeze %dma_start3A_595 : memref<1x1x8x256xf32, #tpu.memory_space<hbm>> -> memref<8x256xf32, #tpu.memory_space<hbm>>
    %dma_start3A_597 = arith.constant 0 : i32
    %dma_start3A_598 = arith.constant 0 : i32
    %dma_start3A_599 = tpu.memref_slice %arg7[%dma_start3A_590, %dma_start3A_597, %dma_start3A_598] : memref<19x8x256xf32, #tpu.memory_space<vmem>> -> memref<1x8x256xf32, #tpu.memory_space<vmem>>
    %dma_start3A_600 = tpu.memref_squeeze %dma_start3A_599 : memref<1x8x256xf32, #tpu.memory_space<vmem>> -> memref<8x256xf32, #tpu.memory_space<vmem>>
    %dma_start3A_601 = tpu.memref_slice %arg2[%dma_start3A_588, %dma_start3A_589, %mul3A_359, %mul3A_377] : memref<8x19x512x512xf32, #tpu.memory_space<hbm>> -> memref<1x1x8x256xf32, #tpu.memory_space<hbm>>
    %dma_start3A_602 = tpu.memref_squeeze %dma_start3A_601 : memref<1x1x8x256xf32, #tpu.memory_space<hbm>> -> memref<8x256xf32, #tpu.memory_space<hbm>>
    tpu.enqueue_dma source(%dma_start3A_602 : memref<8x256xf32, #tpu.memory_space<hbm>>) target(%dma_start3A_600 : memref<8x256xf32, #tpu.memory_space<vmem>>) target_semaphore(%arg14 : memref<!tpu.dma_semaphore, #tpu.memory_space<semaphore_mem>>)
    %dma_start3A_603 = arith.constant 0 : i32
    %dma_start3A_604 = arith.constant 15 : i32
    %dma_start3A_605 = arith.constant 15 : i32
    %dma_start3A_606 = arith.constant 0 : i32
    %dma_start3A_607 = arith.constant 0 : i32
    %dma_start3A_608 = tpu.memref_slice %arg7[%dma_start3A_605, %dma_start3A_606, %dma_start3A_607] : memref<19x8x256xf32, #tpu.memory_space<vmem>> -> memref<1x8x256xf32, #tpu.memory_space<vmem>>
    %dma_start3A_609 = tpu.memref_squeeze %dma_start3A_608 : memref<1x8x256xf32, #tpu.memory_space<vmem>> -> memref<8x256xf32, #tpu.memory_space<vmem>>
    %dma_start3A_610 = tpu.memref_slice %arg2[%dma_start3A_603, %dma_start3A_604, %mul3A_359, %mul3A_377] : memref<8x19x512x512xf32, #tpu.memory_space<hbm>> -> memref<1x1x8x256xf32, #tpu.memory_space<hbm>>
    %dma_start3A_611 = tpu.memref_squeeze %dma_start3A_610 : memref<1x1x8x256xf32, #tpu.memory_space<hbm>> -> memref<8x256xf32, #tpu.memory_space<hbm>>
    %dma_start3A_612 = arith.constant 0 : i32
    %dma_start3A_613 = arith.constant 0 : i32
    %dma_start3A_614 = tpu.memref_slice %arg7[%dma_start3A_605, %dma_start3A_612, %dma_start3A_613] : memref<19x8x256xf32, #tpu.memory_space<vmem>> -> memref<1x8x256xf32, #tpu.memory_space<vmem>>
    %dma_start3A_615 = tpu.memref_squeeze %dma_start3A_614 : memref<1x8x256xf32, #tpu.memory_space<vmem>> -> memref<8x256xf32, #tpu.memory_space<vmem>>
    %dma_start3A_616 = tpu.memref_slice %arg2[%dma_start3A_603, %dma_start3A_604, %mul3A_359, %mul3A_377] : memref<8x19x512x512xf32, #tpu.memory_space<hbm>> -> memref<1x1x8x256xf32, #tpu.memory_space<hbm>>
    %dma_start3A_617 = tpu.memref_squeeze %dma_start3A_616 : memref<1x1x8x256xf32, #tpu.memory_space<hbm>> -> memref<8x256xf32, #tpu.memory_space<hbm>>
    tpu.enqueue_dma source(%dma_start3A_617 : memref<8x256xf32, #tpu.memory_space<hbm>>) target(%dma_start3A_615 : memref<8x256xf32, #tpu.memory_space<vmem>>) target_semaphore(%arg14 : memref<!tpu.dma_semaphore, #tpu.memory_space<semaphore_mem>>)
    %dma_start3A_618 = arith.constant 0 : i32
    %dma_start3A_619 = arith.constant 16 : i32
    %dma_start3A_620 = arith.constant 16 : i32
    %dma_start3A_621 = arith.constant 0 : i32
    %dma_start3A_622 = arith.constant 0 : i32
    %dma_start3A_623 = tpu.memref_slice %arg7[%dma_start3A_620, %dma_start3A_621, %dma_start3A_622] : memref<19x8x256xf32, #tpu.memory_space<vmem>> -> memref<1x8x256xf32, #tpu.memory_space<vmem>>
    %dma_start3A_624 = tpu.memref_squeeze %dma_start3A_623 : memref<1x8x256xf32, #tpu.memory_space<vmem>> -> memref<8x256xf32, #tpu.memory_space<vmem>>
    %dma_start3A_625 = tpu.memref_slice %arg2[%dma_start3A_618, %dma_start3A_619, %mul3A_359, %mul3A_377] : memref<8x19x512x512xf32, #tpu.memory_space<hbm>> -> memref<1x1x8x256xf32, #tpu.memory_space<hbm>>
    %dma_start3A_626 = tpu.memref_squeeze %dma_start3A_625 : memref<1x1x8x256xf32, #tpu.memory_space<hbm>> -> memref<8x256xf32, #tpu.memory_space<hbm>>
    %dma_start3A_627 = arith.constant 0 : i32
    %dma_start3A_628 = arith.constant 0 : i32
    %dma_start3A_629 = tpu.memref_slice %arg7[%dma_start3A_620, %dma_start3A_627, %dma_start3A_628] : memref<19x8x256xf32, #tpu.memory_space<vmem>> -> memref<1x8x256xf32, #tpu.memory_space<vmem>>
    %dma_start3A_630 = tpu.memref_squeeze %dma_start3A_629 : memref<1x8x256xf32, #tpu.memory_space<vmem>> -> memref<8x256xf32, #tpu.memory_space<vmem>>
    %dma_start3A_631 = tpu.memref_slice %arg2[%dma_start3A_618, %dma_start3A_619, %mul3A_359, %mul3A_377] : memref<8x19x512x512xf32, #tpu.memory_space<hbm>> -> memref<1x1x8x256xf32, #tpu.memory_space<hbm>>
    %dma_start3A_632 = tpu.memref_squeeze %dma_start3A_631 : memref<1x1x8x256xf32, #tpu.memory_space<hbm>> -> memref<8x256xf32, #tpu.memory_space<hbm>>
    tpu.enqueue_dma source(%dma_start3A_632 : memref<8x256xf32, #tpu.memory_space<hbm>>) target(%dma_start3A_630 : memref<8x256xf32, #tpu.memory_space<vmem>>) target_semaphore(%arg14 : memref<!tpu.dma_semaphore, #tpu.memory_space<semaphore_mem>>)
    %dma_start3A_633 = arith.constant 0 : i32
    %dma_start3A_634 = arith.constant 17 : i32
    %dma_start3A_635 = arith.constant 17 : i32
    %dma_start3A_636 = arith.constant 0 : i32
    %dma_start3A_637 = arith.constant 0 : i32
    %dma_start3A_638 = tpu.memref_slice %arg7[%dma_start3A_635, %dma_start3A_636, %dma_start3A_637] : memref<19x8x256xf32, #tpu.memory_space<vmem>> -> memref<1x8x256xf32, #tpu.memory_space<vmem>>
    %dma_start3A_639 = tpu.memref_squeeze %dma_start3A_638 : memref<1x8x256xf32, #tpu.memory_space<vmem>> -> memref<8x256xf32, #tpu.memory_space<vmem>>
    %dma_start3A_640 = tpu.memref_slice %arg2[%dma_start3A_633, %dma_start3A_634, %mul3A_359, %mul3A_377] : memref<8x19x512x512xf32, #tpu.memory_space<hbm>> -> memref<1x1x8x256xf32, #tpu.memory_space<hbm>>
    %dma_start3A_641 = tpu.memref_squeeze %dma_start3A_640 : memref<1x1x8x256xf32, #tpu.memory_space<hbm>> -> memref<8x256xf32, #tpu.memory_space<hbm>>
    %dma_start3A_642 = arith.constant 0 : i32
    %dma_start3A_643 = arith.constant 0 : i32
    %dma_start3A_644 = tpu.memref_slice %arg7[%dma_start3A_635, %dma_start3A_642, %dma_start3A_643] : memref<19x8x256xf32, #tpu.memory_space<vmem>> -> memref<1x8x256xf32, #tpu.memory_space<vmem>>
    %dma_start3A_645 = tpu.memref_squeeze %dma_start3A_644 : memref<1x8x256xf32, #tpu.memory_space<vmem>> -> memref<8x256xf32, #tpu.memory_space<vmem>>
    %dma_start3A_646 = tpu.memref_slice %arg2[%dma_start3A_633, %dma_start3A_634, %mul3A_359, %mul3A_377] : memref<8x19x512x512xf32, #tpu.memory_space<hbm>> -> memref<1x1x8x256xf32, #tpu.memory_space<hbm>>
    %dma_start3A_647 = tpu.memref_squeeze %dma_start3A_646 : memref<1x1x8x256xf32, #tpu.memory_space<hbm>> -> memref<8x256xf32, #tpu.memory_space<hbm>>
    tpu.enqueue_dma source(%dma_start3A_647 : memref<8x256xf32, #tpu.memory_space<hbm>>) target(%dma_start3A_645 : memref<8x256xf32, #tpu.memory_space<vmem>>) target_semaphore(%arg14 : memref<!tpu.dma_semaphore, #tpu.memory_space<semaphore_mem>>)
    %dma_start3A_648 = arith.constant 0 : i32
    %dma_start3A_649 = arith.constant 18 : i32
    %dma_start3A_650 = arith.constant 18 : i32
    %dma_start3A_651 = arith.constant 0 : i32
    %dma_start3A_652 = arith.constant 0 : i32
    %dma_start3A_653 = tpu.memref_slice %arg7[%dma_start3A_650, %dma_start3A_651, %dma_start3A_652] : memref<19x8x256xf32, #tpu.memory_space<vmem>> -> memref<1x8x256xf32, #tpu.memory_space<vmem>>
    %dma_start3A_654 = tpu.memref_squeeze %dma_start3A_653 : memref<1x8x256xf32, #tpu.memory_space<vmem>> -> memref<8x256xf32, #tpu.memory_space<vmem>>
    %dma_start3A_655 = tpu.memref_slice %arg2[%dma_start3A_648, %dma_start3A_649, %mul3A_359, %mul3A_377] : memref<8x19x512x512xf32, #tpu.memory_space<hbm>> -> memref<1x1x8x256xf32, #tpu.memory_space<hbm>>
    %dma_start3A_656 = tpu.memref_squeeze %dma_start3A_655 : memref<1x1x8x256xf32, #tpu.memory_space<hbm>> -> memref<8x256xf32, #tpu.memory_space<hbm>>
    %dma_start3A_657 = arith.constant 0 : i32
    %dma_start3A_658 = arith.constant 0 : i32
    %dma_start3A_659 = tpu.memref_slice %arg7[%dma_start3A_650, %dma_start3A_657, %dma_start3A_658] : memref<19x8x256xf32, #tpu.memory_space<vmem>> -> memref<1x8x256xf32, #tpu.memory_space<vmem>>
    %dma_start3A_660 = tpu.memref_squeeze %dma_start3A_659 : memref<1x8x256xf32, #tpu.memory_space<vmem>> -> memref<8x256xf32, #tpu.memory_space<vmem>>
    %dma_start3A_661 = tpu.memref_slice %arg2[%dma_start3A_648, %dma_start3A_649, %mul3A_359, %mul3A_377] : memref<8x19x512x512xf32, #tpu.memory_space<hbm>> -> memref<1x1x8x256xf32, #tpu.memory_space<hbm>>
    %dma_start3A_662 = tpu.memref_squeeze %dma_start3A_661 : memref<1x1x8x256xf32, #tpu.memory_space<hbm>> -> memref<8x256xf32, #tpu.memory_space<hbm>>
    tpu.enqueue_dma source(%dma_start3A_662 : memref<8x256xf32, #tpu.memory_space<hbm>>) target(%dma_start3A_660 : memref<8x256xf32, #tpu.memory_space<vmem>>) target_semaphore(%arg14 : memref<!tpu.dma_semaphore, #tpu.memory_space<semaphore_mem>>)
    %dma_start3A_663 = arith.constant 0 : i32
    %dma_start3A_664 = tpu.memref_slice %arg3[%dma_start3A_663, %mul3A_359, %mul3A_377] : memref<8x512x512xi32, #tpu.memory_space<hbm>> -> memref<1x8x256xi32, #tpu.memory_space<hbm>>
    %dma_start3A_665 = tpu.memref_squeeze %dma_start3A_664 : memref<1x8x256xi32, #tpu.memory_space<hbm>> -> memref<8x256xi32, #tpu.memory_space<hbm>>
    %dma_start3A_666 = tpu.memref_slice %arg3[%dma_start3A_663, %mul3A_359, %mul3A_377] : memref<8x512x512xi32, #tpu.memory_space<hbm>> -> memref<1x8x256xi32, #tpu.memory_space<hbm>>
    %dma_start3A_667 = tpu.memref_squeeze %dma_start3A_666 : memref<1x8x256xi32, #tpu.memory_space<hbm>> -> memref<8x256xi32, #tpu.memory_space<hbm>>
    tpu.enqueue_dma source(%dma_start3A_667 : memref<8x256xi32, #tpu.memory_space<hbm>>) target(%arg9 : memref<8x256xi32, #tpu.memory_space<vmem>>) target_semaphore(%arg16 : memref<!tpu.dma_semaphore, #tpu.memory_space<semaphore_mem>>)
    %broadcast_in_dim3A = arith.constant 0.000000e+00 : f32
    %broadcast_in_dim3A_668 = vector.broadcast %broadcast_in_dim3A : f32 to vector<16xf32>
    %scan3A = arith.constant 0 : i32
    %scan3A_669 = arith.constant 16 : i32
    %scan3A_670 = arith.addi %scan3A, %scan3A_669 : i32
    %scan3A_671 = arith.constant 1 : i32
    %scan3A_672:8 = scf.for %scan3A_690 = %scan3A to %scan3A_670 step %scan3A_671 iter_args(%scan3A_691 = %broadcast_in_dim3A_668, %scan3A_692 = %broadcast_in_dim3A_668, %scan3A_693 = %broadcast_in_dim3A_668, %scan3A_694 = %broadcast_in_dim3A_668, %scan3A_695 = %broadcast_in_dim3A_668, %scan3A_696 = %broadcast_in_dim3A_668, %scan3A_697 = %broadcast_in_dim3A_668, %scan3A_698 = %broadcast_in_dim3A_668) -> (vector<16xf32>, vector<16xf32>, vector<16xf32>, vector<16xf32>, vector<16xf32>, vector<16xf32>, vector<16xf32>, vector<16xf32>)  : i32 {
      %mul3A_699 = arith.constant 2 : i32
      %mul3A_700 = arith.muli %scan3A_690, %mul3A_699 : i32
      %add3A_701 = arith.constant 0 : i32
      %add3A_702 = arith.addi %mul3A_700, %add3A_701 : i32
      %ge3A = arith.constant 1 : i32
      %ge3A_703 = arith.cmpi sge, %scan3A_690, %ge3A : i32
      %convert_element_type3A = arith.extui %ge3A_703 : i1 to i32
      %cond3A = arith.constant 0 : i32
      %cond3A_704 = arith.cmpi ne, %convert_element_type3A, %cond3A : i32
      scf.if %cond3A_704 {
        %dma_wait3A_871 = arith.constant 0 : i32
        %dma_wait3A_872 = tpu.memref_slice %arg5[%dma_wait3A_871] : memref<2097152xf32, #tpu.memory_space<hbm>> -> memref<2048xf32, #tpu.memory_space<hbm>>
        %dma_wait3A_873 = arith.constant 0 : i32
        %dma_wait3A_874 = tpu.memref_slice %arg5[%dma_wait3A_873] : memref<2097152xf32, #tpu.memory_space<hbm>> -> memref<2048xf32, #tpu.memory_space<hbm>>
        tpu.wait_dma2 semaphore(%arg17 : memref<!tpu.dma_semaphore, #tpu.memory_space<semaphore_mem>>) src(%arg10 : memref<2048xf32, #tpu.memory_space<vmem>>) dst(%dma_wait3A_874 : memref<2048xf32, #tpu.memory_space<hbm>>)
      } else {
      }
      %dma_wait3A_705 = arith.constant 0 : i32
      %dma_wait3A_706 = arith.constant 0 : i32
      %dma_wait3A_707 = arith.constant 0 : i32
      %dma_wait3A_708 = arith.constant 0 : i32
      %dma_wait3A_709 = tpu.memref_slice %arg2[%dma_wait3A_705, %dma_wait3A_706, %dma_wait3A_707, %dma_wait3A_708] : memref<8x19x512x512xf32, #tpu.memory_space<hbm>> -> memref<1x19x8x256xf32, #tpu.memory_space<hbm>>
      %dma_wait3A_710 = tpu.memref_squeeze %dma_wait3A_709 : memref<1x19x8x256xf32, #tpu.memory_space<hbm>> -> memref<19x8x256xf32, #tpu.memory_space<hbm>>
      %dma_wait3A_711 = arith.constant 0 : i32
      %dma_wait3A_712 = arith.constant 0 : i32
      %dma_wait3A_713 = arith.constant 0 : i32
      %dma_wait3A_714 = tpu.memref_slice %arg2[%dma_wait3A_705, %dma_wait3A_711, %dma_wait3A_712, %dma_wait3A_713] : memref<8x19x512x512xf32, #tpu.memory_space<hbm>> -> memref<1x19x8x256xf32, #tpu.memory_space<hbm>>
      %dma_wait3A_715 = tpu.memref_squeeze %dma_wait3A_714 : memref<1x19x8x256xf32, #tpu.memory_space<hbm>> -> memref<19x8x256xf32, #tpu.memory_space<hbm>>
      tpu.wait_dma2 semaphore(%arg13 : memref<!tpu.dma_semaphore, #tpu.memory_space<semaphore_mem>>) src(%dma_wait3A_715 : memref<19x8x256xf32, #tpu.memory_space<hbm>>) dst(%arg6 : memref<19x8x256xf32, #tpu.memory_space<vmem>>)
      %dma_wait3A_716 = arith.constant 0 : i32
      %dma_wait3A_717 = arith.constant 0 : i32
      %dma_wait3A_718 = arith.constant 0 : i32
      %dma_wait3A_719 = tpu.memref_slice %arg3[%dma_wait3A_716, %dma_wait3A_717, %dma_wait3A_718] : memref<8x512x512xi32, #tpu.memory_space<hbm>> -> memref<1x8x256xi32, #tpu.memory_space<hbm>>
      %dma_wait3A_720 = tpu.memref_squeeze %dma_wait3A_719 : memref<1x8x256xi32, #tpu.memory_space<hbm>> -> memref<8x256xi32, #tpu.memory_space<hbm>>
      %dma_wait3A_721 = arith.constant 0 : i32
      %dma_wait3A_722 = arith.constant 0 : i32
      %dma_wait3A_723 = tpu.memref_slice %arg3[%dma_wait3A_716, %dma_wait3A_721, %dma_wait3A_722] : memref<8x512x512xi32, #tpu.memory_space<hbm>> -> memref<1x8x256xi32, #tpu.memory_space<hbm>>
      %dma_wait3A_724 = tpu.memref_squeeze %dma_wait3A_723 : memref<1x8x256xi32, #tpu.memory_space<hbm>> -> memref<8x256xi32, #tpu.memory_space<hbm>>
      tpu.wait_dma2 semaphore(%arg15 : memref<!tpu.dma_semaphore, #tpu.memory_space<semaphore_mem>>) src(%dma_wait3A_724 : memref<8x256xi32, #tpu.memory_space<hbm>>) dst(%arg8 : memref<8x256xi32, #tpu.memory_space<vmem>>)
      %parallel_loop3A = arith.constant 0 : i32
      %parallel_loop3A_725 = arith.constant 32 : i32
      %parallel_loop3A_726 = arith.constant 1 : i32
      %parallel_loop3A_727:8 = scf.for %parallel_loop3A_871 = %parallel_loop3A to %parallel_loop3A_725 step %parallel_loop3A_726 iter_args(%parallel_loop3A_872 = %scan3A_691, %parallel_loop3A_873 = %scan3A_692, %parallel_loop3A_874 = %scan3A_693, %parallel_loop3A_875 = %scan3A_694, %parallel_loop3A_876 = %scan3A_695, %parallel_loop3A_877 = %scan3A_696, %parallel_loop3A_878 = %scan3A_697, %parallel_loop3A_879 = %scan3A_698) -> (vector<16xf32>, vector<16xf32>, vector<16xf32>, vector<16xf32>, vector<16xf32>, vector<16xf32>, vector<16xf32>, vector<16xf32>)  : i32 {
        %parallel_loop3A_880 = arith.constant 4 : i32
        %parallel_loop3A_881 = arith.divsi %parallel_loop3A_871, %parallel_loop3A_880 : i32
        %parallel_loop3A_882 = arith.constant 0 : i32
        %parallel_loop3A_883 = arith.cmpi sgt, %parallel_loop3A_871, %parallel_loop3A_882 : i32
        %parallel_loop3A_884 = arith.extui %parallel_loop3A_883 : i1 to i32
        %parallel_loop3A_885 = arith.constant 0 : i32
        %parallel_loop3A_886 = arith.cmpi slt, %parallel_loop3A_871, %parallel_loop3A_885 : i32
        %parallel_loop3A_887 = arith.extui %parallel_loop3A_886 : i1 to i32
        %parallel_loop3A_888 = arith.subi %parallel_loop3A_884, %parallel_loop3A_887 : i32
        %parallel_loop3A_889 = arith.constant 0 : i32
        %parallel_loop3A_890 = arith.cmpi sgt, %parallel_loop3A_880, %parallel_loop3A_889 : i32
        %parallel_loop3A_891 = arith.extui %parallel_loop3A_890 : i1 to i32
        %parallel_loop3A_892 = arith.constant 0 : i32
        %parallel_loop3A_893 = arith.cmpi slt, %parallel_loop3A_880, %parallel_loop3A_892 : i32
        %parallel_loop3A_894 = arith.extui %parallel_loop3A_893 : i1 to i32
        %parallel_loop3A_895 = arith.subi %parallel_loop3A_891, %parallel_loop3A_894 : i32
        %parallel_loop3A_896 = arith.cmpi ne, %parallel_loop3A_888, %parallel_loop3A_895 : i32
        %parallel_loop3A_897 = arith.remsi %parallel_loop3A_871, %parallel_loop3A_880 : i32
        %parallel_loop3A_898 = arith.constant 0 : i32
        %parallel_loop3A_899 = arith.cmpi ne, %parallel_loop3A_897, %parallel_loop3A_898 : i32
        %parallel_loop3A_900 = arith.andi %parallel_loop3A_896, %parallel_loop3A_899 : i1
        %parallel_loop3A_901 = arith.constant 1 : i32
        %parallel_loop3A_902 = arith.subi %parallel_loop3A_881, %parallel_loop3A_901 : i32
        %parallel_loop3A_903 = arith.select %parallel_loop3A_900, %parallel_loop3A_902, %parallel_loop3A_881 : i32
        %parallel_loop3A_904 = arith.constant 4 : i32
        %parallel_loop3A_905 = arith.constant 0 : i32
        %parallel_loop3A_906 = arith.cmpi eq, %parallel_loop3A_904, %parallel_loop3A_905 : i32
        %parallel_loop3A_907 = arith.constant 1 : i32
        %parallel_loop3A_908 = arith.select %parallel_loop3A_906, %parallel_loop3A_907, %parallel_loop3A_904 : i32
        %parallel_loop3A_909 = arith.remsi %parallel_loop3A_871, %parallel_loop3A_908 : i32
        %parallel_loop3A_910 = arith.constant 0 : i32
        %parallel_loop3A_911 = arith.cmpi ne, %parallel_loop3A_909, %parallel_loop3A_910 : i32
        %parallel_loop3A_912 = arith.constant 0 : i32
        %parallel_loop3A_913 = arith.cmpi slt, %parallel_loop3A_909, %parallel_loop3A_912 : i32
        %parallel_loop3A_914 = arith.constant 0 : i32
        %parallel_loop3A_915 = arith.cmpi slt, %parallel_loop3A_908, %parallel_loop3A_914 : i32
        %parallel_loop3A_916 = arith.xori %parallel_loop3A_913, %parallel_loop3A_915 : i1
        %parallel_loop3A_917 = arith.andi %parallel_loop3A_916, %parallel_loop3A_911 : i1
        %parallel_loop3A_918 = arith.addi %parallel_loop3A_909, %parallel_loop3A_908 : i32
        %parallel_loop3A_919 = arith.select %parallel_loop3A_917, %parallel_loop3A_918, %parallel_loop3A_909 : i32
        %parallel_loop3A_920 = arith.constant 64 : i32
        %parallel_loop3A_921 = arith.muli %parallel_loop3A_919, %parallel_loop3A_920 : i32
        %parallel_loop3A_922 = arith.constant 0 : i32
        %parallel_loop3A_923 = arith.addi %parallel_loop3A_921, %parallel_loop3A_922 : i32
        %parallel_loop3A_924 = arith.index_cast %parallel_loop3A_903 : i32 to index
        %parallel_loop3A_925 = arith.index_cast %parallel_loop3A_923 : i32 to index
        %parallel_loop3A_926 = tpu.vector_load %arg8[%parallel_loop3A_924, %parallel_loop3A_925] {strides = array<i32>} : memref<8x256xi32, #tpu.memory_space<vmem>>, vector<16xi32>,
        %parallel_loop3A_927 = arith.constant 16 : i32
        %parallel_loop3A_928 = arith.addi %parallel_loop3A_921, %parallel_loop3A_927 : i32
        %parallel_loop3A_929 = arith.index_cast %parallel_loop3A_903 : i32 to index
        %parallel_loop3A_930 = arith.index_cast %parallel_loop3A_928 : i32 to index
        %parallel_loop3A_931 = tpu.vector_load %arg8[%parallel_loop3A_929, %parallel_loop3A_930] {strides = array<i32>} : memref<8x256xi32, #tpu.memory_space<vmem>>, vector<16xi32>,
        %parallel_loop3A_932 = arith.constant 32 : i32
        %parallel_loop3A_933 = arith.addi %parallel_loop3A_921, %parallel_loop3A_932 : i32
        %parallel_loop3A_934 = arith.index_cast %parallel_loop3A_903 : i32 to index
        %parallel_loop3A_935 = arith.index_cast %parallel_loop3A_933 : i32 to index
        %parallel_loop3A_936 = tpu.vector_load %arg8[%parallel_loop3A_934, %parallel_loop3A_935] {strides = array<i32>} : memref<8x256xi32, #tpu.memory_space<vmem>>, vector<16xi32>,
        %parallel_loop3A_937 = arith.constant 48 : i32
        %parallel_loop3A_938 = arith.addi %parallel_loop3A_921, %parallel_loop3A_937 : i32
        %parallel_loop3A_939 = arith.index_cast %parallel_loop3A_903 : i32 to index
        %parallel_loop3A_940 = arith.index_cast %parallel_loop3A_938 : i32 to index
        %parallel_loop3A_941 = tpu.vector_load %arg8[%parallel_loop3A_939, %parallel_loop3A_940] {strides = array<i32>} : memref<8x256xi32, #tpu.memory_space<vmem>>, vector<16xi32>,
        %parallel_loop3A_942 = arith.constant 0 : i32
        %parallel_loop3A_943 = arith.addi %parallel_loop3A_921, %parallel_loop3A_942 : i32
        %parallel_loop3A_944 = arith.constant 0 : i32
        %parallel_loop3A_945 = arith.index_cast %parallel_loop3A_944 : i32 to index
        %parallel_loop3A_946 = arith.index_cast %parallel_loop3A_903 : i32 to index
        %parallel_loop3A_947 = arith.index_cast %parallel_loop3A_943 : i32 to index
        %parallel_loop3A_948 = tpu.vector_load %arg6[%parallel_loop3A_945, %parallel_loop3A_946, %parallel_loop3A_947] {strides = array<i32>} : memref<19x8x256xf32, #tpu.memory_space<vmem>>, vector<16xf32>,
        %parallel_loop3A_949 = math.exp %parallel_loop3A_948 : vector<16xf32>
        %parallel_loop3A_950 = arith.constant 16 : i32
        %parallel_loop3A_951 = arith.addi %parallel_loop3A_921, %parallel_loop3A_950 : i32
        %parallel_loop3A_952 = arith.constant 0 : i32
        %parallel_loop3A_953 = arith.index_cast %parallel_loop3A_952 : i32 to index
        %parallel_loop3A_954 = arith.index_cast %parallel_loop3A_903 : i32 to index
        %parallel_loop3A_955 = arith.index_cast %parallel_loop3A_951 : i32 to index
        %parallel_loop3A_956 = tpu.vector_load %arg6[%parallel_loop3A_953, %parallel_loop3A_954, %parallel_loop3A_955] {strides = array<i32>} : memref<19x8x256xf32, #tpu.memory_space<vmem>>, vector<16xf32>,
        %parallel_loop3A_957 = math.exp %parallel_loop3A_956 : vector<16xf32>
        %parallel_loop3A_958 = arith.constant 32 : i32
        %parallel_loop3A_959 = arith.addi %parallel_loop3A_921, %parallel_loop3A_958 : i32
        %parallel_loop3A_960 = arith.constant 0 : i32
        %parallel_loop3A_961 = arith.index_cast %parallel_loop3A_960 : i32 to index
        %parallel_loop3A_962 = arith.index_cast %parallel_loop3A_903 : i32 to index
        %parallel_loop3A_963 = arith.index_cast %parallel_loop3A_959 : i32 to index
        %parallel_loop3A_964 = tpu.vector_load %arg6[%parallel_loop3A_961, %parallel_loop3A_962, %parallel_loop3A_963] {strides = array<i32>} : memref<19x8x256xf32, #tpu.memory_space<vmem>>, vector<16xf32>,
        %parallel_loop3A_965 = math.exp %parallel_loop3A_964 : vector<16xf32>
        %parallel_loop3A_966 = arith.constant 48 : i32
        %parallel_loop3A_967 = arith.addi %parallel_loop3A_921, %parallel_loop3A_966 : i32
        %parallel_loop3A_968 = arith.constant 0 : i32
        %parallel_loop3A_969 = arith.index_cast %parallel_loop3A_968 : i32 to index
        %parallel_loop3A_970 = arith.index_cast %parallel_loop3A_903 : i32 to index
        %parallel_loop3A_971 = arith.index_cast %parallel_loop3A_967 : i32 to index
        %parallel_loop3A_972 = tpu.vector_load %arg6[%parallel_loop3A_969, %parallel_loop3A_970, %parallel_loop3A_971] {strides = array<i32>} : memref<19x8x256xf32, #tpu.memory_space<vmem>>, vector<16xf32>,
        %parallel_loop3A_973 = math.exp %parallel_loop3A_972 : vector<16xf32>
        %parallel_loop3A_974 = arith.constant 0 : i32
        %parallel_loop3A_975 = arith.addi %parallel_loop3A_921, %parallel_loop3A_974 : i32
        %parallel_loop3A_976 = arith.constant 1 : i32
        %parallel_loop3A_977 = arith.index_cast %parallel_loop3A_976 : i32 to index
        %parallel_loop3A_978 = arith.index_cast %parallel_loop3A_903 : i32 to index
        %parallel_loop3A_979 = arith.index_cast %parallel_loop3A_975 : i32 to index
        %parallel_loop3A_980 = tpu.vector_load %arg6[%parallel_loop3A_977, %parallel_loop3A_978, %parallel_loop3A_979] {strides = array<i32>} : memref<19x8x256xf32, #tpu.memory_space<vmem>>, vector<16xf32>,
        %parallel_loop3A_981 = math.exp %parallel_loop3A_980 : vector<16xf32>
        %parallel_loop3A_982 = arith.constant 16 : i32
        %parallel_loop3A_983 = arith.addi %parallel_loop3A_921, %parallel_loop3A_982 : i32
        %parallel_loop3A_984 = arith.constant 1 : i32
        %parallel_loop3A_985 = arith.index_cast %parallel_loop3A_984 : i32 to index
        %parallel_loop3A_986 = arith.index_cast %parallel_loop3A_903 : i32 to index
        %parallel_loop3A_987 = arith.index_cast %parallel_loop3A_983 : i32 to index
        %parallel_loop3A_988 = tpu.vector_load %arg6[%parallel_loop3A_985, %parallel_loop3A_986, %parallel_loop3A_987] {strides = array<i32>} : memref<19x8x256xf32, #tpu.memory_space<vmem>>, vector<16xf32>,
        %parallel_loop3A_989 = math.exp %parallel_loop3A_988 : vector<16xf32>
        %parallel_loop3A_990 = arith.constant 32 : i32
        %parallel_loop3A_991 = arith.addi %parallel_loop3A_921, %parallel_loop3A_990 : i32
        %parallel_loop3A_992 = arith.constant 1 : i32
        %parallel_loop3A_993 = arith.index_cast %parallel_loop3A_992 : i32 to index
        %parallel_loop3A_994 = arith.index_cast %parallel_loop3A_903 : i32 to index
        %parallel_loop3A_995 = arith.index_cast %parallel_loop3A_991 : i32 to index
        %parallel_loop3A_996 = tpu.vector_load %arg6[%parallel_loop3A_993, %parallel_loop3A_994, %parallel_loop3A_995] {strides = array<i32>} : memref<19x8x256xf32, #tpu.memory_space<vmem>>, vector<16xf32>,
        %parallel_loop3A_997 = math.exp %parallel_loop3A_996 : vector<16xf32>
        %parallel_loop3A_998 = arith.constant 48 : i32
        %parallel_loop3A_999 = arith.addi %parallel_loop3A_921, %parallel_loop3A_998 : i32
        %parallel_loop3A_1000 = arith.constant 1 : i32
        %parallel_loop3A_1001 = arith.index_cast %parallel_loop3A_1000 : i32 to index
        %parallel_loop3A_1002 = arith.index_cast %parallel_loop3A_903 : i32 to index
        %parallel_loop3A_1003 = arith.index_cast %parallel_loop3A_999 : i32 to index
        %parallel_loop3A_1004 = tpu.vector_load %arg6[%parallel_loop3A_1001, %parallel_loop3A_1002, %parallel_loop3A_1003] {strides = array<i32>} : memref<19x8x256xf32, #tpu.memory_space<vmem>>, vector<16xf32>,
        %parallel_loop3A_1005 = math.exp %parallel_loop3A_1004 : vector<16xf32>
        %parallel_loop3A_1006 = arith.constant 0 : i32
        %parallel_loop3A_1007 = arith.addi %parallel_loop3A_921, %parallel_loop3A_1006 : i32
        %parallel_loop3A_1008 = arith.constant 2 : i32
        %parallel_loop3A_1009 = arith.index_cast %parallel_loop3A_1008 : i32 to index
        %parallel_loop3A_1010 = arith.index_cast %parallel_loop3A_903 : i32 to index
        %parallel_loop3A_1011 = arith.index_cast %parallel_loop3A_1007 : i32 to index
        %parallel_loop3A_1012 = tpu.vector_load %arg6[%parallel_loop3A_1009, %parallel_loop3A_1010, %parallel_loop3A_1011] {strides = array<i32>} : memref<19x8x256xf32, #tpu.memory_space<vmem>>, vector<16xf32>,
        %parallel_loop3A_1013 = math.exp %parallel_loop3A_1012 : vector<16xf32>
        %parallel_loop3A_1014 = arith.addf %parallel_loop3A_949, %parallel_loop3A_1013 : vector<16xf32>
        %parallel_loop3A_1015 = arith.constant 16 : i32
        %parallel_loop3A_1016 = arith.addi %parallel_loop3A_921, %parallel_loop3A_1015 : i32
        %parallel_loop3A_1017 = arith.constant 2 : i32
        %parallel_loop3A_1018 = arith.index_cast %parallel_loop3A_1017 : i32 to index
        %parallel_loop3A_1019 = arith.index_cast %parallel_loop3A_903 : i32 to index
        %parallel_loop3A_1020 = arith.index_cast %parallel_loop3A_1016 : i32 to index
        %parallel_loop3A_1021 = tpu.vector_load %arg6[%parallel_loop3A_1018, %parallel_loop3A_1019, %parallel_loop3A_1020] {strides = array<i32>} : memref<19x8x256xf32, #tpu.memory_space<vmem>>, vector<16xf32>,
        %parallel_loop3A_1022 = math.exp %parallel_loop3A_1021 : vector<16xf32>
        %parallel_loop3A_1023 = arith.addf %parallel_loop3A_957, %parallel_loop3A_1022 : vector<16xf32>
        %parallel_loop3A_1024 = arith.constant 32 : i32
        %parallel_loop3A_1025 = arith.addi %parallel_loop3A_921, %parallel_loop3A_1024 : i32
        %parallel_loop3A_1026 = arith.constant 2 : i32
        %parallel_loop3A_1027 = arith.index_cast %parallel_loop3A_1026 : i32 to index
        %parallel_loop3A_1028 = arith.index_cast %parallel_loop3A_903 : i32 to index
        %parallel_loop3A_1029 = arith.index_cast %parallel_loop3A_1025 : i32 to index
        %parallel_loop3A_1030 = tpu.vector_load %arg6[%parallel_loop3A_1027, %parallel_loop3A_1028, %parallel_loop3A_1029] {strides = array<i32>} : memref<19x8x256xf32, #tpu.memory_space<vmem>>, vector<16xf32>,
        %parallel_loop3A_1031 = math.exp %parallel_loop3A_1030 : vector<16xf32>
        %parallel_loop3A_1032 = arith.addf %parallel_loop3A_965, %parallel_loop3A_1031 : vector<16xf32>
        %parallel_loop3A_1033 = arith.constant 48 : i32
        %parallel_loop3A_1034 = arith.addi %parallel_loop3A_921, %parallel_loop3A_1033 : i32
        %parallel_loop3A_1035 = arith.constant 2 : i32
        %parallel_loop3A_1036 = arith.index_cast %parallel_loop3A_1035 : i32 to index
        %parallel_loop3A_1037 = arith.index_cast %parallel_loop3A_903 : i32 to index
        %parallel_loop3A_1038 = arith.index_cast %parallel_loop3A_1034 : i32 to index
        %parallel_loop3A_1039 = tpu.vector_load %arg6[%parallel_loop3A_1036, %parallel_loop3A_1037, %parallel_loop3A_1038] {strides = array<i32>} : memref<19x8x256xf32, #tpu.memory_space<vmem>>, vector<16xf32>,
        %parallel_loop3A_1040 = math.exp %parallel_loop3A_1039 : vector<16xf32>
        %parallel_loop3A_1041 = arith.addf %parallel_loop3A_973, %parallel_loop3A_1040 : vector<16xf32>
        %parallel_loop3A_1042 = arith.constant 0 : i32
        %parallel_loop3A_1043 = arith.addi %parallel_loop3A_921, %parallel_loop3A_1042 : i32
        %parallel_loop3A_1044 = arith.constant 3 : i32
        %parallel_loop3A_1045 = arith.index_cast %parallel_loop3A_1044 : i32 to index
        %parallel_loop3A_1046 = arith.index_cast %parallel_loop3A_903 : i32 to index
        %parallel_loop3A_1047 = arith.index_cast %parallel_loop3A_1043 : i32 to index
        %parallel_loop3A_1048 = tpu.vector_load %arg6[%parallel_loop3A_1045, %parallel_loop3A_1046, %parallel_loop3A_1047] {strides = array<i32>} : memref<19x8x256xf32, #tpu.memory_space<vmem>>, vector<16xf32>,
        %parallel_loop3A_1049 = math.exp %parallel_loop3A_1048 : vector<16xf32>
        %parallel_loop3A_1050 = arith.addf %parallel_loop3A_981, %parallel_loop3A_1049 : vector<16xf32>
        %parallel_loop3A_1051 = arith.constant 16 : i32
        %parallel_loop3A_1052 = arith.addi %parallel_loop3A_921, %parallel_loop3A_1051 : i32
        %parallel_loop3A_1053 = arith.constant 3 : i32
        %parallel_loop3A_1054 = arith.index_cast %parallel_loop3A_1053 : i32 to index
        %parallel_loop3A_1055 = arith.index_cast %parallel_loop3A_903 : i32 to index
        %parallel_loop3A_1056 = arith.index_cast %parallel_loop3A_1052 : i32 to index
        %parallel_loop3A_1057 = tpu.vector_load %arg6[%parallel_loop3A_1054, %parallel_loop3A_1055, %parallel_loop3A_1056] {strides = array<i32>} : memref<19x8x256xf32, #tpu.memory_space<vmem>>, vector<16xf32>,
        %parallel_loop3A_1058 = math.exp %parallel_loop3A_1057 : vector<16xf32>
        %parallel_loop3A_1059 = arith.addf %parallel_loop3A_989, %parallel_loop3A_1058 : vector<16xf32>
        %parallel_loop3A_1060 = arith.constant 32 : i32
        %parallel_loop3A_1061 = arith.addi %parallel_loop3A_921, %parallel_loop3A_1060 : i32
        %parallel_loop3A_1062 = arith.constant 3 : i32
        %parallel_loop3A_1063 = arith.index_cast %parallel_loop3A_1062 : i32 to index
        %parallel_loop3A_1064 = arith.index_cast %parallel_loop3A_903 : i32 to index
        %parallel_loop3A_1065 = arith.index_cast %parallel_loop3A_1061 : i32 to index
        %parallel_loop3A_1066 = tpu.vector_load %arg6[%parallel_loop3A_1063, %parallel_loop3A_1064, %parallel_loop3A_1065] {strides = array<i32>} : memref<19x8x256xf32, #tpu.memory_space<vmem>>, vector<16xf32>,
        %parallel_loop3A_1067 = math.exp %parallel_loop3A_1066 : vector<16xf32>
        %parallel_loop3A_1068 = arith.addf %parallel_loop3A_997, %parallel_loop3A_1067 : vector<16xf32>
        %parallel_loop3A_1069 = arith.constant 48 : i32
        %parallel_loop3A_1070 = arith.addi %parallel_loop3A_921, %parallel_loop3A_1069 : i32
        %parallel_loop3A_1071 = arith.constant 3 : i32
        %parallel_loop3A_1072 = arith.index_cast %parallel_loop3A_1071 : i32 to index
        %parallel_loop3A_1073 = arith.index_cast %parallel_loop3A_903 : i32 to index
        %parallel_loop3A_1074 = arith.index_cast %parallel_loop3A_1070 : i32 to index
        %parallel_loop3A_1075 = tpu.vector_load %arg6[%parallel_loop3A_1072, %parallel_loop3A_1073, %parallel_loop3A_1074] {strides = array<i32>} : memref<19x8x256xf32, #tpu.memory_space<vmem>>, vector<16xf32>,
        %parallel_loop3A_1076 = math.exp %parallel_loop3A_1075 : vector<16xf32>
        %parallel_loop3A_1077 = arith.addf %parallel_loop3A_1005, %parallel_loop3A_1076 : vector<16xf32>
        %parallel_loop3A_1078 = arith.constant 0 : i32
        %parallel_loop3A_1079 = arith.addi %parallel_loop3A_921, %parallel_loop3A_1078 : i32
        %parallel_loop3A_1080 = arith.constant 4 : i32
        %parallel_loop3A_1081 = arith.index_cast %parallel_loop3A_1080 : i32 to index
        %parallel_loop3A_1082 = arith.index_cast %parallel_loop3A_903 : i32 to index
        %parallel_loop3A_1083 = arith.index_cast %parallel_loop3A_1079 : i32 to index
        %parallel_loop3A_1084 = tpu.vector_load %arg6[%parallel_loop3A_1081, %parallel_loop3A_1082, %parallel_loop3A_1083] {strides = array<i32>} : memref<19x8x256xf32, #tpu.memory_space<vmem>>, vector<16xf32>,
        %parallel_loop3A_1085 = math.exp %parallel_loop3A_1084 : vector<16xf32>
        %parallel_loop3A_1086 = arith.addf %parallel_loop3A_1014, %parallel_loop3A_1085 : vector<16xf32>
        %parallel_loop3A_1087 = arith.constant 16 : i32
        %parallel_loop3A_1088 = arith.addi %parallel_loop3A_921, %parallel_loop3A_1087 : i32
        %parallel_loop3A_1089 = arith.constant 4 : i32
        %parallel_loop3A_1090 = arith.index_cast %parallel_loop3A_1089 : i32 to index
        %parallel_loop3A_1091 = arith.index_cast %parallel_loop3A_903 : i32 to index
        %parallel_loop3A_1092 = arith.index_cast %parallel_loop3A_1088 : i32 to index
        %parallel_loop3A_1093 = tpu.vector_load %arg6[%parallel_loop3A_1090, %parallel_loop3A_1091, %parallel_loop3A_1092] {strides = array<i32>} : memref<19x8x256xf32, #tpu.memory_space<vmem>>, vector<16xf32>,
        %parallel_loop3A_1094 = math.exp %parallel_loop3A_1093 : vector<16xf32>
        %parallel_loop3A_1095 = arith.addf %parallel_loop3A_1023, %parallel_loop3A_1094 : vector<16xf32>
        %parallel_loop3A_1096 = arith.constant 32 : i32
        %parallel_loop3A_1097 = arith.addi %parallel_loop3A_921, %parallel_loop3A_1096 : i32
        %parallel_loop3A_1098 = arith.constant 4 : i32
        %parallel_loop3A_1099 = arith.index_cast %parallel_loop3A_1098 : i32 to index
        %parallel_loop3A_1100 = arith.index_cast %parallel_loop3A_903 : i32 to index
        %parallel_loop3A_1101 = arith.index_cast %parallel_loop3A_1097 : i32 to index
        %parallel_loop3A_1102 = tpu.vector_load %arg6[%parallel_loop3A_1099, %parallel_loop3A_1100, %parallel_loop3A_1101] {strides = array<i32>} : memref<19x8x256xf32, #tpu.memory_space<vmem>>, vector<16xf32>,
        %parallel_loop3A_1103 = math.exp %parallel_loop3A_1102 : vector<16xf32>
        %parallel_loop3A_1104 = arith.addf %parallel_loop3A_1032, %parallel_loop3A_1103 : vector<16xf32>
        %parallel_loop3A_1105 = arith.constant 48 : i32
        %parallel_loop3A_1106 = arith.addi %parallel_loop3A_921, %parallel_loop3A_1105 : i32
        %parallel_loop3A_1107 = arith.constant 4 : i32
        %parallel_loop3A_1108 = arith.index_cast %parallel_loop3A_1107 : i32 to index
        %parallel_loop3A_1109 = arith.index_cast %parallel_loop3A_903 : i32 to index
        %parallel_loop3A_1110 = arith.index_cast %parallel_loop3A_1106 : i32 to index
        %parallel_loop3A_1111 = tpu.vector_load %arg6[%parallel_loop3A_1108, %parallel_loop3A_1109, %parallel_loop3A_1110] {strides = array<i32>} : memref<19x8x256xf32, #tpu.memory_space<vmem>>, vector<16xf32>,
        %parallel_loop3A_1112 = math.exp %parallel_loop3A_1111 : vector<16xf32>
        %parallel_loop3A_1113 = arith.addf %parallel_loop3A_1041, %parallel_loop3A_1112 : vector<16xf32>
        %parallel_loop3A_1114 = arith.constant 0 : i32
        %parallel_loop3A_1115 = arith.addi %parallel_loop3A_921, %parallel_loop3A_1114 : i32
        %parallel_loop3A_1116 = arith.constant 5 : i32
        %parallel_loop3A_1117 = arith.index_cast %parallel_loop3A_1116 : i32 to index
        %parallel_loop3A_1118 = arith.index_cast %parallel_loop3A_903 : i32 to index
        %parallel_loop3A_1119 = arith.index_cast %parallel_loop3A_1115 : i32 to index
        %parallel_loop3A_1120 = tpu.vector_load %arg6[%parallel_loop3A_1117, %parallel_loop3A_1118, %parallel_loop3A_1119] {strides = array<i32>} : memref<19x8x256xf32, #tpu.memory_space<vmem>>, vector<16xf32>,
        %parallel_loop3A_1121 = math.exp %parallel_loop3A_1120 : vector<16xf32>
        %parallel_loop3A_1122 = arith.addf %parallel_loop3A_1050, %parallel_loop3A_1121 : vector<16xf32>
        %parallel_loop3A_1123 = arith.constant 16 : i32
        %parallel_loop3A_1124 = arith.addi %parallel_loop3A_921, %parallel_loop3A_1123 : i32
        %parallel_loop3A_1125 = arith.constant 5 : i32
        %parallel_loop3A_1126 = arith.index_cast %parallel_loop3A_1125 : i32 to index
        %parallel_loop3A_1127 = arith.index_cast %parallel_loop3A_903 : i32 to index
        %parallel_loop3A_1128 = arith.index_cast %parallel_loop3A_1124 : i32 to index
        %parallel_loop3A_1129 = tpu.vector_load %arg6[%parallel_loop3A_1126, %parallel_loop3A_1127, %parallel_loop3A_1128] {strides = array<i32>} : memref<19x8x256xf32, #tpu.memory_space<vmem>>, vector<16xf32>,
        %parallel_loop3A_1130 = math.exp %parallel_loop3A_1129 : vector<16xf32>
        %parallel_loop3A_1131 = arith.addf %parallel_loop3A_1059, %parallel_loop3A_1130 : vector<16xf32>
        %parallel_loop3A_1132 = arith.constant 32 : i32
        %parallel_loop3A_1133 = arith.addi %parallel_loop3A_921, %parallel_loop3A_1132 : i32
        %parallel_loop3A_1134 = arith.constant 5 : i32
        %parallel_loop3A_1135 = arith.index_cast %parallel_loop3A_1134 : i32 to index
        %parallel_loop3A_1136 = arith.index_cast %parallel_loop3A_903 : i32 to index
        %parallel_loop3A_1137 = arith.index_cast %parallel_loop3A_1133 : i32 to index
        %parallel_loop3A_1138 = tpu.vector_load %arg6[%parallel_loop3A_1135, %parallel_loop3A_1136, %parallel_loop3A_1137] {strides = array<i32>} : memref<19x8x256xf32, #tpu.memory_space<vmem>>, vector<16xf32>,
        %parallel_loop3A_1139 = math.exp %parallel_loop3A_1138 : vector<16xf32>
        %parallel_loop3A_1140 = arith.addf %parallel_loop3A_1068, %parallel_loop3A_1139 : vector<16xf32>
        %parallel_loop3A_1141 = arith.constant 48 : i32
        %parallel_loop3A_1142 = arith.addi %parallel_loop3A_921, %parallel_loop3A_1141 : i32
        %parallel_loop3A_1143 = arith.constant 5 : i32
        %parallel_loop3A_1144 = arith.index_cast %parallel_loop3A_1143 : i32 to index
        %parallel_loop3A_1145 = arith.index_cast %parallel_loop3A_903 : i32 to index
        %parallel_loop3A_1146 = arith.index_cast %parallel_loop3A_1142 : i32 to index
        %parallel_loop3A_1147 = tpu.vector_load %arg6[%parallel_loop3A_1144, %parallel_loop3A_1145, %parallel_loop3A_1146] {strides = array<i32>} : memref<19x8x256xf32, #tpu.memory_space<vmem>>, vector<16xf32>,
        %parallel_loop3A_1148 = math.exp %parallel_loop3A_1147 : vector<16xf32>
        %parallel_loop3A_1149 = arith.addf %parallel_loop3A_1077, %parallel_loop3A_1148 : vector<16xf32>
        %parallel_loop3A_1150 = arith.constant 0 : i32
        %parallel_loop3A_1151 = arith.addi %parallel_loop3A_921, %parallel_loop3A_1150 : i32
        %parallel_loop3A_1152 = arith.constant 6 : i32
        %parallel_loop3A_1153 = arith.index_cast %parallel_loop3A_1152 : i32 to index
        %parallel_loop3A_1154 = arith.index_cast %parallel_loop3A_903 : i32 to index
        %parallel_loop3A_1155 = arith.index_cast %parallel_loop3A_1151 : i32 to index
        %parallel_loop3A_1156 = tpu.vector_load %arg6[%parallel_loop3A_1153, %parallel_loop3A_1154, %parallel_loop3A_1155] {strides = array<i32>} : memref<19x8x256xf32, #tpu.memory_space<vmem>>, vector<16xf32>,
        %parallel_loop3A_1157 = math.exp %parallel_loop3A_1156 : vector<16xf32>
        %parallel_loop3A_1158 = arith.addf %parallel_loop3A_1086, %parallel_loop3A_1157 : vector<16xf32>
        %parallel_loop3A_1159 = arith.constant 16 : i32
        %parallel_loop3A_1160 = arith.addi %parallel_loop3A_921, %parallel_loop3A_1159 : i32
        %parallel_loop3A_1161 = arith.constant 6 : i32
        %parallel_loop3A_1162 = arith.index_cast %parallel_loop3A_1161 : i32 to index
        %parallel_loop3A_1163 = arith.index_cast %parallel_loop3A_903 : i32 to index
        %parallel_loop3A_1164 = arith.index_cast %parallel_loop3A_1160 : i32 to index
        %parallel_loop3A_1165 = tpu.vector_load %arg6[%parallel_loop3A_1162, %parallel_loop3A_1163, %parallel_loop3A_1164] {strides = array<i32>} : memref<19x8x256xf32, #tpu.memory_space<vmem>>, vector<16xf32>,
        %parallel_loop3A_1166 = math.exp %parallel_loop3A_1165 : vector<16xf32>
        %parallel_loop3A_1167 = arith.addf %parallel_loop3A_1095, %parallel_loop3A_1166 : vector<16xf32>
        %parallel_loop3A_1168 = arith.constant 32 : i32
        %parallel_loop3A_1169 = arith.addi %parallel_loop3A_921, %parallel_loop3A_1168 : i32
        %parallel_loop3A_1170 = arith.constant 6 : i32
        %parallel_loop3A_1171 = arith.index_cast %parallel_loop3A_1170 : i32 to index
        %parallel_loop3A_1172 = arith.index_cast %parallel_loop3A_903 : i32 to index
        %parallel_loop3A_1173 = arith.index_cast %parallel_loop3A_1169 : i32 to index
        %parallel_loop3A_1174 = tpu.vector_load %arg6[%parallel_loop3A_1171, %parallel_loop3A_1172, %parallel_loop3A_1173] {strides = array<i32>} : memref<19x8x256xf32, #tpu.memory_space<vmem>>, vector<16xf32>,
        %parallel_loop3A_1175 = math.exp %parallel_loop3A_1174 : vector<16xf32>
        %parallel_loop3A_1176 = arith.addf %parallel_loop3A_1104, %parallel_loop3A_1175 : vector<16xf32>
        %parallel_loop3A_1177 = arith.constant 48 : i32
        %parallel_loop3A_1178 = arith.addi %parallel_loop3A_921, %parallel_loop3A_1177 : i32
        %parallel_loop3A_1179 = arith.constant 6 : i32
        %parallel_loop3A_1180 = arith.index_cast %parallel_loop3A_1179 : i32 to index
        %parallel_loop3A_1181 = arith.index_cast %parallel_loop3A_903 : i32 to index
        %parallel_loop3A_1182 = arith.index_cast %parallel_loop3A_1178 : i32 to index
        %parallel_loop3A_1183 = tpu.vector_load %arg6[%parallel_loop3A_1180, %parallel_loop3A_1181, %parallel_loop3A_1182] {strides = array<i32>} : memref<19x8x256xf32, #tpu.memory_space<vmem>>, vector<16xf32>,
        %parallel_loop3A_1184 = math.exp %parallel_loop3A_1183 : vector<16xf32>
        %parallel_loop3A_1185 = arith.addf %parallel_loop3A_1113, %parallel_loop3A_1184 : vector<16xf32>
        %parallel_loop3A_1186 = arith.constant 0 : i32
        %parallel_loop3A_1187 = arith.addi %parallel_loop3A_921, %parallel_loop3A_1186 : i32
        %parallel_loop3A_1188 = arith.constant 7 : i32
        %parallel_loop3A_1189 = arith.index_cast %parallel_loop3A_1188 : i32 to index
        %parallel_loop3A_1190 = arith.index_cast %parallel_loop3A_903 : i32 to index
        %parallel_loop3A_1191 = arith.index_cast %parallel_loop3A_1187 : i32 to index
        %parallel_loop3A_1192 = tpu.vector_load %arg6[%parallel_loop3A_1189, %parallel_loop3A_1190, %parallel_loop3A_1191] {strides = array<i32>} : memref<19x8x256xf32, #tpu.memory_space<vmem>>, vector<16xf32>,
        %parallel_loop3A_1193 = math.exp %parallel_loop3A_1192 : vector<16xf32>
        %parallel_loop3A_1194 = arith.addf %parallel_loop3A_1122, %parallel_loop3A_1193 : vector<16xf32>
        %parallel_loop3A_1195 = arith.constant 16 : i32
        %parallel_loop3A_1196 = arith.addi %parallel_loop3A_921, %parallel_loop3A_1195 : i32
        %parallel_loop3A_1197 = arith.constant 7 : i32
        %parallel_loop3A_1198 = arith.index_cast %parallel_loop3A_1197 : i32 to index
        %parallel_loop3A_1199 = arith.index_cast %parallel_loop3A_903 : i32 to index
        %parallel_loop3A_1200 = arith.index_cast %parallel_loop3A_1196 : i32 to index
        %parallel_loop3A_1201 = tpu.vector_load %arg6[%parallel_loop3A_1198, %parallel_loop3A_1199, %parallel_loop3A_1200] {strides = array<i32>} : memref<19x8x256xf32, #tpu.memory_space<vmem>>, vector<16xf32>,
        %parallel_loop3A_1202 = math.exp %parallel_loop3A_1201 : vector<16xf32>
        %parallel_loop3A_1203 = arith.addf %parallel_loop3A_1131, %parallel_loop3A_1202 : vector<16xf32>
        %parallel_loop3A_1204 = arith.constant 32 : i32
        %parallel_loop3A_1205 = arith.addi %parallel_loop3A_921, %parallel_loop3A_1204 : i32
        %parallel_loop3A_1206 = arith.constant 7 : i32
        %parallel_loop3A_1207 = arith.index_cast %parallel_loop3A_1206 : i32 to index
        %parallel_loop3A_1208 = arith.index_cast %parallel_loop3A_903 : i32 to index
        %parallel_loop3A_1209 = arith.index_cast %parallel_loop3A_1205 : i32 to index
        %parallel_loop3A_1210 = tpu.vector_load %arg6[%parallel_loop3A_1207, %parallel_loop3A_1208, %parallel_loop3A_1209] {strides = array<i32>} : memref<19x8x256xf32, #tpu.memory_space<vmem>>, vector<16xf32>,
        %parallel_loop3A_1211 = math.exp %parallel_loop3A_1210 : vector<16xf32>
        %parallel_loop3A_1212 = arith.addf %parallel_loop3A_1140, %parallel_loop3A_1211 : vector<16xf32>
        %parallel_loop3A_1213 = arith.constant 48 : i32
        %parallel_loop3A_1214 = arith.addi %parallel_loop3A_921, %parallel_loop3A_1213 : i32
        %parallel_loop3A_1215 = arith.constant 7 : i32
        %parallel_loop3A_1216 = arith.index_cast %parallel_loop3A_1215 : i32 to index
        %parallel_loop3A_1217 = arith.index_cast %parallel_loop3A_903 : i32 to index
        %parallel_loop3A_1218 = arith.index_cast %parallel_loop3A_1214 : i32 to index
        %parallel_loop3A_1219 = tpu.vector_load %arg6[%parallel_loop3A_1216, %parallel_loop3A_1217, %parallel_loop3A_1218] {strides = array<i32>} : memref<19x8x256xf32, #tpu.memory_space<vmem>>, vector<16xf32>,
        %parallel_loop3A_1220 = math.exp %parallel_loop3A_1219 : vector<16xf32>
        %parallel_loop3A_1221 = arith.addf %parallel_loop3A_1149, %parallel_loop3A_1220 : vector<16xf32>
        %parallel_loop3A_1222 = arith.constant 0 : i32
        %parallel_loop3A_1223 = arith.addi %parallel_loop3A_921, %parallel_loop3A_1222 : i32
        %parallel_loop3A_1224 = arith.constant 8 : i32
        %parallel_loop3A_1225 = arith.index_cast %parallel_loop3A_1224 : i32 to index
        %parallel_loop3A_1226 = arith.index_cast %parallel_loop3A_903 : i32 to index
        %parallel_loop3A_1227 = arith.index_cast %parallel_loop3A_1223 : i32 to index
        %parallel_loop3A_1228 = tpu.vector_load %arg6[%parallel_loop3A_1225, %parallel_loop3A_1226, %parallel_loop3A_1227] {strides = array<i32>} : memref<19x8x256xf32, #tpu.memory_space<vmem>>, vector<16xf32>,
        %parallel_loop3A_1229 = math.exp %parallel_loop3A_1228 : vector<16xf32>
        %parallel_loop3A_1230 = arith.addf %parallel_loop3A_1158, %parallel_loop3A_1229 : vector<16xf32>
        %parallel_loop3A_1231 = arith.constant 16 : i32
        %parallel_loop3A_1232 = arith.addi %parallel_loop3A_921, %parallel_loop3A_1231 : i32
        %parallel_loop3A_1233 = arith.constant 8 : i32
        %parallel_loop3A_1234 = arith.index_cast %parallel_loop3A_1233 : i32 to index
        %parallel_loop3A_1235 = arith.index_cast %parallel_loop3A_903 : i32 to index
        %parallel_loop3A_1236 = arith.index_cast %parallel_loop3A_1232 : i32 to index
        %parallel_loop3A_1237 = tpu.vector_load %arg6[%parallel_loop3A_1234, %parallel_loop3A_1235, %parallel_loop3A_1236] {strides = array<i32>} : memref<19x8x256xf32, #tpu.memory_space<vmem>>, vector<16xf32>,
        %parallel_loop3A_1238 = math.exp %parallel_loop3A_1237 : vector<16xf32>
        %parallel_loop3A_1239 = arith.addf %parallel_loop3A_1167, %parallel_loop3A_1238 : vector<16xf32>
        %parallel_loop3A_1240 = arith.constant 32 : i32
        %parallel_loop3A_1241 = arith.addi %parallel_loop3A_921, %parallel_loop3A_1240 : i32
        %parallel_loop3A_1242 = arith.constant 8 : i32
        %parallel_loop3A_1243 = arith.index_cast %parallel_loop3A_1242 : i32 to index
        %parallel_loop3A_1244 = arith.index_cast %parallel_loop3A_903 : i32 to index
        %parallel_loop3A_1245 = arith.index_cast %parallel_loop3A_1241 : i32 to index
        %parallel_loop3A_1246 = tpu.vector_load %arg6[%parallel_loop3A_1243, %parallel_loop3A_1244, %parallel_loop3A_1245] {strides = array<i32>} : memref<19x8x256xf32, #tpu.memory_space<vmem>>, vector<16xf32>,
        %parallel_loop3A_1247 = math.exp %parallel_loop3A_1246 : vector<16xf32>
        %parallel_loop3A_1248 = arith.addf %parallel_loop3A_1176, %parallel_loop3A_1247 : vector<16xf32>
        %parallel_loop3A_1249 = arith.constant 48 : i32
        %parallel_loop3A_1250 = arith.addi %parallel_loop3A_921, %parallel_loop3A_1249 : i32
        %parallel_loop3A_1251 = arith.constant 8 : i32
        %parallel_loop3A_1252 = arith.index_cast %parallel_loop3A_1251 : i32 to index
        %parallel_loop3A_1253 = arith.index_cast %parallel_loop3A_903 : i32 to index
        %parallel_loop3A_1254 = arith.index_cast %parallel_loop3A_1250 : i32 to index
        %parallel_loop3A_1255 = tpu.vector_load %arg6[%parallel_loop3A_1252, %parallel_loop3A_1253, %parallel_loop3A_1254] {strides = array<i32>} : memref<19x8x256xf32, #tpu.memory_space<vmem>>, vector<16xf32>,
        %parallel_loop3A_1256 = math.exp %parallel_loop3A_1255 : vector<16xf32>
        %parallel_loop3A_1257 = arith.addf %parallel_loop3A_1185, %parallel_loop3A_1256 : vector<16xf32>
        %parallel_loop3A_1258 = arith.constant 0 : i32
        %parallel_loop3A_1259 = arith.addi %parallel_loop3A_921, %parallel_loop3A_1258 : i32
        %parallel_loop3A_1260 = arith.constant 9 : i32
        %parallel_loop3A_1261 = arith.index_cast %parallel_loop3A_1260 : i32 to index
        %parallel_loop3A_1262 = arith.index_cast %parallel_loop3A_903 : i32 to index
        %parallel_loop3A_1263 = arith.index_cast %parallel_loop3A_1259 : i32 to index
        %parallel_loop3A_1264 = tpu.vector_load %arg6[%parallel_loop3A_1261, %parallel_loop3A_1262, %parallel_loop3A_1263] {strides = array<i32>} : memref<19x8x256xf32, #tpu.memory_space<vmem>>, vector<16xf32>,
        %parallel_loop3A_1265 = math.exp %parallel_loop3A_1264 : vector<16xf32>
        %parallel_loop3A_1266 = arith.addf %parallel_loop3A_1194, %parallel_loop3A_1265 : vector<16xf32>
        %parallel_loop3A_1267 = arith.constant 16 : i32
        %parallel_loop3A_1268 = arith.addi %parallel_loop3A_921, %parallel_loop3A_1267 : i32
        %parallel_loop3A_1269 = arith.constant 9 : i32
        %parallel_loop3A_1270 = arith.index_cast %parallel_loop3A_1269 : i32 to index
        %parallel_loop3A_1271 = arith.index_cast %parallel_loop3A_903 : i32 to index
        %parallel_loop3A_1272 = arith.index_cast %parallel_loop3A_1268 : i32 to index
        %parallel_loop3A_1273 = tpu.vector_load %arg6[%parallel_loop3A_1270, %parallel_loop3A_1271, %parallel_loop3A_1272] {strides = array<i32>} : memref<19x8x256xf32, #tpu.memory_space<vmem>>, vector<16xf32>,
        %parallel_loop3A_1274 = math.exp %parallel_loop3A_1273 : vector<16xf32>
        %parallel_loop3A_1275 = arith.addf %parallel_loop3A_1203, %parallel_loop3A_1274 : vector<16xf32>
        %parallel_loop3A_1276 = arith.constant 32 : i32
        %parallel_loop3A_1277 = arith.addi %parallel_loop3A_921, %parallel_loop3A_1276 : i32
        %parallel_loop3A_1278 = arith.constant 9 : i32
        %parallel_loop3A_1279 = arith.index_cast %parallel_loop3A_1278 : i32 to index
        %parallel_loop3A_1280 = arith.index_cast %parallel_loop3A_903 : i32 to index
        %parallel_loop3A_1281 = arith.index_cast %parallel_loop3A_1277 : i32 to index
        %parallel_loop3A_1282 = tpu.vector_load %arg6[%parallel_loop3A_1279, %parallel_loop3A_1280, %parallel_loop3A_1281] {strides = array<i32>} : memref<19x8x256xf32, #tpu.memory_space<vmem>>, vector<16xf32>,
        %parallel_loop3A_1283 = math.exp %parallel_loop3A_1282 : vector<16xf32>
        %parallel_loop3A_1284 = arith.addf %parallel_loop3A_1212, %parallel_loop3A_1283 : vector<16xf32>
        %parallel_loop3A_1285 = arith.constant 48 : i32
        %parallel_loop3A_1286 = arith.addi %parallel_loop3A_921, %parallel_loop3A_1285 : i32
        %parallel_loop3A_1287 = arith.constant 9 : i32
        %parallel_loop3A_1288 = arith.index_cast %parallel_loop3A_1287 : i32 to index
        %parallel_loop3A_1289 = arith.index_cast %parallel_loop3A_903 : i32 to index
        %parallel_loop3A_1290 = arith.index_cast %parallel_loop3A_1286 : i32 to index
        %parallel_loop3A_1291 = tpu.vector_load %arg6[%parallel_loop3A_1288, %parallel_loop3A_1289, %parallel_loop3A_1290] {strides = array<i32>} : memref<19x8x256xf32, #tpu.memory_space<vmem>>, vector<16xf32>,
        %parallel_loop3A_1292 = math.exp %parallel_loop3A_1291 : vector<16xf32>
        %parallel_loop3A_1293 = arith.addf %parallel_loop3A_1221, %parallel_loop3A_1292 : vector<16xf32>
        %parallel_loop3A_1294 = arith.constant 0 : i32
        %parallel_loop3A_1295 = arith.addi %parallel_loop3A_921, %parallel_loop3A_1294 : i32
        %parallel_loop3A_1296 = arith.constant 10 : i32
        %parallel_loop3A_1297 = arith.index_cast %parallel_loop3A_1296 : i32 to index
        %parallel_loop3A_1298 = arith.index_cast %parallel_loop3A_903 : i32 to index
        %parallel_loop3A_1299 = arith.index_cast %parallel_loop3A_1295 : i32 to index
        %parallel_loop3A_1300 = tpu.vector_load %arg6[%parallel_loop3A_1297, %parallel_loop3A_1298, %parallel_loop3A_1299] {strides = array<i32>} : memref<19x8x256xf32, #tpu.memory_space<vmem>>, vector<16xf32>,
        %parallel_loop3A_1301 = math.exp %parallel_loop3A_1300 : vector<16xf32>
        %parallel_loop3A_1302 = arith.addf %parallel_loop3A_1230, %parallel_loop3A_1301 : vector<16xf32>
        %parallel_loop3A_1303 = arith.constant 16 : i32
        %parallel_loop3A_1304 = arith.addi %parallel_loop3A_921, %parallel_loop3A_1303 : i32
        %parallel_loop3A_1305 = arith.constant 10 : i32
        %parallel_loop3A_1306 = arith.index_cast %parallel_loop3A_1305 : i32 to index
        %parallel_loop3A_1307 = arith.index_cast %parallel_loop3A_903 : i32 to index
        %parallel_loop3A_1308 = arith.index_cast %parallel_loop3A_1304 : i32 to index
        %parallel_loop3A_1309 = tpu.vector_load %arg6[%parallel_loop3A_1306, %parallel_loop3A_1307, %parallel_loop3A_1308] {strides = array<i32>} : memref<19x8x256xf32, #tpu.memory_space<vmem>>, vector<16xf32>,
        %parallel_loop3A_1310 = math.exp %parallel_loop3A_1309 : vector<16xf32>
        %parallel_loop3A_1311 = arith.addf %parallel_loop3A_1239, %parallel_loop3A_1310 : vector<16xf32>
        %parallel_loop3A_1312 = arith.constant 32 : i32
        %parallel_loop3A_1313 = arith.addi %parallel_loop3A_921, %parallel_loop3A_1312 : i32
        %parallel_loop3A_1314 = arith.constant 10 : i32
        %parallel_loop3A_1315 = arith.index_cast %parallel_loop3A_1314 : i32 to index
        %parallel_loop3A_1316 = arith.index_cast %parallel_loop3A_903 : i32 to index
        %parallel_loop3A_1317 = arith.index_cast %parallel_loop3A_1313 : i32 to index
        %parallel_loop3A_1318 = tpu.vector_load %arg6[%parallel_loop3A_1315, %parallel_loop3A_1316, %parallel_loop3A_1317] {strides = array<i32>} : memref<19x8x256xf32, #tpu.memory_space<vmem>>, vector<16xf32>,
        %parallel_loop3A_1319 = math.exp %parallel_loop3A_1318 : vector<16xf32>
        %parallel_loop3A_1320 = arith.addf %parallel_loop3A_1248, %parallel_loop3A_1319 : vector<16xf32>
        %parallel_loop3A_1321 = arith.constant 48 : i32
        %parallel_loop3A_1322 = arith.addi %parallel_loop3A_921, %parallel_loop3A_1321 : i32
        %parallel_loop3A_1323 = arith.constant 10 : i32
        %parallel_loop3A_1324 = arith.index_cast %parallel_loop3A_1323 : i32 to index
        %parallel_loop3A_1325 = arith.index_cast %parallel_loop3A_903 : i32 to index
        %parallel_loop3A_1326 = arith.index_cast %parallel_loop3A_1322 : i32 to index
        %parallel_loop3A_1327 = tpu.vector_load %arg6[%parallel_loop3A_1324, %parallel_loop3A_1325, %parallel_loop3A_1326] {strides = array<i32>} : memref<19x8x256xf32, #tpu.memory_space<vmem>>, vector<16xf32>,
        %parallel_loop3A_1328 = math.exp %parallel_loop3A_1327 : vector<16xf32>
        %parallel_loop3A_1329 = arith.addf %parallel_loop3A_1257, %parallel_loop3A_1328 : vector<16xf32>
        %parallel_loop3A_1330 = arith.constant 0 : i32
        %parallel_loop3A_1331 = arith.addi %parallel_loop3A_921, %parallel_loop3A_1330 : i32
        %parallel_loop3A_1332 = arith.constant 11 : i32
        %parallel_loop3A_1333 = arith.index_cast %parallel_loop3A_1332 : i32 to index
        %parallel_loop3A_1334 = arith.index_cast %parallel_loop3A_903 : i32 to index
        %parallel_loop3A_1335 = arith.index_cast %parallel_loop3A_1331 : i32 to index
        %parallel_loop3A_1336 = tpu.vector_load %arg6[%parallel_loop3A_1333, %parallel_loop3A_1334, %parallel_loop3A_1335] {strides = array<i32>} : memref<19x8x256xf32, #tpu.memory_space<vmem>>, vector<16xf32>,
        %parallel_loop3A_1337 = math.exp %parallel_loop3A_1336 : vector<16xf32>
        %parallel_loop3A_1338 = arith.addf %parallel_loop3A_1266, %parallel_loop3A_1337 : vector<16xf32>
        %parallel_loop3A_1339 = arith.constant 16 : i32
        %parallel_loop3A_1340 = arith.addi %parallel_loop3A_921, %parallel_loop3A_1339 : i32
        %parallel_loop3A_1341 = arith.constant 11 : i32
        %parallel_loop3A_1342 = arith.index_cast %parallel_loop3A_1341 : i32 to index
        %parallel_loop3A_1343 = arith.index_cast %parallel_loop3A_903 : i32 to index
        %parallel_loop3A_1344 = arith.index_cast %parallel_loop3A_1340 : i32 to index
        %parallel_loop3A_1345 = tpu.vector_load %arg6[%parallel_loop3A_1342, %parallel_loop3A_1343, %parallel_loop3A_1344] {strides = array<i32>} : memref<19x8x256xf32, #tpu.memory_space<vmem>>, vector<16xf32>,
        %parallel_loop3A_1346 = math.exp %parallel_loop3A_1345 : vector<16xf32>
        %parallel_loop3A_1347 = arith.addf %parallel_loop3A_1275, %parallel_loop3A_1346 : vector<16xf32>
        %parallel_loop3A_1348 = arith.constant 32 : i32
        %parallel_loop3A_1349 = arith.addi %parallel_loop3A_921, %parallel_loop3A_1348 : i32
        %parallel_loop3A_1350 = arith.constant 11 : i32
        %parallel_loop3A_1351 = arith.index_cast %parallel_loop3A_1350 : i32 to index
        %parallel_loop3A_1352 = arith.index_cast %parallel_loop3A_903 : i32 to index
        %parallel_loop3A_1353 = arith.index_cast %parallel_loop3A_1349 : i32 to index
        %parallel_loop3A_1354 = tpu.vector_load %arg6[%parallel_loop3A_1351, %parallel_loop3A_1352, %parallel_loop3A_1353] {strides = array<i32>} : memref<19x8x256xf32, #tpu.memory_space<vmem>>, vector<16xf32>,
        %parallel_loop3A_1355 = math.exp %parallel_loop3A_1354 : vector<16xf32>
        %parallel_loop3A_1356 = arith.addf %parallel_loop3A_1284, %parallel_loop3A_1355 : vector<16xf32>
        %parallel_loop3A_1357 = arith.constant 48 : i32
        %parallel_loop3A_1358 = arith.addi %parallel_loop3A_921, %parallel_loop3A_1357 : i32
        %parallel_loop3A_1359 = arith.constant 11 : i32
        %parallel_loop3A_1360 = arith.index_cast %parallel_loop3A_1359 : i32 to index
        %parallel_loop3A_1361 = arith.index_cast %parallel_loop3A_903 : i32 to index
        %parallel_loop3A_1362 = arith.index_cast %parallel_loop3A_1358 : i32 to index
        %parallel_loop3A_1363 = tpu.vector_load %arg6[%parallel_loop3A_1360, %parallel_loop3A_1361, %parallel_loop3A_1362] {strides = array<i32>} : memref<19x8x256xf32, #tpu.memory_space<vmem>>, vector<16xf32>,
        %parallel_loop3A_1364 = math.exp %parallel_loop3A_1363 : vector<16xf32>
        %parallel_loop3A_1365 = arith.addf %parallel_loop3A_1293, %parallel_loop3A_1364 : vector<16xf32>
        %parallel_loop3A_1366 = arith.constant 0 : i32
        %parallel_loop3A_1367 = arith.addi %parallel_loop3A_921, %parallel_loop3A_1366 : i32
        %parallel_loop3A_1368 = arith.constant 12 : i32
        %parallel_loop3A_1369 = arith.index_cast %parallel_loop3A_1368 : i32 to index
        %parallel_loop3A_1370 = arith.index_cast %parallel_loop3A_903 : i32 to index
        %parallel_loop3A_1371 = arith.index_cast %parallel_loop3A_1367 : i32 to index
        %parallel_loop3A_1372 = tpu.vector_load %arg6[%parallel_loop3A_1369, %parallel_loop3A_1370, %parallel_loop3A_1371] {strides = array<i32>} : memref<19x8x256xf32, #tpu.memory_space<vmem>>, vector<16xf32>,
        %parallel_loop3A_1373 = math.exp %parallel_loop3A_1372 : vector<16xf32>
        %parallel_loop3A_1374 = arith.addf %parallel_loop3A_1302, %parallel_loop3A_1373 : vector<16xf32>
        %parallel_loop3A_1375 = arith.constant 16 : i32
        %parallel_loop3A_1376 = arith.addi %parallel_loop3A_921, %parallel_loop3A_1375 : i32
        %parallel_loop3A_1377 = arith.constant 12 : i32
        %parallel_loop3A_1378 = arith.index_cast %parallel_loop3A_1377 : i32 to index
        %parallel_loop3A_1379 = arith.index_cast %parallel_loop3A_903 : i32 to index
        %parallel_loop3A_1380 = arith.index_cast %parallel_loop3A_1376 : i32 to index
        %parallel_loop3A_1381 = tpu.vector_load %arg6[%parallel_loop3A_1378, %parallel_loop3A_1379, %parallel_loop3A_1380] {strides = array<i32>} : memref<19x8x256xf32, #tpu.memory_space<vmem>>, vector<16xf32>,
        %parallel_loop3A_1382 = math.exp %parallel_loop3A_1381 : vector<16xf32>
        %parallel_loop3A_1383 = arith.addf %parallel_loop3A_1311, %parallel_loop3A_1382 : vector<16xf32>
        %parallel_loop3A_1384 = arith.constant 32 : i32
        %parallel_loop3A_1385 = arith.addi %parallel_loop3A_921, %parallel_loop3A_1384 : i32
        %parallel_loop3A_1386 = arith.constant 12 : i32
        %parallel_loop3A_1387 = arith.index_cast %parallel_loop3A_1386 : i32 to index
        %parallel_loop3A_1388 = arith.index_cast %parallel_loop3A_903 : i32 to index
        %parallel_loop3A_1389 = arith.index_cast %parallel_loop3A_1385 : i32 to index
        %parallel_loop3A_1390 = tpu.vector_load %arg6[%parallel_loop3A_1387, %parallel_loop3A_1388, %parallel_loop3A_1389] {strides = array<i32>} : memref<19x8x256xf32, #tpu.memory_space<vmem>>, vector<16xf32>,
        %parallel_loop3A_1391 = math.exp %parallel_loop3A_1390 : vector<16xf32>
        %parallel_loop3A_1392 = arith.addf %parallel_loop3A_1320, %parallel_loop3A_1391 : vector<16xf32>
        %parallel_loop3A_1393 = arith.constant 48 : i32
        %parallel_loop3A_1394 = arith.addi %parallel_loop3A_921, %parallel_loop3A_1393 : i32
        %parallel_loop3A_1395 = arith.constant 12 : i32
        %parallel_loop3A_1396 = arith.index_cast %parallel_loop3A_1395 : i32 to index
        %parallel_loop3A_1397 = arith.index_cast %parallel_loop3A_903 : i32 to index
        %parallel_loop3A_1398 = arith.index_cast %parallel_loop3A_1394 : i32 to index
        %parallel_loop3A_1399 = tpu.vector_load %arg6[%parallel_loop3A_1396, %parallel_loop3A_1397, %parallel_loop3A_1398] {strides = array<i32>} : memref<19x8x256xf32, #tpu.memory_space<vmem>>, vector<16xf32>,
        %parallel_loop3A_1400 = math.exp %parallel_loop3A_1399 : vector<16xf32>
        %parallel_loop3A_1401 = arith.addf %parallel_loop3A_1329, %parallel_loop3A_1400 : vector<16xf32>
        %parallel_loop3A_1402 = arith.constant 0 : i32
        %parallel_loop3A_1403 = arith.addi %parallel_loop3A_921, %parallel_loop3A_1402 : i32
        %parallel_loop3A_1404 = arith.constant 13 : i32
        %parallel_loop3A_1405 = arith.index_cast %parallel_loop3A_1404 : i32 to index
        %parallel_loop3A_1406 = arith.index_cast %parallel_loop3A_903 : i32 to index
        %parallel_loop3A_1407 = arith.index_cast %parallel_loop3A_1403 : i32 to index
        %parallel_loop3A_1408 = tpu.vector_load %arg6[%parallel_loop3A_1405, %parallel_loop3A_1406, %parallel_loop3A_1407] {strides = array<i32>} : memref<19x8x256xf32, #tpu.memory_space<vmem>>, vector<16xf32>,
        %parallel_loop3A_1409 = math.exp %parallel_loop3A_1408 : vector<16xf32>
        %parallel_loop3A_1410 = arith.addf %parallel_loop3A_1338, %parallel_loop3A_1409 : vector<16xf32>
        %parallel_loop3A_1411 = arith.constant 16 : i32
        %parallel_loop3A_1412 = arith.addi %parallel_loop3A_921, %parallel_loop3A_1411 : i32
        %parallel_loop3A_1413 = arith.constant 13 : i32
        %parallel_loop3A_1414 = arith.index_cast %parallel_loop3A_1413 : i32 to index
        %parallel_loop3A_1415 = arith.index_cast %parallel_loop3A_903 : i32 to index
        %parallel_loop3A_1416 = arith.index_cast %parallel_loop3A_1412 : i32 to index
        %parallel_loop3A_1417 = tpu.vector_load %arg6[%parallel_loop3A_1414, %parallel_loop3A_1415, %parallel_loop3A_1416] {strides = array<i32>} : memref<19x8x256xf32, #tpu.memory_space<vmem>>, vector<16xf32>,
        %parallel_loop3A_1418 = math.exp %parallel_loop3A_1417 : vector<16xf32>
        %parallel_loop3A_1419 = arith.addf %parallel_loop3A_1347, %parallel_loop3A_1418 : vector<16xf32>
        %parallel_loop3A_1420 = arith.constant 32 : i32
        %parallel_loop3A_1421 = arith.addi %parallel_loop3A_921, %parallel_loop3A_1420 : i32
        %parallel_loop3A_1422 = arith.constant 13 : i32
        %parallel_loop3A_1423 = arith.index_cast %parallel_loop3A_1422 : i32 to index
        %parallel_loop3A_1424 = arith.index_cast %parallel_loop3A_903 : i32 to index
        %parallel_loop3A_1425 = arith.index_cast %parallel_loop3A_1421 : i32 to index
        %parallel_loop3A_1426 = tpu.vector_load %arg6[%parallel_loop3A_1423, %parallel_loop3A_1424, %parallel_loop3A_1425] {strides = array<i32>} : memref<19x8x256xf32, #tpu.memory_space<vmem>>, vector<16xf32>,
        %parallel_loop3A_1427 = math.exp %parallel_loop3A_1426 : vector<16xf32>
        %parallel_loop3A_1428 = arith.addf %parallel_loop3A_1356, %parallel_loop3A_1427 : vector<16xf32>
        %parallel_loop3A_1429 = arith.constant 48 : i32
        %parallel_loop3A_1430 = arith.addi %parallel_loop3A_921, %parallel_loop3A_1429 : i32
        %parallel_loop3A_1431 = arith.constant 13 : i32
        %parallel_loop3A_1432 = arith.index_cast %parallel_loop3A_1431 : i32 to index
        %parallel_loop3A_1433 = arith.index_cast %parallel_loop3A_903 : i32 to index
        %parallel_loop3A_1434 = arith.index_cast %parallel_loop3A_1430 : i32 to index
        %parallel_loop3A_1435 = tpu.vector_load %arg6[%parallel_loop3A_1432, %parallel_loop3A_1433, %parallel_loop3A_1434] {strides = array<i32>} : memref<19x8x256xf32, #tpu.memory_space<vmem>>, vector<16xf32>,
        %parallel_loop3A_1436 = math.exp %parallel_loop3A_1435 : vector<16xf32>
        %parallel_loop3A_1437 = arith.addf %parallel_loop3A_1365, %parallel_loop3A_1436 : vector<16xf32>
        %parallel_loop3A_1438 = arith.constant 0 : i32
        %parallel_loop3A_1439 = arith.addi %parallel_loop3A_921, %parallel_loop3A_1438 : i32
        %parallel_loop3A_1440 = arith.constant 14 : i32
        %parallel_loop3A_1441 = arith.index_cast %parallel_loop3A_1440 : i32 to index
        %parallel_loop3A_1442 = arith.index_cast %parallel_loop3A_903 : i32 to index
        %parallel_loop3A_1443 = arith.index_cast %parallel_loop3A_1439 : i32 to index
        %parallel_loop3A_1444 = tpu.vector_load %arg6[%parallel_loop3A_1441, %parallel_loop3A_1442, %parallel_loop3A_1443] {strides = array<i32>} : memref<19x8x256xf32, #tpu.memory_space<vmem>>, vector<16xf32>,
        %parallel_loop3A_1445 = math.exp %parallel_loop3A_1444 : vector<16xf32>
        %parallel_loop3A_1446 = arith.addf %parallel_loop3A_1374, %parallel_loop3A_1445 : vector<16xf32>
        %parallel_loop3A_1447 = arith.constant 16 : i32
        %parallel_loop3A_1448 = arith.addi %parallel_loop3A_921, %parallel_loop3A_1447 : i32
        %parallel_loop3A_1449 = arith.constant 14 : i32
        %parallel_loop3A_1450 = arith.index_cast %parallel_loop3A_1449 : i32 to index
        %parallel_loop3A_1451 = arith.index_cast %parallel_loop3A_903 : i32 to index
        %parallel_loop3A_1452 = arith.index_cast %parallel_loop3A_1448 : i32 to index
        %parallel_loop3A_1453 = tpu.vector_load %arg6[%parallel_loop3A_1450, %parallel_loop3A_1451, %parallel_loop3A_1452] {strides = array<i32>} : memref<19x8x256xf32, #tpu.memory_space<vmem>>, vector<16xf32>,
        %parallel_loop3A_1454 = math.exp %parallel_loop3A_1453 : vector<16xf32>
        %parallel_loop3A_1455 = arith.addf %parallel_loop3A_1383, %parallel_loop3A_1454 : vector<16xf32>
        %parallel_loop3A_1456 = arith.constant 32 : i32
        %parallel_loop3A_1457 = arith.addi %parallel_loop3A_921, %parallel_loop3A_1456 : i32
        %parallel_loop3A_1458 = arith.constant 14 : i32
        %parallel_loop3A_1459 = arith.index_cast %parallel_loop3A_1458 : i32 to index
        %parallel_loop3A_1460 = arith.index_cast %parallel_loop3A_903 : i32 to index
        %parallel_loop3A_1461 = arith.index_cast %parallel_loop3A_1457 : i32 to index
        %parallel_loop3A_1462 = tpu.vector_load %arg6[%parallel_loop3A_1459, %parallel_loop3A_1460, %parallel_loop3A_1461] {strides = array<i32>} : memref<19x8x256xf32, #tpu.memory_space<vmem>>, vector<16xf32>,
        %parallel_loop3A_1463 = math.exp %parallel_loop3A_1462 : vector<16xf32>
        %parallel_loop3A_1464 = arith.addf %parallel_loop3A_1392, %parallel_loop3A_1463 : vector<16xf32>
        %parallel_loop3A_1465 = arith.constant 48 : i32
        %parallel_loop3A_1466 = arith.addi %parallel_loop3A_921, %parallel_loop3A_1465 : i32
        %parallel_loop3A_1467 = arith.constant 14 : i32
        %parallel_loop3A_1468 = arith.index_cast %parallel_loop3A_1467 : i32 to index
        %parallel_loop3A_1469 = arith.index_cast %parallel_loop3A_903 : i32 to index
        %parallel_loop3A_1470 = arith.index_cast %parallel_loop3A_1466 : i32 to index
        %parallel_loop3A_1471 = tpu.vector_load %arg6[%parallel_loop3A_1468, %parallel_loop3A_1469, %parallel_loop3A_1470] {strides = array<i32>} : memref<19x8x256xf32, #tpu.memory_space<vmem>>, vector<16xf32>,
        %parallel_loop3A_1472 = math.exp %parallel_loop3A_1471 : vector<16xf32>
        %parallel_loop3A_1473 = arith.addf %parallel_loop3A_1401, %parallel_loop3A_1472 : vector<16xf32>
        %parallel_loop3A_1474 = arith.constant 0 : i32
        %parallel_loop3A_1475 = arith.addi %parallel_loop3A_921, %parallel_loop3A_1474 : i32
        %parallel_loop3A_1476 = arith.constant 15 : i32
        %parallel_loop3A_1477 = arith.index_cast %parallel_loop3A_1476 : i32 to index
        %parallel_loop3A_1478 = arith.index_cast %parallel_loop3A_903 : i32 to index
        %parallel_loop3A_1479 = arith.index_cast %parallel_loop3A_1475 : i32 to index
        %parallel_loop3A_1480 = tpu.vector_load %arg6[%parallel_loop3A_1477, %parallel_loop3A_1478, %parallel_loop3A_1479] {strides = array<i32>} : memref<19x8x256xf32, #tpu.memory_space<vmem>>, vector<16xf32>,
        %parallel_loop3A_1481 = math.exp %parallel_loop3A_1480 : vector<16xf32>
        %parallel_loop3A_1482 = arith.addf %parallel_loop3A_1410, %parallel_loop3A_1481 : vector<16xf32>
        %parallel_loop3A_1483 = arith.constant 16 : i32
        %parallel_loop3A_1484 = arith.addi %parallel_loop3A_921, %parallel_loop3A_1483 : i32
        %parallel_loop3A_1485 = arith.constant 15 : i32
        %parallel_loop3A_1486 = arith.index_cast %parallel_loop3A_1485 : i32 to index
        %parallel_loop3A_1487 = arith.index_cast %parallel_loop3A_903 : i32 to index
        %parallel_loop3A_1488 = arith.index_cast %parallel_loop3A_1484 : i32 to index
        %parallel_loop3A_1489 = tpu.vector_load %arg6[%parallel_loop3A_1486, %parallel_loop3A_1487, %parallel_loop3A_1488] {strides = array<i32>} : memref<19x8x256xf32, #tpu.memory_space<vmem>>, vector<16xf32>,
        %parallel_loop3A_1490 = math.exp %parallel_loop3A_1489 : vector<16xf32>
        %parallel_loop3A_1491 = arith.addf %parallel_loop3A_1419, %parallel_loop3A_1490 : vector<16xf32>
        %parallel_loop3A_1492 = arith.constant 32 : i32
        %parallel_loop3A_1493 = arith.addi %parallel_loop3A_921, %parallel_loop3A_1492 : i32
        %parallel_loop3A_1494 = arith.constant 15 : i32
        %parallel_loop3A_1495 = arith.index_cast %parallel_loop3A_1494 : i32 to index
        %parallel_loop3A_1496 = arith.index_cast %parallel_loop3A_903 : i32 to index
        %parallel_loop3A_1497 = arith.index_cast %parallel_loop3A_1493 : i32 to index
        %parallel_loop3A_1498 = tpu.vector_load %arg6[%parallel_loop3A_1495, %parallel_loop3A_1496, %parallel_loop3A_1497] {strides = array<i32>} : memref<19x8x256xf32, #tpu.memory_space<vmem>>, vector<16xf32>,
        %parallel_loop3A_1499 = math.exp %parallel_loop3A_1498 : vector<16xf32>
        %parallel_loop3A_1500 = arith.addf %parallel_loop3A_1428, %parallel_loop3A_1499 : vector<16xf32>
        %parallel_loop3A_1501 = arith.constant 48 : i32
        %parallel_loop3A_1502 = arith.addi %parallel_loop3A_921, %parallel_loop3A_1501 : i32
        %parallel_loop3A_1503 = arith.constant 15 : i32
        %parallel_loop3A_1504 = arith.index_cast %parallel_loop3A_1503 : i32 to index
        %parallel_loop3A_1505 = arith.index_cast %parallel_loop3A_903 : i32 to index
        %parallel_loop3A_1506 = arith.index_cast %parallel_loop3A_1502 : i32 to index
        %parallel_loop3A_1507 = tpu.vector_load %arg6[%parallel_loop3A_1504, %parallel_loop3A_1505, %parallel_loop3A_1506] {strides = array<i32>} : memref<19x8x256xf32, #tpu.memory_space<vmem>>, vector<16xf32>,
        %parallel_loop3A_1508 = math.exp %parallel_loop3A_1507 : vector<16xf32>
        %parallel_loop3A_1509 = arith.addf %parallel_loop3A_1437, %parallel_loop3A_1508 : vector<16xf32>
        %parallel_loop3A_1510 = arith.constant 0 : i32
        %parallel_loop3A_1511 = arith.addi %parallel_loop3A_921, %parallel_loop3A_1510 : i32
        %parallel_loop3A_1512 = arith.constant 16 : i32
        %parallel_loop3A_1513 = arith.index_cast %parallel_loop3A_1512 : i32 to index
        %parallel_loop3A_1514 = arith.index_cast %parallel_loop3A_903 : i32 to index
        %parallel_loop3A_1515 = arith.index_cast %parallel_loop3A_1511 : i32 to index
        %parallel_loop3A_1516 = tpu.vector_load %arg6[%parallel_loop3A_1513, %parallel_loop3A_1514, %parallel_loop3A_1515] {strides = array<i32>} : memref<19x8x256xf32, #tpu.memory_space<vmem>>, vector<16xf32>,
        %parallel_loop3A_1517 = math.exp %parallel_loop3A_1516 : vector<16xf32>
        %parallel_loop3A_1518 = arith.addf %parallel_loop3A_1446, %parallel_loop3A_1517 : vector<16xf32>
        %parallel_loop3A_1519 = arith.constant 16 : i32
        %parallel_loop3A_1520 = arith.addi %parallel_loop3A_921, %parallel_loop3A_1519 : i32
        %parallel_loop3A_1521 = arith.constant 16 : i32
        %parallel_loop3A_1522 = arith.index_cast %parallel_loop3A_1521 : i32 to index
        %parallel_loop3A_1523 = arith.index_cast %parallel_loop3A_903 : i32 to index
        %parallel_loop3A_1524 = arith.index_cast %parallel_loop3A_1520 : i32 to index
        %parallel_loop3A_1525 = tpu.vector_load %arg6[%parallel_loop3A_1522, %parallel_loop3A_1523, %parallel_loop3A_1524] {strides = array<i32>} : memref<19x8x256xf32, #tpu.memory_space<vmem>>, vector<16xf32>,
        %parallel_loop3A_1526 = math.exp %parallel_loop3A_1525 : vector<16xf32>
        %parallel_loop3A_1527 = arith.addf %parallel_loop3A_1455, %parallel_loop3A_1526 : vector<16xf32>
        %parallel_loop3A_1528 = arith.constant 32 : i32
        %parallel_loop3A_1529 = arith.addi %parallel_loop3A_921, %parallel_loop3A_1528 : i32
        %parallel_loop3A_1530 = arith.constant 16 : i32
        %parallel_loop3A_1531 = arith.index_cast %parallel_loop3A_1530 : i32 to index
        %parallel_loop3A_1532 = arith.index_cast %parallel_loop3A_903 : i32 to index
        %parallel_loop3A_1533 = arith.index_cast %parallel_loop3A_1529 : i32 to index
        %parallel_loop3A_1534 = tpu.vector_load %arg6[%parallel_loop3A_1531, %parallel_loop3A_1532, %parallel_loop3A_1533] {strides = array<i32>} : memref<19x8x256xf32, #tpu.memory_space<vmem>>, vector<16xf32>,
        %parallel_loop3A_1535 = math.exp %parallel_loop3A_1534 : vector<16xf32>
        %parallel_loop3A_1536 = arith.addf %parallel_loop3A_1464, %parallel_loop3A_1535 : vector<16xf32>
        %parallel_loop3A_1537 = arith.constant 48 : i32
        %parallel_loop3A_1538 = arith.addi %parallel_loop3A_921, %parallel_loop3A_1537 : i32
        %parallel_loop3A_1539 = arith.constant 16 : i32
        %parallel_loop3A_1540 = arith.index_cast %parallel_loop3A_1539 : i32 to index
        %parallel_loop3A_1541 = arith.index_cast %parallel_loop3A_903 : i32 to index
        %parallel_loop3A_1542 = arith.index_cast %parallel_loop3A_1538 : i32 to index
        %parallel_loop3A_1543 = tpu.vector_load %arg6[%parallel_loop3A_1540, %parallel_loop3A_1541, %parallel_loop3A_1542] {strides = array<i32>} : memref<19x8x256xf32, #tpu.memory_space<vmem>>, vector<16xf32>,
        %parallel_loop3A_1544 = math.exp %parallel_loop3A_1543 : vector<16xf32>
        %parallel_loop3A_1545 = arith.addf %parallel_loop3A_1473, %parallel_loop3A_1544 : vector<16xf32>
        %parallel_loop3A_1546 = arith.constant 0 : i32
        %parallel_loop3A_1547 = arith.addi %parallel_loop3A_921, %parallel_loop3A_1546 : i32
        %parallel_loop3A_1548 = arith.constant 17 : i32
        %parallel_loop3A_1549 = arith.index_cast %parallel_loop3A_1548 : i32 to index
        %parallel_loop3A_1550 = arith.index_cast %parallel_loop3A_903 : i32 to index
        %parallel_loop3A_1551 = arith.index_cast %parallel_loop3A_1547 : i32 to index
        %parallel_loop3A_1552 = tpu.vector_load %arg6[%parallel_loop3A_1549, %parallel_loop3A_1550, %parallel_loop3A_1551] {strides = array<i32>} : memref<19x8x256xf32, #tpu.memory_space<vmem>>, vector<16xf32>,
        %parallel_loop3A_1553 = math.exp %parallel_loop3A_1552 : vector<16xf32>
        %parallel_loop3A_1554 = arith.addf %parallel_loop3A_1482, %parallel_loop3A_1553 : vector<16xf32>
        %parallel_loop3A_1555 = arith.constant 16 : i32
        %parallel_loop3A_1556 = arith.addi %parallel_loop3A_921, %parallel_loop3A_1555 : i32
        %parallel_loop3A_1557 = arith.constant 17 : i32
        %parallel_loop3A_1558 = arith.index_cast %parallel_loop3A_1557 : i32 to index
        %parallel_loop3A_1559 = arith.index_cast %parallel_loop3A_903 : i32 to index
        %parallel_loop3A_1560 = arith.index_cast %parallel_loop3A_1556 : i32 to index
        %parallel_loop3A_1561 = tpu.vector_load %arg6[%parallel_loop3A_1558, %parallel_loop3A_1559, %parallel_loop3A_1560] {strides = array<i32>} : memref<19x8x256xf32, #tpu.memory_space<vmem>>, vector<16xf32>,
        %parallel_loop3A_1562 = math.exp %parallel_loop3A_1561 : vector<16xf32>
        %parallel_loop3A_1563 = arith.addf %parallel_loop3A_1491, %parallel_loop3A_1562 : vector<16xf32>
        %parallel_loop3A_1564 = arith.constant 32 : i32
        %parallel_loop3A_1565 = arith.addi %parallel_loop3A_921, %parallel_loop3A_1564 : i32
        %parallel_loop3A_1566 = arith.constant 17 : i32
        %parallel_loop3A_1567 = arith.index_cast %parallel_loop3A_1566 : i32 to index
        %parallel_loop3A_1568 = arith.index_cast %parallel_loop3A_903 : i32 to index
        %parallel_loop3A_1569 = arith.index_cast %parallel_loop3A_1565 : i32 to index
        %parallel_loop3A_1570 = tpu.vector_load %arg6[%parallel_loop3A_1567, %parallel_loop3A_1568, %parallel_loop3A_1569] {strides = array<i32>} : memref<19x8x256xf32, #tpu.memory_space<vmem>>, vector<16xf32>,
        %parallel_loop3A_1571 = math.exp %parallel_loop3A_1570 : vector<16xf32>
        %parallel_loop3A_1572 = arith.addf %parallel_loop3A_1500, %parallel_loop3A_1571 : vector<16xf32>
        %parallel_loop3A_1573 = arith.constant 48 : i32
        %parallel_loop3A_1574 = arith.addi %parallel_loop3A_921, %parallel_loop3A_1573 : i32
        %parallel_loop3A_1575 = arith.constant 17 : i32
        %parallel_loop3A_1576 = arith.index_cast %parallel_loop3A_1575 : i32 to index
        %parallel_loop3A_1577 = arith.index_cast %parallel_loop3A_903 : i32 to index
        %parallel_loop3A_1578 = arith.index_cast %parallel_loop3A_1574 : i32 to index
        %parallel_loop3A_1579 = tpu.vector_load %arg6[%parallel_loop3A_1576, %parallel_loop3A_1577, %parallel_loop3A_1578] {strides = array<i32>} : memref<19x8x256xf32, #tpu.memory_space<vmem>>, vector<16xf32>,
        %parallel_loop3A_1580 = math.exp %parallel_loop3A_1579 : vector<16xf32>
        %parallel_loop3A_1581 = arith.addf %parallel_loop3A_1509, %parallel_loop3A_1580 : vector<16xf32>
        %parallel_loop3A_1582 = arith.constant 0 : i32
        %parallel_loop3A_1583 = arith.addi %parallel_loop3A_921, %parallel_loop3A_1582 : i32
        %parallel_loop3A_1584 = arith.constant 18 : i32
        %parallel_loop3A_1585 = arith.index_cast %parallel_loop3A_1584 : i32 to index
        %parallel_loop3A_1586 = arith.index_cast %parallel_loop3A_903 : i32 to index
        %parallel_loop3A_1587 = arith.index_cast %parallel_loop3A_1583 : i32 to index
        %parallel_loop3A_1588 = tpu.vector_load %arg6[%parallel_loop3A_1585, %parallel_loop3A_1586, %parallel_loop3A_1587] {strides = array<i32>} : memref<19x8x256xf32, #tpu.memory_space<vmem>>, vector<16xf32>,
        %parallel_loop3A_1589 = math.exp %parallel_loop3A_1588 : vector<16xf32>
        %parallel_loop3A_1590 = arith.addf %parallel_loop3A_1518, %parallel_loop3A_1589 : vector<16xf32>
        %parallel_loop3A_1591 = arith.constant 16 : i32
        %parallel_loop3A_1592 = arith.addi %parallel_loop3A_921, %parallel_loop3A_1591 : i32
        %parallel_loop3A_1593 = arith.constant 18 : i32
        %parallel_loop3A_1594 = arith.index_cast %parallel_loop3A_1593 : i32 to index
        %parallel_loop3A_1595 = arith.index_cast %parallel_loop3A_903 : i32 to index
        %parallel_loop3A_1596 = arith.index_cast %parallel_loop3A_1592 : i32 to index
        %parallel_loop3A_1597 = tpu.vector_load %arg6[%parallel_loop3A_1594, %parallel_loop3A_1595, %parallel_loop3A_1596] {strides = array<i32>} : memref<19x8x256xf32, #tpu.memory_space<vmem>>, vector<16xf32>,
        %parallel_loop3A_1598 = math.exp %parallel_loop3A_1597 : vector<16xf32>
        %parallel_loop3A_1599 = arith.addf %parallel_loop3A_1527, %parallel_loop3A_1598 : vector<16xf32>
        %parallel_loop3A_1600 = arith.constant 32 : i32
        %parallel_loop3A_1601 = arith.addi %parallel_loop3A_921, %parallel_loop3A_1600 : i32
        %parallel_loop3A_1602 = arith.constant 18 : i32
        %parallel_loop3A_1603 = arith.index_cast %parallel_loop3A_1602 : i32 to index
        %parallel_loop3A_1604 = arith.index_cast %parallel_loop3A_903 : i32 to index
        %parallel_loop3A_1605 = arith.index_cast %parallel_loop3A_1601 : i32 to index
        %parallel_loop3A_1606 = tpu.vector_load %arg6[%parallel_loop3A_1603, %parallel_loop3A_1604, %parallel_loop3A_1605] {strides = array<i32>} : memref<19x8x256xf32, #tpu.memory_space<vmem>>, vector<16xf32>,
        %parallel_loop3A_1607 = math.exp %parallel_loop3A_1606 : vector<16xf32>
        %parallel_loop3A_1608 = arith.addf %parallel_loop3A_1536, %parallel_loop3A_1607 : vector<16xf32>
        %parallel_loop3A_1609 = arith.constant 48 : i32
        %parallel_loop3A_1610 = arith.addi %parallel_loop3A_921, %parallel_loop3A_1609 : i32
        %parallel_loop3A_1611 = arith.constant 18 : i32
        %parallel_loop3A_1612 = arith.index_cast %parallel_loop3A_1611 : i32 to index
        %parallel_loop3A_1613 = arith.index_cast %parallel_loop3A_903 : i32 to index
        %parallel_loop3A_1614 = arith.index_cast %parallel_loop3A_1610 : i32 to index
        %parallel_loop3A_1615 = tpu.vector_load %arg6[%parallel_loop3A_1612, %parallel_loop3A_1613, %parallel_loop3A_1614] {strides = array<i32>} : memref<19x8x256xf32, #tpu.memory_space<vmem>>, vector<16xf32>,
        %parallel_loop3A_1616 = math.exp %parallel_loop3A_1615 : vector<16xf32>
        %parallel_loop3A_1617 = arith.addf %parallel_loop3A_1545, %parallel_loop3A_1616 : vector<16xf32>
        %parallel_loop3A_1618 = arith.addf %parallel_loop3A_1590, %parallel_loop3A_1554 : vector<16xf32>
        %parallel_loop3A_1619 = arith.addf %parallel_loop3A_1599, %parallel_loop3A_1563 : vector<16xf32>
        %parallel_loop3A_1620 = arith.addf %parallel_loop3A_1608, %parallel_loop3A_1572 : vector<16xf32>
        %parallel_loop3A_1621 = arith.addf %parallel_loop3A_1617, %parallel_loop3A_1581 : vector<16xf32>
        %parallel_loop3A_1622 = vector.broadcast %parallel_loop3A_903 : i32 to vector<16xi32>
        %parallel_loop3A_1623 = vector.broadcast %parallel_loop3A_921 : i32 to vector<16xi32>
        %parallel_loop3A_1624 = arith.addi %parallel_loop3A_1623, %iota3A : vector<16xi32>
        %parallel_loop3A_1625 = arith.constant 0 : i32
        %parallel_loop3A_1626 = vector.broadcast %parallel_loop3A_1625 : i32 to vector<16xi32>
        %parallel_loop3A_1627 = arith.addi %parallel_loop3A_1624, %parallel_loop3A_1626 : vector<16xi32>
        %parallel_loop3A_1628 = tpu.vector_load_idx %arg6[%parallel_loop3A_926, %parallel_loop3A_1622, %parallel_loop3A_1627] : memref<19x8x256xf32, #tpu.memory_space<vmem>>[vector<16xi32>, vector<16xi32>, vector<16xi32>], vector<16xf32>,
        %parallel_loop3A_1629 = arith.constant 16 : i32
        %parallel_loop3A_1630 = vector.broadcast %parallel_loop3A_1629 : i32 to vector<16xi32>
        %parallel_loop3A_1631 = arith.addi %parallel_loop3A_1624, %parallel_loop3A_1630 : vector<16xi32>
        %parallel_loop3A_1632 = tpu.vector_load_idx %arg6[%parallel_loop3A_931, %parallel_loop3A_1622, %parallel_loop3A_1631] : memref<19x8x256xf32, #tpu.memory_space<vmem>>[vector<16xi32>, vector<16xi32>, vector<16xi32>], vector<16xf32>,
        %parallel_loop3A_1633 = arith.constant 32 : i32
        %parallel_loop3A_1634 = vector.broadcast %parallel_loop3A_1633 : i32 to vector<16xi32>
        %parallel_loop3A_1635 = arith.addi %parallel_loop3A_1624, %parallel_loop3A_1634 : vector<16xi32>
        %parallel_loop3A_1636 = tpu.vector_load_idx %arg6[%parallel_loop3A_936, %parallel_loop3A_1622, %parallel_loop3A_1635] : memref<19x8x256xf32, #tpu.memory_space<vmem>>[vector<16xi32>, vector<16xi32>, vector<16xi32>], vector<16xf32>,
        %parallel_loop3A_1637 = arith.constant 48 : i32
        %parallel_loop3A_1638 = vector.broadcast %parallel_loop3A_1637 : i32 to vector<16xi32>
        %parallel_loop3A_1639 = arith.addi %parallel_loop3A_1624, %parallel_loop3A_1638 : vector<16xi32>
        %parallel_loop3A_1640 = tpu.vector_load_idx %arg6[%parallel_loop3A_941, %parallel_loop3A_1622, %parallel_loop3A_1639] : memref<19x8x256xf32, #tpu.memory_space<vmem>>[vector<16xi32>, vector<16xi32>, vector<16xi32>], vector<16xf32>,
        %parallel_loop3A_1641 = tpu.bitcast %parallel_loop3A_1618 : vector<16xf32> -> vector<16xi32>
        %parallel_loop3A_1642 = tpu.bitcast %parallel_loop3A_1619 : vector<16xf32> -> vector<16xi32>
        %parallel_loop3A_1643 = tpu.bitcast %parallel_loop3A_1620 : vector<16xf32> -> vector<16xi32>
        %parallel_loop3A_1644 = tpu.bitcast %parallel_loop3A_1621 : vector<16xf32> -> vector<16xi32>
        %parallel_loop3A_1645 = arith.constant 23 : i32
        %parallel_loop3A_1646 = vector.broadcast %parallel_loop3A_1645 : i32 to vector<16xi32>
        %parallel_loop3A_1647 = arith.shrsi %parallel_loop3A_1641, %parallel_loop3A_1646 : vector<16xi32>
        %parallel_loop3A_1648 = arith.constant 127 : i32
        %parallel_loop3A_1649 = vector.broadcast %parallel_loop3A_1648 : i32 to vector<16xi32>
        %parallel_loop3A_1650 = arith.subi %parallel_loop3A_1647, %parallel_loop3A_1649 : vector<16xi32>
        %parallel_loop3A_1651 = arith.constant 23 : i32
        %parallel_loop3A_1652 = vector.broadcast %parallel_loop3A_1651 : i32 to vector<16xi32>
        %parallel_loop3A_1653 = arith.shrsi %parallel_loop3A_1642, %parallel_loop3A_1652 : vector<16xi32>
        %parallel_loop3A_1654 = arith.constant 127 : i32
        %parallel_loop3A_1655 = vector.broadcast %parallel_loop3A_1654 : i32 to vector<16xi32>
        %parallel_loop3A_1656 = arith.subi %parallel_loop3A_1653, %parallel_loop3A_1655 : vector<16xi32>
        %parallel_loop3A_1657 = arith.constant 23 : i32
        %parallel_loop3A_1658 = vector.broadcast %parallel_loop3A_1657 : i32 to vector<16xi32>
        %parallel_loop3A_1659 = arith.shrsi %parallel_loop3A_1643, %parallel_loop3A_1658 : vector<16xi32>
        %parallel_loop3A_1660 = arith.constant 127 : i32
        %parallel_loop3A_1661 = vector.broadcast %parallel_loop3A_1660 : i32 to vector<16xi32>
        %parallel_loop3A_1662 = arith.subi %parallel_loop3A_1659, %parallel_loop3A_1661 : vector<16xi32>
        %parallel_loop3A_1663 = arith.constant 23 : i32
        %parallel_loop3A_1664 = vector.broadcast %parallel_loop3A_1663 : i32 to vector<16xi32>
        %parallel_loop3A_1665 = arith.shrsi %parallel_loop3A_1644, %parallel_loop3A_1664 : vector<16xi32>
        %parallel_loop3A_1666 = arith.constant 127 : i32
        %parallel_loop3A_1667 = vector.broadcast %parallel_loop3A_1666 : i32 to vector<16xi32>
        %parallel_loop3A_1668 = arith.subi %parallel_loop3A_1665, %parallel_loop3A_1667 : vector<16xi32>
        %parallel_loop3A_1669 = arith.constant 8388607 : i32
        %parallel_loop3A_1670 = vector.broadcast %parallel_loop3A_1669 : i32 to vector<16xi32>
        %parallel_loop3A_1671 = arith.andi %parallel_loop3A_1641, %parallel_loop3A_1670 : vector<16xi32>
        %parallel_loop3A_1672 = arith.constant 1065353216 : i32
        %parallel_loop3A_1673 = vector.broadcast %parallel_loop3A_1672 : i32 to vector<16xi32>
        %parallel_loop3A_1674 = arith.ori %parallel_loop3A_1671, %parallel_loop3A_1673 : vector<16xi32>
        %parallel_loop3A_1675 = tpu.bitcast %parallel_loop3A_1674 : vector<16xi32> -> vector<16xf32>
        %parallel_loop3A_1676 = arith.constant 8388607 : i32
        %parallel_loop3A_1677 = vector.broadcast %parallel_loop3A_1676 : i32 to vector<16xi32>
        %parallel_loop3A_1678 = arith.andi %parallel_loop3A_1642, %parallel_loop3A_1677 : vector<16xi32>
        %parallel_loop3A_1679 = arith.constant 1065353216 : i32
        %parallel_loop3A_1680 = vector.broadcast %parallel_loop3A_1679 : i32 to vector<16xi32>
        %parallel_loop3A_1681 = arith.ori %parallel_loop3A_1678, %parallel_loop3A_1680 : vector<16xi32>
        %parallel_loop3A_1682 = tpu.bitcast %parallel_loop3A_1681 : vector<16xi32> -> vector<16xf32>
        %parallel_loop3A_1683 = arith.constant 8388607 : i32
        %parallel_loop3A_1684 = vector.broadcast %parallel_loop3A_1683 : i32 to vector<16xi32>
        %parallel_loop3A_1685 = arith.andi %parallel_loop3A_1643, %parallel_loop3A_1684 : vector<16xi32>
        %parallel_loop3A_1686 = arith.constant 1065353216 : i32
        %parallel_loop3A_1687 = vector.broadcast %parallel_loop3A_1686 : i32 to vector<16xi32>
        %parallel_loop3A_1688 = arith.ori %parallel_loop3A_1685, %parallel_loop3A_1687 : vector<16xi32>
        %parallel_loop3A_1689 = tpu.bitcast %parallel_loop3A_1688 : vector<16xi32> -> vector<16xf32>
        %parallel_loop3A_1690 = arith.constant 8388607 : i32
        %parallel_loop3A_1691 = vector.broadcast %parallel_loop3A_1690 : i32 to vector<16xi32>
        %parallel_loop3A_1692 = arith.andi %parallel_loop3A_1644, %parallel_loop3A_1691 : vector<16xi32>
        %parallel_loop3A_1693 = arith.constant 1065353216 : i32
        %parallel_loop3A_1694 = vector.broadcast %parallel_loop3A_1693 : i32 to vector<16xi32>
        %parallel_loop3A_1695 = arith.ori %parallel_loop3A_1692, %parallel_loop3A_1694 : vector<16xi32>
        %parallel_loop3A_1696 = tpu.bitcast %parallel_loop3A_1695 : vector<16xi32> -> vector<16xf32>
        %parallel_loop3A_1697 = arith.constant 1.41421354 : f32
        %parallel_loop3A_1698 = vector.broadcast %parallel_loop3A_1697 : f32 to vector<16xf32>
        %parallel_loop3A_1699 = arith.cmpf ogt, %parallel_loop3A_1675, %parallel_loop3A_1698 : vector<16xf32>
        %parallel_loop3A_1700 = arith.constant 1.41421354 : f32
        %parallel_loop3A_1701 = vector.broadcast %parallel_loop3A_1700 : f32 to vector<16xf32>
        %parallel_loop3A_1702 = arith.cmpf ogt, %parallel_loop3A_1682, %parallel_loop3A_1701 : vector<16xf32>
        %parallel_loop3A_1703 = arith.constant 1.41421354 : f32
        %parallel_loop3A_1704 = vector.broadcast %parallel_loop3A_1703 : f32 to vector<16xf32>
        %parallel_loop3A_1705 = arith.cmpf ogt, %parallel_loop3A_1689, %parallel_loop3A_1704 : vector<16xf32>
        %parallel_loop3A_1706 = arith.constant 1.41421354 : f32
        %parallel_loop3A_1707 = vector.broadcast %parallel_loop3A_1706 : f32 to vector<16xf32>
        %parallel_loop3A_1708 = arith.cmpf ogt, %parallel_loop3A_1696, %parallel_loop3A_1707 : vector<16xf32>
        %parallel_loop3A_1709 = arith.constant 5.000000e-01 : f32
        %parallel_loop3A_1710 = vector.broadcast %parallel_loop3A_1709 : f32 to vector<16xf32>
        %parallel_loop3A_1711 = arith.mulf %parallel_loop3A_1675, %parallel_loop3A_1710 : vector<16xf32>
        %parallel_loop3A_1712 = arith.select %parallel_loop3A_1699, %parallel_loop3A_1711, %parallel_loop3A_1675 : vector<16xi1>, vector<16xf32>
        %parallel_loop3A_1713 = arith.constant 5.000000e-01 : f32
        %parallel_loop3A_1714 = vector.broadcast %parallel_loop3A_1713 : f32 to vector<16xf32>
        %parallel_loop3A_1715 = arith.mulf %parallel_loop3A_1682, %parallel_loop3A_1714 : vector<16xf32>
        %parallel_loop3A_1716 = arith.select %parallel_loop3A_1702, %parallel_loop3A_1715, %parallel_loop3A_1682 : vector<16xi1>, vector<16xf32>
        %parallel_loop3A_1717 = arith.constant 5.000000e-01 : f32
        %parallel_loop3A_1718 = vector.broadcast %parallel_loop3A_1717 : f32 to vector<16xf32>
        %parallel_loop3A_1719 = arith.mulf %parallel_loop3A_1689, %parallel_loop3A_1718 : vector<16xf32>
        %parallel_loop3A_1720 = arith.select %parallel_loop3A_1705, %parallel_loop3A_1719, %parallel_loop3A_1689 : vector<16xi1>, vector<16xf32>
        %parallel_loop3A_1721 = arith.constant 5.000000e-01 : f32
        %parallel_loop3A_1722 = vector.broadcast %parallel_loop3A_1721 : f32 to vector<16xf32>
        %parallel_loop3A_1723 = arith.mulf %parallel_loop3A_1696, %parallel_loop3A_1722 : vector<16xf32>
        %parallel_loop3A_1724 = arith.select %parallel_loop3A_1708, %parallel_loop3A_1723, %parallel_loop3A_1696 : vector<16xi1>, vector<16xf32>
        %parallel_loop3A_1725 = arith.constant 1 : i32
        %parallel_loop3A_1726 = vector.broadcast %parallel_loop3A_1725 : i32 to vector<16xi32>
        %parallel_loop3A_1727 = arith.addi %parallel_loop3A_1650, %parallel_loop3A_1726 : vector<16xi32>
        %parallel_loop3A_1728 = arith.select %parallel_loop3A_1699, %parallel_loop3A_1727, %parallel_loop3A_1650 : vector<16xi1>, vector<16xi32>
        %parallel_loop3A_1729 = arith.constant 1 : i32
        %parallel_loop3A_1730 = vector.broadcast %parallel_loop3A_1729 : i32 to vector<16xi32>
        %parallel_loop3A_1731 = arith.addi %parallel_loop3A_1656, %parallel_loop3A_1730 : vector<16xi32>
        %parallel_loop3A_1732 = arith.select %parallel_loop3A_1702, %parallel_loop3A_1731, %parallel_loop3A_1656 : vector<16xi1>, vector<16xi32>
        %parallel_loop3A_1733 = arith.constant 1 : i32
        %parallel_loop3A_1734 = vector.broadcast %parallel_loop3A_1733 : i32 to vector<16xi32>
        %parallel_loop3A_1735 = arith.addi %parallel_loop3A_1662, %parallel_loop3A_1734 : vector<16xi32>
        %parallel_loop3A_1736 = arith.select %parallel_loop3A_1705, %parallel_loop3A_1735, %parallel_loop3A_1662 : vector<16xi1>, vector<16xi32>
        %parallel_loop3A_1737 = arith.constant 1 : i32
        %parallel_loop3A_1738 = vector.broadcast %parallel_loop3A_1737 : i32 to vector<16xi32>
        %parallel_loop3A_1739 = arith.addi %parallel_loop3A_1668, %parallel_loop3A_1738 : vector<16xi32>
        %parallel_loop3A_1740 = arith.select %parallel_loop3A_1708, %parallel_loop3A_1739, %parallel_loop3A_1668 : vector<16xi1>, vector<16xi32>
        %parallel_loop3A_1741 = arith.constant 1.000000e+00 : f32
        %parallel_loop3A_1742 = vector.broadcast %parallel_loop3A_1741 : f32 to vector<16xf32>
        %parallel_loop3A_1743 = arith.subf %parallel_loop3A_1712, %parallel_loop3A_1742 : vector<16xf32>
        %parallel_loop3A_1744 = arith.constant 1.000000e+00 : f32
        %parallel_loop3A_1745 = vector.broadcast %parallel_loop3A_1744 : f32 to vector<16xf32>
        %parallel_loop3A_1746 = arith.subf %parallel_loop3A_1716, %parallel_loop3A_1745 : vector<16xf32>
        %parallel_loop3A_1747 = arith.constant 1.000000e+00 : f32
        %parallel_loop3A_1748 = vector.broadcast %parallel_loop3A_1747 : f32 to vector<16xf32>
        %parallel_loop3A_1749 = arith.subf %parallel_loop3A_1720, %parallel_loop3A_1748 : vector<16xf32>
        %parallel_loop3A_1750 = arith.constant 1.000000e+00 : f32
        %parallel_loop3A_1751 = vector.broadcast %parallel_loop3A_1750 : f32 to vector<16xf32>
        %parallel_loop3A_1752 = arith.subf %parallel_loop3A_1724, %parallel_loop3A_1751 : vector<16xf32>
        %parallel_loop3A_1753 = arith.constant 0.172245577 : f32
        %parallel_loop3A_1754 = vector.broadcast %parallel_loop3A_1753 : f32 to vector<16xf32>
        %parallel_loop3A_1755 = arith.constant 0.172245577 : f32
        %parallel_loop3A_1756 = vector.broadcast %parallel_loop3A_1755 : f32 to vector<16xf32>
        %parallel_loop3A_1757 = arith.constant 0.172245577 : f32
        %parallel_loop3A_1758 = vector.broadcast %parallel_loop3A_1757 : f32 to vector<16xf32>
        %parallel_loop3A_1759 = arith.constant 0.172245577 : f32
        %parallel_loop3A_1760 = vector.broadcast %parallel_loop3A_1759 : f32 to vector<16xf32>
        %parallel_loop3A_1761 = arith.mulf %parallel_loop3A_1743, %parallel_loop3A_1754 : vector<16xf32>
        %parallel_loop3A_1762 = arith.constant -0.274079502 : f32
        %parallel_loop3A_1763 = vector.broadcast %parallel_loop3A_1762 : f32 to vector<16xf32>
        %parallel_loop3A_1764 = arith.addf %parallel_loop3A_1763, %parallel_loop3A_1761 : vector<16xf32>
        %parallel_loop3A_1765 = arith.mulf %parallel_loop3A_1746, %parallel_loop3A_1756 : vector<16xf32>
        %parallel_loop3A_1766 = arith.constant -0.274079502 : f32
        %parallel_loop3A_1767 = vector.broadcast %parallel_loop3A_1766 : f32 to vector<16xf32>
        %parallel_loop3A_1768 = arith.addf %parallel_loop3A_1767, %parallel_loop3A_1765 : vector<16xf32>
        %parallel_loop3A_1769 = arith.mulf %parallel_loop3A_1749, %parallel_loop3A_1758 : vector<16xf32>
        %parallel_loop3A_1770 = arith.constant -0.274079502 : f32
        %parallel_loop3A_1771 = vector.broadcast %parallel_loop3A_1770 : f32 to vector<16xf32>
        %parallel_loop3A_1772 = arith.addf %parallel_loop3A_1771, %parallel_loop3A_1769 : vector<16xf32>
        %parallel_loop3A_1773 = arith.mulf %parallel_loop3A_1752, %parallel_loop3A_1760 : vector<16xf32>
        %parallel_loop3A_1774 = arith.constant -0.274079502 : f32
        %parallel_loop3A_1775 = vector.broadcast %parallel_loop3A_1774 : f32 to vector<16xf32>
        %parallel_loop3A_1776 = arith.addf %parallel_loop3A_1775, %parallel_loop3A_1773 : vector<16xf32>
        %parallel_loop3A_1777 = arith.mulf %parallel_loop3A_1743, %parallel_loop3A_1764 : vector<16xf32>
        %parallel_loop3A_1778 = arith.constant 0.338005543 : f32
        %parallel_loop3A_1779 = vector.broadcast %parallel_loop3A_1778 : f32 to vector<16xf32>
        %parallel_loop3A_1780 = arith.addf %parallel_loop3A_1779, %parallel_loop3A_1777 : vector<16xf32>
        %parallel_loop3A_1781 = arith.mulf %parallel_loop3A_1746, %parallel_loop3A_1768 : vector<16xf32>
        %parallel_loop3A_1782 = arith.constant 0.338005543 : f32
        %parallel_loop3A_1783 = vector.broadcast %parallel_loop3A_1782 : f32 to vector<16xf32>
        %parallel_loop3A_1784 = arith.addf %parallel_loop3A_1783, %parallel_loop3A_1781 : vector<16xf32>
        %parallel_loop3A_1785 = arith.mulf %parallel_loop3A_1749, %parallel_loop3A_1772 : vector<16xf32>
        %parallel_loop3A_1786 = arith.constant 0.338005543 : f32
        %parallel_loop3A_1787 = vector.broadcast %parallel_loop3A_1786 : f32 to vector<16xf32>
        %parallel_loop3A_1788 = arith.addf %parallel_loop3A_1787, %parallel_loop3A_1785 : vector<16xf32>
        %parallel_loop3A_1789 = arith.mulf %parallel_loop3A_1752, %parallel_loop3A_1776 : vector<16xf32>
        %parallel_loop3A_1790 = arith.constant 0.338005543 : f32
        %parallel_loop3A_1791 = vector.broadcast %parallel_loop3A_1790 : f32 to vector<16xf32>
        %parallel_loop3A_1792 = arith.addf %parallel_loop3A_1791, %parallel_loop3A_1789 : vector<16xf32>
        %parallel_loop3A_1793 = arith.mulf %parallel_loop3A_1743, %parallel_loop3A_1780 : vector<16xf32>
        %parallel_loop3A_1794 = arith.constant -0.499110162 : f32
        %parallel_loop3A_1795 = vector.broadcast %parallel_loop3A_1794 : f32 to vector<16xf32>
        %parallel_loop3A_1796 = arith.addf %parallel_loop3A_1795, %parallel_loop3A_1793 : vector<16xf32>
        %parallel_loop3A_1797 = arith.mulf %parallel_loop3A_1746, %parallel_loop3A_1784 : vector<16xf32>
        %parallel_loop3A_1798 = arith.constant -0.499110162 : f32
        %parallel_loop3A_1799 = vector.broadcast %parallel_loop3A_1798 : f32 to vector<16xf32>
        %parallel_loop3A_1800 = arith.addf %parallel_loop3A_1799, %parallel_loop3A_1797 : vector<16xf32>
        %parallel_loop3A_1801 = arith.mulf %parallel_loop3A_1749, %parallel_loop3A_1788 : vector<16xf32>
        %parallel_loop3A_1802 = arith.constant -0.499110162 : f32
        %parallel_loop3A_1803 = vector.broadcast %parallel_loop3A_1802 : f32 to vector<16xf32>
        %parallel_loop3A_1804 = arith.addf %parallel_loop3A_1803, %parallel_loop3A_1801 : vector<16xf32>
        %parallel_loop3A_1805 = arith.mulf %parallel_loop3A_1752, %parallel_loop3A_1792 : vector<16xf32>
        %parallel_loop3A_1806 = arith.constant -0.499110162 : f32
        %parallel_loop3A_1807 = vector.broadcast %parallel_loop3A_1806 : f32 to vector<16xf32>
        %parallel_loop3A_1808 = arith.addf %parallel_loop3A_1807, %parallel_loop3A_1805 : vector<16xf32>
        %parallel_loop3A_1809 = arith.mulf %parallel_loop3A_1743, %parallel_loop3A_1796 : vector<16xf32>
        %parallel_loop3A_1810 = arith.constant 0.999887108 : f32
        %parallel_loop3A_1811 = vector.broadcast %parallel_loop3A_1810 : f32 to vector<16xf32>
        %parallel_loop3A_1812 = arith.addf %parallel_loop3A_1811, %parallel_loop3A_1809 : vector<16xf32>
        %parallel_loop3A_1813 = arith.mulf %parallel_loop3A_1746, %parallel_loop3A_1800 : vector<16xf32>
        %parallel_loop3A_1814 = arith.constant 0.999887108 : f32
        %parallel_loop3A_1815 = vector.broadcast %parallel_loop3A_1814 : f32 to vector<16xf32>
        %parallel_loop3A_1816 = arith.addf %parallel_loop3A_1815, %parallel_loop3A_1813 : vector<16xf32>
        %parallel_loop3A_1817 = arith.mulf %parallel_loop3A_1749, %parallel_loop3A_1804 : vector<16xf32>
        %parallel_loop3A_1818 = arith.constant 0.999887108 : f32
        %parallel_loop3A_1819 = vector.broadcast %parallel_loop3A_1818 : f32 to vector<16xf32>
        %parallel_loop3A_1820 = arith.addf %parallel_loop3A_1819, %parallel_loop3A_1817 : vector<16xf32>
        %parallel_loop3A_1821 = arith.mulf %parallel_loop3A_1752, %parallel_loop3A_1808 : vector<16xf32>
        %parallel_loop3A_1822 = arith.constant 0.999887108 : f32
        %parallel_loop3A_1823 = vector.broadcast %parallel_loop3A_1822 : f32 to vector<16xf32>
        %parallel_loop3A_1824 = arith.addf %parallel_loop3A_1823, %parallel_loop3A_1821 : vector<16xf32>
        %parallel_loop3A_1825 = arith.sitofp %parallel_loop3A_1728 : vector<16xi32> to vector<16xf32>
        %parallel_loop3A_1826 = arith.constant 0.693147182 : f32
        %parallel_loop3A_1827 = vector.broadcast %parallel_loop3A_1826 : f32 to vector<16xf32>
        %parallel_loop3A_1828 = arith.mulf %parallel_loop3A_1825, %parallel_loop3A_1827 : vector<16xf32>
        %parallel_loop3A_1829 = arith.mulf %parallel_loop3A_1743, %parallel_loop3A_1812 : vector<16xf32>
        %parallel_loop3A_1830 = arith.addf %parallel_loop3A_1828, %parallel_loop3A_1829 : vector<16xf32>
        %parallel_loop3A_1831 = arith.sitofp %parallel_loop3A_1732 : vector<16xi32> to vector<16xf32>
        %parallel_loop3A_1832 = arith.constant 0.693147182 : f32
        %parallel_loop3A_1833 = vector.broadcast %parallel_loop3A_1832 : f32 to vector<16xf32>
        %parallel_loop3A_1834 = arith.mulf %parallel_loop3A_1831, %parallel_loop3A_1833 : vector<16xf32>
        %parallel_loop3A_1835 = arith.mulf %parallel_loop3A_1746, %parallel_loop3A_1816 : vector<16xf32>
        %parallel_loop3A_1836 = arith.addf %parallel_loop3A_1834, %parallel_loop3A_1835 : vector<16xf32>
        %parallel_loop3A_1837 = arith.sitofp %parallel_loop3A_1736 : vector<16xi32> to vector<16xf32>
        %parallel_loop3A_1838 = arith.constant 0.693147182 : f32
        %parallel_loop3A_1839 = vector.broadcast %parallel_loop3A_1838 : f32 to vector<16xf32>
        %parallel_loop3A_1840 = arith.mulf %parallel_loop3A_1837, %parallel_loop3A_1839 : vector<16xf32>
        %parallel_loop3A_1841 = arith.mulf %parallel_loop3A_1749, %parallel_loop3A_1820 : vector<16xf32>
        %parallel_loop3A_1842 = arith.addf %parallel_loop3A_1840, %parallel_loop3A_1841 : vector<16xf32>
        %parallel_loop3A_1843 = arith.sitofp %parallel_loop3A_1740 : vector<16xi32> to vector<16xf32>
        %parallel_loop3A_1844 = arith.constant 0.693147182 : f32
        %parallel_loop3A_1845 = vector.broadcast %parallel_loop3A_1844 : f32 to vector<16xf32>
        %parallel_loop3A_1846 = arith.mulf %parallel_loop3A_1843, %parallel_loop3A_1845 : vector<16xf32>
        %parallel_loop3A_1847 = arith.mulf %parallel_loop3A_1752, %parallel_loop3A_1824 : vector<16xf32>
        %parallel_loop3A_1848 = arith.addf %parallel_loop3A_1846, %parallel_loop3A_1847 : vector<16xf32>
        %parallel_loop3A_1849 = arith.constant 64 : i32
        %parallel_loop3A_1850 = arith.muli %parallel_loop3A_871, %parallel_loop3A_1849 : i32
        %parallel_loop3A_1851 = arith.subf %parallel_loop3A_1830, %parallel_loop3A_1628 : vector<16xf32>
        %parallel_loop3A_1852 = arith.constant 0 : i32
        %parallel_loop3A_1853 = arith.addi %parallel_loop3A_1850, %parallel_loop3A_1852 : i32
        %parallel_loop3A_1854 = arith.index_cast %parallel_loop3A_1853 : i32 to index
        %parallel_loop3A_1855 = tpu.vector_load %arg10[%parallel_loop3A_1854] {strides = array<i32>} : memref<2048xf32, #tpu.memory_space<vmem>>, vector<16xf32>,
        tpu.vector_store %arg10[%parallel_loop3A_1854], %parallel_loop3A_1851 {strides = array<i32>} : memref<2048xf32, #tpu.memory_space<vmem>>, vector<16xf32>,
        %parallel_loop3A_1856 = arith.constant 0.105360515 : f32
        %parallel_loop3A_1857 = vector.broadcast %parallel_loop3A_1856 : f32 to vector<16xf32>
        %parallel_loop3A_1858 = arith.cmpf ogt, %parallel_loop3A_1851, %parallel_loop3A_1857 : vector<16xf32>
        %parallel_loop3A_1859 = arith.constant 0.000000e+00 : f32
        %parallel_loop3A_1860 = vector.broadcast %parallel_loop3A_1859 : f32 to vector<16xf32>
        %parallel_loop3A_1861 = arith.select %parallel_loop3A_1858, %parallel_loop3A_1851, %parallel_loop3A_1860 : vector<16xi1>, vector<16xf32>
        %parallel_loop3A_1862 = arith.addf %parallel_loop3A_872, %parallel_loop3A_1861 : vector<16xf32>
        %parallel_loop3A_1863 = arith.constant 1.000000e+00 : f32
        %parallel_loop3A_1864 = arith.constant 0.000000e+00 : f32
        %parallel_loop3A_1865 = vector.broadcast %parallel_loop3A_1863 : f32 to vector<16xf32>
        %parallel_loop3A_1866 = vector.broadcast %parallel_loop3A_1864 : f32 to vector<16xf32>
        %parallel_loop3A_1867 = arith.select %parallel_loop3A_1858, %parallel_loop3A_1865, %parallel_loop3A_1866 : vector<16xi1>, vector<16xf32>
        %parallel_loop3A_1868 = arith.addf %parallel_loop3A_873, %parallel_loop3A_1867 : vector<16xf32>
        %parallel_loop3A_1869 = arith.subf %parallel_loop3A_1836, %parallel_loop3A_1632 : vector<16xf32>
        %parallel_loop3A_1870 = arith.constant 16 : i32
        %parallel_loop3A_1871 = arith.addi %parallel_loop3A_1850, %parallel_loop3A_1870 : i32
        %parallel_loop3A_1872 = arith.index_cast %parallel_loop3A_1871 : i32 to index
        %parallel_loop3A_1873 = tpu.vector_load %arg10[%parallel_loop3A_1872] {strides = array<i32>} : memref<2048xf32, #tpu.memory_space<vmem>>, vector<16xf32>,
        tpu.vector_store %arg10[%parallel_loop3A_1872], %parallel_loop3A_1869 {strides = array<i32>} : memref<2048xf32, #tpu.memory_space<vmem>>, vector<16xf32>,
        %parallel_loop3A_1874 = arith.constant 0.105360515 : f32
        %parallel_loop3A_1875 = vector.broadcast %parallel_loop3A_1874 : f32 to vector<16xf32>
        %parallel_loop3A_1876 = arith.cmpf ogt, %parallel_loop3A_1869, %parallel_loop3A_1875 : vector<16xf32>
        %parallel_loop3A_1877 = arith.constant 0.000000e+00 : f32
        %parallel_loop3A_1878 = vector.broadcast %parallel_loop3A_1877 : f32 to vector<16xf32>
        %parallel_loop3A_1879 = arith.select %parallel_loop3A_1876, %parallel_loop3A_1869, %parallel_loop3A_1878 : vector<16xi1>, vector<16xf32>
        %parallel_loop3A_1880 = arith.addf %parallel_loop3A_874, %parallel_loop3A_1879 : vector<16xf32>
        %parallel_loop3A_1881 = arith.constant 1.000000e+00 : f32
        %parallel_loop3A_1882 = arith.constant 0.000000e+00 : f32
        %parallel_loop3A_1883 = vector.broadcast %parallel_loop3A_1881 : f32 to vector<16xf32>
        %parallel_loop3A_1884 = vector.broadcast %parallel_loop3A_1882 : f32 to vector<16xf32>
        %parallel_loop3A_1885 = arith.select %parallel_loop3A_1876, %parallel_loop3A_1883, %parallel_loop3A_1884 : vector<16xi1>, vector<16xf32>
        %parallel_loop3A_1886 = arith.addf %parallel_loop3A_875, %parallel_loop3A_1885 : vector<16xf32>
        %parallel_loop3A_1887 = arith.subf %parallel_loop3A_1842, %parallel_loop3A_1636 : vector<16xf32>
        %parallel_loop3A_1888 = arith.constant 32 : i32
        %parallel_loop3A_1889 = arith.addi %parallel_loop3A_1850, %parallel_loop3A_1888 : i32
        %parallel_loop3A_1890 = arith.index_cast %parallel_loop3A_1889 : i32 to index
        %parallel_loop3A_1891 = tpu.vector_load %arg10[%parallel_loop3A_1890] {strides = array<i32>} : memref<2048xf32, #tpu.memory_space<vmem>>, vector<16xf32>,
        tpu.vector_store %arg10[%parallel_loop3A_1890], %parallel_loop3A_1887 {strides = array<i32>} : memref<2048xf32, #tpu.memory_space<vmem>>, vector<16xf32>,
        %parallel_loop3A_1892 = arith.constant 0.105360515 : f32
        %parallel_loop3A_1893 = vector.broadcast %parallel_loop3A_1892 : f32 to vector<16xf32>
        %parallel_loop3A_1894 = arith.cmpf ogt, %parallel_loop3A_1887, %parallel_loop3A_1893 : vector<16xf32>
        %parallel_loop3A_1895 = arith.constant 0.000000e+00 : f32
        %parallel_loop3A_1896 = vector.broadcast %parallel_loop3A_1895 : f32 to vector<16xf32>
        %parallel_loop3A_1897 = arith.select %parallel_loop3A_1894, %parallel_loop3A_1887, %parallel_loop3A_1896 : vector<16xi1>, vector<16xf32>
        %parallel_loop3A_1898 = arith.addf %parallel_loop3A_876, %parallel_loop3A_1897 : vector<16xf32>
        %parallel_loop3A_1899 = arith.constant 1.000000e+00 : f32
        %parallel_loop3A_1900 = arith.constant 0.000000e+00 : f32
        %parallel_loop3A_1901 = vector.broadcast %parallel_loop3A_1899 : f32 to vector<16xf32>
        %parallel_loop3A_1902 = vector.broadcast %parallel_loop3A_1900 : f32 to vector<16xf32>
        %parallel_loop3A_1903 = arith.select %parallel_loop3A_1894, %parallel_loop3A_1901, %parallel_loop3A_1902 : vector<16xi1>, vector<16xf32>
        %parallel_loop3A_1904 = arith.addf %parallel_loop3A_877, %parallel_loop3A_1903 : vector<16xf32>
        %parallel_loop3A_1905 = arith.subf %parallel_loop3A_1848, %parallel_loop3A_1640 : vector<16xf32>
        %parallel_loop3A_1906 = arith.constant 48 : i32
        %parallel_loop3A_1907 = arith.addi %parallel_loop3A_1850, %parallel_loop3A_1906 : i32
        %parallel_loop3A_1908 = arith.index_cast %parallel_loop3A_1907 : i32 to index
        %parallel_loop3A_1909 = tpu.vector_load %arg10[%parallel_loop3A_1908] {strides = array<i32>} : memref<2048xf32, #tpu.memory_space<vmem>>, vector<16xf32>,
        tpu.vector_store %arg10[%parallel_loop3A_1908], %parallel_loop3A_1905 {strides = array<i32>} : memref<2048xf32, #tpu.memory_space<vmem>>, vector<16xf32>,
        %parallel_loop3A_1910 = arith.constant 0.105360515 : f32
        %parallel_loop3A_1911 = vector.broadcast %parallel_loop3A_1910 : f32 to vector<16xf32>
        %parallel_loop3A_1912 = arith.cmpf ogt, %parallel_loop3A_1905, %parallel_loop3A_1911 : vector<16xf32>
        %parallel_loop3A_1913 = arith.constant 0.000000e+00 : f32
        %parallel_loop3A_1914 = vector.broadcast %parallel_loop3A_1913 : f32 to vector<16xf32>
        %parallel_loop3A_1915 = arith.select %parallel_loop3A_1912, %parallel_loop3A_1905, %parallel_loop3A_1914 : vector<16xi1>, vector<16xf32>
        %parallel_loop3A_1916 = arith.addf %parallel_loop3A_878, %parallel_loop3A_1915 : vector<16xf32>
        %parallel_loop3A_1917 = arith.constant 1.000000e+00 : f32
        %parallel_loop3A_1918 = arith.constant 0.000000e+00 : f32
        %parallel_loop3A_1919 = vector.broadcast %parallel_loop3A_1917 : f32 to vector<16xf32>
        %parallel_loop3A_1920 = vector.broadcast %parallel_loop3A_1918 : f32 to vector<16xf32>
        %parallel_loop3A_1921 = arith.select %parallel_loop3A_1912, %parallel_loop3A_1919, %parallel_loop3A_1920 : vector<16xi1>, vector<16xf32>
        %parallel_loop3A_1922 = arith.addf %parallel_loop3A_879, %parallel_loop3A_1921 : vector<16xf32>
        scf.yield %parallel_loop3A_1862, %parallel_loop3A_1868, %parallel_loop3A_1880, %parallel_loop3A_1886, %parallel_loop3A_1898, %parallel_loop3A_1904, %parallel_loop3A_1916, %parallel_loop3A_1922 : vector<16xf32>, vector<16xf32>, vector<16xf32>, vector<16xf32>, vector<16xf32>, vector<16xf32>, vector<16xf32>, vector<16xf32>
      } {sc.loop_unroll_factor = 2 : i64, sc.parallel_access}
      %jit3A_728 = arith.constant 4 : i32
      %div3A_729 = arith.divsi %add3A_702, %jit3A_728 : i32
      %sign3A_730 = arith.constant 0 : i32
      %sign3A_731 = arith.cmpi sgt, %add3A_702, %sign3A_730 : i32
      %sign3A_732 = arith.extui %sign3A_731 : i1 to i32
      %sign3A_733 = arith.constant 0 : i32
      %sign3A_734 = arith.cmpi slt, %add3A_702, %sign3A_733 : i32
      %sign3A_735 = arith.extui %sign3A_734 : i1 to i32
      %sign3A_736 = arith.subi %sign3A_732, %sign3A_735 : i32
      %sign3A_737 = arith.constant 0 : i32
      %sign3A_738 = arith.cmpi sgt, %jit3A_728, %sign3A_737 : i32
      %sign3A_739 = arith.extui %sign3A_738 : i1 to i32
      %sign3A_740 = arith.constant 0 : i32
      %sign3A_741 = arith.cmpi slt, %jit3A_728, %sign3A_740 : i32
      %sign3A_742 = arith.extui %sign3A_741 : i1 to i32
      %sign3A_743 = arith.subi %sign3A_739, %sign3A_742 : i32
      %ne3A_744 = arith.cmpi ne, %sign3A_736, %sign3A_743 : i32
      %rem3A_745 = arith.remsi %add3A_702, %jit3A_728 : i32
      %ne3A_746 = arith.constant 0 : i32
      %ne3A_747 = arith.cmpi ne, %rem3A_745, %ne3A_746 : i32
      %and3A_748 = arith.andi %ne3A_744, %ne3A_747 : i1
      %sub3A_749 = arith.constant 1 : i32
      %sub3A_750 = arith.subi %div3A_729, %sub3A_749 : i32
      %select_n3A_751 = arith.select %and3A_748, %sub3A_750, %div3A_729 : i32
      %mul3A_752 = arith.constant 262144 : i32
      %mul3A_753 = arith.muli %select_n3A_751, %mul3A_752 : i32
      %add3A_754 = arith.addi %mul3A_753, %mul3A_2 : i32
      %jit3A_755 = arith.constant 4 : i32
      %eq3A_756 = arith.constant 0 : i32
      %eq3A_757 = arith.cmpi eq, %jit3A_755, %eq3A_756 : i32
      %jit3A_758 = arith.constant 1 : i32
      %select_n3A_759 = arith.select %eq3A_757, %jit3A_758, %jit3A_755 : i32
      %rem3A_760 = arith.remsi %add3A_702, %select_n3A_759 : i32
      %ne3A_761 = arith.constant 0 : i32
      %ne3A_762 = arith.cmpi ne, %rem3A_760, %ne3A_761 : i32
      %lt3A_763 = arith.constant 0 : i32
      %lt3A_764 = arith.cmpi slt, %rem3A_760, %lt3A_763 : i32
      %lt3A_765 = arith.constant 0 : i32
      %lt3A_766 = arith.cmpi slt, %select_n3A_759, %lt3A_765 : i32
      %ne3A_767 = arith.xori %lt3A_764, %lt3A_766 : i1
      %and3A_768 = arith.andi %ne3A_767, %ne3A_762 : i1
      %add3A_769 = arith.addi %rem3A_760, %select_n3A_759 : i32
      %select_n3A_770 = arith.select %and3A_768, %add3A_769, %rem3A_760 : i32
      %mul3A_771 = arith.constant 2048 : i32
      %mul3A_772 = arith.muli %select_n3A_770, %mul3A_771 : i32
      %add3A_773 = arith.addi %add3A_754, %mul3A_772 : i32
      %dma_start3A_774 = tpu.memref_slice %arg5[%add3A_773] : memref<2097152xf32, #tpu.memory_space<hbm>> -> memref<2048xf32, #tpu.memory_space<hbm>>
      %dma_start3A_775 = tpu.memref_slice %arg5[%add3A_773] : memref<2097152xf32, #tpu.memory_space<hbm>> -> memref<2048xf32, #tpu.memory_space<hbm>>
      tpu.enqueue_dma source(%arg10 : memref<2048xf32, #tpu.memory_space<vmem>>) target(%dma_start3A_775 : memref<2048xf32, #tpu.memory_space<hbm>>) target_semaphore(%arg17 : memref<!tpu.dma_semaphore, #tpu.memory_space<semaphore_mem>>)
      %add3A_776 = arith.constant 2 : i32
      %add3A_777 = arith.addi %add3A_702, %add3A_776 : i32
      %lt3A_778 = arith.constant 32 : i32
      %lt3A_779 = arith.cmpi slt, %add3A_777, %lt3A_778 : i32
      %convert_element_type3A_780 = arith.extui %lt3A_779 : i1 to i32
      %cond3A_781 = arith.constant 0 : i32
      %cond3A_782 = arith.cmpi ne, %convert_element_type3A_780, %cond3A_781 : i32
      scf.if %cond3A_782 {
        %add3A_871 = arith.constant 2 : i32
        %add3A_872 = arith.addi %add3A_702, %add3A_871 : i32
        %jit3A_873 = arith.constant 4 : i32
        %div3A_874 = arith.divsi %add3A_872, %jit3A_873 : i32
        %sign3A_875 = arith.constant 0 : i32
        %sign3A_876 = arith.cmpi sgt, %add3A_872, %sign3A_875 : i32
        %sign3A_877 = arith.extui %sign3A_876 : i1 to i32
        %sign3A_878 = arith.constant 0 : i32
        %sign3A_879 = arith.cmpi slt, %add3A_872, %sign3A_878 : i32
        %sign3A_880 = arith.extui %sign3A_879 : i1 to i32
        %sign3A_881 = arith.subi %sign3A_877, %sign3A_880 : i32
        %sign3A_882 = arith.constant 0 : i32
        %sign3A_883 = arith.cmpi sgt, %jit3A_873, %sign3A_882 : i32
        %sign3A_884 = arith.extui %sign3A_883 : i1 to i32
        %sign3A_885 = arith.constant 0 : i32
        %sign3A_886 = arith.cmpi slt, %jit3A_873, %sign3A_885 : i32
        %sign3A_887 = arith.extui %sign3A_886 : i1 to i32
        %sign3A_888 = arith.subi %sign3A_884, %sign3A_887 : i32
        %ne3A_889 = arith.cmpi ne, %sign3A_881, %sign3A_888 : i32
        %rem3A_890 = arith.remsi %add3A_872, %jit3A_873 : i32
        %ne3A_891 = arith.constant 0 : i32
        %ne3A_892 = arith.cmpi ne, %rem3A_890, %ne3A_891 : i32
        %and3A_893 = arith.andi %ne3A_889, %ne3A_892 : i1
        %sub3A_894 = arith.constant 1 : i32
        %sub3A_895 = arith.subi %div3A_874, %sub3A_894 : i32
        %select_n3A_896 = arith.select %and3A_893, %sub3A_895, %div3A_874 : i32
        %mul3A_897 = arith.constant 8 : i32
        %mul3A_898 = arith.muli %add3A, %mul3A_897 : i32
        %jit3A_899 = arith.constant 4 : i32
        %eq3A_900 = arith.constant 0 : i32
        %eq3A_901 = arith.cmpi eq, %jit3A_899, %eq3A_900 : i32
        %jit3A_902 = arith.constant 1 : i32
        %select_n3A_903 = arith.select %eq3A_901, %jit3A_902, %jit3A_899 : i32
        %rem3A_904 = arith.remsi %add3A_872, %select_n3A_903 : i32
        %ne3A_905 = arith.constant 0 : i32
        %ne3A_906 = arith.cmpi ne, %rem3A_904, %ne3A_905 : i32
        %lt3A_907 = arith.constant 0 : i32
        %lt3A_908 = arith.cmpi slt, %rem3A_904, %lt3A_907 : i32
        %lt3A_909 = arith.constant 0 : i32
        %lt3A_910 = arith.cmpi slt, %select_n3A_903, %lt3A_909 : i32
        %ne3A_911 = arith.xori %lt3A_908, %lt3A_910 : i1
        %and3A_912 = arith.andi %ne3A_911, %ne3A_906 : i1
        %add3A_913 = arith.addi %rem3A_904, %select_n3A_903 : i32
        %select_n3A_914 = arith.select %and3A_912, %add3A_913, %rem3A_904 : i32
        %mul3A_915 = arith.constant 2 : i32
        %mul3A_916 = arith.muli %select_n3A_914, %mul3A_915 : i32
        %add3A_917 = arith.addi %mul3A_898, %mul3A_916 : i32
        %jit3A_918 = arith.constant 4 : i32
        %div3A_919 = arith.divsi %add3A_917, %jit3A_918 : i32
        %sign3A_920 = arith.constant 0 : i32
        %sign3A_921 = arith.cmpi sgt, %add3A_917, %sign3A_920 : i32
        %sign3A_922 = arith.extui %sign3A_921 : i1 to i32
        %sign3A_923 = arith.constant 0 : i32
        %sign3A_924 = arith.cmpi slt, %add3A_917, %sign3A_923 : i32
        %sign3A_925 = arith.extui %sign3A_924 : i1 to i32
        %sign3A_926 = arith.subi %sign3A_922, %sign3A_925 : i32
        %sign3A_927 = arith.constant 0 : i32
        %sign3A_928 = arith.cmpi sgt, %jit3A_918, %sign3A_927 : i32
        %sign3A_929 = arith.extui %sign3A_928 : i1 to i32
        %sign3A_930 = arith.constant 0 : i32
        %sign3A_931 = arith.cmpi slt, %jit3A_918, %sign3A_930 : i32
        %sign3A_932 = arith.extui %sign3A_931 : i1 to i32
        %sign3A_933 = arith.subi %sign3A_929, %sign3A_932 : i32
        %ne3A_934 = arith.cmpi ne, %sign3A_926, %sign3A_933 : i32
        %rem3A_935 = arith.remsi %add3A_917, %jit3A_918 : i32
        %ne3A_936 = arith.constant 0 : i32
        %ne3A_937 = arith.cmpi ne, %rem3A_935, %ne3A_936 : i32
        %and3A_938 = arith.andi %ne3A_934, %ne3A_937 : i1
        %sub3A_939 = arith.constant 1 : i32
        %sub3A_940 = arith.subi %div3A_919, %sub3A_939 : i32
        %select_n3A_941 = arith.select %and3A_938, %sub3A_940, %div3A_919 : i32
        %mul3A_942 = arith.constant 8 : i32
        %mul3A_943 = arith.muli %select_n3A_941, %mul3A_942 : i32
        %jit3A_944 = arith.constant 4 : i32
        %eq3A_945 = arith.constant 0 : i32
        %eq3A_946 = arith.cmpi eq, %jit3A_944, %eq3A_945 : i32
        %jit3A_947 = arith.constant 1 : i32
        %select_n3A_948 = arith.select %eq3A_946, %jit3A_947, %jit3A_944 : i32
        %rem3A_949 = arith.remsi %add3A_917, %select_n3A_948 : i32
        %ne3A_950 = arith.constant 0 : i32
        %ne3A_951 = arith.cmpi ne, %rem3A_949, %ne3A_950 : i32
        %lt3A_952 = arith.constant 0 : i32
        %lt3A_953 = arith.cmpi slt, %rem3A_949, %lt3A_952 : i32
        %lt3A_954 = arith.constant 0 : i32
        %lt3A_955 = arith.cmpi slt, %select_n3A_948, %lt3A_954 : i32
        %ne3A_956 = arith.xori %lt3A_953, %lt3A_955 : i1
        %and3A_957 = arith.andi %ne3A_956, %ne3A_951 : i1
        %add3A_958 = arith.addi %rem3A_949, %select_n3A_948 : i32
        %select_n3A_959 = arith.select %and3A_957, %add3A_958, %rem3A_949 : i32
        %mul3A_960 = arith.constant 128 : i32
        %mul3A_961 = arith.muli %select_n3A_959, %mul3A_960 : i32
        %dma_start3A_962 = arith.constant 0 : i32
        %dma_start3A_963 = arith.constant 0 : i32
        %dma_start3A_964 = arith.constant 0 : i32
        %dma_start3A_965 = arith.constant 0 : i32
        %dma_start3A_966 = tpu.memref_slice %arg6[%dma_start3A_963, %dma_start3A_964, %dma_start3A_965] : memref<19x8x256xf32, #tpu.memory_space<vmem>> -> memref<1x8x256xf32, #tpu.memory_space<vmem>>
        %dma_start3A_967 = tpu.memref_squeeze %dma_start3A_966 : memref<1x8x256xf32, #tpu.memory_space<vmem>> -> memref<8x256xf32, #tpu.memory_space<vmem>>
        %dma_start3A_968 = tpu.memref_slice %arg2[%select_n3A_896, %dma_start3A_962, %mul3A_943, %mul3A_961] : memref<8x19x512x512xf32, #tpu.memory_space<hbm>> -> memref<1x1x8x256xf32, #tpu.memory_space<hbm>>
        %dma_start3A_969 = tpu.memref_squeeze %dma_start3A_968 : memref<1x1x8x256xf32, #tpu.memory_space<hbm>> -> memref<8x256xf32, #tpu.memory_space<hbm>>
        %dma_start3A_970 = arith.constant 0 : i32
        %dma_start3A_971 = arith.constant 0 : i32
        %dma_start3A_972 = tpu.memref_slice %arg6[%dma_start3A_963, %dma_start3A_970, %dma_start3A_971] : memref<19x8x256xf32, #tpu.memory_space<vmem>> -> memref<1x8x256xf32, #tpu.memory_space<vmem>>
        %dma_start3A_973 = tpu.memref_squeeze %dma_start3A_972 : memref<1x8x256xf32, #tpu.memory_space<vmem>> -> memref<8x256xf32, #tpu.memory_space<vmem>>
        %dma_start3A_974 = tpu.memref_slice %arg2[%select_n3A_896, %dma_start3A_962, %mul3A_943, %mul3A_961] : memref<8x19x512x512xf32, #tpu.memory_space<hbm>> -> memref<1x1x8x256xf32, #tpu.memory_space<hbm>>
        %dma_start3A_975 = tpu.memref_squeeze %dma_start3A_974 : memref<1x1x8x256xf32, #tpu.memory_space<hbm>> -> memref<8x256xf32, #tpu.memory_space<hbm>>
        tpu.enqueue_dma source(%dma_start3A_975 : memref<8x256xf32, #tpu.memory_space<hbm>>) target(%dma_start3A_973 : memref<8x256xf32, #tpu.memory_space<vmem>>) target_semaphore(%arg13 : memref<!tpu.dma_semaphore, #tpu.memory_space<semaphore_mem>>)
        %dma_start3A_976 = arith.constant 1 : i32
        %dma_start3A_977 = arith.constant 1 : i32
        %dma_start3A_978 = arith.constant 0 : i32
        %dma_start3A_979 = arith.constant 0 : i32
        %dma_start3A_980 = tpu.memref_slice %arg6[%dma_start3A_977, %dma_start3A_978, %dma_start3A_979] : memref<19x8x256xf32, #tpu.memory_space<vmem>> -> memref<1x8x256xf32, #tpu.memory_space<vmem>>
        %dma_start3A_981 = tpu.memref_squeeze %dma_start3A_980 : memref<1x8x256xf32, #tpu.memory_space<vmem>> -> memref<8x256xf32, #tpu.memory_space<vmem>>
        %dma_start3A_982 = tpu.memref_slice %arg2[%select_n3A_896, %dma_start3A_976, %mul3A_943, %mul3A_961] : memref<8x19x512x512xf32, #tpu.memory_space<hbm>> -> memref<1x1x8x256xf32, #tpu.memory_space<hbm>>
        %dma_start3A_983 = tpu.memref_squeeze %dma_start3A_982 : memref<1x1x8x256xf32, #tpu.memory_space<hbm>> -> memref<8x256xf32, #tpu.memory_space<hbm>>
        %dma_start3A_984 = arith.constant 0 : i32
        %dma_start3A_985 = arith.constant 0 : i32
        %dma_start3A_986 = tpu.memref_slice %arg6[%dma_start3A_977, %dma_start3A_984, %dma_start3A_985] : memref<19x8x256xf32, #tpu.memory_space<vmem>> -> memref<1x8x256xf32, #tpu.memory_space<vmem>>
        %dma_start3A_987 = tpu.memref_squeeze %dma_start3A_986 : memref<1x8x256xf32, #tpu.memory_space<vmem>> -> memref<8x256xf32, #tpu.memory_space<vmem>>
        %dma_start3A_988 = tpu.memref_slice %arg2[%select_n3A_896, %dma_start3A_976, %mul3A_943, %mul3A_961] : memref<8x19x512x512xf32, #tpu.memory_space<hbm>> -> memref<1x1x8x256xf32, #tpu.memory_space<hbm>>
        %dma_start3A_989 = tpu.memref_squeeze %dma_start3A_988 : memref<1x1x8x256xf32, #tpu.memory_space<hbm>> -> memref<8x256xf32, #tpu.memory_space<hbm>>
        tpu.enqueue_dma source(%dma_start3A_989 : memref<8x256xf32, #tpu.memory_space<hbm>>) target(%dma_start3A_987 : memref<8x256xf32, #tpu.memory_space<vmem>>) target_semaphore(%arg13 : memref<!tpu.dma_semaphore, #tpu.memory_space<semaphore_mem>>)
        %dma_start3A_990 = arith.constant 2 : i32
        %dma_start3A_991 = arith.constant 2 : i32
        %dma_start3A_992 = arith.constant 0 : i32
        %dma_start3A_993 = arith.constant 0 : i32
        %dma_start3A_994 = tpu.memref_slice %arg6[%dma_start3A_991, %dma_start3A_992, %dma_start3A_993] : memref<19x8x256xf32, #tpu.memory_space<vmem>> -> memref<1x8x256xf32, #tpu.memory_space<vmem>>
        %dma_start3A_995 = tpu.memref_squeeze %dma_start3A_994 : memref<1x8x256xf32, #tpu.memory_space<vmem>> -> memref<8x256xf32, #tpu.memory_space<vmem>>
        %dma_start3A_996 = tpu.memref_slice %arg2[%select_n3A_896, %dma_start3A_990, %mul3A_943, %mul3A_961] : memref<8x19x512x512xf32, #tpu.memory_space<hbm>> -> memref<1x1x8x256xf32, #tpu.memory_space<hbm>>
        %dma_start3A_997 = tpu.memref_squeeze %dma_start3A_996 : memref<1x1x8x256xf32, #tpu.memory_space<hbm>> -> memref<8x256xf32, #tpu.memory_space<hbm>>
        %dma_start3A_998 = arith.constant 0 : i32
        %dma_start3A_999 = arith.constant 0 : i32
        %dma_start3A_1000 = tpu.memref_slice %arg6[%dma_start3A_991, %dma_start3A_998, %dma_start3A_999] : memref<19x8x256xf32, #tpu.memory_space<vmem>> -> memref<1x8x256xf32, #tpu.memory_space<vmem>>
        %dma_start3A_1001 = tpu.memref_squeeze %dma_start3A_1000 : memref<1x8x256xf32, #tpu.memory_space<vmem>> -> memref<8x256xf32, #tpu.memory_space<vmem>>
        %dma_start3A_1002 = tpu.memref_slice %arg2[%select_n3A_896, %dma_start3A_990, %mul3A_943, %mul3A_961] : memref<8x19x512x512xf32, #tpu.memory_space<hbm>> -> memref<1x1x8x256xf32, #tpu.memory_space<hbm>>
        %dma_start3A_1003 = tpu.memref_squeeze %dma_start3A_1002 : memref<1x1x8x256xf32, #tpu.memory_space<hbm>> -> memref<8x256xf32, #tpu.memory_space<hbm>>
        tpu.enqueue_dma source(%dma_start3A_1003 : memref<8x256xf32, #tpu.memory_space<hbm>>) target(%dma_start3A_1001 : memref<8x256xf32, #tpu.memory_space<vmem>>) target_semaphore(%arg13 : memref<!tpu.dma_semaphore, #tpu.memory_space<semaphore_mem>>)
        %dma_start3A_1004 = arith.constant 3 : i32
        %dma_start3A_1005 = arith.constant 3 : i32
        %dma_start3A_1006 = arith.constant 0 : i32
        %dma_start3A_1007 = arith.constant 0 : i32
        %dma_start3A_1008 = tpu.memref_slice %arg6[%dma_start3A_1005, %dma_start3A_1006, %dma_start3A_1007] : memref<19x8x256xf32, #tpu.memory_space<vmem>> -> memref<1x8x256xf32, #tpu.memory_space<vmem>>
        %dma_start3A_1009 = tpu.memref_squeeze %dma_start3A_1008 : memref<1x8x256xf32, #tpu.memory_space<vmem>> -> memref<8x256xf32, #tpu.memory_space<vmem>>
        %dma_start3A_1010 = tpu.memref_slice %arg2[%select_n3A_896, %dma_start3A_1004, %mul3A_943, %mul3A_961] : memref<8x19x512x512xf32, #tpu.memory_space<hbm>> -> memref<1x1x8x256xf32, #tpu.memory_space<hbm>>
        %dma_start3A_1011 = tpu.memref_squeeze %dma_start3A_1010 : memref<1x1x8x256xf32, #tpu.memory_space<hbm>> -> memref<8x256xf32, #tpu.memory_space<hbm>>
        %dma_start3A_1012 = arith.constant 0 : i32
        %dma_start3A_1013 = arith.constant 0 : i32
        %dma_start3A_1014 = tpu.memref_slice %arg6[%dma_start3A_1005, %dma_start3A_1012, %dma_start3A_1013] : memref<19x8x256xf32, #tpu.memory_space<vmem>> -> memref<1x8x256xf32, #tpu.memory_space<vmem>>
        %dma_start3A_1015 = tpu.memref_squeeze %dma_start3A_1014 : memref<1x8x256xf32, #tpu.memory_space<vmem>> -> memref<8x256xf32, #tpu.memory_space<vmem>>
        %dma_start3A_1016 = tpu.memref_slice %arg2[%select_n3A_896, %dma_start3A_1004, %mul3A_943, %mul3A_961] : memref<8x19x512x512xf32, #tpu.memory_space<hbm>> -> memref<1x1x8x256xf32, #tpu.memory_space<hbm>>
        %dma_start3A_1017 = tpu.memref_squeeze %dma_start3A_1016 : memref<1x1x8x256xf32, #tpu.memory_space<hbm>> -> memref<8x256xf32, #tpu.memory_space<hbm>>
        tpu.enqueue_dma source(%dma_start3A_1017 : memref<8x256xf32, #tpu.memory_space<hbm>>) target(%dma_start3A_1015 : memref<8x256xf32, #tpu.memory_space<vmem>>) target_semaphore(%arg13 : memref<!tpu.dma_semaphore, #tpu.memory_space<semaphore_mem>>)
        %dma_start3A_1018 = arith.constant 4 : i32
        %dma_start3A_1019 = arith.constant 4 : i32
        %dma_start3A_1020 = arith.constant 0 : i32
        %dma_start3A_1021 = arith.constant 0 : i32
        %dma_start3A_1022 = tpu.memref_slice %arg6[%dma_start3A_1019, %dma_start3A_1020, %dma_start3A_1021] : memref<19x8x256xf32, #tpu.memory_space<vmem>> -> memref<1x8x256xf32, #tpu.memory_space<vmem>>
        %dma_start3A_1023 = tpu.memref_squeeze %dma_start3A_1022 : memref<1x8x256xf32, #tpu.memory_space<vmem>> -> memref<8x256xf32, #tpu.memory_space<vmem>>
        %dma_start3A_1024 = tpu.memref_slice %arg2[%select_n3A_896, %dma_start3A_1018, %mul3A_943, %mul3A_961] : memref<8x19x512x512xf32, #tpu.memory_space<hbm>> -> memref<1x1x8x256xf32, #tpu.memory_space<hbm>>
        %dma_start3A_1025 = tpu.memref_squeeze %dma_start3A_1024 : memref<1x1x8x256xf32, #tpu.memory_space<hbm>> -> memref<8x256xf32, #tpu.memory_space<hbm>>
        %dma_start3A_1026 = arith.constant 0 : i32
        %dma_start3A_1027 = arith.constant 0 : i32
        %dma_start3A_1028 = tpu.memref_slice %arg6[%dma_start3A_1019, %dma_start3A_1026, %dma_start3A_1027] : memref<19x8x256xf32, #tpu.memory_space<vmem>> -> memref<1x8x256xf32, #tpu.memory_space<vmem>>
        %dma_start3A_1029 = tpu.memref_squeeze %dma_start3A_1028 : memref<1x8x256xf32, #tpu.memory_space<vmem>> -> memref<8x256xf32, #tpu.memory_space<vmem>>
        %dma_start3A_1030 = tpu.memref_slice %arg2[%select_n3A_896, %dma_start3A_1018, %mul3A_943, %mul3A_961] : memref<8x19x512x512xf32, #tpu.memory_space<hbm>> -> memref<1x1x8x256xf32, #tpu.memory_space<hbm>>
        %dma_start3A_1031 = tpu.memref_squeeze %dma_start3A_1030 : memref<1x1x8x256xf32, #tpu.memory_space<hbm>> -> memref<8x256xf32, #tpu.memory_space<hbm>>
        tpu.enqueue_dma source(%dma_start3A_1031 : memref<8x256xf32, #tpu.memory_space<hbm>>) target(%dma_start3A_1029 : memref<8x256xf32, #tpu.memory_space<vmem>>) target_semaphore(%arg13 : memref<!tpu.dma_semaphore, #tpu.memory_space<semaphore_mem>>)
        %dma_start3A_1032 = arith.constant 5 : i32
        %dma_start3A_1033 = arith.constant 5 : i32
        %dma_start3A_1034 = arith.constant 0 : i32
        %dma_start3A_1035 = arith.constant 0 : i32
        %dma_start3A_1036 = tpu.memref_slice %arg6[%dma_start3A_1033, %dma_start3A_1034, %dma_start3A_1035] : memref<19x8x256xf32, #tpu.memory_space<vmem>> -> memref<1x8x256xf32, #tpu.memory_space<vmem>>
        %dma_start3A_1037 = tpu.memref_squeeze %dma_start3A_1036 : memref<1x8x256xf32, #tpu.memory_space<vmem>> -> memref<8x256xf32, #tpu.memory_space<vmem>>
        %dma_start3A_1038 = tpu.memref_slice %arg2[%select_n3A_896, %dma_start3A_1032, %mul3A_943, %mul3A_961] : memref<8x19x512x512xf32, #tpu.memory_space<hbm>> -> memref<1x1x8x256xf32, #tpu.memory_space<hbm>>
        %dma_start3A_1039 = tpu.memref_squeeze %dma_start3A_1038 : memref<1x1x8x256xf32, #tpu.memory_space<hbm>> -> memref<8x256xf32, #tpu.memory_space<hbm>>
        %dma_start3A_1040 = arith.constant 0 : i32
        %dma_start3A_1041 = arith.constant 0 : i32
        %dma_start3A_1042 = tpu.memref_slice %arg6[%dma_start3A_1033, %dma_start3A_1040, %dma_start3A_1041] : memref<19x8x256xf32, #tpu.memory_space<vmem>> -> memref<1x8x256xf32, #tpu.memory_space<vmem>>
        %dma_start3A_1043 = tpu.memref_squeeze %dma_start3A_1042 : memref<1x8x256xf32, #tpu.memory_space<vmem>> -> memref<8x256xf32, #tpu.memory_space<vmem>>
        %dma_start3A_1044 = tpu.memref_slice %arg2[%select_n3A_896, %dma_start3A_1032, %mul3A_943, %mul3A_961] : memref<8x19x512x512xf32, #tpu.memory_space<hbm>> -> memref<1x1x8x256xf32, #tpu.memory_space<hbm>>
        %dma_start3A_1045 = tpu.memref_squeeze %dma_start3A_1044 : memref<1x1x8x256xf32, #tpu.memory_space<hbm>> -> memref<8x256xf32, #tpu.memory_space<hbm>>
        tpu.enqueue_dma source(%dma_start3A_1045 : memref<8x256xf32, #tpu.memory_space<hbm>>) target(%dma_start3A_1043 : memref<8x256xf32, #tpu.memory_space<vmem>>) target_semaphore(%arg13 : memref<!tpu.dma_semaphore, #tpu.memory_space<semaphore_mem>>)
        %dma_start3A_1046 = arith.constant 6 : i32
        %dma_start3A_1047 = arith.constant 6 : i32
        %dma_start3A_1048 = arith.constant 0 : i32
        %dma_start3A_1049 = arith.constant 0 : i32
        %dma_start3A_1050 = tpu.memref_slice %arg6[%dma_start3A_1047, %dma_start3A_1048, %dma_start3A_1049] : memref<19x8x256xf32, #tpu.memory_space<vmem>> -> memref<1x8x256xf32, #tpu.memory_space<vmem>>
        %dma_start3A_1051 = tpu.memref_squeeze %dma_start3A_1050 : memref<1x8x256xf32, #tpu.memory_space<vmem>> -> memref<8x256xf32, #tpu.memory_space<vmem>>
        %dma_start3A_1052 = tpu.memref_slice %arg2[%select_n3A_896, %dma_start3A_1046, %mul3A_943, %mul3A_961] : memref<8x19x512x512xf32, #tpu.memory_space<hbm>> -> memref<1x1x8x256xf32, #tpu.memory_space<hbm>>
        %dma_start3A_1053 = tpu.memref_squeeze %dma_start3A_1052 : memref<1x1x8x256xf32, #tpu.memory_space<hbm>> -> memref<8x256xf32, #tpu.memory_space<hbm>>
        %dma_start3A_1054 = arith.constant 0 : i32
        %dma_start3A_1055 = arith.constant 0 : i32
        %dma_start3A_1056 = tpu.memref_slice %arg6[%dma_start3A_1047, %dma_start3A_1054, %dma_start3A_1055] : memref<19x8x256xf32, #tpu.memory_space<vmem>> -> memref<1x8x256xf32, #tpu.memory_space<vmem>>
        %dma_start3A_1057 = tpu.memref_squeeze %dma_start3A_1056 : memref<1x8x256xf32, #tpu.memory_space<vmem>> -> memref<8x256xf32, #tpu.memory_space<vmem>>
        %dma_start3A_1058 = tpu.memref_slice %arg2[%select_n3A_896, %dma_start3A_1046, %mul3A_943, %mul3A_961] : memref<8x19x512x512xf32, #tpu.memory_space<hbm>> -> memref<1x1x8x256xf32, #tpu.memory_space<hbm>>
        %dma_start3A_1059 = tpu.memref_squeeze %dma_start3A_1058 : memref<1x1x8x256xf32, #tpu.memory_space<hbm>> -> memref<8x256xf32, #tpu.memory_space<hbm>>
        tpu.enqueue_dma source(%dma_start3A_1059 : memref<8x256xf32, #tpu.memory_space<hbm>>) target(%dma_start3A_1057 : memref<8x256xf32, #tpu.memory_space<vmem>>) target_semaphore(%arg13 : memref<!tpu.dma_semaphore, #tpu.memory_space<semaphore_mem>>)
        %dma_start3A_1060 = arith.constant 7 : i32
        %dma_start3A_1061 = arith.constant 7 : i32
        %dma_start3A_1062 = arith.constant 0 : i32
        %dma_start3A_1063 = arith.constant 0 : i32
        %dma_start3A_1064 = tpu.memref_slice %arg6[%dma_start3A_1061, %dma_start3A_1062, %dma_start3A_1063] : memref<19x8x256xf32, #tpu.memory_space<vmem>> -> memref<1x8x256xf32, #tpu.memory_space<vmem>>
        %dma_start3A_1065 = tpu.memref_squeeze %dma_start3A_1064 : memref<1x8x256xf32, #tpu.memory_space<vmem>> -> memref<8x256xf32, #tpu.memory_space<vmem>>
        %dma_start3A_1066 = tpu.memref_slice %arg2[%select_n3A_896, %dma_start3A_1060, %mul3A_943, %mul3A_961] : memref<8x19x512x512xf32, #tpu.memory_space<hbm>> -> memref<1x1x8x256xf32, #tpu.memory_space<hbm>>
        %dma_start3A_1067 = tpu.memref_squeeze %dma_start3A_1066 : memref<1x1x8x256xf32, #tpu.memory_space<hbm>> -> memref<8x256xf32, #tpu.memory_space<hbm>>
        %dma_start3A_1068 = arith.constant 0 : i32
        %dma_start3A_1069 = arith.constant 0 : i32
        %dma_start3A_1070 = tpu.memref_slice %arg6[%dma_start3A_1061, %dma_start3A_1068, %dma_start3A_1069] : memref<19x8x256xf32, #tpu.memory_space<vmem>> -> memref<1x8x256xf32, #tpu.memory_space<vmem>>
        %dma_start3A_1071 = tpu.memref_squeeze %dma_start3A_1070 : memref<1x8x256xf32, #tpu.memory_space<vmem>> -> memref<8x256xf32, #tpu.memory_space<vmem>>
        %dma_start3A_1072 = tpu.memref_slice %arg2[%select_n3A_896, %dma_start3A_1060, %mul3A_943, %mul3A_961] : memref<8x19x512x512xf32, #tpu.memory_space<hbm>> -> memref<1x1x8x256xf32, #tpu.memory_space<hbm>>
        %dma_start3A_1073 = tpu.memref_squeeze %dma_start3A_1072 : memref<1x1x8x256xf32, #tpu.memory_space<hbm>> -> memref<8x256xf32, #tpu.memory_space<hbm>>
        tpu.enqueue_dma source(%dma_start3A_1073 : memref<8x256xf32, #tpu.memory_space<hbm>>) target(%dma_start3A_1071 : memref<8x256xf32, #tpu.memory_space<vmem>>) target_semaphore(%arg13 : memref<!tpu.dma_semaphore, #tpu.memory_space<semaphore_mem>>)
        %dma_start3A_1074 = arith.constant 8 : i32
        %dma_start3A_1075 = arith.constant 8 : i32
        %dma_start3A_1076 = arith.constant 0 : i32
        %dma_start3A_1077 = arith.constant 0 : i32
        %dma_start3A_1078 = tpu.memref_slice %arg6[%dma_start3A_1075, %dma_start3A_1076, %dma_start3A_1077] : memref<19x8x256xf32, #tpu.memory_space<vmem>> -> memref<1x8x256xf32, #tpu.memory_space<vmem>>
        %dma_start3A_1079 = tpu.memref_squeeze %dma_start3A_1078 : memref<1x8x256xf32, #tpu.memory_space<vmem>> -> memref<8x256xf32, #tpu.memory_space<vmem>>
        %dma_start3A_1080 = tpu.memref_slice %arg2[%select_n3A_896, %dma_start3A_1074, %mul3A_943, %mul3A_961] : memref<8x19x512x512xf32, #tpu.memory_space<hbm>> -> memref<1x1x8x256xf32, #tpu.memory_space<hbm>>
        %dma_start3A_1081 = tpu.memref_squeeze %dma_start3A_1080 : memref<1x1x8x256xf32, #tpu.memory_space<hbm>> -> memref<8x256xf32, #tpu.memory_space<hbm>>
        %dma_start3A_1082 = arith.constant 0 : i32
        %dma_start3A_1083 = arith.constant 0 : i32
        %dma_start3A_1084 = tpu.memref_slice %arg6[%dma_start3A_1075, %dma_start3A_1082, %dma_start3A_1083] : memref<19x8x256xf32, #tpu.memory_space<vmem>> -> memref<1x8x256xf32, #tpu.memory_space<vmem>>
        %dma_start3A_1085 = tpu.memref_squeeze %dma_start3A_1084 : memref<1x8x256xf32, #tpu.memory_space<vmem>> -> memref<8x256xf32, #tpu.memory_space<vmem>>
        %dma_start3A_1086 = tpu.memref_slice %arg2[%select_n3A_896, %dma_start3A_1074, %mul3A_943, %mul3A_961] : memref<8x19x512x512xf32, #tpu.memory_space<hbm>> -> memref<1x1x8x256xf32, #tpu.memory_space<hbm>>
        %dma_start3A_1087 = tpu.memref_squeeze %dma_start3A_1086 : memref<1x1x8x256xf32, #tpu.memory_space<hbm>> -> memref<8x256xf32, #tpu.memory_space<hbm>>
        tpu.enqueue_dma source(%dma_start3A_1087 : memref<8x256xf32, #tpu.memory_space<hbm>>) target(%dma_start3A_1085 : memref<8x256xf32, #tpu.memory_space<vmem>>) target_semaphore(%arg13 : memref<!tpu.dma_semaphore, #tpu.memory_space<semaphore_mem>>)
        %dma_start3A_1088 = arith.constant 9 : i32
        %dma_start3A_1089 = arith.constant 9 : i32
        %dma_start3A_1090 = arith.constant 0 : i32
        %dma_start3A_1091 = arith.constant 0 : i32
        %dma_start3A_1092 = tpu.memref_slice %arg6[%dma_start3A_1089, %dma_start3A_1090, %dma_start3A_1091] : memref<19x8x256xf32, #tpu.memory_space<vmem>> -> memref<1x8x256xf32, #tpu.memory_space<vmem>>
        %dma_start3A_1093 = tpu.memref_squeeze %dma_start3A_1092 : memref<1x8x256xf32, #tpu.memory_space<vmem>> -> memref<8x256xf32, #tpu.memory_space<vmem>>
        %dma_start3A_1094 = tpu.memref_slice %arg2[%select_n3A_896, %dma_start3A_1088, %mul3A_943, %mul3A_961] : memref<8x19x512x512xf32, #tpu.memory_space<hbm>> -> memref<1x1x8x256xf32, #tpu.memory_space<hbm>>
        %dma_start3A_1095 = tpu.memref_squeeze %dma_start3A_1094 : memref<1x1x8x256xf32, #tpu.memory_space<hbm>> -> memref<8x256xf32, #tpu.memory_space<hbm>>
        %dma_start3A_1096 = arith.constant 0 : i32
        %dma_start3A_1097 = arith.constant 0 : i32
        %dma_start3A_1098 = tpu.memref_slice %arg6[%dma_start3A_1089, %dma_start3A_1096, %dma_start3A_1097] : memref<19x8x256xf32, #tpu.memory_space<vmem>> -> memref<1x8x256xf32, #tpu.memory_space<vmem>>
        %dma_start3A_1099 = tpu.memref_squeeze %dma_start3A_1098 : memref<1x8x256xf32, #tpu.memory_space<vmem>> -> memref<8x256xf32, #tpu.memory_space<vmem>>
        %dma_start3A_1100 = tpu.memref_slice %arg2[%select_n3A_896, %dma_start3A_1088, %mul3A_943, %mul3A_961] : memref<8x19x512x512xf32, #tpu.memory_space<hbm>> -> memref<1x1x8x256xf32, #tpu.memory_space<hbm>>
        %dma_start3A_1101 = tpu.memref_squeeze %dma_start3A_1100 : memref<1x1x8x256xf32, #tpu.memory_space<hbm>> -> memref<8x256xf32, #tpu.memory_space<hbm>>
        tpu.enqueue_dma source(%dma_start3A_1101 : memref<8x256xf32, #tpu.memory_space<hbm>>) target(%dma_start3A_1099 : memref<8x256xf32, #tpu.memory_space<vmem>>) target_semaphore(%arg13 : memref<!tpu.dma_semaphore, #tpu.memory_space<semaphore_mem>>)
        %dma_start3A_1102 = arith.constant 10 : i32
        %dma_start3A_1103 = arith.constant 10 : i32
        %dma_start3A_1104 = arith.constant 0 : i32
        %dma_start3A_1105 = arith.constant 0 : i32
        %dma_start3A_1106 = tpu.memref_slice %arg6[%dma_start3A_1103, %dma_start3A_1104, %dma_start3A_1105] : memref<19x8x256xf32, #tpu.memory_space<vmem>> -> memref<1x8x256xf32, #tpu.memory_space<vmem>>
        %dma_start3A_1107 = tpu.memref_squeeze %dma_start3A_1106 : memref<1x8x256xf32, #tpu.memory_space<vmem>> -> memref<8x256xf32, #tpu.memory_space<vmem>>
        %dma_start3A_1108 = tpu.memref_slice %arg2[%select_n3A_896, %dma_start3A_1102, %mul3A_943, %mul3A_961] : memref<8x19x512x512xf32, #tpu.memory_space<hbm>> -> memref<1x1x8x256xf32, #tpu.memory_space<hbm>>
        %dma_start3A_1109 = tpu.memref_squeeze %dma_start3A_1108 : memref<1x1x8x256xf32, #tpu.memory_space<hbm>> -> memref<8x256xf32, #tpu.memory_space<hbm>>
        %dma_start3A_1110 = arith.constant 0 : i32
        %dma_start3A_1111 = arith.constant 0 : i32
        %dma_start3A_1112 = tpu.memref_slice %arg6[%dma_start3A_1103, %dma_start3A_1110, %dma_start3A_1111] : memref<19x8x256xf32, #tpu.memory_space<vmem>> -> memref<1x8x256xf32, #tpu.memory_space<vmem>>
        %dma_start3A_1113 = tpu.memref_squeeze %dma_start3A_1112 : memref<1x8x256xf32, #tpu.memory_space<vmem>> -> memref<8x256xf32, #tpu.memory_space<vmem>>
        %dma_start3A_1114 = tpu.memref_slice %arg2[%select_n3A_896, %dma_start3A_1102, %mul3A_943, %mul3A_961] : memref<8x19x512x512xf32, #tpu.memory_space<hbm>> -> memref<1x1x8x256xf32, #tpu.memory_space<hbm>>
        %dma_start3A_1115 = tpu.memref_squeeze %dma_start3A_1114 : memref<1x1x8x256xf32, #tpu.memory_space<hbm>> -> memref<8x256xf32, #tpu.memory_space<hbm>>
        tpu.enqueue_dma source(%dma_start3A_1115 : memref<8x256xf32, #tpu.memory_space<hbm>>) target(%dma_start3A_1113 : memref<8x256xf32, #tpu.memory_space<vmem>>) target_semaphore(%arg13 : memref<!tpu.dma_semaphore, #tpu.memory_space<semaphore_mem>>)
        %dma_start3A_1116 = arith.constant 11 : i32
        %dma_start3A_1117 = arith.constant 11 : i32
        %dma_start3A_1118 = arith.constant 0 : i32
        %dma_start3A_1119 = arith.constant 0 : i32
        %dma_start3A_1120 = tpu.memref_slice %arg6[%dma_start3A_1117, %dma_start3A_1118, %dma_start3A_1119] : memref<19x8x256xf32, #tpu.memory_space<vmem>> -> memref<1x8x256xf32, #tpu.memory_space<vmem>>
        %dma_start3A_1121 = tpu.memref_squeeze %dma_start3A_1120 : memref<1x8x256xf32, #tpu.memory_space<vmem>> -> memref<8x256xf32, #tpu.memory_space<vmem>>
        %dma_start3A_1122 = tpu.memref_slice %arg2[%select_n3A_896, %dma_start3A_1116, %mul3A_943, %mul3A_961] : memref<8x19x512x512xf32, #tpu.memory_space<hbm>> -> memref<1x1x8x256xf32, #tpu.memory_space<hbm>>
        %dma_start3A_1123 = tpu.memref_squeeze %dma_start3A_1122 : memref<1x1x8x256xf32, #tpu.memory_space<hbm>> -> memref<8x256xf32, #tpu.memory_space<hbm>>
        %dma_start3A_1124 = arith.constant 0 : i32
        %dma_start3A_1125 = arith.constant 0 : i32
        %dma_start3A_1126 = tpu.memref_slice %arg6[%dma_start3A_1117, %dma_start3A_1124, %dma_start3A_1125] : memref<19x8x256xf32, #tpu.memory_space<vmem>> -> memref<1x8x256xf32, #tpu.memory_space<vmem>>
        %dma_start3A_1127 = tpu.memref_squeeze %dma_start3A_1126 : memref<1x8x256xf32, #tpu.memory_space<vmem>> -> memref<8x256xf32, #tpu.memory_space<vmem>>
        %dma_start3A_1128 = tpu.memref_slice %arg2[%select_n3A_896, %dma_start3A_1116, %mul3A_943, %mul3A_961] : memref<8x19x512x512xf32, #tpu.memory_space<hbm>> -> memref<1x1x8x256xf32, #tpu.memory_space<hbm>>
        %dma_start3A_1129 = tpu.memref_squeeze %dma_start3A_1128 : memref<1x1x8x256xf32, #tpu.memory_space<hbm>> -> memref<8x256xf32, #tpu.memory_space<hbm>>
        tpu.enqueue_dma source(%dma_start3A_1129 : memref<8x256xf32, #tpu.memory_space<hbm>>) target(%dma_start3A_1127 : memref<8x256xf32, #tpu.memory_space<vmem>>) target_semaphore(%arg13 : memref<!tpu.dma_semaphore, #tpu.memory_space<semaphore_mem>>)
        %dma_start3A_1130 = arith.constant 12 : i32
        %dma_start3A_1131 = arith.constant 12 : i32
        %dma_start3A_1132 = arith.constant 0 : i32
        %dma_start3A_1133 = arith.constant 0 : i32
        %dma_start3A_1134 = tpu.memref_slice %arg6[%dma_start3A_1131, %dma_start3A_1132, %dma_start3A_1133] : memref<19x8x256xf32, #tpu.memory_space<vmem>> -> memref<1x8x256xf32, #tpu.memory_space<vmem>>
        %dma_start3A_1135 = tpu.memref_squeeze %dma_start3A_1134 : memref<1x8x256xf32, #tpu.memory_space<vmem>> -> memref<8x256xf32, #tpu.memory_space<vmem>>
        %dma_start3A_1136 = tpu.memref_slice %arg2[%select_n3A_896, %dma_start3A_1130, %mul3A_943, %mul3A_961] : memref<8x19x512x512xf32, #tpu.memory_space<hbm>> -> memref<1x1x8x256xf32, #tpu.memory_space<hbm>>
        %dma_start3A_1137 = tpu.memref_squeeze %dma_start3A_1136 : memref<1x1x8x256xf32, #tpu.memory_space<hbm>> -> memref<8x256xf32, #tpu.memory_space<hbm>>
        %dma_start3A_1138 = arith.constant 0 : i32
        %dma_start3A_1139 = arith.constant 0 : i32
        %dma_start3A_1140 = tpu.memref_slice %arg6[%dma_start3A_1131, %dma_start3A_1138, %dma_start3A_1139] : memref<19x8x256xf32, #tpu.memory_space<vmem>> -> memref<1x8x256xf32, #tpu.memory_space<vmem>>
        %dma_start3A_1141 = tpu.memref_squeeze %dma_start3A_1140 : memref<1x8x256xf32, #tpu.memory_space<vmem>> -> memref<8x256xf32, #tpu.memory_space<vmem>>
        %dma_start3A_1142 = tpu.memref_slice %arg2[%select_n3A_896, %dma_start3A_1130, %mul3A_943, %mul3A_961] : memref<8x19x512x512xf32, #tpu.memory_space<hbm>> -> memref<1x1x8x256xf32, #tpu.memory_space<hbm>>
        %dma_start3A_1143 = tpu.memref_squeeze %dma_start3A_1142 : memref<1x1x8x256xf32, #tpu.memory_space<hbm>> -> memref<8x256xf32, #tpu.memory_space<hbm>>
        tpu.enqueue_dma source(%dma_start3A_1143 : memref<8x256xf32, #tpu.memory_space<hbm>>) target(%dma_start3A_1141 : memref<8x256xf32, #tpu.memory_space<vmem>>) target_semaphore(%arg13 : memref<!tpu.dma_semaphore, #tpu.memory_space<semaphore_mem>>)
        %dma_start3A_1144 = arith.constant 13 : i32
        %dma_start3A_1145 = arith.constant 13 : i32
        %dma_start3A_1146 = arith.constant 0 : i32
        %dma_start3A_1147 = arith.constant 0 : i32
        %dma_start3A_1148 = tpu.memref_slice %arg6[%dma_start3A_1145, %dma_start3A_1146, %dma_start3A_1147] : memref<19x8x256xf32, #tpu.memory_space<vmem>> -> memref<1x8x256xf32, #tpu.memory_space<vmem>>
        %dma_start3A_1149 = tpu.memref_squeeze %dma_start3A_1148 : memref<1x8x256xf32, #tpu.memory_space<vmem>> -> memref<8x256xf32, #tpu.memory_space<vmem>>
        %dma_start3A_1150 = tpu.memref_slice %arg2[%select_n3A_896, %dma_start3A_1144, %mul3A_943, %mul3A_961] : memref<8x19x512x512xf32, #tpu.memory_space<hbm>> -> memref<1x1x8x256xf32, #tpu.memory_space<hbm>>
        %dma_start3A_1151 = tpu.memref_squeeze %dma_start3A_1150 : memref<1x1x8x256xf32, #tpu.memory_space<hbm>> -> memref<8x256xf32, #tpu.memory_space<hbm>>
        %dma_start3A_1152 = arith.constant 0 : i32
        %dma_start3A_1153 = arith.constant 0 : i32
        %dma_start3A_1154 = tpu.memref_slice %arg6[%dma_start3A_1145, %dma_start3A_1152, %dma_start3A_1153] : memref<19x8x256xf32, #tpu.memory_space<vmem>> -> memref<1x8x256xf32, #tpu.memory_space<vmem>>
        %dma_start3A_1155 = tpu.memref_squeeze %dma_start3A_1154 : memref<1x8x256xf32, #tpu.memory_space<vmem>> -> memref<8x256xf32, #tpu.memory_space<vmem>>
        %dma_start3A_1156 = tpu.memref_slice %arg2[%select_n3A_896, %dma_start3A_1144, %mul3A_943, %mul3A_961] : memref<8x19x512x512xf32, #tpu.memory_space<hbm>> -> memref<1x1x8x256xf32, #tpu.memory_space<hbm>>
        %dma_start3A_1157 = tpu.memref_squeeze %dma_start3A_1156 : memref<1x1x8x256xf32, #tpu.memory_space<hbm>> -> memref<8x256xf32, #tpu.memory_space<hbm>>
        tpu.enqueue_dma source(%dma_start3A_1157 : memref<8x256xf32, #tpu.memory_space<hbm>>) target(%dma_start3A_1155 : memref<8x256xf32, #tpu.memory_space<vmem>>) target_semaphore(%arg13 : memref<!tpu.dma_semaphore, #tpu.memory_space<semaphore_mem>>)
        %dma_start3A_1158 = arith.constant 14 : i32
        %dma_start3A_1159 = arith.constant 14 : i32
        %dma_start3A_1160 = arith.constant 0 : i32
        %dma_start3A_1161 = arith.constant 0 : i32
        %dma_start3A_1162 = tpu.memref_slice %arg6[%dma_start3A_1159, %dma_start3A_1160, %dma_start3A_1161] : memref<19x8x256xf32, #tpu.memory_space<vmem>> -> memref<1x8x256xf32, #tpu.memory_space<vmem>>
        %dma_start3A_1163 = tpu.memref_squeeze %dma_start3A_1162 : memref<1x8x256xf32, #tpu.memory_space<vmem>> -> memref<8x256xf32, #tpu.memory_space<vmem>>
        %dma_start3A_1164 = tpu.memref_slice %arg2[%select_n3A_896, %dma_start3A_1158, %mul3A_943, %mul3A_961] : memref<8x19x512x512xf32, #tpu.memory_space<hbm>> -> memref<1x1x8x256xf32, #tpu.memory_space<hbm>>
        %dma_start3A_1165 = tpu.memref_squeeze %dma_start3A_1164 : memref<1x1x8x256xf32, #tpu.memory_space<hbm>> -> memref<8x256xf32, #tpu.memory_space<hbm>>
        %dma_start3A_1166 = arith.constant 0 : i32
        %dma_start3A_1167 = arith.constant 0 : i32
        %dma_start3A_1168 = tpu.memref_slice %arg6[%dma_start3A_1159, %dma_start3A_1166, %dma_start3A_1167] : memref<19x8x256xf32, #tpu.memory_space<vmem>> -> memref<1x8x256xf32, #tpu.memory_space<vmem>>
        %dma_start3A_1169 = tpu.memref_squeeze %dma_start3A_1168 : memref<1x8x256xf32, #tpu.memory_space<vmem>> -> memref<8x256xf32, #tpu.memory_space<vmem>>
        %dma_start3A_1170 = tpu.memref_slice %arg2[%select_n3A_896, %dma_start3A_1158, %mul3A_943, %mul3A_961] : memref<8x19x512x512xf32, #tpu.memory_space<hbm>> -> memref<1x1x8x256xf32, #tpu.memory_space<hbm>>
        %dma_start3A_1171 = tpu.memref_squeeze %dma_start3A_1170 : memref<1x1x8x256xf32, #tpu.memory_space<hbm>> -> memref<8x256xf32, #tpu.memory_space<hbm>>
        tpu.enqueue_dma source(%dma_start3A_1171 : memref<8x256xf32, #tpu.memory_space<hbm>>) target(%dma_start3A_1169 : memref<8x256xf32, #tpu.memory_space<vmem>>) target_semaphore(%arg13 : memref<!tpu.dma_semaphore, #tpu.memory_space<semaphore_mem>>)
        %dma_start3A_1172 = arith.constant 15 : i32
        %dma_start3A_1173 = arith.constant 15 : i32
        %dma_start3A_1174 = arith.constant 0 : i32
        %dma_start3A_1175 = arith.constant 0 : i32
        %dma_start3A_1176 = tpu.memref_slice %arg6[%dma_start3A_1173, %dma_start3A_1174, %dma_start3A_1175] : memref<19x8x256xf32, #tpu.memory_space<vmem>> -> memref<1x8x256xf32, #tpu.memory_space<vmem>>
        %dma_start3A_1177 = tpu.memref_squeeze %dma_start3A_1176 : memref<1x8x256xf32, #tpu.memory_space<vmem>> -> memref<8x256xf32, #tpu.memory_space<vmem>>
        %dma_start3A_1178 = tpu.memref_slice %arg2[%select_n3A_896, %dma_start3A_1172, %mul3A_943, %mul3A_961] : memref<8x19x512x512xf32, #tpu.memory_space<hbm>> -> memref<1x1x8x256xf32, #tpu.memory_space<hbm>>
        %dma_start3A_1179 = tpu.memref_squeeze %dma_start3A_1178 : memref<1x1x8x256xf32, #tpu.memory_space<hbm>> -> memref<8x256xf32, #tpu.memory_space<hbm>>
        %dma_start3A_1180 = arith.constant 0 : i32
        %dma_start3A_1181 = arith.constant 0 : i32
        %dma_start3A_1182 = tpu.memref_slice %arg6[%dma_start3A_1173, %dma_start3A_1180, %dma_start3A_1181] : memref<19x8x256xf32, #tpu.memory_space<vmem>> -> memref<1x8x256xf32, #tpu.memory_space<vmem>>
        %dma_start3A_1183 = tpu.memref_squeeze %dma_start3A_1182 : memref<1x8x256xf32, #tpu.memory_space<vmem>> -> memref<8x256xf32, #tpu.memory_space<vmem>>
        %dma_start3A_1184 = tpu.memref_slice %arg2[%select_n3A_896, %dma_start3A_1172, %mul3A_943, %mul3A_961] : memref<8x19x512x512xf32, #tpu.memory_space<hbm>> -> memref<1x1x8x256xf32, #tpu.memory_space<hbm>>
        %dma_start3A_1185 = tpu.memref_squeeze %dma_start3A_1184 : memref<1x1x8x256xf32, #tpu.memory_space<hbm>> -> memref<8x256xf32, #tpu.memory_space<hbm>>
        tpu.enqueue_dma source(%dma_start3A_1185 : memref<8x256xf32, #tpu.memory_space<hbm>>) target(%dma_start3A_1183 : memref<8x256xf32, #tpu.memory_space<vmem>>) target_semaphore(%arg13 : memref<!tpu.dma_semaphore, #tpu.memory_space<semaphore_mem>>)
        %dma_start3A_1186 = arith.constant 16 : i32
        %dma_start3A_1187 = arith.constant 16 : i32
        %dma_start3A_1188 = arith.constant 0 : i32
        %dma_start3A_1189 = arith.constant 0 : i32
        %dma_start3A_1190 = tpu.memref_slice %arg6[%dma_start3A_1187, %dma_start3A_1188, %dma_start3A_1189] : memref<19x8x256xf32, #tpu.memory_space<vmem>> -> memref<1x8x256xf32, #tpu.memory_space<vmem>>
        %dma_start3A_1191 = tpu.memref_squeeze %dma_start3A_1190 : memref<1x8x256xf32, #tpu.memory_space<vmem>> -> memref<8x256xf32, #tpu.memory_space<vmem>>
        %dma_start3A_1192 = tpu.memref_slice %arg2[%select_n3A_896, %dma_start3A_1186, %mul3A_943, %mul3A_961] : memref<8x19x512x512xf32, #tpu.memory_space<hbm>> -> memref<1x1x8x256xf32, #tpu.memory_space<hbm>>
        %dma_start3A_1193 = tpu.memref_squeeze %dma_start3A_1192 : memref<1x1x8x256xf32, #tpu.memory_space<hbm>> -> memref<8x256xf32, #tpu.memory_space<hbm>>
        %dma_start3A_1194 = arith.constant 0 : i32
        %dma_start3A_1195 = arith.constant 0 : i32
        %dma_start3A_1196 = tpu.memref_slice %arg6[%dma_start3A_1187, %dma_start3A_1194, %dma_start3A_1195] : memref<19x8x256xf32, #tpu.memory_space<vmem>> -> memref<1x8x256xf32, #tpu.memory_space<vmem>>
        %dma_start3A_1197 = tpu.memref_squeeze %dma_start3A_1196 : memref<1x8x256xf32, #tpu.memory_space<vmem>> -> memref<8x256xf32, #tpu.memory_space<vmem>>
        %dma_start3A_1198 = tpu.memref_slice %arg2[%select_n3A_896, %dma_start3A_1186, %mul3A_943, %mul3A_961] : memref<8x19x512x512xf32, #tpu.memory_space<hbm>> -> memref<1x1x8x256xf32, #tpu.memory_space<hbm>>
        %dma_start3A_1199 = tpu.memref_squeeze %dma_start3A_1198 : memref<1x1x8x256xf32, #tpu.memory_space<hbm>> -> memref<8x256xf32, #tpu.memory_space<hbm>>
        tpu.enqueue_dma source(%dma_start3A_1199 : memref<8x256xf32, #tpu.memory_space<hbm>>) target(%dma_start3A_1197 : memref<8x256xf32, #tpu.memory_space<vmem>>) target_semaphore(%arg13 : memref<!tpu.dma_semaphore, #tpu.memory_space<semaphore_mem>>)
        %dma_start3A_1200 = arith.constant 17 : i32
        %dma_start3A_1201 = arith.constant 17 : i32
        %dma_start3A_1202 = arith.constant 0 : i32
        %dma_start3A_1203 = arith.constant 0 : i32
        %dma_start3A_1204 = tpu.memref_slice %arg6[%dma_start3A_1201, %dma_start3A_1202, %dma_start3A_1203] : memref<19x8x256xf32, #tpu.memory_space<vmem>> -> memref<1x8x256xf32, #tpu.memory_space<vmem>>
        %dma_start3A_1205 = tpu.memref_squeeze %dma_start3A_1204 : memref<1x8x256xf32, #tpu.memory_space<vmem>> -> memref<8x256xf32, #tpu.memory_space<vmem>>
        %dma_start3A_1206 = tpu.memref_slice %arg2[%select_n3A_896, %dma_start3A_1200, %mul3A_943, %mul3A_961] : memref<8x19x512x512xf32, #tpu.memory_space<hbm>> -> memref<1x1x8x256xf32, #tpu.memory_space<hbm>>
        %dma_start3A_1207 = tpu.memref_squeeze %dma_start3A_1206 : memref<1x1x8x256xf32, #tpu.memory_space<hbm>> -> memref<8x256xf32, #tpu.memory_space<hbm>>
        %dma_start3A_1208 = arith.constant 0 : i32
        %dma_start3A_1209 = arith.constant 0 : i32
        %dma_start3A_1210 = tpu.memref_slice %arg6[%dma_start3A_1201, %dma_start3A_1208, %dma_start3A_1209] : memref<19x8x256xf32, #tpu.memory_space<vmem>> -> memref<1x8x256xf32, #tpu.memory_space<vmem>>
        %dma_start3A_1211 = tpu.memref_squeeze %dma_start3A_1210 : memref<1x8x256xf32, #tpu.memory_space<vmem>> -> memref<8x256xf32, #tpu.memory_space<vmem>>
        %dma_start3A_1212 = tpu.memref_slice %arg2[%select_n3A_896, %dma_start3A_1200, %mul3A_943, %mul3A_961] : memref<8x19x512x512xf32, #tpu.memory_space<hbm>> -> memref<1x1x8x256xf32, #tpu.memory_space<hbm>>
        %dma_start3A_1213 = tpu.memref_squeeze %dma_start3A_1212 : memref<1x1x8x256xf32, #tpu.memory_space<hbm>> -> memref<8x256xf32, #tpu.memory_space<hbm>>
        tpu.enqueue_dma source(%dma_start3A_1213 : memref<8x256xf32, #tpu.memory_space<hbm>>) target(%dma_start3A_1211 : memref<8x256xf32, #tpu.memory_space<vmem>>) target_semaphore(%arg13 : memref<!tpu.dma_semaphore, #tpu.memory_space<semaphore_mem>>)
        %dma_start3A_1214 = arith.constant 18 : i32
        %dma_start3A_1215 = arith.constant 18 : i32
        %dma_start3A_1216 = arith.constant 0 : i32
        %dma_start3A_1217 = arith.constant 0 : i32
        %dma_start3A_1218 = tpu.memref_slice %arg6[%dma_start3A_1215, %dma_start3A_1216, %dma_start3A_1217] : memref<19x8x256xf32, #tpu.memory_space<vmem>> -> memref<1x8x256xf32, #tpu.memory_space<vmem>>
        %dma_start3A_1219 = tpu.memref_squeeze %dma_start3A_1218 : memref<1x8x256xf32, #tpu.memory_space<vmem>> -> memref<8x256xf32, #tpu.memory_space<vmem>>
        %dma_start3A_1220 = tpu.memref_slice %arg2[%select_n3A_896, %dma_start3A_1214, %mul3A_943, %mul3A_961] : memref<8x19x512x512xf32, #tpu.memory_space<hbm>> -> memref<1x1x8x256xf32, #tpu.memory_space<hbm>>
        %dma_start3A_1221 = tpu.memref_squeeze %dma_start3A_1220 : memref<1x1x8x256xf32, #tpu.memory_space<hbm>> -> memref<8x256xf32, #tpu.memory_space<hbm>>
        %dma_start3A_1222 = arith.constant 0 : i32
        %dma_start3A_1223 = arith.constant 0 : i32
        %dma_start3A_1224 = tpu.memref_slice %arg6[%dma_start3A_1215, %dma_start3A_1222, %dma_start3A_1223] : memref<19x8x256xf32, #tpu.memory_space<vmem>> -> memref<1x8x256xf32, #tpu.memory_space<vmem>>
        %dma_start3A_1225 = tpu.memref_squeeze %dma_start3A_1224 : memref<1x8x256xf32, #tpu.memory_space<vmem>> -> memref<8x256xf32, #tpu.memory_space<vmem>>
        %dma_start3A_1226 = tpu.memref_slice %arg2[%select_n3A_896, %dma_start3A_1214, %mul3A_943, %mul3A_961] : memref<8x19x512x512xf32, #tpu.memory_space<hbm>> -> memref<1x1x8x256xf32, #tpu.memory_space<hbm>>
        %dma_start3A_1227 = tpu.memref_squeeze %dma_start3A_1226 : memref<1x1x8x256xf32, #tpu.memory_space<hbm>> -> memref<8x256xf32, #tpu.memory_space<hbm>>
        tpu.enqueue_dma source(%dma_start3A_1227 : memref<8x256xf32, #tpu.memory_space<hbm>>) target(%dma_start3A_1225 : memref<8x256xf32, #tpu.memory_space<vmem>>) target_semaphore(%arg13 : memref<!tpu.dma_semaphore, #tpu.memory_space<semaphore_mem>>)
        %dma_start3A_1228 = tpu.memref_slice %arg3[%select_n3A_896, %mul3A_943, %mul3A_961] : memref<8x512x512xi32, #tpu.memory_space<hbm>> -> memref<1x8x256xi32, #tpu.memory_space<hbm>>
        %dma_start3A_1229 = tpu.memref_squeeze %dma_start3A_1228 : memref<1x8x256xi32, #tpu.memory_space<hbm>> -> memref<8x256xi32, #tpu.memory_space<hbm>>
        %dma_start3A_1230 = tpu.memref_slice %arg3[%select_n3A_896, %mul3A_943, %mul3A_961] : memref<8x512x512xi32, #tpu.memory_space<hbm>> -> memref<1x8x256xi32, #tpu.memory_space<hbm>>
        %dma_start3A_1231 = tpu.memref_squeeze %dma_start3A_1230 : memref<1x8x256xi32, #tpu.memory_space<hbm>> -> memref<8x256xi32, #tpu.memory_space<hbm>>
        tpu.enqueue_dma source(%dma_start3A_1231 : memref<8x256xi32, #tpu.memory_space<hbm>>) target(%arg8 : memref<8x256xi32, #tpu.memory_space<vmem>>) target_semaphore(%arg15 : memref<!tpu.dma_semaphore, #tpu.memory_space<semaphore_mem>>)
      } else {
      }
      %mul3A_783 = arith.constant 2 : i32
      %mul3A_784 = arith.muli %scan3A_690, %mul3A_783 : i32
      %add3A_785 = arith.constant 1 : i32
      %add3A_786 = arith.addi %mul3A_784, %add3A_785 : i32
      %ge3A_787 = arith.constant 1 : i32
      %ge3A_788 = arith.cmpi sge, %scan3A_690, %ge3A_787 : i32
      %convert_element_type3A_789 = arith.extui %ge3A_788 : i1 to i32
      %cond3A_790 = arith.constant 0 : i32
      %cond3A_791 = arith.cmpi ne, %convert_element_type3A_789, %cond3A_790 : i32
      scf.if %cond3A_791 {
        %dma_wait3A_871 = arith.constant 0 : i32
        %dma_wait3A_872 = tpu.memref_slice %arg5[%dma_wait3A_871] : memref<2097152xf32, #tpu.memory_space<hbm>> -> memref<2048xf32, #tpu.memory_space<hbm>>
        %dma_wait3A_873 = arith.constant 0 : i32
        %dma_wait3A_874 = tpu.memref_slice %arg5[%dma_wait3A_873] : memref<2097152xf32, #tpu.memory_space<hbm>> -> memref<2048xf32, #tpu.memory_space<hbm>>
        tpu.wait_dma2 semaphore(%arg18 : memref<!tpu.dma_semaphore, #tpu.memory_space<semaphore_mem>>) src(%arg11 : memref<2048xf32, #tpu.memory_space<vmem>>) dst(%dma_wait3A_874 : memref<2048xf32, #tpu.memory_space<hbm>>)
      } else {
      }
      %dma_wait3A_792 = arith.constant 0 : i32
      %dma_wait3A_793 = arith.constant 0 : i32
      %dma_wait3A_794 = arith.constant 0 : i32
      %dma_wait3A_795 = arith.constant 0 : i32
      %dma_wait3A_796 = tpu.memref_slice %arg2[%dma_wait3A_792, %dma_wait3A_793, %dma_wait3A_794, %dma_wait3A_795] : memref<8x19x512x512xf32, #tpu.memory_space<hbm>> -> memref<1x19x8x256xf32, #tpu.memory_space<hbm>>
      %dma_wait3A_797 = tpu.memref_squeeze %dma_wait3A_796 : memref<1x19x8x256xf32, #tpu.memory_space<hbm>> -> memref<19x8x256xf32, #tpu.memory_space<hbm>>
      %dma_wait3A_798 = arith.constant 0 : i32
      %dma_wait3A_799 = arith.constant 0 : i32
      %dma_wait3A_800 = arith.constant 0 : i32
      %dma_wait3A_801 = tpu.memref_slice %arg2[%dma_wait3A_792, %dma_wait3A_798, %dma_wait3A_799, %dma_wait3A_800] : memref<8x19x512x512xf32, #tpu.memory_space<hbm>> -> memref<1x19x8x256xf32, #tpu.memory_space<hbm>>
      %dma_wait3A_802 = tpu.memref_squeeze %dma_wait3A_801 : memref<1x19x8x256xf32, #tpu.memory_space<hbm>> -> memref<19x8x256xf32, #tpu.memory_space<hbm>>
      tpu.wait_dma2 semaphore(%arg14 : memref<!tpu.dma_semaphore, #tpu.memory_space<semaphore_mem>>) src(%dma_wait3A_802 : memref<19x8x256xf32, #tpu.memory_space<hbm>>) dst(%arg7 : memref<19x8x256xf32, #tpu.memory_space<vmem>>)
      %dma_wait3A_803 = arith.constant 0 : i32
      %dma_wait3A_804 = arith.constant 0 : i32
      %dma_wait3A_805 = arith.constant 0 : i32
      %dma_wait3A_806 = tpu.memref_slice %arg3[%dma_wait3A_803, %dma_wait3A_804, %dma_wait3A_805] : memref<8x512x512xi32, #tpu.memory_space<hbm>> -> memref<1x8x256xi32, #tpu.memory_space<hbm>>
      %dma_wait3A_807 = tpu.memref_squeeze %dma_wait3A_806 : memref<1x8x256xi32, #tpu.memory_space<hbm>> -> memref<8x256xi32, #tpu.memory_space<hbm>>
      %dma_wait3A_808 = arith.constant 0 : i32
      %dma_wait3A_809 = arith.constant 0 : i32
      %dma_wait3A_810 = tpu.memref_slice %arg3[%dma_wait3A_803, %dma_wait3A_808, %dma_wait3A_809] : memref<8x512x512xi32, #tpu.memory_space<hbm>> -> memref<1x8x256xi32, #tpu.memory_space<hbm>>
      %dma_wait3A_811 = tpu.memref_squeeze %dma_wait3A_810 : memref<1x8x256xi32, #tpu.memory_space<hbm>> -> memref<8x256xi32, #tpu.memory_space<hbm>>
      tpu.wait_dma2 semaphore(%arg16 : memref<!tpu.dma_semaphore, #tpu.memory_space<semaphore_mem>>) src(%dma_wait3A_811 : memref<8x256xi32, #tpu.memory_space<hbm>>) dst(%arg9 : memref<8x256xi32, #tpu.memory_space<vmem>>)
      %parallel_loop3A_812 = arith.constant 0 : i32
      %parallel_loop3A_813 = arith.constant 32 : i32
      %parallel_loop3A_814 = arith.constant 1 : i32
      %parallel_loop3A_815:8 = scf.for %parallel_loop3A_871 = %parallel_loop3A_812 to %parallel_loop3A_813 step %parallel_loop3A_814 iter_args(%parallel_loop3A_872 = %parallel_loop3A_727#0, %parallel_loop3A_873 = %parallel_loop3A_727#1, %parallel_loop3A_874 = %parallel_loop3A_727#2, %parallel_loop3A_875 = %parallel_loop3A_727#3, %parallel_loop3A_876 = %parallel_loop3A_727#4, %parallel_loop3A_877 = %parallel_loop3A_727#5, %parallel_loop3A_878 = %parallel_loop3A_727#6, %parallel_loop3A_879 = %parallel_loop3A_727#7) -> (vector<16xf32>, vector<16xf32>, vector<16xf32>, vector<16xf32>, vector<16xf32>, vector<16xf32>, vector<16xf32>, vector<16xf32>)  : i32 {
        %parallel_loop3A_880 = arith.constant 4 : i32
        %parallel_loop3A_881 = arith.divsi %parallel_loop3A_871, %parallel_loop3A_880 : i32
        %parallel_loop3A_882 = arith.constant 0 : i32
        %parallel_loop3A_883 = arith.cmpi sgt, %parallel_loop3A_871, %parallel_loop3A_882 : i32
        %parallel_loop3A_884 = arith.extui %parallel_loop3A_883 : i1 to i32
        %parallel_loop3A_885 = arith.constant 0 : i32
        %parallel_loop3A_886 = arith.cmpi slt, %parallel_loop3A_871, %parallel_loop3A_885 : i32
        %parallel_loop3A_887 = arith.extui %parallel_loop3A_886 : i1 to i32
        %parallel_loop3A_888 = arith.subi %parallel_loop3A_884, %parallel_loop3A_887 : i32
        %parallel_loop3A_889 = arith.constant 0 : i32
        %parallel_loop3A_890 = arith.cmpi sgt, %parallel_loop3A_880, %parallel_loop3A_889 : i32
        %parallel_loop3A_891 = arith.extui %parallel_loop3A_890 : i1 to i32
        %parallel_loop3A_892 = arith.constant 0 : i32
        %parallel_loop3A_893 = arith.cmpi slt, %parallel_loop3A_880, %parallel_loop3A_892 : i32
        %parallel_loop3A_894 = arith.extui %parallel_loop3A_893 : i1 to i32
        %parallel_loop3A_895 = arith.subi %parallel_loop3A_891, %parallel_loop3A_894 : i32
        %parallel_loop3A_896 = arith.cmpi ne, %parallel_loop3A_888, %parallel_loop3A_895 : i32
        %parallel_loop3A_897 = arith.remsi %parallel_loop3A_871, %parallel_loop3A_880 : i32
        %parallel_loop3A_898 = arith.constant 0 : i32
        %parallel_loop3A_899 = arith.cmpi ne, %parallel_loop3A_897, %parallel_loop3A_898 : i32
        %parallel_loop3A_900 = arith.andi %parallel_loop3A_896, %parallel_loop3A_899 : i1
        %parallel_loop3A_901 = arith.constant 1 : i32
        %parallel_loop3A_902 = arith.subi %parallel_loop3A_881, %parallel_loop3A_901 : i32
        %parallel_loop3A_903 = arith.select %parallel_loop3A_900, %parallel_loop3A_902, %parallel_loop3A_881 : i32
        %parallel_loop3A_904 = arith.constant 4 : i32
        %parallel_loop3A_905 = arith.constant 0 : i32
        %parallel_loop3A_906 = arith.cmpi eq, %parallel_loop3A_904, %parallel_loop3A_905 : i32
        %parallel_loop3A_907 = arith.constant 1 : i32
        %parallel_loop3A_908 = arith.select %parallel_loop3A_906, %parallel_loop3A_907, %parallel_loop3A_904 : i32
        %parallel_loop3A_909 = arith.remsi %parallel_loop3A_871, %parallel_loop3A_908 : i32
        %parallel_loop3A_910 = arith.constant 0 : i32
        %parallel_loop3A_911 = arith.cmpi ne, %parallel_loop3A_909, %parallel_loop3A_910 : i32
        %parallel_loop3A_912 = arith.constant 0 : i32
        %parallel_loop3A_913 = arith.cmpi slt, %parallel_loop3A_909, %parallel_loop3A_912 : i32
        %parallel_loop3A_914 = arith.constant 0 : i32
        %parallel_loop3A_915 = arith.cmpi slt, %parallel_loop3A_908, %parallel_loop3A_914 : i32
        %parallel_loop3A_916 = arith.xori %parallel_loop3A_913, %parallel_loop3A_915 : i1
        %parallel_loop3A_917 = arith.andi %parallel_loop3A_916, %parallel_loop3A_911 : i1
        %parallel_loop3A_918 = arith.addi %parallel_loop3A_909, %parallel_loop3A_908 : i32
        %parallel_loop3A_919 = arith.select %parallel_loop3A_917, %parallel_loop3A_918, %parallel_loop3A_909 : i32
        %parallel_loop3A_920 = arith.constant 64 : i32
        %parallel_loop3A_921 = arith.muli %parallel_loop3A_919, %parallel_loop3A_920 : i32
        %parallel_loop3A_922 = arith.constant 0 : i32
        %parallel_loop3A_923 = arith.addi %parallel_loop3A_921, %parallel_loop3A_922 : i32
        %parallel_loop3A_924 = arith.index_cast %parallel_loop3A_903 : i32 to index
        %parallel_loop3A_925 = arith.index_cast %parallel_loop3A_923 : i32 to index
        %parallel_loop3A_926 = tpu.vector_load %arg9[%parallel_loop3A_924, %parallel_loop3A_925] {strides = array<i32>} : memref<8x256xi32, #tpu.memory_space<vmem>>, vector<16xi32>,
        %parallel_loop3A_927 = arith.constant 16 : i32
        %parallel_loop3A_928 = arith.addi %parallel_loop3A_921, %parallel_loop3A_927 : i32
        %parallel_loop3A_929 = arith.index_cast %parallel_loop3A_903 : i32 to index
        %parallel_loop3A_930 = arith.index_cast %parallel_loop3A_928 : i32 to index
        %parallel_loop3A_931 = tpu.vector_load %arg9[%parallel_loop3A_929, %parallel_loop3A_930] {strides = array<i32>} : memref<8x256xi32, #tpu.memory_space<vmem>>, vector<16xi32>,
        %parallel_loop3A_932 = arith.constant 32 : i32
        %parallel_loop3A_933 = arith.addi %parallel_loop3A_921, %parallel_loop3A_932 : i32
        %parallel_loop3A_934 = arith.index_cast %parallel_loop3A_903 : i32 to index
        %parallel_loop3A_935 = arith.index_cast %parallel_loop3A_933 : i32 to index
        %parallel_loop3A_936 = tpu.vector_load %arg9[%parallel_loop3A_934, %parallel_loop3A_935] {strides = array<i32>} : memref<8x256xi32, #tpu.memory_space<vmem>>, vector<16xi32>,
        %parallel_loop3A_937 = arith.constant 48 : i32
        %parallel_loop3A_938 = arith.addi %parallel_loop3A_921, %parallel_loop3A_937 : i32
        %parallel_loop3A_939 = arith.index_cast %parallel_loop3A_903 : i32 to index
        %parallel_loop3A_940 = arith.index_cast %parallel_loop3A_938 : i32 to index
        %parallel_loop3A_941 = tpu.vector_load %arg9[%parallel_loop3A_939, %parallel_loop3A_940] {strides = array<i32>} : memref<8x256xi32, #tpu.memory_space<vmem>>, vector<16xi32>,
        %parallel_loop3A_942 = arith.constant 0 : i32
        %parallel_loop3A_943 = arith.addi %parallel_loop3A_921, %parallel_loop3A_942 : i32
        %parallel_loop3A_944 = arith.constant 0 : i32
        %parallel_loop3A_945 = arith.index_cast %parallel_loop3A_944 : i32 to index
        %parallel_loop3A_946 = arith.index_cast %parallel_loop3A_903 : i32 to index
        %parallel_loop3A_947 = arith.index_cast %parallel_loop3A_943 : i32 to index
        %parallel_loop3A_948 = tpu.vector_load %arg7[%parallel_loop3A_945, %parallel_loop3A_946, %parallel_loop3A_947] {strides = array<i32>} : memref<19x8x256xf32, #tpu.memory_space<vmem>>, vector<16xf32>,
        %parallel_loop3A_949 = math.exp %parallel_loop3A_948 : vector<16xf32>
        %parallel_loop3A_950 = arith.constant 16 : i32
        %parallel_loop3A_951 = arith.addi %parallel_loop3A_921, %parallel_loop3A_950 : i32
        %parallel_loop3A_952 = arith.constant 0 : i32
        %parallel_loop3A_953 = arith.index_cast %parallel_loop3A_952 : i32 to index
        %parallel_loop3A_954 = arith.index_cast %parallel_loop3A_903 : i32 to index
        %parallel_loop3A_955 = arith.index_cast %parallel_loop3A_951 : i32 to index
        %parallel_loop3A_956 = tpu.vector_load %arg7[%parallel_loop3A_953, %parallel_loop3A_954, %parallel_loop3A_955] {strides = array<i32>} : memref<19x8x256xf32, #tpu.memory_space<vmem>>, vector<16xf32>,
        %parallel_loop3A_957 = math.exp %parallel_loop3A_956 : vector<16xf32>
        %parallel_loop3A_958 = arith.constant 32 : i32
        %parallel_loop3A_959 = arith.addi %parallel_loop3A_921, %parallel_loop3A_958 : i32
        %parallel_loop3A_960 = arith.constant 0 : i32
        %parallel_loop3A_961 = arith.index_cast %parallel_loop3A_960 : i32 to index
        %parallel_loop3A_962 = arith.index_cast %parallel_loop3A_903 : i32 to index
        %parallel_loop3A_963 = arith.index_cast %parallel_loop3A_959 : i32 to index
        %parallel_loop3A_964 = tpu.vector_load %arg7[%parallel_loop3A_961, %parallel_loop3A_962, %parallel_loop3A_963] {strides = array<i32>} : memref<19x8x256xf32, #tpu.memory_space<vmem>>, vector<16xf32>,
        %parallel_loop3A_965 = math.exp %parallel_loop3A_964 : vector<16xf32>
        %parallel_loop3A_966 = arith.constant 48 : i32
        %parallel_loop3A_967 = arith.addi %parallel_loop3A_921, %parallel_loop3A_966 : i32
        %parallel_loop3A_968 = arith.constant 0 : i32
        %parallel_loop3A_969 = arith.index_cast %parallel_loop3A_968 : i32 to index
        %parallel_loop3A_970 = arith.index_cast %parallel_loop3A_903 : i32 to index
        %parallel_loop3A_971 = arith.index_cast %parallel_loop3A_967 : i32 to index
        %parallel_loop3A_972 = tpu.vector_load %arg7[%parallel_loop3A_969, %parallel_loop3A_970, %parallel_loop3A_971] {strides = array<i32>} : memref<19x8x256xf32, #tpu.memory_space<vmem>>, vector<16xf32>,
        %parallel_loop3A_973 = math.exp %parallel_loop3A_972 : vector<16xf32>
        %parallel_loop3A_974 = arith.constant 0 : i32
        %parallel_loop3A_975 = arith.addi %parallel_loop3A_921, %parallel_loop3A_974 : i32
        %parallel_loop3A_976 = arith.constant 1 : i32
        %parallel_loop3A_977 = arith.index_cast %parallel_loop3A_976 : i32 to index
        %parallel_loop3A_978 = arith.index_cast %parallel_loop3A_903 : i32 to index
        %parallel_loop3A_979 = arith.index_cast %parallel_loop3A_975 : i32 to index
        %parallel_loop3A_980 = tpu.vector_load %arg7[%parallel_loop3A_977, %parallel_loop3A_978, %parallel_loop3A_979] {strides = array<i32>} : memref<19x8x256xf32, #tpu.memory_space<vmem>>, vector<16xf32>,
        %parallel_loop3A_981 = math.exp %parallel_loop3A_980 : vector<16xf32>
        %parallel_loop3A_982 = arith.constant 16 : i32
        %parallel_loop3A_983 = arith.addi %parallel_loop3A_921, %parallel_loop3A_982 : i32
        %parallel_loop3A_984 = arith.constant 1 : i32
        %parallel_loop3A_985 = arith.index_cast %parallel_loop3A_984 : i32 to index
        %parallel_loop3A_986 = arith.index_cast %parallel_loop3A_903 : i32 to index
        %parallel_loop3A_987 = arith.index_cast %parallel_loop3A_983 : i32 to index
        %parallel_loop3A_988 = tpu.vector_load %arg7[%parallel_loop3A_985, %parallel_loop3A_986, %parallel_loop3A_987] {strides = array<i32>} : memref<19x8x256xf32, #tpu.memory_space<vmem>>, vector<16xf32>,
        %parallel_loop3A_989 = math.exp %parallel_loop3A_988 : vector<16xf32>
        %parallel_loop3A_990 = arith.constant 32 : i32
        %parallel_loop3A_991 = arith.addi %parallel_loop3A_921, %parallel_loop3A_990 : i32
        %parallel_loop3A_992 = arith.constant 1 : i32
        %parallel_loop3A_993 = arith.index_cast %parallel_loop3A_992 : i32 to index
        %parallel_loop3A_994 = arith.index_cast %parallel_loop3A_903 : i32 to index
        %parallel_loop3A_995 = arith.index_cast %parallel_loop3A_991 : i32 to index
        %parallel_loop3A_996 = tpu.vector_load %arg7[%parallel_loop3A_993, %parallel_loop3A_994, %parallel_loop3A_995] {strides = array<i32>} : memref<19x8x256xf32, #tpu.memory_space<vmem>>, vector<16xf32>,
        %parallel_loop3A_997 = math.exp %parallel_loop3A_996 : vector<16xf32>
        %parallel_loop3A_998 = arith.constant 48 : i32
        %parallel_loop3A_999 = arith.addi %parallel_loop3A_921, %parallel_loop3A_998 : i32
        %parallel_loop3A_1000 = arith.constant 1 : i32
        %parallel_loop3A_1001 = arith.index_cast %parallel_loop3A_1000 : i32 to index
        %parallel_loop3A_1002 = arith.index_cast %parallel_loop3A_903 : i32 to index
        %parallel_loop3A_1003 = arith.index_cast %parallel_loop3A_999 : i32 to index
        %parallel_loop3A_1004 = tpu.vector_load %arg7[%parallel_loop3A_1001, %parallel_loop3A_1002, %parallel_loop3A_1003] {strides = array<i32>} : memref<19x8x256xf32, #tpu.memory_space<vmem>>, vector<16xf32>,
        %parallel_loop3A_1005 = math.exp %parallel_loop3A_1004 : vector<16xf32>
        %parallel_loop3A_1006 = arith.constant 0 : i32
        %parallel_loop3A_1007 = arith.addi %parallel_loop3A_921, %parallel_loop3A_1006 : i32
        %parallel_loop3A_1008 = arith.constant 2 : i32
        %parallel_loop3A_1009 = arith.index_cast %parallel_loop3A_1008 : i32 to index
        %parallel_loop3A_1010 = arith.index_cast %parallel_loop3A_903 : i32 to index
        %parallel_loop3A_1011 = arith.index_cast %parallel_loop3A_1007 : i32 to index
        %parallel_loop3A_1012 = tpu.vector_load %arg7[%parallel_loop3A_1009, %parallel_loop3A_1010, %parallel_loop3A_1011] {strides = array<i32>} : memref<19x8x256xf32, #tpu.memory_space<vmem>>, vector<16xf32>,
        %parallel_loop3A_1013 = math.exp %parallel_loop3A_1012 : vector<16xf32>
        %parallel_loop3A_1014 = arith.addf %parallel_loop3A_949, %parallel_loop3A_1013 : vector<16xf32>
        %parallel_loop3A_1015 = arith.constant 16 : i32
        %parallel_loop3A_1016 = arith.addi %parallel_loop3A_921, %parallel_loop3A_1015 : i32
        %parallel_loop3A_1017 = arith.constant 2 : i32
        %parallel_loop3A_1018 = arith.index_cast %parallel_loop3A_1017 : i32 to index
        %parallel_loop3A_1019 = arith.index_cast %parallel_loop3A_903 : i32 to index
        %parallel_loop3A_1020 = arith.index_cast %parallel_loop3A_1016 : i32 to index
        %parallel_loop3A_1021 = tpu.vector_load %arg7[%parallel_loop3A_1018, %parallel_loop3A_1019, %parallel_loop3A_1020] {strides = array<i32>} : memref<19x8x256xf32, #tpu.memory_space<vmem>>, vector<16xf32>,
        %parallel_loop3A_1022 = math.exp %parallel_loop3A_1021 : vector<16xf32>
        %parallel_loop3A_1023 = arith.addf %parallel_loop3A_957, %parallel_loop3A_1022 : vector<16xf32>
        %parallel_loop3A_1024 = arith.constant 32 : i32
        %parallel_loop3A_1025 = arith.addi %parallel_loop3A_921, %parallel_loop3A_1024 : i32
        %parallel_loop3A_1026 = arith.constant 2 : i32
        %parallel_loop3A_1027 = arith.index_cast %parallel_loop3A_1026 : i32 to index
        %parallel_loop3A_1028 = arith.index_cast %parallel_loop3A_903 : i32 to index
        %parallel_loop3A_1029 = arith.index_cast %parallel_loop3A_1025 : i32 to index
        %parallel_loop3A_1030 = tpu.vector_load %arg7[%parallel_loop3A_1027, %parallel_loop3A_1028, %parallel_loop3A_1029] {strides = array<i32>} : memref<19x8x256xf32, #tpu.memory_space<vmem>>, vector<16xf32>,
        %parallel_loop3A_1031 = math.exp %parallel_loop3A_1030 : vector<16xf32>
        %parallel_loop3A_1032 = arith.addf %parallel_loop3A_965, %parallel_loop3A_1031 : vector<16xf32>
        %parallel_loop3A_1033 = arith.constant 48 : i32
        %parallel_loop3A_1034 = arith.addi %parallel_loop3A_921, %parallel_loop3A_1033 : i32
        %parallel_loop3A_1035 = arith.constant 2 : i32
        %parallel_loop3A_1036 = arith.index_cast %parallel_loop3A_1035 : i32 to index
        %parallel_loop3A_1037 = arith.index_cast %parallel_loop3A_903 : i32 to index
        %parallel_loop3A_1038 = arith.index_cast %parallel_loop3A_1034 : i32 to index
        %parallel_loop3A_1039 = tpu.vector_load %arg7[%parallel_loop3A_1036, %parallel_loop3A_1037, %parallel_loop3A_1038] {strides = array<i32>} : memref<19x8x256xf32, #tpu.memory_space<vmem>>, vector<16xf32>,
        %parallel_loop3A_1040 = math.exp %parallel_loop3A_1039 : vector<16xf32>
        %parallel_loop3A_1041 = arith.addf %parallel_loop3A_973, %parallel_loop3A_1040 : vector<16xf32>
        %parallel_loop3A_1042 = arith.constant 0 : i32
        %parallel_loop3A_1043 = arith.addi %parallel_loop3A_921, %parallel_loop3A_1042 : i32
        %parallel_loop3A_1044 = arith.constant 3 : i32
        %parallel_loop3A_1045 = arith.index_cast %parallel_loop3A_1044 : i32 to index
        %parallel_loop3A_1046 = arith.index_cast %parallel_loop3A_903 : i32 to index
        %parallel_loop3A_1047 = arith.index_cast %parallel_loop3A_1043 : i32 to index
        %parallel_loop3A_1048 = tpu.vector_load %arg7[%parallel_loop3A_1045, %parallel_loop3A_1046, %parallel_loop3A_1047] {strides = array<i32>} : memref<19x8x256xf32, #tpu.memory_space<vmem>>, vector<16xf32>,
        %parallel_loop3A_1049 = math.exp %parallel_loop3A_1048 : vector<16xf32>
        %parallel_loop3A_1050 = arith.addf %parallel_loop3A_981, %parallel_loop3A_1049 : vector<16xf32>
        %parallel_loop3A_1051 = arith.constant 16 : i32
        %parallel_loop3A_1052 = arith.addi %parallel_loop3A_921, %parallel_loop3A_1051 : i32
        %parallel_loop3A_1053 = arith.constant 3 : i32
        %parallel_loop3A_1054 = arith.index_cast %parallel_loop3A_1053 : i32 to index
        %parallel_loop3A_1055 = arith.index_cast %parallel_loop3A_903 : i32 to index
        %parallel_loop3A_1056 = arith.index_cast %parallel_loop3A_1052 : i32 to index
        %parallel_loop3A_1057 = tpu.vector_load %arg7[%parallel_loop3A_1054, %parallel_loop3A_1055, %parallel_loop3A_1056] {strides = array<i32>} : memref<19x8x256xf32, #tpu.memory_space<vmem>>, vector<16xf32>,
        %parallel_loop3A_1058 = math.exp %parallel_loop3A_1057 : vector<16xf32>
        %parallel_loop3A_1059 = arith.addf %parallel_loop3A_989, %parallel_loop3A_1058 : vector<16xf32>
        %parallel_loop3A_1060 = arith.constant 32 : i32
        %parallel_loop3A_1061 = arith.addi %parallel_loop3A_921, %parallel_loop3A_1060 : i32
        %parallel_loop3A_1062 = arith.constant 3 : i32
        %parallel_loop3A_1063 = arith.index_cast %parallel_loop3A_1062 : i32 to index
        %parallel_loop3A_1064 = arith.index_cast %parallel_loop3A_903 : i32 to index
        %parallel_loop3A_1065 = arith.index_cast %parallel_loop3A_1061 : i32 to index
        %parallel_loop3A_1066 = tpu.vector_load %arg7[%parallel_loop3A_1063, %parallel_loop3A_1064, %parallel_loop3A_1065] {strides = array<i32>} : memref<19x8x256xf32, #tpu.memory_space<vmem>>, vector<16xf32>,
        %parallel_loop3A_1067 = math.exp %parallel_loop3A_1066 : vector<16xf32>
        %parallel_loop3A_1068 = arith.addf %parallel_loop3A_997, %parallel_loop3A_1067 : vector<16xf32>
        %parallel_loop3A_1069 = arith.constant 48 : i32
        %parallel_loop3A_1070 = arith.addi %parallel_loop3A_921, %parallel_loop3A_1069 : i32
        %parallel_loop3A_1071 = arith.constant 3 : i32
        %parallel_loop3A_1072 = arith.index_cast %parallel_loop3A_1071 : i32 to index
        %parallel_loop3A_1073 = arith.index_cast %parallel_loop3A_903 : i32 to index
        %parallel_loop3A_1074 = arith.index_cast %parallel_loop3A_1070 : i32 to index
        %parallel_loop3A_1075 = tpu.vector_load %arg7[%parallel_loop3A_1072, %parallel_loop3A_1073, %parallel_loop3A_1074] {strides = array<i32>} : memref<19x8x256xf32, #tpu.memory_space<vmem>>, vector<16xf32>,
        %parallel_loop3A_1076 = math.exp %parallel_loop3A_1075 : vector<16xf32>
        %parallel_loop3A_1077 = arith.addf %parallel_loop3A_1005, %parallel_loop3A_1076 : vector<16xf32>
        %parallel_loop3A_1078 = arith.constant 0 : i32
        %parallel_loop3A_1079 = arith.addi %parallel_loop3A_921, %parallel_loop3A_1078 : i32
        %parallel_loop3A_1080 = arith.constant 4 : i32
        %parallel_loop3A_1081 = arith.index_cast %parallel_loop3A_1080 : i32 to index
        %parallel_loop3A_1082 = arith.index_cast %parallel_loop3A_903 : i32 to index
        %parallel_loop3A_1083 = arith.index_cast %parallel_loop3A_1079 : i32 to index
        %parallel_loop3A_1084 = tpu.vector_load %arg7[%parallel_loop3A_1081, %parallel_loop3A_1082, %parallel_loop3A_1083] {strides = array<i32>} : memref<19x8x256xf32, #tpu.memory_space<vmem>>, vector<16xf32>,
        %parallel_loop3A_1085 = math.exp %parallel_loop3A_1084 : vector<16xf32>
        %parallel_loop3A_1086 = arith.addf %parallel_loop3A_1014, %parallel_loop3A_1085 : vector<16xf32>
        %parallel_loop3A_1087 = arith.constant 16 : i32
        %parallel_loop3A_1088 = arith.addi %parallel_loop3A_921, %parallel_loop3A_1087 : i32
        %parallel_loop3A_1089 = arith.constant 4 : i32
        %parallel_loop3A_1090 = arith.index_cast %parallel_loop3A_1089 : i32 to index
        %parallel_loop3A_1091 = arith.index_cast %parallel_loop3A_903 : i32 to index
        %parallel_loop3A_1092 = arith.index_cast %parallel_loop3A_1088 : i32 to index
        %parallel_loop3A_1093 = tpu.vector_load %arg7[%parallel_loop3A_1090, %parallel_loop3A_1091, %parallel_loop3A_1092] {strides = array<i32>} : memref<19x8x256xf32, #tpu.memory_space<vmem>>, vector<16xf32>,
        %parallel_loop3A_1094 = math.exp %parallel_loop3A_1093 : vector<16xf32>
        %parallel_loop3A_1095 = arith.addf %parallel_loop3A_1023, %parallel_loop3A_1094 : vector<16xf32>
        %parallel_loop3A_1096 = arith.constant 32 : i32
        %parallel_loop3A_1097 = arith.addi %parallel_loop3A_921, %parallel_loop3A_1096 : i32
        %parallel_loop3A_1098 = arith.constant 4 : i32
        %parallel_loop3A_1099 = arith.index_cast %parallel_loop3A_1098 : i32 to index
        %parallel_loop3A_1100 = arith.index_cast %parallel_loop3A_903 : i32 to index
        %parallel_loop3A_1101 = arith.index_cast %parallel_loop3A_1097 : i32 to index
        %parallel_loop3A_1102 = tpu.vector_load %arg7[%parallel_loop3A_1099, %parallel_loop3A_1100, %parallel_loop3A_1101] {strides = array<i32>} : memref<19x8x256xf32, #tpu.memory_space<vmem>>, vector<16xf32>,
        %parallel_loop3A_1103 = math.exp %parallel_loop3A_1102 : vector<16xf32>
        %parallel_loop3A_1104 = arith.addf %parallel_loop3A_1032, %parallel_loop3A_1103 : vector<16xf32>
        %parallel_loop3A_1105 = arith.constant 48 : i32
        %parallel_loop3A_1106 = arith.addi %parallel_loop3A_921, %parallel_loop3A_1105 : i32
        %parallel_loop3A_1107 = arith.constant 4 : i32
        %parallel_loop3A_1108 = arith.index_cast %parallel_loop3A_1107 : i32 to index
        %parallel_loop3A_1109 = arith.index_cast %parallel_loop3A_903 : i32 to index
        %parallel_loop3A_1110 = arith.index_cast %parallel_loop3A_1106 : i32 to index
        %parallel_loop3A_1111 = tpu.vector_load %arg7[%parallel_loop3A_1108, %parallel_loop3A_1109, %parallel_loop3A_1110] {strides = array<i32>} : memref<19x8x256xf32, #tpu.memory_space<vmem>>, vector<16xf32>,
        %parallel_loop3A_1112 = math.exp %parallel_loop3A_1111 : vector<16xf32>
        %parallel_loop3A_1113 = arith.addf %parallel_loop3A_1041, %parallel_loop3A_1112 : vector<16xf32>
        %parallel_loop3A_1114 = arith.constant 0 : i32
        %parallel_loop3A_1115 = arith.addi %parallel_loop3A_921, %parallel_loop3A_1114 : i32
        %parallel_loop3A_1116 = arith.constant 5 : i32
        %parallel_loop3A_1117 = arith.index_cast %parallel_loop3A_1116 : i32 to index
        %parallel_loop3A_1118 = arith.index_cast %parallel_loop3A_903 : i32 to index
        %parallel_loop3A_1119 = arith.index_cast %parallel_loop3A_1115 : i32 to index
        %parallel_loop3A_1120 = tpu.vector_load %arg7[%parallel_loop3A_1117, %parallel_loop3A_1118, %parallel_loop3A_1119] {strides = array<i32>} : memref<19x8x256xf32, #tpu.memory_space<vmem>>, vector<16xf32>,
        %parallel_loop3A_1121 = math.exp %parallel_loop3A_1120 : vector<16xf32>
        %parallel_loop3A_1122 = arith.addf %parallel_loop3A_1050, %parallel_loop3A_1121 : vector<16xf32>
        %parallel_loop3A_1123 = arith.constant 16 : i32
        %parallel_loop3A_1124 = arith.addi %parallel_loop3A_921, %parallel_loop3A_1123 : i32
        %parallel_loop3A_1125 = arith.constant 5 : i32
        %parallel_loop3A_1126 = arith.index_cast %parallel_loop3A_1125 : i32 to index
        %parallel_loop3A_1127 = arith.index_cast %parallel_loop3A_903 : i32 to index
        %parallel_loop3A_1128 = arith.index_cast %parallel_loop3A_1124 : i32 to index
        %parallel_loop3A_1129 = tpu.vector_load %arg7[%parallel_loop3A_1126, %parallel_loop3A_1127, %parallel_loop3A_1128] {strides = array<i32>} : memref<19x8x256xf32, #tpu.memory_space<vmem>>, vector<16xf32>,
        %parallel_loop3A_1130 = math.exp %parallel_loop3A_1129 : vector<16xf32>
        %parallel_loop3A_1131 = arith.addf %parallel_loop3A_1059, %parallel_loop3A_1130 : vector<16xf32>
        %parallel_loop3A_1132 = arith.constant 32 : i32
        %parallel_loop3A_1133 = arith.addi %parallel_loop3A_921, %parallel_loop3A_1132 : i32
        %parallel_loop3A_1134 = arith.constant 5 : i32
        %parallel_loop3A_1135 = arith.index_cast %parallel_loop3A_1134 : i32 to index
        %parallel_loop3A_1136 = arith.index_cast %parallel_loop3A_903 : i32 to index
        %parallel_loop3A_1137 = arith.index_cast %parallel_loop3A_1133 : i32 to index
        %parallel_loop3A_1138 = tpu.vector_load %arg7[%parallel_loop3A_1135, %parallel_loop3A_1136, %parallel_loop3A_1137] {strides = array<i32>} : memref<19x8x256xf32, #tpu.memory_space<vmem>>, vector<16xf32>,
        %parallel_loop3A_1139 = math.exp %parallel_loop3A_1138 : vector<16xf32>
        %parallel_loop3A_1140 = arith.addf %parallel_loop3A_1068, %parallel_loop3A_1139 : vector<16xf32>
        %parallel_loop3A_1141 = arith.constant 48 : i32
        %parallel_loop3A_1142 = arith.addi %parallel_loop3A_921, %parallel_loop3A_1141 : i32
        %parallel_loop3A_1143 = arith.constant 5 : i32
        %parallel_loop3A_1144 = arith.index_cast %parallel_loop3A_1143 : i32 to index
        %parallel_loop3A_1145 = arith.index_cast %parallel_loop3A_903 : i32 to index
        %parallel_loop3A_1146 = arith.index_cast %parallel_loop3A_1142 : i32 to index
        %parallel_loop3A_1147 = tpu.vector_load %arg7[%parallel_loop3A_1144, %parallel_loop3A_1145, %parallel_loop3A_1146] {strides = array<i32>} : memref<19x8x256xf32, #tpu.memory_space<vmem>>, vector<16xf32>,
        %parallel_loop3A_1148 = math.exp %parallel_loop3A_1147 : vector<16xf32>
        %parallel_loop3A_1149 = arith.addf %parallel_loop3A_1077, %parallel_loop3A_1148 : vector<16xf32>
        %parallel_loop3A_1150 = arith.constant 0 : i32
        %parallel_loop3A_1151 = arith.addi %parallel_loop3A_921, %parallel_loop3A_1150 : i32
        %parallel_loop3A_1152 = arith.constant 6 : i32
        %parallel_loop3A_1153 = arith.index_cast %parallel_loop3A_1152 : i32 to index
        %parallel_loop3A_1154 = arith.index_cast %parallel_loop3A_903 : i32 to index
        %parallel_loop3A_1155 = arith.index_cast %parallel_loop3A_1151 : i32 to index
        %parallel_loop3A_1156 = tpu.vector_load %arg7[%parallel_loop3A_1153, %parallel_loop3A_1154, %parallel_loop3A_1155] {strides = array<i32>} : memref<19x8x256xf32, #tpu.memory_space<vmem>>, vector<16xf32>,
        %parallel_loop3A_1157 = math.exp %parallel_loop3A_1156 : vector<16xf32>
        %parallel_loop3A_1158 = arith.addf %parallel_loop3A_1086, %parallel_loop3A_1157 : vector<16xf32>
        %parallel_loop3A_1159 = arith.constant 16 : i32
        %parallel_loop3A_1160 = arith.addi %parallel_loop3A_921, %parallel_loop3A_1159 : i32
        %parallel_loop3A_1161 = arith.constant 6 : i32
        %parallel_loop3A_1162 = arith.index_cast %parallel_loop3A_1161 : i32 to index
        %parallel_loop3A_1163 = arith.index_cast %parallel_loop3A_903 : i32 to index
        %parallel_loop3A_1164 = arith.index_cast %parallel_loop3A_1160 : i32 to index
        %parallel_loop3A_1165 = tpu.vector_load %arg7[%parallel_loop3A_1162, %parallel_loop3A_1163, %parallel_loop3A_1164] {strides = array<i32>} : memref<19x8x256xf32, #tpu.memory_space<vmem>>, vector<16xf32>,
        %parallel_loop3A_1166 = math.exp %parallel_loop3A_1165 : vector<16xf32>
        %parallel_loop3A_1167 = arith.addf %parallel_loop3A_1095, %parallel_loop3A_1166 : vector<16xf32>
        %parallel_loop3A_1168 = arith.constant 32 : i32
        %parallel_loop3A_1169 = arith.addi %parallel_loop3A_921, %parallel_loop3A_1168 : i32
        %parallel_loop3A_1170 = arith.constant 6 : i32
        %parallel_loop3A_1171 = arith.index_cast %parallel_loop3A_1170 : i32 to index
        %parallel_loop3A_1172 = arith.index_cast %parallel_loop3A_903 : i32 to index
        %parallel_loop3A_1173 = arith.index_cast %parallel_loop3A_1169 : i32 to index
        %parallel_loop3A_1174 = tpu.vector_load %arg7[%parallel_loop3A_1171, %parallel_loop3A_1172, %parallel_loop3A_1173] {strides = array<i32>} : memref<19x8x256xf32, #tpu.memory_space<vmem>>, vector<16xf32>,
        %parallel_loop3A_1175 = math.exp %parallel_loop3A_1174 : vector<16xf32>
        %parallel_loop3A_1176 = arith.addf %parallel_loop3A_1104, %parallel_loop3A_1175 : vector<16xf32>
        %parallel_loop3A_1177 = arith.constant 48 : i32
        %parallel_loop3A_1178 = arith.addi %parallel_loop3A_921, %parallel_loop3A_1177 : i32
        %parallel_loop3A_1179 = arith.constant 6 : i32
        %parallel_loop3A_1180 = arith.index_cast %parallel_loop3A_1179 : i32 to index
        %parallel_loop3A_1181 = arith.index_cast %parallel_loop3A_903 : i32 to index
        %parallel_loop3A_1182 = arith.index_cast %parallel_loop3A_1178 : i32 to index
        %parallel_loop3A_1183 = tpu.vector_load %arg7[%parallel_loop3A_1180, %parallel_loop3A_1181, %parallel_loop3A_1182] {strides = array<i32>} : memref<19x8x256xf32, #tpu.memory_space<vmem>>, vector<16xf32>,
        %parallel_loop3A_1184 = math.exp %parallel_loop3A_1183 : vector<16xf32>
        %parallel_loop3A_1185 = arith.addf %parallel_loop3A_1113, %parallel_loop3A_1184 : vector<16xf32>
        %parallel_loop3A_1186 = arith.constant 0 : i32
        %parallel_loop3A_1187 = arith.addi %parallel_loop3A_921, %parallel_loop3A_1186 : i32
        %parallel_loop3A_1188 = arith.constant 7 : i32
        %parallel_loop3A_1189 = arith.index_cast %parallel_loop3A_1188 : i32 to index
        %parallel_loop3A_1190 = arith.index_cast %parallel_loop3A_903 : i32 to index
        %parallel_loop3A_1191 = arith.index_cast %parallel_loop3A_1187 : i32 to index
        %parallel_loop3A_1192 = tpu.vector_load %arg7[%parallel_loop3A_1189, %parallel_loop3A_1190, %parallel_loop3A_1191] {strides = array<i32>} : memref<19x8x256xf32, #tpu.memory_space<vmem>>, vector<16xf32>,
        %parallel_loop3A_1193 = math.exp %parallel_loop3A_1192 : vector<16xf32>
        %parallel_loop3A_1194 = arith.addf %parallel_loop3A_1122, %parallel_loop3A_1193 : vector<16xf32>
        %parallel_loop3A_1195 = arith.constant 16 : i32
        %parallel_loop3A_1196 = arith.addi %parallel_loop3A_921, %parallel_loop3A_1195 : i32
        %parallel_loop3A_1197 = arith.constant 7 : i32
        %parallel_loop3A_1198 = arith.index_cast %parallel_loop3A_1197 : i32 to index
        %parallel_loop3A_1199 = arith.index_cast %parallel_loop3A_903 : i32 to index
        %parallel_loop3A_1200 = arith.index_cast %parallel_loop3A_1196 : i32 to index
        %parallel_loop3A_1201 = tpu.vector_load %arg7[%parallel_loop3A_1198, %parallel_loop3A_1199, %parallel_loop3A_1200] {strides = array<i32>} : memref<19x8x256xf32, #tpu.memory_space<vmem>>, vector<16xf32>,
        %parallel_loop3A_1202 = math.exp %parallel_loop3A_1201 : vector<16xf32>
        %parallel_loop3A_1203 = arith.addf %parallel_loop3A_1131, %parallel_loop3A_1202 : vector<16xf32>
        %parallel_loop3A_1204 = arith.constant 32 : i32
        %parallel_loop3A_1205 = arith.addi %parallel_loop3A_921, %parallel_loop3A_1204 : i32
        %parallel_loop3A_1206 = arith.constant 7 : i32
        %parallel_loop3A_1207 = arith.index_cast %parallel_loop3A_1206 : i32 to index
        %parallel_loop3A_1208 = arith.index_cast %parallel_loop3A_903 : i32 to index
        %parallel_loop3A_1209 = arith.index_cast %parallel_loop3A_1205 : i32 to index
        %parallel_loop3A_1210 = tpu.vector_load %arg7[%parallel_loop3A_1207, %parallel_loop3A_1208, %parallel_loop3A_1209] {strides = array<i32>} : memref<19x8x256xf32, #tpu.memory_space<vmem>>, vector<16xf32>,
        %parallel_loop3A_1211 = math.exp %parallel_loop3A_1210 : vector<16xf32>
        %parallel_loop3A_1212 = arith.addf %parallel_loop3A_1140, %parallel_loop3A_1211 : vector<16xf32>
        %parallel_loop3A_1213 = arith.constant 48 : i32
        %parallel_loop3A_1214 = arith.addi %parallel_loop3A_921, %parallel_loop3A_1213 : i32
        %parallel_loop3A_1215 = arith.constant 7 : i32
        %parallel_loop3A_1216 = arith.index_cast %parallel_loop3A_1215 : i32 to index
        %parallel_loop3A_1217 = arith.index_cast %parallel_loop3A_903 : i32 to index
        %parallel_loop3A_1218 = arith.index_cast %parallel_loop3A_1214 : i32 to index
        %parallel_loop3A_1219 = tpu.vector_load %arg7[%parallel_loop3A_1216, %parallel_loop3A_1217, %parallel_loop3A_1218] {strides = array<i32>} : memref<19x8x256xf32, #tpu.memory_space<vmem>>, vector<16xf32>,
        %parallel_loop3A_1220 = math.exp %parallel_loop3A_1219 : vector<16xf32>
        %parallel_loop3A_1221 = arith.addf %parallel_loop3A_1149, %parallel_loop3A_1220 : vector<16xf32>
        %parallel_loop3A_1222 = arith.constant 0 : i32
        %parallel_loop3A_1223 = arith.addi %parallel_loop3A_921, %parallel_loop3A_1222 : i32
        %parallel_loop3A_1224 = arith.constant 8 : i32
        %parallel_loop3A_1225 = arith.index_cast %parallel_loop3A_1224 : i32 to index
        %parallel_loop3A_1226 = arith.index_cast %parallel_loop3A_903 : i32 to index
        %parallel_loop3A_1227 = arith.index_cast %parallel_loop3A_1223 : i32 to index
        %parallel_loop3A_1228 = tpu.vector_load %arg7[%parallel_loop3A_1225, %parallel_loop3A_1226, %parallel_loop3A_1227] {strides = array<i32>} : memref<19x8x256xf32, #tpu.memory_space<vmem>>, vector<16xf32>,
        %parallel_loop3A_1229 = math.exp %parallel_loop3A_1228 : vector<16xf32>
        %parallel_loop3A_1230 = arith.addf %parallel_loop3A_1158, %parallel_loop3A_1229 : vector<16xf32>
        %parallel_loop3A_1231 = arith.constant 16 : i32
        %parallel_loop3A_1232 = arith.addi %parallel_loop3A_921, %parallel_loop3A_1231 : i32
        %parallel_loop3A_1233 = arith.constant 8 : i32
        %parallel_loop3A_1234 = arith.index_cast %parallel_loop3A_1233 : i32 to index
        %parallel_loop3A_1235 = arith.index_cast %parallel_loop3A_903 : i32 to index
        %parallel_loop3A_1236 = arith.index_cast %parallel_loop3A_1232 : i32 to index
        %parallel_loop3A_1237 = tpu.vector_load %arg7[%parallel_loop3A_1234, %parallel_loop3A_1235, %parallel_loop3A_1236] {strides = array<i32>} : memref<19x8x256xf32, #tpu.memory_space<vmem>>, vector<16xf32>,
        %parallel_loop3A_1238 = math.exp %parallel_loop3A_1237 : vector<16xf32>
        %parallel_loop3A_1239 = arith.addf %parallel_loop3A_1167, %parallel_loop3A_1238 : vector<16xf32>
        %parallel_loop3A_1240 = arith.constant 32 : i32
        %parallel_loop3A_1241 = arith.addi %parallel_loop3A_921, %parallel_loop3A_1240 : i32
        %parallel_loop3A_1242 = arith.constant 8 : i32
        %parallel_loop3A_1243 = arith.index_cast %parallel_loop3A_1242 : i32 to index
        %parallel_loop3A_1244 = arith.index_cast %parallel_loop3A_903 : i32 to index
        %parallel_loop3A_1245 = arith.index_cast %parallel_loop3A_1241 : i32 to index
        %parallel_loop3A_1246 = tpu.vector_load %arg7[%parallel_loop3A_1243, %parallel_loop3A_1244, %parallel_loop3A_1245] {strides = array<i32>} : memref<19x8x256xf32, #tpu.memory_space<vmem>>, vector<16xf32>,
        %parallel_loop3A_1247 = math.exp %parallel_loop3A_1246 : vector<16xf32>
        %parallel_loop3A_1248 = arith.addf %parallel_loop3A_1176, %parallel_loop3A_1247 : vector<16xf32>
        %parallel_loop3A_1249 = arith.constant 48 : i32
        %parallel_loop3A_1250 = arith.addi %parallel_loop3A_921, %parallel_loop3A_1249 : i32
        %parallel_loop3A_1251 = arith.constant 8 : i32
        %parallel_loop3A_1252 = arith.index_cast %parallel_loop3A_1251 : i32 to index
        %parallel_loop3A_1253 = arith.index_cast %parallel_loop3A_903 : i32 to index
        %parallel_loop3A_1254 = arith.index_cast %parallel_loop3A_1250 : i32 to index
        %parallel_loop3A_1255 = tpu.vector_load %arg7[%parallel_loop3A_1252, %parallel_loop3A_1253, %parallel_loop3A_1254] {strides = array<i32>} : memref<19x8x256xf32, #tpu.memory_space<vmem>>, vector<16xf32>,
        %parallel_loop3A_1256 = math.exp %parallel_loop3A_1255 : vector<16xf32>
        %parallel_loop3A_1257 = arith.addf %parallel_loop3A_1185, %parallel_loop3A_1256 : vector<16xf32>
        %parallel_loop3A_1258 = arith.constant 0 : i32
        %parallel_loop3A_1259 = arith.addi %parallel_loop3A_921, %parallel_loop3A_1258 : i32
        %parallel_loop3A_1260 = arith.constant 9 : i32
        %parallel_loop3A_1261 = arith.index_cast %parallel_loop3A_1260 : i32 to index
        %parallel_loop3A_1262 = arith.index_cast %parallel_loop3A_903 : i32 to index
        %parallel_loop3A_1263 = arith.index_cast %parallel_loop3A_1259 : i32 to index
        %parallel_loop3A_1264 = tpu.vector_load %arg7[%parallel_loop3A_1261, %parallel_loop3A_1262, %parallel_loop3A_1263] {strides = array<i32>} : memref<19x8x256xf32, #tpu.memory_space<vmem>>, vector<16xf32>,
        %parallel_loop3A_1265 = math.exp %parallel_loop3A_1264 : vector<16xf32>
        %parallel_loop3A_1266 = arith.addf %parallel_loop3A_1194, %parallel_loop3A_1265 : vector<16xf32>
        %parallel_loop3A_1267 = arith.constant 16 : i32
        %parallel_loop3A_1268 = arith.addi %parallel_loop3A_921, %parallel_loop3A_1267 : i32
        %parallel_loop3A_1269 = arith.constant 9 : i32
        %parallel_loop3A_1270 = arith.index_cast %parallel_loop3A_1269 : i32 to index
        %parallel_loop3A_1271 = arith.index_cast %parallel_loop3A_903 : i32 to index
        %parallel_loop3A_1272 = arith.index_cast %parallel_loop3A_1268 : i32 to index
        %parallel_loop3A_1273 = tpu.vector_load %arg7[%parallel_loop3A_1270, %parallel_loop3A_1271, %parallel_loop3A_1272] {strides = array<i32>} : memref<19x8x256xf32, #tpu.memory_space<vmem>>, vector<16xf32>,
        %parallel_loop3A_1274 = math.exp %parallel_loop3A_1273 : vector<16xf32>
        %parallel_loop3A_1275 = arith.addf %parallel_loop3A_1203, %parallel_loop3A_1274 : vector<16xf32>
        %parallel_loop3A_1276 = arith.constant 32 : i32
        %parallel_loop3A_1277 = arith.addi %parallel_loop3A_921, %parallel_loop3A_1276 : i32
        %parallel_loop3A_1278 = arith.constant 9 : i32
        %parallel_loop3A_1279 = arith.index_cast %parallel_loop3A_1278 : i32 to index
        %parallel_loop3A_1280 = arith.index_cast %parallel_loop3A_903 : i32 to index
        %parallel_loop3A_1281 = arith.index_cast %parallel_loop3A_1277 : i32 to index
        %parallel_loop3A_1282 = tpu.vector_load %arg7[%parallel_loop3A_1279, %parallel_loop3A_1280, %parallel_loop3A_1281] {strides = array<i32>} : memref<19x8x256xf32, #tpu.memory_space<vmem>>, vector<16xf32>,
        %parallel_loop3A_1283 = math.exp %parallel_loop3A_1282 : vector<16xf32>
        %parallel_loop3A_1284 = arith.addf %parallel_loop3A_1212, %parallel_loop3A_1283 : vector<16xf32>
        %parallel_loop3A_1285 = arith.constant 48 : i32
        %parallel_loop3A_1286 = arith.addi %parallel_loop3A_921, %parallel_loop3A_1285 : i32
        %parallel_loop3A_1287 = arith.constant 9 : i32
        %parallel_loop3A_1288 = arith.index_cast %parallel_loop3A_1287 : i32 to index
        %parallel_loop3A_1289 = arith.index_cast %parallel_loop3A_903 : i32 to index
        %parallel_loop3A_1290 = arith.index_cast %parallel_loop3A_1286 : i32 to index
        %parallel_loop3A_1291 = tpu.vector_load %arg7[%parallel_loop3A_1288, %parallel_loop3A_1289, %parallel_loop3A_1290] {strides = array<i32>} : memref<19x8x256xf32, #tpu.memory_space<vmem>>, vector<16xf32>,
        %parallel_loop3A_1292 = math.exp %parallel_loop3A_1291 : vector<16xf32>
        %parallel_loop3A_1293 = arith.addf %parallel_loop3A_1221, %parallel_loop3A_1292 : vector<16xf32>
        %parallel_loop3A_1294 = arith.constant 0 : i32
        %parallel_loop3A_1295 = arith.addi %parallel_loop3A_921, %parallel_loop3A_1294 : i32
        %parallel_loop3A_1296 = arith.constant 10 : i32
        %parallel_loop3A_1297 = arith.index_cast %parallel_loop3A_1296 : i32 to index
        %parallel_loop3A_1298 = arith.index_cast %parallel_loop3A_903 : i32 to index
        %parallel_loop3A_1299 = arith.index_cast %parallel_loop3A_1295 : i32 to index
        %parallel_loop3A_1300 = tpu.vector_load %arg7[%parallel_loop3A_1297, %parallel_loop3A_1298, %parallel_loop3A_1299] {strides = array<i32>} : memref<19x8x256xf32, #tpu.memory_space<vmem>>, vector<16xf32>,
        %parallel_loop3A_1301 = math.exp %parallel_loop3A_1300 : vector<16xf32>
        %parallel_loop3A_1302 = arith.addf %parallel_loop3A_1230, %parallel_loop3A_1301 : vector<16xf32>
        %parallel_loop3A_1303 = arith.constant 16 : i32
        %parallel_loop3A_1304 = arith.addi %parallel_loop3A_921, %parallel_loop3A_1303 : i32
        %parallel_loop3A_1305 = arith.constant 10 : i32
        %parallel_loop3A_1306 = arith.index_cast %parallel_loop3A_1305 : i32 to index
        %parallel_loop3A_1307 = arith.index_cast %parallel_loop3A_903 : i32 to index
        %parallel_loop3A_1308 = arith.index_cast %parallel_loop3A_1304 : i32 to index
        %parallel_loop3A_1309 = tpu.vector_load %arg7[%parallel_loop3A_1306, %parallel_loop3A_1307, %parallel_loop3A_1308] {strides = array<i32>} : memref<19x8x256xf32, #tpu.memory_space<vmem>>, vector<16xf32>,
        %parallel_loop3A_1310 = math.exp %parallel_loop3A_1309 : vector<16xf32>
        %parallel_loop3A_1311 = arith.addf %parallel_loop3A_1239, %parallel_loop3A_1310 : vector<16xf32>
        %parallel_loop3A_1312 = arith.constant 32 : i32
        %parallel_loop3A_1313 = arith.addi %parallel_loop3A_921, %parallel_loop3A_1312 : i32
        %parallel_loop3A_1314 = arith.constant 10 : i32
        %parallel_loop3A_1315 = arith.index_cast %parallel_loop3A_1314 : i32 to index
        %parallel_loop3A_1316 = arith.index_cast %parallel_loop3A_903 : i32 to index
        %parallel_loop3A_1317 = arith.index_cast %parallel_loop3A_1313 : i32 to index
        %parallel_loop3A_1318 = tpu.vector_load %arg7[%parallel_loop3A_1315, %parallel_loop3A_1316, %parallel_loop3A_1317] {strides = array<i32>} : memref<19x8x256xf32, #tpu.memory_space<vmem>>, vector<16xf32>,
        %parallel_loop3A_1319 = math.exp %parallel_loop3A_1318 : vector<16xf32>
        %parallel_loop3A_1320 = arith.addf %parallel_loop3A_1248, %parallel_loop3A_1319 : vector<16xf32>
        %parallel_loop3A_1321 = arith.constant 48 : i32
        %parallel_loop3A_1322 = arith.addi %parallel_loop3A_921, %parallel_loop3A_1321 : i32
        %parallel_loop3A_1323 = arith.constant 10 : i32
        %parallel_loop3A_1324 = arith.index_cast %parallel_loop3A_1323 : i32 to index
        %parallel_loop3A_1325 = arith.index_cast %parallel_loop3A_903 : i32 to index
        %parallel_loop3A_1326 = arith.index_cast %parallel_loop3A_1322 : i32 to index
        %parallel_loop3A_1327 = tpu.vector_load %arg7[%parallel_loop3A_1324, %parallel_loop3A_1325, %parallel_loop3A_1326] {strides = array<i32>} : memref<19x8x256xf32, #tpu.memory_space<vmem>>, vector<16xf32>,
        %parallel_loop3A_1328 = math.exp %parallel_loop3A_1327 : vector<16xf32>
        %parallel_loop3A_1329 = arith.addf %parallel_loop3A_1257, %parallel_loop3A_1328 : vector<16xf32>
        %parallel_loop3A_1330 = arith.constant 0 : i32
        %parallel_loop3A_1331 = arith.addi %parallel_loop3A_921, %parallel_loop3A_1330 : i32
        %parallel_loop3A_1332 = arith.constant 11 : i32
        %parallel_loop3A_1333 = arith.index_cast %parallel_loop3A_1332 : i32 to index
        %parallel_loop3A_1334 = arith.index_cast %parallel_loop3A_903 : i32 to index
        %parallel_loop3A_1335 = arith.index_cast %parallel_loop3A_1331 : i32 to index
        %parallel_loop3A_1336 = tpu.vector_load %arg7[%parallel_loop3A_1333, %parallel_loop3A_1334, %parallel_loop3A_1335] {strides = array<i32>} : memref<19x8x256xf32, #tpu.memory_space<vmem>>, vector<16xf32>,
        %parallel_loop3A_1337 = math.exp %parallel_loop3A_1336 : vector<16xf32>
        %parallel_loop3A_1338 = arith.addf %parallel_loop3A_1266, %parallel_loop3A_1337 : vector<16xf32>
        %parallel_loop3A_1339 = arith.constant 16 : i32
        %parallel_loop3A_1340 = arith.addi %parallel_loop3A_921, %parallel_loop3A_1339 : i32
        %parallel_loop3A_1341 = arith.constant 11 : i32
        %parallel_loop3A_1342 = arith.index_cast %parallel_loop3A_1341 : i32 to index
        %parallel_loop3A_1343 = arith.index_cast %parallel_loop3A_903 : i32 to index
        %parallel_loop3A_1344 = arith.index_cast %parallel_loop3A_1340 : i32 to index
        %parallel_loop3A_1345 = tpu.vector_load %arg7[%parallel_loop3A_1342, %parallel_loop3A_1343, %parallel_loop3A_1344] {strides = array<i32>} : memref<19x8x256xf32, #tpu.memory_space<vmem>>, vector<16xf32>,
        %parallel_loop3A_1346 = math.exp %parallel_loop3A_1345 : vector<16xf32>
        %parallel_loop3A_1347 = arith.addf %parallel_loop3A_1275, %parallel_loop3A_1346 : vector<16xf32>
        %parallel_loop3A_1348 = arith.constant 32 : i32
        %parallel_loop3A_1349 = arith.addi %parallel_loop3A_921, %parallel_loop3A_1348 : i32
        %parallel_loop3A_1350 = arith.constant 11 : i32
        %parallel_loop3A_1351 = arith.index_cast %parallel_loop3A_1350 : i32 to index
        %parallel_loop3A_1352 = arith.index_cast %parallel_loop3A_903 : i32 to index
        %parallel_loop3A_1353 = arith.index_cast %parallel_loop3A_1349 : i32 to index
        %parallel_loop3A_1354 = tpu.vector_load %arg7[%parallel_loop3A_1351, %parallel_loop3A_1352, %parallel_loop3A_1353] {strides = array<i32>} : memref<19x8x256xf32, #tpu.memory_space<vmem>>, vector<16xf32>,
        %parallel_loop3A_1355 = math.exp %parallel_loop3A_1354 : vector<16xf32>
        %parallel_loop3A_1356 = arith.addf %parallel_loop3A_1284, %parallel_loop3A_1355 : vector<16xf32>
        %parallel_loop3A_1357 = arith.constant 48 : i32
        %parallel_loop3A_1358 = arith.addi %parallel_loop3A_921, %parallel_loop3A_1357 : i32
        %parallel_loop3A_1359 = arith.constant 11 : i32
        %parallel_loop3A_1360 = arith.index_cast %parallel_loop3A_1359 : i32 to index
        %parallel_loop3A_1361 = arith.index_cast %parallel_loop3A_903 : i32 to index
        %parallel_loop3A_1362 = arith.index_cast %parallel_loop3A_1358 : i32 to index
        %parallel_loop3A_1363 = tpu.vector_load %arg7[%parallel_loop3A_1360, %parallel_loop3A_1361, %parallel_loop3A_1362] {strides = array<i32>} : memref<19x8x256xf32, #tpu.memory_space<vmem>>, vector<16xf32>,
        %parallel_loop3A_1364 = math.exp %parallel_loop3A_1363 : vector<16xf32>
        %parallel_loop3A_1365 = arith.addf %parallel_loop3A_1293, %parallel_loop3A_1364 : vector<16xf32>
        %parallel_loop3A_1366 = arith.constant 0 : i32
        %parallel_loop3A_1367 = arith.addi %parallel_loop3A_921, %parallel_loop3A_1366 : i32
        %parallel_loop3A_1368 = arith.constant 12 : i32
        %parallel_loop3A_1369 = arith.index_cast %parallel_loop3A_1368 : i32 to index
        %parallel_loop3A_1370 = arith.index_cast %parallel_loop3A_903 : i32 to index
        %parallel_loop3A_1371 = arith.index_cast %parallel_loop3A_1367 : i32 to index
        %parallel_loop3A_1372 = tpu.vector_load %arg7[%parallel_loop3A_1369, %parallel_loop3A_1370, %parallel_loop3A_1371] {strides = array<i32>} : memref<19x8x256xf32, #tpu.memory_space<vmem>>, vector<16xf32>,
        %parallel_loop3A_1373 = math.exp %parallel_loop3A_1372 : vector<16xf32>
        %parallel_loop3A_1374 = arith.addf %parallel_loop3A_1302, %parallel_loop3A_1373 : vector<16xf32>
        %parallel_loop3A_1375 = arith.constant 16 : i32
        %parallel_loop3A_1376 = arith.addi %parallel_loop3A_921, %parallel_loop3A_1375 : i32
        %parallel_loop3A_1377 = arith.constant 12 : i32
        %parallel_loop3A_1378 = arith.index_cast %parallel_loop3A_1377 : i32 to index
        %parallel_loop3A_1379 = arith.index_cast %parallel_loop3A_903 : i32 to index
        %parallel_loop3A_1380 = arith.index_cast %parallel_loop3A_1376 : i32 to index
        %parallel_loop3A_1381 = tpu.vector_load %arg7[%parallel_loop3A_1378, %parallel_loop3A_1379, %parallel_loop3A_1380] {strides = array<i32>} : memref<19x8x256xf32, #tpu.memory_space<vmem>>, vector<16xf32>,
        %parallel_loop3A_1382 = math.exp %parallel_loop3A_1381 : vector<16xf32>
        %parallel_loop3A_1383 = arith.addf %parallel_loop3A_1311, %parallel_loop3A_1382 : vector<16xf32>
        %parallel_loop3A_1384 = arith.constant 32 : i32
        %parallel_loop3A_1385 = arith.addi %parallel_loop3A_921, %parallel_loop3A_1384 : i32
        %parallel_loop3A_1386 = arith.constant 12 : i32
        %parallel_loop3A_1387 = arith.index_cast %parallel_loop3A_1386 : i32 to index
        %parallel_loop3A_1388 = arith.index_cast %parallel_loop3A_903 : i32 to index
        %parallel_loop3A_1389 = arith.index_cast %parallel_loop3A_1385 : i32 to index
        %parallel_loop3A_1390 = tpu.vector_load %arg7[%parallel_loop3A_1387, %parallel_loop3A_1388, %parallel_loop3A_1389] {strides = array<i32>} : memref<19x8x256xf32, #tpu.memory_space<vmem>>, vector<16xf32>,
        %parallel_loop3A_1391 = math.exp %parallel_loop3A_1390 : vector<16xf32>
        %parallel_loop3A_1392 = arith.addf %parallel_loop3A_1320, %parallel_loop3A_1391 : vector<16xf32>
        %parallel_loop3A_1393 = arith.constant 48 : i32
        %parallel_loop3A_1394 = arith.addi %parallel_loop3A_921, %parallel_loop3A_1393 : i32
        %parallel_loop3A_1395 = arith.constant 12 : i32
        %parallel_loop3A_1396 = arith.index_cast %parallel_loop3A_1395 : i32 to index
        %parallel_loop3A_1397 = arith.index_cast %parallel_loop3A_903 : i32 to index
        %parallel_loop3A_1398 = arith.index_cast %parallel_loop3A_1394 : i32 to index
        %parallel_loop3A_1399 = tpu.vector_load %arg7[%parallel_loop3A_1396, %parallel_loop3A_1397, %parallel_loop3A_1398] {strides = array<i32>} : memref<19x8x256xf32, #tpu.memory_space<vmem>>, vector<16xf32>,
        %parallel_loop3A_1400 = math.exp %parallel_loop3A_1399 : vector<16xf32>
        %parallel_loop3A_1401 = arith.addf %parallel_loop3A_1329, %parallel_loop3A_1400 : vector<16xf32>
        %parallel_loop3A_1402 = arith.constant 0 : i32
        %parallel_loop3A_1403 = arith.addi %parallel_loop3A_921, %parallel_loop3A_1402 : i32
        %parallel_loop3A_1404 = arith.constant 13 : i32
        %parallel_loop3A_1405 = arith.index_cast %parallel_loop3A_1404 : i32 to index
        %parallel_loop3A_1406 = arith.index_cast %parallel_loop3A_903 : i32 to index
        %parallel_loop3A_1407 = arith.index_cast %parallel_loop3A_1403 : i32 to index
        %parallel_loop3A_1408 = tpu.vector_load %arg7[%parallel_loop3A_1405, %parallel_loop3A_1406, %parallel_loop3A_1407] {strides = array<i32>} : memref<19x8x256xf32, #tpu.memory_space<vmem>>, vector<16xf32>,
        %parallel_loop3A_1409 = math.exp %parallel_loop3A_1408 : vector<16xf32>
        %parallel_loop3A_1410 = arith.addf %parallel_loop3A_1338, %parallel_loop3A_1409 : vector<16xf32>
        %parallel_loop3A_1411 = arith.constant 16 : i32
        %parallel_loop3A_1412 = arith.addi %parallel_loop3A_921, %parallel_loop3A_1411 : i32
        %parallel_loop3A_1413 = arith.constant 13 : i32
        %parallel_loop3A_1414 = arith.index_cast %parallel_loop3A_1413 : i32 to index
        %parallel_loop3A_1415 = arith.index_cast %parallel_loop3A_903 : i32 to index
        %parallel_loop3A_1416 = arith.index_cast %parallel_loop3A_1412 : i32 to index
        %parallel_loop3A_1417 = tpu.vector_load %arg7[%parallel_loop3A_1414, %parallel_loop3A_1415, %parallel_loop3A_1416] {strides = array<i32>} : memref<19x8x256xf32, #tpu.memory_space<vmem>>, vector<16xf32>,
        %parallel_loop3A_1418 = math.exp %parallel_loop3A_1417 : vector<16xf32>
        %parallel_loop3A_1419 = arith.addf %parallel_loop3A_1347, %parallel_loop3A_1418 : vector<16xf32>
        %parallel_loop3A_1420 = arith.constant 32 : i32
        %parallel_loop3A_1421 = arith.addi %parallel_loop3A_921, %parallel_loop3A_1420 : i32
        %parallel_loop3A_1422 = arith.constant 13 : i32
        %parallel_loop3A_1423 = arith.index_cast %parallel_loop3A_1422 : i32 to index
        %parallel_loop3A_1424 = arith.index_cast %parallel_loop3A_903 : i32 to index
        %parallel_loop3A_1425 = arith.index_cast %parallel_loop3A_1421 : i32 to index
        %parallel_loop3A_1426 = tpu.vector_load %arg7[%parallel_loop3A_1423, %parallel_loop3A_1424, %parallel_loop3A_1425] {strides = array<i32>} : memref<19x8x256xf32, #tpu.memory_space<vmem>>, vector<16xf32>,
        %parallel_loop3A_1427 = math.exp %parallel_loop3A_1426 : vector<16xf32>
        %parallel_loop3A_1428 = arith.addf %parallel_loop3A_1356, %parallel_loop3A_1427 : vector<16xf32>
        %parallel_loop3A_1429 = arith.constant 48 : i32
        %parallel_loop3A_1430 = arith.addi %parallel_loop3A_921, %parallel_loop3A_1429 : i32
        %parallel_loop3A_1431 = arith.constant 13 : i32
        %parallel_loop3A_1432 = arith.index_cast %parallel_loop3A_1431 : i32 to index
        %parallel_loop3A_1433 = arith.index_cast %parallel_loop3A_903 : i32 to index
        %parallel_loop3A_1434 = arith.index_cast %parallel_loop3A_1430 : i32 to index
        %parallel_loop3A_1435 = tpu.vector_load %arg7[%parallel_loop3A_1432, %parallel_loop3A_1433, %parallel_loop3A_1434] {strides = array<i32>} : memref<19x8x256xf32, #tpu.memory_space<vmem>>, vector<16xf32>,
        %parallel_loop3A_1436 = math.exp %parallel_loop3A_1435 : vector<16xf32>
        %parallel_loop3A_1437 = arith.addf %parallel_loop3A_1365, %parallel_loop3A_1436 : vector<16xf32>
        %parallel_loop3A_1438 = arith.constant 0 : i32
        %parallel_loop3A_1439 = arith.addi %parallel_loop3A_921, %parallel_loop3A_1438 : i32
        %parallel_loop3A_1440 = arith.constant 14 : i32
        %parallel_loop3A_1441 = arith.index_cast %parallel_loop3A_1440 : i32 to index
        %parallel_loop3A_1442 = arith.index_cast %parallel_loop3A_903 : i32 to index
        %parallel_loop3A_1443 = arith.index_cast %parallel_loop3A_1439 : i32 to index
        %parallel_loop3A_1444 = tpu.vector_load %arg7[%parallel_loop3A_1441, %parallel_loop3A_1442, %parallel_loop3A_1443] {strides = array<i32>} : memref<19x8x256xf32, #tpu.memory_space<vmem>>, vector<16xf32>,
        %parallel_loop3A_1445 = math.exp %parallel_loop3A_1444 : vector<16xf32>
        %parallel_loop3A_1446 = arith.addf %parallel_loop3A_1374, %parallel_loop3A_1445 : vector<16xf32>
        %parallel_loop3A_1447 = arith.constant 16 : i32
        %parallel_loop3A_1448 = arith.addi %parallel_loop3A_921, %parallel_loop3A_1447 : i32
        %parallel_loop3A_1449 = arith.constant 14 : i32
        %parallel_loop3A_1450 = arith.index_cast %parallel_loop3A_1449 : i32 to index
        %parallel_loop3A_1451 = arith.index_cast %parallel_loop3A_903 : i32 to index
        %parallel_loop3A_1452 = arith.index_cast %parallel_loop3A_1448 : i32 to index
        %parallel_loop3A_1453 = tpu.vector_load %arg7[%parallel_loop3A_1450, %parallel_loop3A_1451, %parallel_loop3A_1452] {strides = array<i32>} : memref<19x8x256xf32, #tpu.memory_space<vmem>>, vector<16xf32>,
        %parallel_loop3A_1454 = math.exp %parallel_loop3A_1453 : vector<16xf32>
        %parallel_loop3A_1455 = arith.addf %parallel_loop3A_1383, %parallel_loop3A_1454 : vector<16xf32>
        %parallel_loop3A_1456 = arith.constant 32 : i32
        %parallel_loop3A_1457 = arith.addi %parallel_loop3A_921, %parallel_loop3A_1456 : i32
        %parallel_loop3A_1458 = arith.constant 14 : i32
        %parallel_loop3A_1459 = arith.index_cast %parallel_loop3A_1458 : i32 to index
        %parallel_loop3A_1460 = arith.index_cast %parallel_loop3A_903 : i32 to index
        %parallel_loop3A_1461 = arith.index_cast %parallel_loop3A_1457 : i32 to index
        %parallel_loop3A_1462 = tpu.vector_load %arg7[%parallel_loop3A_1459, %parallel_loop3A_1460, %parallel_loop3A_1461] {strides = array<i32>} : memref<19x8x256xf32, #tpu.memory_space<vmem>>, vector<16xf32>,
        %parallel_loop3A_1463 = math.exp %parallel_loop3A_1462 : vector<16xf32>
        %parallel_loop3A_1464 = arith.addf %parallel_loop3A_1392, %parallel_loop3A_1463 : vector<16xf32>
        %parallel_loop3A_1465 = arith.constant 48 : i32
        %parallel_loop3A_1466 = arith.addi %parallel_loop3A_921, %parallel_loop3A_1465 : i32
        %parallel_loop3A_1467 = arith.constant 14 : i32
        %parallel_loop3A_1468 = arith.index_cast %parallel_loop3A_1467 : i32 to index
        %parallel_loop3A_1469 = arith.index_cast %parallel_loop3A_903 : i32 to index
        %parallel_loop3A_1470 = arith.index_cast %parallel_loop3A_1466 : i32 to index
        %parallel_loop3A_1471 = tpu.vector_load %arg7[%parallel_loop3A_1468, %parallel_loop3A_1469, %parallel_loop3A_1470] {strides = array<i32>} : memref<19x8x256xf32, #tpu.memory_space<vmem>>, vector<16xf32>,
        %parallel_loop3A_1472 = math.exp %parallel_loop3A_1471 : vector<16xf32>
        %parallel_loop3A_1473 = arith.addf %parallel_loop3A_1401, %parallel_loop3A_1472 : vector<16xf32>
        %parallel_loop3A_1474 = arith.constant 0 : i32
        %parallel_loop3A_1475 = arith.addi %parallel_loop3A_921, %parallel_loop3A_1474 : i32
        %parallel_loop3A_1476 = arith.constant 15 : i32
        %parallel_loop3A_1477 = arith.index_cast %parallel_loop3A_1476 : i32 to index
        %parallel_loop3A_1478 = arith.index_cast %parallel_loop3A_903 : i32 to index
        %parallel_loop3A_1479 = arith.index_cast %parallel_loop3A_1475 : i32 to index
        %parallel_loop3A_1480 = tpu.vector_load %arg7[%parallel_loop3A_1477, %parallel_loop3A_1478, %parallel_loop3A_1479] {strides = array<i32>} : memref<19x8x256xf32, #tpu.memory_space<vmem>>, vector<16xf32>,
        %parallel_loop3A_1481 = math.exp %parallel_loop3A_1480 : vector<16xf32>
        %parallel_loop3A_1482 = arith.addf %parallel_loop3A_1410, %parallel_loop3A_1481 : vector<16xf32>
        %parallel_loop3A_1483 = arith.constant 16 : i32
        %parallel_loop3A_1484 = arith.addi %parallel_loop3A_921, %parallel_loop3A_1483 : i32
        %parallel_loop3A_1485 = arith.constant 15 : i32
        %parallel_loop3A_1486 = arith.index_cast %parallel_loop3A_1485 : i32 to index
        %parallel_loop3A_1487 = arith.index_cast %parallel_loop3A_903 : i32 to index
        %parallel_loop3A_1488 = arith.index_cast %parallel_loop3A_1484 : i32 to index
        %parallel_loop3A_1489 = tpu.vector_load %arg7[%parallel_loop3A_1486, %parallel_loop3A_1487, %parallel_loop3A_1488] {strides = array<i32>} : memref<19x8x256xf32, #tpu.memory_space<vmem>>, vector<16xf32>,
        %parallel_loop3A_1490 = math.exp %parallel_loop3A_1489 : vector<16xf32>
        %parallel_loop3A_1491 = arith.addf %parallel_loop3A_1419, %parallel_loop3A_1490 : vector<16xf32>
        %parallel_loop3A_1492 = arith.constant 32 : i32
        %parallel_loop3A_1493 = arith.addi %parallel_loop3A_921, %parallel_loop3A_1492 : i32
        %parallel_loop3A_1494 = arith.constant 15 : i32
        %parallel_loop3A_1495 = arith.index_cast %parallel_loop3A_1494 : i32 to index
        %parallel_loop3A_1496 = arith.index_cast %parallel_loop3A_903 : i32 to index
        %parallel_loop3A_1497 = arith.index_cast %parallel_loop3A_1493 : i32 to index
        %parallel_loop3A_1498 = tpu.vector_load %arg7[%parallel_loop3A_1495, %parallel_loop3A_1496, %parallel_loop3A_1497] {strides = array<i32>} : memref<19x8x256xf32, #tpu.memory_space<vmem>>, vector<16xf32>,
        %parallel_loop3A_1499 = math.exp %parallel_loop3A_1498 : vector<16xf32>
        %parallel_loop3A_1500 = arith.addf %parallel_loop3A_1428, %parallel_loop3A_1499 : vector<16xf32>
        %parallel_loop3A_1501 = arith.constant 48 : i32
        %parallel_loop3A_1502 = arith.addi %parallel_loop3A_921, %parallel_loop3A_1501 : i32
        %parallel_loop3A_1503 = arith.constant 15 : i32
        %parallel_loop3A_1504 = arith.index_cast %parallel_loop3A_1503 : i32 to index
        %parallel_loop3A_1505 = arith.index_cast %parallel_loop3A_903 : i32 to index
        %parallel_loop3A_1506 = arith.index_cast %parallel_loop3A_1502 : i32 to index
        %parallel_loop3A_1507 = tpu.vector_load %arg7[%parallel_loop3A_1504, %parallel_loop3A_1505, %parallel_loop3A_1506] {strides = array<i32>} : memref<19x8x256xf32, #tpu.memory_space<vmem>>, vector<16xf32>,
        %parallel_loop3A_1508 = math.exp %parallel_loop3A_1507 : vector<16xf32>
        %parallel_loop3A_1509 = arith.addf %parallel_loop3A_1437, %parallel_loop3A_1508 : vector<16xf32>
        %parallel_loop3A_1510 = arith.constant 0 : i32
        %parallel_loop3A_1511 = arith.addi %parallel_loop3A_921, %parallel_loop3A_1510 : i32
        %parallel_loop3A_1512 = arith.constant 16 : i32
        %parallel_loop3A_1513 = arith.index_cast %parallel_loop3A_1512 : i32 to index
        %parallel_loop3A_1514 = arith.index_cast %parallel_loop3A_903 : i32 to index
        %parallel_loop3A_1515 = arith.index_cast %parallel_loop3A_1511 : i32 to index
        %parallel_loop3A_1516 = tpu.vector_load %arg7[%parallel_loop3A_1513, %parallel_loop3A_1514, %parallel_loop3A_1515] {strides = array<i32>} : memref<19x8x256xf32, #tpu.memory_space<vmem>>, vector<16xf32>,
        %parallel_loop3A_1517 = math.exp %parallel_loop3A_1516 : vector<16xf32>
        %parallel_loop3A_1518 = arith.addf %parallel_loop3A_1446, %parallel_loop3A_1517 : vector<16xf32>
        %parallel_loop3A_1519 = arith.constant 16 : i32
        %parallel_loop3A_1520 = arith.addi %parallel_loop3A_921, %parallel_loop3A_1519 : i32
        %parallel_loop3A_1521 = arith.constant 16 : i32
        %parallel_loop3A_1522 = arith.index_cast %parallel_loop3A_1521 : i32 to index
        %parallel_loop3A_1523 = arith.index_cast %parallel_loop3A_903 : i32 to index
        %parallel_loop3A_1524 = arith.index_cast %parallel_loop3A_1520 : i32 to index
        %parallel_loop3A_1525 = tpu.vector_load %arg7[%parallel_loop3A_1522, %parallel_loop3A_1523, %parallel_loop3A_1524] {strides = array<i32>} : memref<19x8x256xf32, #tpu.memory_space<vmem>>, vector<16xf32>,
        %parallel_loop3A_1526 = math.exp %parallel_loop3A_1525 : vector<16xf32>
        %parallel_loop3A_1527 = arith.addf %parallel_loop3A_1455, %parallel_loop3A_1526 : vector<16xf32>
        %parallel_loop3A_1528 = arith.constant 32 : i32
        %parallel_loop3A_1529 = arith.addi %parallel_loop3A_921, %parallel_loop3A_1528 : i32
        %parallel_loop3A_1530 = arith.constant 16 : i32
        %parallel_loop3A_1531 = arith.index_cast %parallel_loop3A_1530 : i32 to index
        %parallel_loop3A_1532 = arith.index_cast %parallel_loop3A_903 : i32 to index
        %parallel_loop3A_1533 = arith.index_cast %parallel_loop3A_1529 : i32 to index
        %parallel_loop3A_1534 = tpu.vector_load %arg7[%parallel_loop3A_1531, %parallel_loop3A_1532, %parallel_loop3A_1533] {strides = array<i32>} : memref<19x8x256xf32, #tpu.memory_space<vmem>>, vector<16xf32>,
        %parallel_loop3A_1535 = math.exp %parallel_loop3A_1534 : vector<16xf32>
        %parallel_loop3A_1536 = arith.addf %parallel_loop3A_1464, %parallel_loop3A_1535 : vector<16xf32>
        %parallel_loop3A_1537 = arith.constant 48 : i32
        %parallel_loop3A_1538 = arith.addi %parallel_loop3A_921, %parallel_loop3A_1537 : i32
        %parallel_loop3A_1539 = arith.constant 16 : i32
        %parallel_loop3A_1540 = arith.index_cast %parallel_loop3A_1539 : i32 to index
        %parallel_loop3A_1541 = arith.index_cast %parallel_loop3A_903 : i32 to index
        %parallel_loop3A_1542 = arith.index_cast %parallel_loop3A_1538 : i32 to index
        %parallel_loop3A_1543 = tpu.vector_load %arg7[%parallel_loop3A_1540, %parallel_loop3A_1541, %parallel_loop3A_1542] {strides = array<i32>} : memref<19x8x256xf32, #tpu.memory_space<vmem>>, vector<16xf32>,
        %parallel_loop3A_1544 = math.exp %parallel_loop3A_1543 : vector<16xf32>
        %parallel_loop3A_1545 = arith.addf %parallel_loop3A_1473, %parallel_loop3A_1544 : vector<16xf32>
        %parallel_loop3A_1546 = arith.constant 0 : i32
        %parallel_loop3A_1547 = arith.addi %parallel_loop3A_921, %parallel_loop3A_1546 : i32
        %parallel_loop3A_1548 = arith.constant 17 : i32
        %parallel_loop3A_1549 = arith.index_cast %parallel_loop3A_1548 : i32 to index
        %parallel_loop3A_1550 = arith.index_cast %parallel_loop3A_903 : i32 to index
        %parallel_loop3A_1551 = arith.index_cast %parallel_loop3A_1547 : i32 to index
        %parallel_loop3A_1552 = tpu.vector_load %arg7[%parallel_loop3A_1549, %parallel_loop3A_1550, %parallel_loop3A_1551] {strides = array<i32>} : memref<19x8x256xf32, #tpu.memory_space<vmem>>, vector<16xf32>,
        %parallel_loop3A_1553 = math.exp %parallel_loop3A_1552 : vector<16xf32>
        %parallel_loop3A_1554 = arith.addf %parallel_loop3A_1482, %parallel_loop3A_1553 : vector<16xf32>
        %parallel_loop3A_1555 = arith.constant 16 : i32
        %parallel_loop3A_1556 = arith.addi %parallel_loop3A_921, %parallel_loop3A_1555 : i32
        %parallel_loop3A_1557 = arith.constant 17 : i32
        %parallel_loop3A_1558 = arith.index_cast %parallel_loop3A_1557 : i32 to index
        %parallel_loop3A_1559 = arith.index_cast %parallel_loop3A_903 : i32 to index
        %parallel_loop3A_1560 = arith.index_cast %parallel_loop3A_1556 : i32 to index
        %parallel_loop3A_1561 = tpu.vector_load %arg7[%parallel_loop3A_1558, %parallel_loop3A_1559, %parallel_loop3A_1560] {strides = array<i32>} : memref<19x8x256xf32, #tpu.memory_space<vmem>>, vector<16xf32>,
        %parallel_loop3A_1562 = math.exp %parallel_loop3A_1561 : vector<16xf32>
        %parallel_loop3A_1563 = arith.addf %parallel_loop3A_1491, %parallel_loop3A_1562 : vector<16xf32>
        %parallel_loop3A_1564 = arith.constant 32 : i32
        %parallel_loop3A_1565 = arith.addi %parallel_loop3A_921, %parallel_loop3A_1564 : i32
        %parallel_loop3A_1566 = arith.constant 17 : i32
        %parallel_loop3A_1567 = arith.index_cast %parallel_loop3A_1566 : i32 to index
        %parallel_loop3A_1568 = arith.index_cast %parallel_loop3A_903 : i32 to index
        %parallel_loop3A_1569 = arith.index_cast %parallel_loop3A_1565 : i32 to index
        %parallel_loop3A_1570 = tpu.vector_load %arg7[%parallel_loop3A_1567, %parallel_loop3A_1568, %parallel_loop3A_1569] {strides = array<i32>} : memref<19x8x256xf32, #tpu.memory_space<vmem>>, vector<16xf32>,
        %parallel_loop3A_1571 = math.exp %parallel_loop3A_1570 : vector<16xf32>
        %parallel_loop3A_1572 = arith.addf %parallel_loop3A_1500, %parallel_loop3A_1571 : vector<16xf32>
        %parallel_loop3A_1573 = arith.constant 48 : i32
        %parallel_loop3A_1574 = arith.addi %parallel_loop3A_921, %parallel_loop3A_1573 : i32
        %parallel_loop3A_1575 = arith.constant 17 : i32
        %parallel_loop3A_1576 = arith.index_cast %parallel_loop3A_1575 : i32 to index
        %parallel_loop3A_1577 = arith.index_cast %parallel_loop3A_903 : i32 to index
        %parallel_loop3A_1578 = arith.index_cast %parallel_loop3A_1574 : i32 to index
        %parallel_loop3A_1579 = tpu.vector_load %arg7[%parallel_loop3A_1576, %parallel_loop3A_1577, %parallel_loop3A_1578] {strides = array<i32>} : memref<19x8x256xf32, #tpu.memory_space<vmem>>, vector<16xf32>,
        %parallel_loop3A_1580 = math.exp %parallel_loop3A_1579 : vector<16xf32>
        %parallel_loop3A_1581 = arith.addf %parallel_loop3A_1509, %parallel_loop3A_1580 : vector<16xf32>
        %parallel_loop3A_1582 = arith.constant 0 : i32
        %parallel_loop3A_1583 = arith.addi %parallel_loop3A_921, %parallel_loop3A_1582 : i32
        %parallel_loop3A_1584 = arith.constant 18 : i32
        %parallel_loop3A_1585 = arith.index_cast %parallel_loop3A_1584 : i32 to index
        %parallel_loop3A_1586 = arith.index_cast %parallel_loop3A_903 : i32 to index
        %parallel_loop3A_1587 = arith.index_cast %parallel_loop3A_1583 : i32 to index
        %parallel_loop3A_1588 = tpu.vector_load %arg7[%parallel_loop3A_1585, %parallel_loop3A_1586, %parallel_loop3A_1587] {strides = array<i32>} : memref<19x8x256xf32, #tpu.memory_space<vmem>>, vector<16xf32>,
        %parallel_loop3A_1589 = math.exp %parallel_loop3A_1588 : vector<16xf32>
        %parallel_loop3A_1590 = arith.addf %parallel_loop3A_1518, %parallel_loop3A_1589 : vector<16xf32>
        %parallel_loop3A_1591 = arith.constant 16 : i32
        %parallel_loop3A_1592 = arith.addi %parallel_loop3A_921, %parallel_loop3A_1591 : i32
        %parallel_loop3A_1593 = arith.constant 18 : i32
        %parallel_loop3A_1594 = arith.index_cast %parallel_loop3A_1593 : i32 to index
        %parallel_loop3A_1595 = arith.index_cast %parallel_loop3A_903 : i32 to index
        %parallel_loop3A_1596 = arith.index_cast %parallel_loop3A_1592 : i32 to index
        %parallel_loop3A_1597 = tpu.vector_load %arg7[%parallel_loop3A_1594, %parallel_loop3A_1595, %parallel_loop3A_1596] {strides = array<i32>} : memref<19x8x256xf32, #tpu.memory_space<vmem>>, vector<16xf32>,
        %parallel_loop3A_1598 = math.exp %parallel_loop3A_1597 : vector<16xf32>
        %parallel_loop3A_1599 = arith.addf %parallel_loop3A_1527, %parallel_loop3A_1598 : vector<16xf32>
        %parallel_loop3A_1600 = arith.constant 32 : i32
        %parallel_loop3A_1601 = arith.addi %parallel_loop3A_921, %parallel_loop3A_1600 : i32
        %parallel_loop3A_1602 = arith.constant 18 : i32
        %parallel_loop3A_1603 = arith.index_cast %parallel_loop3A_1602 : i32 to index
        %parallel_loop3A_1604 = arith.index_cast %parallel_loop3A_903 : i32 to index
        %parallel_loop3A_1605 = arith.index_cast %parallel_loop3A_1601 : i32 to index
        %parallel_loop3A_1606 = tpu.vector_load %arg7[%parallel_loop3A_1603, %parallel_loop3A_1604, %parallel_loop3A_1605] {strides = array<i32>} : memref<19x8x256xf32, #tpu.memory_space<vmem>>, vector<16xf32>,
        %parallel_loop3A_1607 = math.exp %parallel_loop3A_1606 : vector<16xf32>
        %parallel_loop3A_1608 = arith.addf %parallel_loop3A_1536, %parallel_loop3A_1607 : vector<16xf32>
        %parallel_loop3A_1609 = arith.constant 48 : i32
        %parallel_loop3A_1610 = arith.addi %parallel_loop3A_921, %parallel_loop3A_1609 : i32
        %parallel_loop3A_1611 = arith.constant 18 : i32
        %parallel_loop3A_1612 = arith.index_cast %parallel_loop3A_1611 : i32 to index
        %parallel_loop3A_1613 = arith.index_cast %parallel_loop3A_903 : i32 to index
        %parallel_loop3A_1614 = arith.index_cast %parallel_loop3A_1610 : i32 to index
        %parallel_loop3A_1615 = tpu.vector_load %arg7[%parallel_loop3A_1612, %parallel_loop3A_1613, %parallel_loop3A_1614] {strides = array<i32>} : memref<19x8x256xf32, #tpu.memory_space<vmem>>, vector<16xf32>,
        %parallel_loop3A_1616 = math.exp %parallel_loop3A_1615 : vector<16xf32>
        %parallel_loop3A_1617 = arith.addf %parallel_loop3A_1545, %parallel_loop3A_1616 : vector<16xf32>
        %parallel_loop3A_1618 = arith.addf %parallel_loop3A_1590, %parallel_loop3A_1554 : vector<16xf32>
        %parallel_loop3A_1619 = arith.addf %parallel_loop3A_1599, %parallel_loop3A_1563 : vector<16xf32>
        %parallel_loop3A_1620 = arith.addf %parallel_loop3A_1608, %parallel_loop3A_1572 : vector<16xf32>
        %parallel_loop3A_1621 = arith.addf %parallel_loop3A_1617, %parallel_loop3A_1581 : vector<16xf32>
        %parallel_loop3A_1622 = vector.broadcast %parallel_loop3A_903 : i32 to vector<16xi32>
        %parallel_loop3A_1623 = vector.broadcast %parallel_loop3A_921 : i32 to vector<16xi32>
        %parallel_loop3A_1624 = arith.addi %parallel_loop3A_1623, %iota3A : vector<16xi32>
        %parallel_loop3A_1625 = arith.constant 0 : i32
        %parallel_loop3A_1626 = vector.broadcast %parallel_loop3A_1625 : i32 to vector<16xi32>
        %parallel_loop3A_1627 = arith.addi %parallel_loop3A_1624, %parallel_loop3A_1626 : vector<16xi32>
        %parallel_loop3A_1628 = tpu.vector_load_idx %arg7[%parallel_loop3A_926, %parallel_loop3A_1622, %parallel_loop3A_1627] : memref<19x8x256xf32, #tpu.memory_space<vmem>>[vector<16xi32>, vector<16xi32>, vector<16xi32>], vector<16xf32>,
        %parallel_loop3A_1629 = arith.constant 16 : i32
        %parallel_loop3A_1630 = vector.broadcast %parallel_loop3A_1629 : i32 to vector<16xi32>
        %parallel_loop3A_1631 = arith.addi %parallel_loop3A_1624, %parallel_loop3A_1630 : vector<16xi32>
        %parallel_loop3A_1632 = tpu.vector_load_idx %arg7[%parallel_loop3A_931, %parallel_loop3A_1622, %parallel_loop3A_1631] : memref<19x8x256xf32, #tpu.memory_space<vmem>>[vector<16xi32>, vector<16xi32>, vector<16xi32>], vector<16xf32>,
        %parallel_loop3A_1633 = arith.constant 32 : i32
        %parallel_loop3A_1634 = vector.broadcast %parallel_loop3A_1633 : i32 to vector<16xi32>
        %parallel_loop3A_1635 = arith.addi %parallel_loop3A_1624, %parallel_loop3A_1634 : vector<16xi32>
        %parallel_loop3A_1636 = tpu.vector_load_idx %arg7[%parallel_loop3A_936, %parallel_loop3A_1622, %parallel_loop3A_1635] : memref<19x8x256xf32, #tpu.memory_space<vmem>>[vector<16xi32>, vector<16xi32>, vector<16xi32>], vector<16xf32>,
        %parallel_loop3A_1637 = arith.constant 48 : i32
        %parallel_loop3A_1638 = vector.broadcast %parallel_loop3A_1637 : i32 to vector<16xi32>
        %parallel_loop3A_1639 = arith.addi %parallel_loop3A_1624, %parallel_loop3A_1638 : vector<16xi32>
        %parallel_loop3A_1640 = tpu.vector_load_idx %arg7[%parallel_loop3A_941, %parallel_loop3A_1622, %parallel_loop3A_1639] : memref<19x8x256xf32, #tpu.memory_space<vmem>>[vector<16xi32>, vector<16xi32>, vector<16xi32>], vector<16xf32>,
        %parallel_loop3A_1641 = tpu.bitcast %parallel_loop3A_1618 : vector<16xf32> -> vector<16xi32>
        %parallel_loop3A_1642 = tpu.bitcast %parallel_loop3A_1619 : vector<16xf32> -> vector<16xi32>
        %parallel_loop3A_1643 = tpu.bitcast %parallel_loop3A_1620 : vector<16xf32> -> vector<16xi32>
        %parallel_loop3A_1644 = tpu.bitcast %parallel_loop3A_1621 : vector<16xf32> -> vector<16xi32>
        %parallel_loop3A_1645 = arith.constant 23 : i32
        %parallel_loop3A_1646 = vector.broadcast %parallel_loop3A_1645 : i32 to vector<16xi32>
        %parallel_loop3A_1647 = arith.shrsi %parallel_loop3A_1641, %parallel_loop3A_1646 : vector<16xi32>
        %parallel_loop3A_1648 = arith.constant 127 : i32
        %parallel_loop3A_1649 = vector.broadcast %parallel_loop3A_1648 : i32 to vector<16xi32>
        %parallel_loop3A_1650 = arith.subi %parallel_loop3A_1647, %parallel_loop3A_1649 : vector<16xi32>
        %parallel_loop3A_1651 = arith.constant 23 : i32
        %parallel_loop3A_1652 = vector.broadcast %parallel_loop3A_1651 : i32 to vector<16xi32>
        %parallel_loop3A_1653 = arith.shrsi %parallel_loop3A_1642, %parallel_loop3A_1652 : vector<16xi32>
        %parallel_loop3A_1654 = arith.constant 127 : i32
        %parallel_loop3A_1655 = vector.broadcast %parallel_loop3A_1654 : i32 to vector<16xi32>
        %parallel_loop3A_1656 = arith.subi %parallel_loop3A_1653, %parallel_loop3A_1655 : vector<16xi32>
        %parallel_loop3A_1657 = arith.constant 23 : i32
        %parallel_loop3A_1658 = vector.broadcast %parallel_loop3A_1657 : i32 to vector<16xi32>
        %parallel_loop3A_1659 = arith.shrsi %parallel_loop3A_1643, %parallel_loop3A_1658 : vector<16xi32>
        %parallel_loop3A_1660 = arith.constant 127 : i32
        %parallel_loop3A_1661 = vector.broadcast %parallel_loop3A_1660 : i32 to vector<16xi32>
        %parallel_loop3A_1662 = arith.subi %parallel_loop3A_1659, %parallel_loop3A_1661 : vector<16xi32>
        %parallel_loop3A_1663 = arith.constant 23 : i32
        %parallel_loop3A_1664 = vector.broadcast %parallel_loop3A_1663 : i32 to vector<16xi32>
        %parallel_loop3A_1665 = arith.shrsi %parallel_loop3A_1644, %parallel_loop3A_1664 : vector<16xi32>
        %parallel_loop3A_1666 = arith.constant 127 : i32
        %parallel_loop3A_1667 = vector.broadcast %parallel_loop3A_1666 : i32 to vector<16xi32>
        %parallel_loop3A_1668 = arith.subi %parallel_loop3A_1665, %parallel_loop3A_1667 : vector<16xi32>
        %parallel_loop3A_1669 = arith.constant 8388607 : i32
        %parallel_loop3A_1670 = vector.broadcast %parallel_loop3A_1669 : i32 to vector<16xi32>
        %parallel_loop3A_1671 = arith.andi %parallel_loop3A_1641, %parallel_loop3A_1670 : vector<16xi32>
        %parallel_loop3A_1672 = arith.constant 1065353216 : i32
        %parallel_loop3A_1673 = vector.broadcast %parallel_loop3A_1672 : i32 to vector<16xi32>
        %parallel_loop3A_1674 = arith.ori %parallel_loop3A_1671, %parallel_loop3A_1673 : vector<16xi32>
        %parallel_loop3A_1675 = tpu.bitcast %parallel_loop3A_1674 : vector<16xi32> -> vector<16xf32>
        %parallel_loop3A_1676 = arith.constant 8388607 : i32
        %parallel_loop3A_1677 = vector.broadcast %parallel_loop3A_1676 : i32 to vector<16xi32>
        %parallel_loop3A_1678 = arith.andi %parallel_loop3A_1642, %parallel_loop3A_1677 : vector<16xi32>
        %parallel_loop3A_1679 = arith.constant 1065353216 : i32
        %parallel_loop3A_1680 = vector.broadcast %parallel_loop3A_1679 : i32 to vector<16xi32>
        %parallel_loop3A_1681 = arith.ori %parallel_loop3A_1678, %parallel_loop3A_1680 : vector<16xi32>
        %parallel_loop3A_1682 = tpu.bitcast %parallel_loop3A_1681 : vector<16xi32> -> vector<16xf32>
        %parallel_loop3A_1683 = arith.constant 8388607 : i32
        %parallel_loop3A_1684 = vector.broadcast %parallel_loop3A_1683 : i32 to vector<16xi32>
        %parallel_loop3A_1685 = arith.andi %parallel_loop3A_1643, %parallel_loop3A_1684 : vector<16xi32>
        %parallel_loop3A_1686 = arith.constant 1065353216 : i32
        %parallel_loop3A_1687 = vector.broadcast %parallel_loop3A_1686 : i32 to vector<16xi32>
        %parallel_loop3A_1688 = arith.ori %parallel_loop3A_1685, %parallel_loop3A_1687 : vector<16xi32>
        %parallel_loop3A_1689 = tpu.bitcast %parallel_loop3A_1688 : vector<16xi32> -> vector<16xf32>
        %parallel_loop3A_1690 = arith.constant 8388607 : i32
        %parallel_loop3A_1691 = vector.broadcast %parallel_loop3A_1690 : i32 to vector<16xi32>
        %parallel_loop3A_1692 = arith.andi %parallel_loop3A_1644, %parallel_loop3A_1691 : vector<16xi32>
        %parallel_loop3A_1693 = arith.constant 1065353216 : i32
        %parallel_loop3A_1694 = vector.broadcast %parallel_loop3A_1693 : i32 to vector<16xi32>
        %parallel_loop3A_1695 = arith.ori %parallel_loop3A_1692, %parallel_loop3A_1694 : vector<16xi32>
        %parallel_loop3A_1696 = tpu.bitcast %parallel_loop3A_1695 : vector<16xi32> -> vector<16xf32>
        %parallel_loop3A_1697 = arith.constant 1.41421354 : f32
        %parallel_loop3A_1698 = vector.broadcast %parallel_loop3A_1697 : f32 to vector<16xf32>
        %parallel_loop3A_1699 = arith.cmpf ogt, %parallel_loop3A_1675, %parallel_loop3A_1698 : vector<16xf32>
        %parallel_loop3A_1700 = arith.constant 1.41421354 : f32
        %parallel_loop3A_1701 = vector.broadcast %parallel_loop3A_1700 : f32 to vector<16xf32>
        %parallel_loop3A_1702 = arith.cmpf ogt, %parallel_loop3A_1682, %parallel_loop3A_1701 : vector<16xf32>
        %parallel_loop3A_1703 = arith.constant 1.41421354 : f32
        %parallel_loop3A_1704 = vector.broadcast %parallel_loop3A_1703 : f32 to vector<16xf32>
        %parallel_loop3A_1705 = arith.cmpf ogt, %parallel_loop3A_1689, %parallel_loop3A_1704 : vector<16xf32>
        %parallel_loop3A_1706 = arith.constant 1.41421354 : f32
        %parallel_loop3A_1707 = vector.broadcast %parallel_loop3A_1706 : f32 to vector<16xf32>
        %parallel_loop3A_1708 = arith.cmpf ogt, %parallel_loop3A_1696, %parallel_loop3A_1707 : vector<16xf32>
        %parallel_loop3A_1709 = arith.constant 5.000000e-01 : f32
        %parallel_loop3A_1710 = vector.broadcast %parallel_loop3A_1709 : f32 to vector<16xf32>
        %parallel_loop3A_1711 = arith.mulf %parallel_loop3A_1675, %parallel_loop3A_1710 : vector<16xf32>
        %parallel_loop3A_1712 = arith.select %parallel_loop3A_1699, %parallel_loop3A_1711, %parallel_loop3A_1675 : vector<16xi1>, vector<16xf32>
        %parallel_loop3A_1713 = arith.constant 5.000000e-01 : f32
        %parallel_loop3A_1714 = vector.broadcast %parallel_loop3A_1713 : f32 to vector<16xf32>
        %parallel_loop3A_1715 = arith.mulf %parallel_loop3A_1682, %parallel_loop3A_1714 : vector<16xf32>
        %parallel_loop3A_1716 = arith.select %parallel_loop3A_1702, %parallel_loop3A_1715, %parallel_loop3A_1682 : vector<16xi1>, vector<16xf32>
        %parallel_loop3A_1717 = arith.constant 5.000000e-01 : f32
        %parallel_loop3A_1718 = vector.broadcast %parallel_loop3A_1717 : f32 to vector<16xf32>
        %parallel_loop3A_1719 = arith.mulf %parallel_loop3A_1689, %parallel_loop3A_1718 : vector<16xf32>
        %parallel_loop3A_1720 = arith.select %parallel_loop3A_1705, %parallel_loop3A_1719, %parallel_loop3A_1689 : vector<16xi1>, vector<16xf32>
        %parallel_loop3A_1721 = arith.constant 5.000000e-01 : f32
        %parallel_loop3A_1722 = vector.broadcast %parallel_loop3A_1721 : f32 to vector<16xf32>
        %parallel_loop3A_1723 = arith.mulf %parallel_loop3A_1696, %parallel_loop3A_1722 : vector<16xf32>
        %parallel_loop3A_1724 = arith.select %parallel_loop3A_1708, %parallel_loop3A_1723, %parallel_loop3A_1696 : vector<16xi1>, vector<16xf32>
        %parallel_loop3A_1725 = arith.constant 1 : i32
        %parallel_loop3A_1726 = vector.broadcast %parallel_loop3A_1725 : i32 to vector<16xi32>
        %parallel_loop3A_1727 = arith.addi %parallel_loop3A_1650, %parallel_loop3A_1726 : vector<16xi32>
        %parallel_loop3A_1728 = arith.select %parallel_loop3A_1699, %parallel_loop3A_1727, %parallel_loop3A_1650 : vector<16xi1>, vector<16xi32>
        %parallel_loop3A_1729 = arith.constant 1 : i32
        %parallel_loop3A_1730 = vector.broadcast %parallel_loop3A_1729 : i32 to vector<16xi32>
        %parallel_loop3A_1731 = arith.addi %parallel_loop3A_1656, %parallel_loop3A_1730 : vector<16xi32>
        %parallel_loop3A_1732 = arith.select %parallel_loop3A_1702, %parallel_loop3A_1731, %parallel_loop3A_1656 : vector<16xi1>, vector<16xi32>
        %parallel_loop3A_1733 = arith.constant 1 : i32
        %parallel_loop3A_1734 = vector.broadcast %parallel_loop3A_1733 : i32 to vector<16xi32>
        %parallel_loop3A_1735 = arith.addi %parallel_loop3A_1662, %parallel_loop3A_1734 : vector<16xi32>
        %parallel_loop3A_1736 = arith.select %parallel_loop3A_1705, %parallel_loop3A_1735, %parallel_loop3A_1662 : vector<16xi1>, vector<16xi32>
        %parallel_loop3A_1737 = arith.constant 1 : i32
        %parallel_loop3A_1738 = vector.broadcast %parallel_loop3A_1737 : i32 to vector<16xi32>
        %parallel_loop3A_1739 = arith.addi %parallel_loop3A_1668, %parallel_loop3A_1738 : vector<16xi32>
        %parallel_loop3A_1740 = arith.select %parallel_loop3A_1708, %parallel_loop3A_1739, %parallel_loop3A_1668 : vector<16xi1>, vector<16xi32>
        %parallel_loop3A_1741 = arith.constant 1.000000e+00 : f32
        %parallel_loop3A_1742 = vector.broadcast %parallel_loop3A_1741 : f32 to vector<16xf32>
        %parallel_loop3A_1743 = arith.subf %parallel_loop3A_1712, %parallel_loop3A_1742 : vector<16xf32>
        %parallel_loop3A_1744 = arith.constant 1.000000e+00 : f32
        %parallel_loop3A_1745 = vector.broadcast %parallel_loop3A_1744 : f32 to vector<16xf32>
        %parallel_loop3A_1746 = arith.subf %parallel_loop3A_1716, %parallel_loop3A_1745 : vector<16xf32>
        %parallel_loop3A_1747 = arith.constant 1.000000e+00 : f32
        %parallel_loop3A_1748 = vector.broadcast %parallel_loop3A_1747 : f32 to vector<16xf32>
        %parallel_loop3A_1749 = arith.subf %parallel_loop3A_1720, %parallel_loop3A_1748 : vector<16xf32>
        %parallel_loop3A_1750 = arith.constant 1.000000e+00 : f32
        %parallel_loop3A_1751 = vector.broadcast %parallel_loop3A_1750 : f32 to vector<16xf32>
        %parallel_loop3A_1752 = arith.subf %parallel_loop3A_1724, %parallel_loop3A_1751 : vector<16xf32>
        %parallel_loop3A_1753 = arith.constant 0.172245577 : f32
        %parallel_loop3A_1754 = vector.broadcast %parallel_loop3A_1753 : f32 to vector<16xf32>
        %parallel_loop3A_1755 = arith.constant 0.172245577 : f32
        %parallel_loop3A_1756 = vector.broadcast %parallel_loop3A_1755 : f32 to vector<16xf32>
        %parallel_loop3A_1757 = arith.constant 0.172245577 : f32
        %parallel_loop3A_1758 = vector.broadcast %parallel_loop3A_1757 : f32 to vector<16xf32>
        %parallel_loop3A_1759 = arith.constant 0.172245577 : f32
        %parallel_loop3A_1760 = vector.broadcast %parallel_loop3A_1759 : f32 to vector<16xf32>
        %parallel_loop3A_1761 = arith.mulf %parallel_loop3A_1743, %parallel_loop3A_1754 : vector<16xf32>
        %parallel_loop3A_1762 = arith.constant -0.274079502 : f32
        %parallel_loop3A_1763 = vector.broadcast %parallel_loop3A_1762 : f32 to vector<16xf32>
        %parallel_loop3A_1764 = arith.addf %parallel_loop3A_1763, %parallel_loop3A_1761 : vector<16xf32>
        %parallel_loop3A_1765 = arith.mulf %parallel_loop3A_1746, %parallel_loop3A_1756 : vector<16xf32>
        %parallel_loop3A_1766 = arith.constant -0.274079502 : f32
        %parallel_loop3A_1767 = vector.broadcast %parallel_loop3A_1766 : f32 to vector<16xf32>
        %parallel_loop3A_1768 = arith.addf %parallel_loop3A_1767, %parallel_loop3A_1765 : vector<16xf32>
        %parallel_loop3A_1769 = arith.mulf %parallel_loop3A_1749, %parallel_loop3A_1758 : vector<16xf32>
        %parallel_loop3A_1770 = arith.constant -0.274079502 : f32
        %parallel_loop3A_1771 = vector.broadcast %parallel_loop3A_1770 : f32 to vector<16xf32>
        %parallel_loop3A_1772 = arith.addf %parallel_loop3A_1771, %parallel_loop3A_1769 : vector<16xf32>
        %parallel_loop3A_1773 = arith.mulf %parallel_loop3A_1752, %parallel_loop3A_1760 : vector<16xf32>
        %parallel_loop3A_1774 = arith.constant -0.274079502 : f32
        %parallel_loop3A_1775 = vector.broadcast %parallel_loop3A_1774 : f32 to vector<16xf32>
        %parallel_loop3A_1776 = arith.addf %parallel_loop3A_1775, %parallel_loop3A_1773 : vector<16xf32>
        %parallel_loop3A_1777 = arith.mulf %parallel_loop3A_1743, %parallel_loop3A_1764 : vector<16xf32>
        %parallel_loop3A_1778 = arith.constant 0.338005543 : f32
        %parallel_loop3A_1779 = vector.broadcast %parallel_loop3A_1778 : f32 to vector<16xf32>
        %parallel_loop3A_1780 = arith.addf %parallel_loop3A_1779, %parallel_loop3A_1777 : vector<16xf32>
        %parallel_loop3A_1781 = arith.mulf %parallel_loop3A_1746, %parallel_loop3A_1768 : vector<16xf32>
        %parallel_loop3A_1782 = arith.constant 0.338005543 : f32
        %parallel_loop3A_1783 = vector.broadcast %parallel_loop3A_1782 : f32 to vector<16xf32>
        %parallel_loop3A_1784 = arith.addf %parallel_loop3A_1783, %parallel_loop3A_1781 : vector<16xf32>
        %parallel_loop3A_1785 = arith.mulf %parallel_loop3A_1749, %parallel_loop3A_1772 : vector<16xf32>
        %parallel_loop3A_1786 = arith.constant 0.338005543 : f32
        %parallel_loop3A_1787 = vector.broadcast %parallel_loop3A_1786 : f32 to vector<16xf32>
        %parallel_loop3A_1788 = arith.addf %parallel_loop3A_1787, %parallel_loop3A_1785 : vector<16xf32>
        %parallel_loop3A_1789 = arith.mulf %parallel_loop3A_1752, %parallel_loop3A_1776 : vector<16xf32>
        %parallel_loop3A_1790 = arith.constant 0.338005543 : f32
        %parallel_loop3A_1791 = vector.broadcast %parallel_loop3A_1790 : f32 to vector<16xf32>
        %parallel_loop3A_1792 = arith.addf %parallel_loop3A_1791, %parallel_loop3A_1789 : vector<16xf32>
        %parallel_loop3A_1793 = arith.mulf %parallel_loop3A_1743, %parallel_loop3A_1780 : vector<16xf32>
        %parallel_loop3A_1794 = arith.constant -0.499110162 : f32
        %parallel_loop3A_1795 = vector.broadcast %parallel_loop3A_1794 : f32 to vector<16xf32>
        %parallel_loop3A_1796 = arith.addf %parallel_loop3A_1795, %parallel_loop3A_1793 : vector<16xf32>
        %parallel_loop3A_1797 = arith.mulf %parallel_loop3A_1746, %parallel_loop3A_1784 : vector<16xf32>
        %parallel_loop3A_1798 = arith.constant -0.499110162 : f32
        %parallel_loop3A_1799 = vector.broadcast %parallel_loop3A_1798 : f32 to vector<16xf32>
        %parallel_loop3A_1800 = arith.addf %parallel_loop3A_1799, %parallel_loop3A_1797 : vector<16xf32>
        %parallel_loop3A_1801 = arith.mulf %parallel_loop3A_1749, %parallel_loop3A_1788 : vector<16xf32>
        %parallel_loop3A_1802 = arith.constant -0.499110162 : f32
        %parallel_loop3A_1803 = vector.broadcast %parallel_loop3A_1802 : f32 to vector<16xf32>
        %parallel_loop3A_1804 = arith.addf %parallel_loop3A_1803, %parallel_loop3A_1801 : vector<16xf32>
        %parallel_loop3A_1805 = arith.mulf %parallel_loop3A_1752, %parallel_loop3A_1792 : vector<16xf32>
        %parallel_loop3A_1806 = arith.constant -0.499110162 : f32
        %parallel_loop3A_1807 = vector.broadcast %parallel_loop3A_1806 : f32 to vector<16xf32>
        %parallel_loop3A_1808 = arith.addf %parallel_loop3A_1807, %parallel_loop3A_1805 : vector<16xf32>
        %parallel_loop3A_1809 = arith.mulf %parallel_loop3A_1743, %parallel_loop3A_1796 : vector<16xf32>
        %parallel_loop3A_1810 = arith.constant 0.999887108 : f32
        %parallel_loop3A_1811 = vector.broadcast %parallel_loop3A_1810 : f32 to vector<16xf32>
        %parallel_loop3A_1812 = arith.addf %parallel_loop3A_1811, %parallel_loop3A_1809 : vector<16xf32>
        %parallel_loop3A_1813 = arith.mulf %parallel_loop3A_1746, %parallel_loop3A_1800 : vector<16xf32>
        %parallel_loop3A_1814 = arith.constant 0.999887108 : f32
        %parallel_loop3A_1815 = vector.broadcast %parallel_loop3A_1814 : f32 to vector<16xf32>
        %parallel_loop3A_1816 = arith.addf %parallel_loop3A_1815, %parallel_loop3A_1813 : vector<16xf32>
        %parallel_loop3A_1817 = arith.mulf %parallel_loop3A_1749, %parallel_loop3A_1804 : vector<16xf32>
        %parallel_loop3A_1818 = arith.constant 0.999887108 : f32
        %parallel_loop3A_1819 = vector.broadcast %parallel_loop3A_1818 : f32 to vector<16xf32>
        %parallel_loop3A_1820 = arith.addf %parallel_loop3A_1819, %parallel_loop3A_1817 : vector<16xf32>
        %parallel_loop3A_1821 = arith.mulf %parallel_loop3A_1752, %parallel_loop3A_1808 : vector<16xf32>
        %parallel_loop3A_1822 = arith.constant 0.999887108 : f32
        %parallel_loop3A_1823 = vector.broadcast %parallel_loop3A_1822 : f32 to vector<16xf32>
        %parallel_loop3A_1824 = arith.addf %parallel_loop3A_1823, %parallel_loop3A_1821 : vector<16xf32>
        %parallel_loop3A_1825 = arith.sitofp %parallel_loop3A_1728 : vector<16xi32> to vector<16xf32>
        %parallel_loop3A_1826 = arith.constant 0.693147182 : f32
        %parallel_loop3A_1827 = vector.broadcast %parallel_loop3A_1826 : f32 to vector<16xf32>
        %parallel_loop3A_1828 = arith.mulf %parallel_loop3A_1825, %parallel_loop3A_1827 : vector<16xf32>
        %parallel_loop3A_1829 = arith.mulf %parallel_loop3A_1743, %parallel_loop3A_1812 : vector<16xf32>
        %parallel_loop3A_1830 = arith.addf %parallel_loop3A_1828, %parallel_loop3A_1829 : vector<16xf32>
        %parallel_loop3A_1831 = arith.sitofp %parallel_loop3A_1732 : vector<16xi32> to vector<16xf32>
        %parallel_loop3A_1832 = arith.constant 0.693147182 : f32
        %parallel_loop3A_1833 = vector.broadcast %parallel_loop3A_1832 : f32 to vector<16xf32>
        %parallel_loop3A_1834 = arith.mulf %parallel_loop3A_1831, %parallel_loop3A_1833 : vector<16xf32>
        %parallel_loop3A_1835 = arith.mulf %parallel_loop3A_1746, %parallel_loop3A_1816 : vector<16xf32>
        %parallel_loop3A_1836 = arith.addf %parallel_loop3A_1834, %parallel_loop3A_1835 : vector<16xf32>
        %parallel_loop3A_1837 = arith.sitofp %parallel_loop3A_1736 : vector<16xi32> to vector<16xf32>
        %parallel_loop3A_1838 = arith.constant 0.693147182 : f32
        %parallel_loop3A_1839 = vector.broadcast %parallel_loop3A_1838 : f32 to vector<16xf32>
        %parallel_loop3A_1840 = arith.mulf %parallel_loop3A_1837, %parallel_loop3A_1839 : vector<16xf32>
        %parallel_loop3A_1841 = arith.mulf %parallel_loop3A_1749, %parallel_loop3A_1820 : vector<16xf32>
        %parallel_loop3A_1842 = arith.addf %parallel_loop3A_1840, %parallel_loop3A_1841 : vector<16xf32>
        %parallel_loop3A_1843 = arith.sitofp %parallel_loop3A_1740 : vector<16xi32> to vector<16xf32>
        %parallel_loop3A_1844 = arith.constant 0.693147182 : f32
        %parallel_loop3A_1845 = vector.broadcast %parallel_loop3A_1844 : f32 to vector<16xf32>
        %parallel_loop3A_1846 = arith.mulf %parallel_loop3A_1843, %parallel_loop3A_1845 : vector<16xf32>
        %parallel_loop3A_1847 = arith.mulf %parallel_loop3A_1752, %parallel_loop3A_1824 : vector<16xf32>
        %parallel_loop3A_1848 = arith.addf %parallel_loop3A_1846, %parallel_loop3A_1847 : vector<16xf32>
        %parallel_loop3A_1849 = arith.constant 64 : i32
        %parallel_loop3A_1850 = arith.muli %parallel_loop3A_871, %parallel_loop3A_1849 : i32
        %parallel_loop3A_1851 = arith.subf %parallel_loop3A_1830, %parallel_loop3A_1628 : vector<16xf32>
        %parallel_loop3A_1852 = arith.constant 0 : i32
        %parallel_loop3A_1853 = arith.addi %parallel_loop3A_1850, %parallel_loop3A_1852 : i32
        %parallel_loop3A_1854 = arith.index_cast %parallel_loop3A_1853 : i32 to index
        %parallel_loop3A_1855 = tpu.vector_load %arg11[%parallel_loop3A_1854] {strides = array<i32>} : memref<2048xf32, #tpu.memory_space<vmem>>, vector<16xf32>,
        tpu.vector_store %arg11[%parallel_loop3A_1854], %parallel_loop3A_1851 {strides = array<i32>} : memref<2048xf32, #tpu.memory_space<vmem>>, vector<16xf32>,
        %parallel_loop3A_1856 = arith.constant 0.105360515 : f32
        %parallel_loop3A_1857 = vector.broadcast %parallel_loop3A_1856 : f32 to vector<16xf32>
        %parallel_loop3A_1858 = arith.cmpf ogt, %parallel_loop3A_1851, %parallel_loop3A_1857 : vector<16xf32>
        %parallel_loop3A_1859 = arith.constant 0.000000e+00 : f32
        %parallel_loop3A_1860 = vector.broadcast %parallel_loop3A_1859 : f32 to vector<16xf32>
        %parallel_loop3A_1861 = arith.select %parallel_loop3A_1858, %parallel_loop3A_1851, %parallel_loop3A_1860 : vector<16xi1>, vector<16xf32>
        %parallel_loop3A_1862 = arith.addf %parallel_loop3A_872, %parallel_loop3A_1861 : vector<16xf32>
        %parallel_loop3A_1863 = arith.constant 1.000000e+00 : f32
        %parallel_loop3A_1864 = arith.constant 0.000000e+00 : f32
        %parallel_loop3A_1865 = vector.broadcast %parallel_loop3A_1863 : f32 to vector<16xf32>
        %parallel_loop3A_1866 = vector.broadcast %parallel_loop3A_1864 : f32 to vector<16xf32>
        %parallel_loop3A_1867 = arith.select %parallel_loop3A_1858, %parallel_loop3A_1865, %parallel_loop3A_1866 : vector<16xi1>, vector<16xf32>
        %parallel_loop3A_1868 = arith.addf %parallel_loop3A_873, %parallel_loop3A_1867 : vector<16xf32>
        %parallel_loop3A_1869 = arith.subf %parallel_loop3A_1836, %parallel_loop3A_1632 : vector<16xf32>
        %parallel_loop3A_1870 = arith.constant 16 : i32
        %parallel_loop3A_1871 = arith.addi %parallel_loop3A_1850, %parallel_loop3A_1870 : i32
        %parallel_loop3A_1872 = arith.index_cast %parallel_loop3A_1871 : i32 to index
        %parallel_loop3A_1873 = tpu.vector_load %arg11[%parallel_loop3A_1872] {strides = array<i32>} : memref<2048xf32, #tpu.memory_space<vmem>>, vector<16xf32>,
        tpu.vector_store %arg11[%parallel_loop3A_1872], %parallel_loop3A_1869 {strides = array<i32>} : memref<2048xf32, #tpu.memory_space<vmem>>, vector<16xf32>,
        %parallel_loop3A_1874 = arith.constant 0.105360515 : f32
        %parallel_loop3A_1875 = vector.broadcast %parallel_loop3A_1874 : f32 to vector<16xf32>
        %parallel_loop3A_1876 = arith.cmpf ogt, %parallel_loop3A_1869, %parallel_loop3A_1875 : vector<16xf32>
        %parallel_loop3A_1877 = arith.constant 0.000000e+00 : f32
        %parallel_loop3A_1878 = vector.broadcast %parallel_loop3A_1877 : f32 to vector<16xf32>
        %parallel_loop3A_1879 = arith.select %parallel_loop3A_1876, %parallel_loop3A_1869, %parallel_loop3A_1878 : vector<16xi1>, vector<16xf32>
        %parallel_loop3A_1880 = arith.addf %parallel_loop3A_874, %parallel_loop3A_1879 : vector<16xf32>
        %parallel_loop3A_1881 = arith.constant 1.000000e+00 : f32
        %parallel_loop3A_1882 = arith.constant 0.000000e+00 : f32
        %parallel_loop3A_1883 = vector.broadcast %parallel_loop3A_1881 : f32 to vector<16xf32>
        %parallel_loop3A_1884 = vector.broadcast %parallel_loop3A_1882 : f32 to vector<16xf32>
        %parallel_loop3A_1885 = arith.select %parallel_loop3A_1876, %parallel_loop3A_1883, %parallel_loop3A_1884 : vector<16xi1>, vector<16xf32>
        %parallel_loop3A_1886 = arith.addf %parallel_loop3A_875, %parallel_loop3A_1885 : vector<16xf32>
        %parallel_loop3A_1887 = arith.subf %parallel_loop3A_1842, %parallel_loop3A_1636 : vector<16xf32>
        %parallel_loop3A_1888 = arith.constant 32 : i32
        %parallel_loop3A_1889 = arith.addi %parallel_loop3A_1850, %parallel_loop3A_1888 : i32
        %parallel_loop3A_1890 = arith.index_cast %parallel_loop3A_1889 : i32 to index
        %parallel_loop3A_1891 = tpu.vector_load %arg11[%parallel_loop3A_1890] {strides = array<i32>} : memref<2048xf32, #tpu.memory_space<vmem>>, vector<16xf32>,
        tpu.vector_store %arg11[%parallel_loop3A_1890], %parallel_loop3A_1887 {strides = array<i32>} : memref<2048xf32, #tpu.memory_space<vmem>>, vector<16xf32>,
        %parallel_loop3A_1892 = arith.constant 0.105360515 : f32
        %parallel_loop3A_1893 = vector.broadcast %parallel_loop3A_1892 : f32 to vector<16xf32>
        %parallel_loop3A_1894 = arith.cmpf ogt, %parallel_loop3A_1887, %parallel_loop3A_1893 : vector<16xf32>
        %parallel_loop3A_1895 = arith.constant 0.000000e+00 : f32
        %parallel_loop3A_1896 = vector.broadcast %parallel_loop3A_1895 : f32 to vector<16xf32>
        %parallel_loop3A_1897 = arith.select %parallel_loop3A_1894, %parallel_loop3A_1887, %parallel_loop3A_1896 : vector<16xi1>, vector<16xf32>
        %parallel_loop3A_1898 = arith.addf %parallel_loop3A_876, %parallel_loop3A_1897 : vector<16xf32>
        %parallel_loop3A_1899 = arith.constant 1.000000e+00 : f32
        %parallel_loop3A_1900 = arith.constant 0.000000e+00 : f32
        %parallel_loop3A_1901 = vector.broadcast %parallel_loop3A_1899 : f32 to vector<16xf32>
        %parallel_loop3A_1902 = vector.broadcast %parallel_loop3A_1900 : f32 to vector<16xf32>
        %parallel_loop3A_1903 = arith.select %parallel_loop3A_1894, %parallel_loop3A_1901, %parallel_loop3A_1902 : vector<16xi1>, vector<16xf32>
        %parallel_loop3A_1904 = arith.addf %parallel_loop3A_877, %parallel_loop3A_1903 : vector<16xf32>
        %parallel_loop3A_1905 = arith.subf %parallel_loop3A_1848, %parallel_loop3A_1640 : vector<16xf32>
        %parallel_loop3A_1906 = arith.constant 48 : i32
        %parallel_loop3A_1907 = arith.addi %parallel_loop3A_1850, %parallel_loop3A_1906 : i32
        %parallel_loop3A_1908 = arith.index_cast %parallel_loop3A_1907 : i32 to index
        %parallel_loop3A_1909 = tpu.vector_load %arg11[%parallel_loop3A_1908] {strides = array<i32>} : memref<2048xf32, #tpu.memory_space<vmem>>, vector<16xf32>,
        tpu.vector_store %arg11[%parallel_loop3A_1908], %parallel_loop3A_1905 {strides = array<i32>} : memref<2048xf32, #tpu.memory_space<vmem>>, vector<16xf32>,
        %parallel_loop3A_1910 = arith.constant 0.105360515 : f32
        %parallel_loop3A_1911 = vector.broadcast %parallel_loop3A_1910 : f32 to vector<16xf32>
        %parallel_loop3A_1912 = arith.cmpf ogt, %parallel_loop3A_1905, %parallel_loop3A_1911 : vector<16xf32>
        %parallel_loop3A_1913 = arith.constant 0.000000e+00 : f32
        %parallel_loop3A_1914 = vector.broadcast %parallel_loop3A_1913 : f32 to vector<16xf32>
        %parallel_loop3A_1915 = arith.select %parallel_loop3A_1912, %parallel_loop3A_1905, %parallel_loop3A_1914 : vector<16xi1>, vector<16xf32>
        %parallel_loop3A_1916 = arith.addf %parallel_loop3A_878, %parallel_loop3A_1915 : vector<16xf32>
        %parallel_loop3A_1917 = arith.constant 1.000000e+00 : f32
        %parallel_loop3A_1918 = arith.constant 0.000000e+00 : f32
        %parallel_loop3A_1919 = vector.broadcast %parallel_loop3A_1917 : f32 to vector<16xf32>
        %parallel_loop3A_1920 = vector.broadcast %parallel_loop3A_1918 : f32 to vector<16xf32>
        %parallel_loop3A_1921 = arith.select %parallel_loop3A_1912, %parallel_loop3A_1919, %parallel_loop3A_1920 : vector<16xi1>, vector<16xf32>
        %parallel_loop3A_1922 = arith.addf %parallel_loop3A_879, %parallel_loop3A_1921 : vector<16xf32>
        scf.yield %parallel_loop3A_1862, %parallel_loop3A_1868, %parallel_loop3A_1880, %parallel_loop3A_1886, %parallel_loop3A_1898, %parallel_loop3A_1904, %parallel_loop3A_1916, %parallel_loop3A_1922 : vector<16xf32>, vector<16xf32>, vector<16xf32>, vector<16xf32>, vector<16xf32>, vector<16xf32>, vector<16xf32>, vector<16xf32>
      } {sc.loop_unroll_factor = 2 : i64, sc.parallel_access}
      %jit3A_816 = arith.constant 4 : i32
      %div3A_817 = arith.divsi %add3A_786, %jit3A_816 : i32
      %sign3A_818 = arith.constant 0 : i32
      %sign3A_819 = arith.cmpi sgt, %add3A_786, %sign3A_818 : i32
      %sign3A_820 = arith.extui %sign3A_819 : i1 to i32
      %sign3A_821 = arith.constant 0 : i32
      %sign3A_822 = arith.cmpi slt, %add3A_786, %sign3A_821 : i32
      %sign3A_823 = arith.extui %sign3A_822 : i1 to i32
      %sign3A_824 = arith.subi %sign3A_820, %sign3A_823 : i32
      %sign3A_825 = arith.constant 0 : i32
      %sign3A_826 = arith.cmpi sgt, %jit3A_816, %sign3A_825 : i32
      %sign3A_827 = arith.extui %sign3A_826 : i1 to i32
      %sign3A_828 = arith.constant 0 : i32
      %sign3A_829 = arith.cmpi slt, %jit3A_816, %sign3A_828 : i32
      %sign3A_830 = arith.extui %sign3A_829 : i1 to i32
      %sign3A_831 = arith.subi %sign3A_827, %sign3A_830 : i32
      %ne3A_832 = arith.cmpi ne, %sign3A_824, %sign3A_831 : i32
      %rem3A_833 = arith.remsi %add3A_786, %jit3A_816 : i32
      %ne3A_834 = arith.constant 0 : i32
      %ne3A_835 = arith.cmpi ne, %rem3A_833, %ne3A_834 : i32
      %and3A_836 = arith.andi %ne3A_832, %ne3A_835 : i1
      %sub3A_837 = arith.constant 1 : i32
      %sub3A_838 = arith.subi %div3A_817, %sub3A_837 : i32
      %select_n3A_839 = arith.select %and3A_836, %sub3A_838, %div3A_817 : i32
      %mul3A_840 = arith.constant 262144 : i32
      %mul3A_841 = arith.muli %select_n3A_839, %mul3A_840 : i32
      %add3A_842 = arith.addi %mul3A_841, %mul3A_2 : i32
      %jit3A_843 = arith.constant 4 : i32
      %eq3A_844 = arith.constant 0 : i32
      %eq3A_845 = arith.cmpi eq, %jit3A_843, %eq3A_844 : i32
      %jit3A_846 = arith.constant 1 : i32
      %select_n3A_847 = arith.select %eq3A_845, %jit3A_846, %jit3A_843 : i32
      %rem3A_848 = arith.remsi %add3A_786, %select_n3A_847 : i32
      %ne3A_849 = arith.constant 0 : i32
      %ne3A_850 = arith.cmpi ne, %rem3A_848, %ne3A_849 : i32
      %lt3A_851 = arith.constant 0 : i32
      %lt3A_852 = arith.cmpi slt, %rem3A_848, %lt3A_851 : i32
      %lt3A_853 = arith.constant 0 : i32
      %lt3A_854 = arith.cmpi slt, %select_n3A_847, %lt3A_853 : i32
      %ne3A_855 = arith.xori %lt3A_852, %lt3A_854 : i1
      %and3A_856 = arith.andi %ne3A_855, %ne3A_850 : i1
      %add3A_857 = arith.addi %rem3A_848, %select_n3A_847 : i32
      %select_n3A_858 = arith.select %and3A_856, %add3A_857, %rem3A_848 : i32
      %mul3A_859 = arith.constant 2048 : i32
      %mul3A_860 = arith.muli %select_n3A_858, %mul3A_859 : i32
      %add3A_861 = arith.addi %add3A_842, %mul3A_860 : i32
      %dma_start3A_862 = tpu.memref_slice %arg5[%add3A_861] : memref<2097152xf32, #tpu.memory_space<hbm>> -> memref<2048xf32, #tpu.memory_space<hbm>>
      %dma_start3A_863 = tpu.memref_slice %arg5[%add3A_861] : memref<2097152xf32, #tpu.memory_space<hbm>> -> memref<2048xf32, #tpu.memory_space<hbm>>
      tpu.enqueue_dma source(%arg11 : memref<2048xf32, #tpu.memory_space<vmem>>) target(%dma_start3A_863 : memref<2048xf32, #tpu.memory_space<hbm>>) target_semaphore(%arg18 : memref<!tpu.dma_semaphore, #tpu.memory_space<semaphore_mem>>)
      %add3A_864 = arith.constant 2 : i32
      %add3A_865 = arith.addi %add3A_786, %add3A_864 : i32
      %lt3A_866 = arith.constant 32 : i32
      %lt3A_867 = arith.cmpi slt, %add3A_865, %lt3A_866 : i32
      %convert_element_type3A_868 = arith.extui %lt3A_867 : i1 to i32
      %cond3A_869 = arith.constant 0 : i32
      %cond3A_870 = arith.cmpi ne, %convert_element_type3A_868, %cond3A_869 : i32
      scf.if %cond3A_870 {
        %add3A_871 = arith.constant 2 : i32
        %add3A_872 = arith.addi %add3A_786, %add3A_871 : i32
        %jit3A_873 = arith.constant 4 : i32
        %div3A_874 = arith.divsi %add3A_872, %jit3A_873 : i32
        %sign3A_875 = arith.constant 0 : i32
        %sign3A_876 = arith.cmpi sgt, %add3A_872, %sign3A_875 : i32
        %sign3A_877 = arith.extui %sign3A_876 : i1 to i32
        %sign3A_878 = arith.constant 0 : i32
        %sign3A_879 = arith.cmpi slt, %add3A_872, %sign3A_878 : i32
        %sign3A_880 = arith.extui %sign3A_879 : i1 to i32
        %sign3A_881 = arith.subi %sign3A_877, %sign3A_880 : i32
        %sign3A_882 = arith.constant 0 : i32
        %sign3A_883 = arith.cmpi sgt, %jit3A_873, %sign3A_882 : i32
        %sign3A_884 = arith.extui %sign3A_883 : i1 to i32
        %sign3A_885 = arith.constant 0 : i32
        %sign3A_886 = arith.cmpi slt, %jit3A_873, %sign3A_885 : i32
        %sign3A_887 = arith.extui %sign3A_886 : i1 to i32
        %sign3A_888 = arith.subi %sign3A_884, %sign3A_887 : i32
        %ne3A_889 = arith.cmpi ne, %sign3A_881, %sign3A_888 : i32
        %rem3A_890 = arith.remsi %add3A_872, %jit3A_873 : i32
        %ne3A_891 = arith.constant 0 : i32
        %ne3A_892 = arith.cmpi ne, %rem3A_890, %ne3A_891 : i32
        %and3A_893 = arith.andi %ne3A_889, %ne3A_892 : i1
        %sub3A_894 = arith.constant 1 : i32
        %sub3A_895 = arith.subi %div3A_874, %sub3A_894 : i32
        %select_n3A_896 = arith.select %and3A_893, %sub3A_895, %div3A_874 : i32
        %mul3A_897 = arith.constant 8 : i32
        %mul3A_898 = arith.muli %add3A, %mul3A_897 : i32
        %jit3A_899 = arith.constant 4 : i32
        %eq3A_900 = arith.constant 0 : i32
        %eq3A_901 = arith.cmpi eq, %jit3A_899, %eq3A_900 : i32
        %jit3A_902 = arith.constant 1 : i32
        %select_n3A_903 = arith.select %eq3A_901, %jit3A_902, %jit3A_899 : i32
        %rem3A_904 = arith.remsi %add3A_872, %select_n3A_903 : i32
        %ne3A_905 = arith.constant 0 : i32
        %ne3A_906 = arith.cmpi ne, %rem3A_904, %ne3A_905 : i32
        %lt3A_907 = arith.constant 0 : i32
        %lt3A_908 = arith.cmpi slt, %rem3A_904, %lt3A_907 : i32
        %lt3A_909 = arith.constant 0 : i32
        %lt3A_910 = arith.cmpi slt, %select_n3A_903, %lt3A_909 : i32
        %ne3A_911 = arith.xori %lt3A_908, %lt3A_910 : i1
        %and3A_912 = arith.andi %ne3A_911, %ne3A_906 : i1
        %add3A_913 = arith.addi %rem3A_904, %select_n3A_903 : i32
        %select_n3A_914 = arith.select %and3A_912, %add3A_913, %rem3A_904 : i32
        %mul3A_915 = arith.constant 2 : i32
        %mul3A_916 = arith.muli %select_n3A_914, %mul3A_915 : i32
        %add3A_917 = arith.addi %mul3A_898, %mul3A_916 : i32
        %jit3A_918 = arith.constant 4 : i32
        %div3A_919 = arith.divsi %add3A_917, %jit3A_918 : i32
        %sign3A_920 = arith.constant 0 : i32
        %sign3A_921 = arith.cmpi sgt, %add3A_917, %sign3A_920 : i32
        %sign3A_922 = arith.extui %sign3A_921 : i1 to i32
        %sign3A_923 = arith.constant 0 : i32
        %sign3A_924 = arith.cmpi slt, %add3A_917, %sign3A_923 : i32
        %sign3A_925 = arith.extui %sign3A_924 : i1 to i32
        %sign3A_926 = arith.subi %sign3A_922, %sign3A_925 : i32
        %sign3A_927 = arith.constant 0 : i32
        %sign3A_928 = arith.cmpi sgt, %jit3A_918, %sign3A_927 : i32
        %sign3A_929 = arith.extui %sign3A_928 : i1 to i32
        %sign3A_930 = arith.constant 0 : i32
        %sign3A_931 = arith.cmpi slt, %jit3A_918, %sign3A_930 : i32
        %sign3A_932 = arith.extui %sign3A_931 : i1 to i32
        %sign3A_933 = arith.subi %sign3A_929, %sign3A_932 : i32
        %ne3A_934 = arith.cmpi ne, %sign3A_926, %sign3A_933 : i32
        %rem3A_935 = arith.remsi %add3A_917, %jit3A_918 : i32
        %ne3A_936 = arith.constant 0 : i32
        %ne3A_937 = arith.cmpi ne, %rem3A_935, %ne3A_936 : i32
        %and3A_938 = arith.andi %ne3A_934, %ne3A_937 : i1
        %sub3A_939 = arith.constant 1 : i32
        %sub3A_940 = arith.subi %div3A_919, %sub3A_939 : i32
        %select_n3A_941 = arith.select %and3A_938, %sub3A_940, %div3A_919 : i32
        %mul3A_942 = arith.constant 8 : i32
        %mul3A_943 = arith.muli %select_n3A_941, %mul3A_942 : i32
        %jit3A_944 = arith.constant 4 : i32
        %eq3A_945 = arith.constant 0 : i32
        %eq3A_946 = arith.cmpi eq, %jit3A_944, %eq3A_945 : i32
        %jit3A_947 = arith.constant 1 : i32
        %select_n3A_948 = arith.select %eq3A_946, %jit3A_947, %jit3A_944 : i32
        %rem3A_949 = arith.remsi %add3A_917, %select_n3A_948 : i32
        %ne3A_950 = arith.constant 0 : i32
        %ne3A_951 = arith.cmpi ne, %rem3A_949, %ne3A_950 : i32
        %lt3A_952 = arith.constant 0 : i32
        %lt3A_953 = arith.cmpi slt, %rem3A_949, %lt3A_952 : i32
        %lt3A_954 = arith.constant 0 : i32
        %lt3A_955 = arith.cmpi slt, %select_n3A_948, %lt3A_954 : i32
        %ne3A_956 = arith.xori %lt3A_953, %lt3A_955 : i1
        %and3A_957 = arith.andi %ne3A_956, %ne3A_951 : i1
        %add3A_958 = arith.addi %rem3A_949, %select_n3A_948 : i32
        %select_n3A_959 = arith.select %and3A_957, %add3A_958, %rem3A_949 : i32
        %mul3A_960 = arith.constant 128 : i32
        %mul3A_961 = arith.muli %select_n3A_959, %mul3A_960 : i32
        %dma_start3A_962 = arith.constant 0 : i32
        %dma_start3A_963 = arith.constant 0 : i32
        %dma_start3A_964 = arith.constant 0 : i32
        %dma_start3A_965 = arith.constant 0 : i32
        %dma_start3A_966 = tpu.memref_slice %arg7[%dma_start3A_963, %dma_start3A_964, %dma_start3A_965] : memref<19x8x256xf32, #tpu.memory_space<vmem>> -> memref<1x8x256xf32, #tpu.memory_space<vmem>>
        %dma_start3A_967 = tpu.memref_squeeze %dma_start3A_966 : memref<1x8x256xf32, #tpu.memory_space<vmem>> -> memref<8x256xf32, #tpu.memory_space<vmem>>
        %dma_start3A_968 = tpu.memref_slice %arg2[%select_n3A_896, %dma_start3A_962, %mul3A_943, %mul3A_961] : memref<8x19x512x512xf32, #tpu.memory_space<hbm>> -> memref<1x1x8x256xf32, #tpu.memory_space<hbm>>
        %dma_start3A_969 = tpu.memref_squeeze %dma_start3A_968 : memref<1x1x8x256xf32, #tpu.memory_space<hbm>> -> memref<8x256xf32, #tpu.memory_space<hbm>>
        %dma_start3A_970 = arith.constant 0 : i32
        %dma_start3A_971 = arith.constant 0 : i32
        %dma_start3A_972 = tpu.memref_slice %arg7[%dma_start3A_963, %dma_start3A_970, %dma_start3A_971] : memref<19x8x256xf32, #tpu.memory_space<vmem>> -> memref<1x8x256xf32, #tpu.memory_space<vmem>>
        %dma_start3A_973 = tpu.memref_squeeze %dma_start3A_972 : memref<1x8x256xf32, #tpu.memory_space<vmem>> -> memref<8x256xf32, #tpu.memory_space<vmem>>
        %dma_start3A_974 = tpu.memref_slice %arg2[%select_n3A_896, %dma_start3A_962, %mul3A_943, %mul3A_961] : memref<8x19x512x512xf32, #tpu.memory_space<hbm>> -> memref<1x1x8x256xf32, #tpu.memory_space<hbm>>
        %dma_start3A_975 = tpu.memref_squeeze %dma_start3A_974 : memref<1x1x8x256xf32, #tpu.memory_space<hbm>> -> memref<8x256xf32, #tpu.memory_space<hbm>>
        tpu.enqueue_dma source(%dma_start3A_975 : memref<8x256xf32, #tpu.memory_space<hbm>>) target(%dma_start3A_973 : memref<8x256xf32, #tpu.memory_space<vmem>>) target_semaphore(%arg14 : memref<!tpu.dma_semaphore, #tpu.memory_space<semaphore_mem>>)
        %dma_start3A_976 = arith.constant 1 : i32
        %dma_start3A_977 = arith.constant 1 : i32
        %dma_start3A_978 = arith.constant 0 : i32
        %dma_start3A_979 = arith.constant 0 : i32
        %dma_start3A_980 = tpu.memref_slice %arg7[%dma_start3A_977, %dma_start3A_978, %dma_start3A_979] : memref<19x8x256xf32, #tpu.memory_space<vmem>> -> memref<1x8x256xf32, #tpu.memory_space<vmem>>
        %dma_start3A_981 = tpu.memref_squeeze %dma_start3A_980 : memref<1x8x256xf32, #tpu.memory_space<vmem>> -> memref<8x256xf32, #tpu.memory_space<vmem>>
        %dma_start3A_982 = tpu.memref_slice %arg2[%select_n3A_896, %dma_start3A_976, %mul3A_943, %mul3A_961] : memref<8x19x512x512xf32, #tpu.memory_space<hbm>> -> memref<1x1x8x256xf32, #tpu.memory_space<hbm>>
        %dma_start3A_983 = tpu.memref_squeeze %dma_start3A_982 : memref<1x1x8x256xf32, #tpu.memory_space<hbm>> -> memref<8x256xf32, #tpu.memory_space<hbm>>
        %dma_start3A_984 = arith.constant 0 : i32
        %dma_start3A_985 = arith.constant 0 : i32
        %dma_start3A_986 = tpu.memref_slice %arg7[%dma_start3A_977, %dma_start3A_984, %dma_start3A_985] : memref<19x8x256xf32, #tpu.memory_space<vmem>> -> memref<1x8x256xf32, #tpu.memory_space<vmem>>
        %dma_start3A_987 = tpu.memref_squeeze %dma_start3A_986 : memref<1x8x256xf32, #tpu.memory_space<vmem>> -> memref<8x256xf32, #tpu.memory_space<vmem>>
        %dma_start3A_988 = tpu.memref_slice %arg2[%select_n3A_896, %dma_start3A_976, %mul3A_943, %mul3A_961] : memref<8x19x512x512xf32, #tpu.memory_space<hbm>> -> memref<1x1x8x256xf32, #tpu.memory_space<hbm>>
        %dma_start3A_989 = tpu.memref_squeeze %dma_start3A_988 : memref<1x1x8x256xf32, #tpu.memory_space<hbm>> -> memref<8x256xf32, #tpu.memory_space<hbm>>
        tpu.enqueue_dma source(%dma_start3A_989 : memref<8x256xf32, #tpu.memory_space<hbm>>) target(%dma_start3A_987 : memref<8x256xf32, #tpu.memory_space<vmem>>) target_semaphore(%arg14 : memref<!tpu.dma_semaphore, #tpu.memory_space<semaphore_mem>>)
        %dma_start3A_990 = arith.constant 2 : i32
        %dma_start3A_991 = arith.constant 2 : i32
        %dma_start3A_992 = arith.constant 0 : i32
        %dma_start3A_993 = arith.constant 0 : i32
        %dma_start3A_994 = tpu.memref_slice %arg7[%dma_start3A_991, %dma_start3A_992, %dma_start3A_993] : memref<19x8x256xf32, #tpu.memory_space<vmem>> -> memref<1x8x256xf32, #tpu.memory_space<vmem>>
        %dma_start3A_995 = tpu.memref_squeeze %dma_start3A_994 : memref<1x8x256xf32, #tpu.memory_space<vmem>> -> memref<8x256xf32, #tpu.memory_space<vmem>>
        %dma_start3A_996 = tpu.memref_slice %arg2[%select_n3A_896, %dma_start3A_990, %mul3A_943, %mul3A_961] : memref<8x19x512x512xf32, #tpu.memory_space<hbm>> -> memref<1x1x8x256xf32, #tpu.memory_space<hbm>>
        %dma_start3A_997 = tpu.memref_squeeze %dma_start3A_996 : memref<1x1x8x256xf32, #tpu.memory_space<hbm>> -> memref<8x256xf32, #tpu.memory_space<hbm>>
        %dma_start3A_998 = arith.constant 0 : i32
        %dma_start3A_999 = arith.constant 0 : i32
        %dma_start3A_1000 = tpu.memref_slice %arg7[%dma_start3A_991, %dma_start3A_998, %dma_start3A_999] : memref<19x8x256xf32, #tpu.memory_space<vmem>> -> memref<1x8x256xf32, #tpu.memory_space<vmem>>
        %dma_start3A_1001 = tpu.memref_squeeze %dma_start3A_1000 : memref<1x8x256xf32, #tpu.memory_space<vmem>> -> memref<8x256xf32, #tpu.memory_space<vmem>>
        %dma_start3A_1002 = tpu.memref_slice %arg2[%select_n3A_896, %dma_start3A_990, %mul3A_943, %mul3A_961] : memref<8x19x512x512xf32, #tpu.memory_space<hbm>> -> memref<1x1x8x256xf32, #tpu.memory_space<hbm>>
        %dma_start3A_1003 = tpu.memref_squeeze %dma_start3A_1002 : memref<1x1x8x256xf32, #tpu.memory_space<hbm>> -> memref<8x256xf32, #tpu.memory_space<hbm>>
        tpu.enqueue_dma source(%dma_start3A_1003 : memref<8x256xf32, #tpu.memory_space<hbm>>) target(%dma_start3A_1001 : memref<8x256xf32, #tpu.memory_space<vmem>>) target_semaphore(%arg14 : memref<!tpu.dma_semaphore, #tpu.memory_space<semaphore_mem>>)
        %dma_start3A_1004 = arith.constant 3 : i32
        %dma_start3A_1005 = arith.constant 3 : i32
        %dma_start3A_1006 = arith.constant 0 : i32
        %dma_start3A_1007 = arith.constant 0 : i32
        %dma_start3A_1008 = tpu.memref_slice %arg7[%dma_start3A_1005, %dma_start3A_1006, %dma_start3A_1007] : memref<19x8x256xf32, #tpu.memory_space<vmem>> -> memref<1x8x256xf32, #tpu.memory_space<vmem>>
        %dma_start3A_1009 = tpu.memref_squeeze %dma_start3A_1008 : memref<1x8x256xf32, #tpu.memory_space<vmem>> -> memref<8x256xf32, #tpu.memory_space<vmem>>
        %dma_start3A_1010 = tpu.memref_slice %arg2[%select_n3A_896, %dma_start3A_1004, %mul3A_943, %mul3A_961] : memref<8x19x512x512xf32, #tpu.memory_space<hbm>> -> memref<1x1x8x256xf32, #tpu.memory_space<hbm>>
        %dma_start3A_1011 = tpu.memref_squeeze %dma_start3A_1010 : memref<1x1x8x256xf32, #tpu.memory_space<hbm>> -> memref<8x256xf32, #tpu.memory_space<hbm>>
        %dma_start3A_1012 = arith.constant 0 : i32
        %dma_start3A_1013 = arith.constant 0 : i32
        %dma_start3A_1014 = tpu.memref_slice %arg7[%dma_start3A_1005, %dma_start3A_1012, %dma_start3A_1013] : memref<19x8x256xf32, #tpu.memory_space<vmem>> -> memref<1x8x256xf32, #tpu.memory_space<vmem>>
        %dma_start3A_1015 = tpu.memref_squeeze %dma_start3A_1014 : memref<1x8x256xf32, #tpu.memory_space<vmem>> -> memref<8x256xf32, #tpu.memory_space<vmem>>
        %dma_start3A_1016 = tpu.memref_slice %arg2[%select_n3A_896, %dma_start3A_1004, %mul3A_943, %mul3A_961] : memref<8x19x512x512xf32, #tpu.memory_space<hbm>> -> memref<1x1x8x256xf32, #tpu.memory_space<hbm>>
        %dma_start3A_1017 = tpu.memref_squeeze %dma_start3A_1016 : memref<1x1x8x256xf32, #tpu.memory_space<hbm>> -> memref<8x256xf32, #tpu.memory_space<hbm>>
        tpu.enqueue_dma source(%dma_start3A_1017 : memref<8x256xf32, #tpu.memory_space<hbm>>) target(%dma_start3A_1015 : memref<8x256xf32, #tpu.memory_space<vmem>>) target_semaphore(%arg14 : memref<!tpu.dma_semaphore, #tpu.memory_space<semaphore_mem>>)
        %dma_start3A_1018 = arith.constant 4 : i32
        %dma_start3A_1019 = arith.constant 4 : i32
        %dma_start3A_1020 = arith.constant 0 : i32
        %dma_start3A_1021 = arith.constant 0 : i32
        %dma_start3A_1022 = tpu.memref_slice %arg7[%dma_start3A_1019, %dma_start3A_1020, %dma_start3A_1021] : memref<19x8x256xf32, #tpu.memory_space<vmem>> -> memref<1x8x256xf32, #tpu.memory_space<vmem>>
        %dma_start3A_1023 = tpu.memref_squeeze %dma_start3A_1022 : memref<1x8x256xf32, #tpu.memory_space<vmem>> -> memref<8x256xf32, #tpu.memory_space<vmem>>
        %dma_start3A_1024 = tpu.memref_slice %arg2[%select_n3A_896, %dma_start3A_1018, %mul3A_943, %mul3A_961] : memref<8x19x512x512xf32, #tpu.memory_space<hbm>> -> memref<1x1x8x256xf32, #tpu.memory_space<hbm>>
        %dma_start3A_1025 = tpu.memref_squeeze %dma_start3A_1024 : memref<1x1x8x256xf32, #tpu.memory_space<hbm>> -> memref<8x256xf32, #tpu.memory_space<hbm>>
        %dma_start3A_1026 = arith.constant 0 : i32
        %dma_start3A_1027 = arith.constant 0 : i32
        %dma_start3A_1028 = tpu.memref_slice %arg7[%dma_start3A_1019, %dma_start3A_1026, %dma_start3A_1027] : memref<19x8x256xf32, #tpu.memory_space<vmem>> -> memref<1x8x256xf32, #tpu.memory_space<vmem>>
        %dma_start3A_1029 = tpu.memref_squeeze %dma_start3A_1028 : memref<1x8x256xf32, #tpu.memory_space<vmem>> -> memref<8x256xf32, #tpu.memory_space<vmem>>
        %dma_start3A_1030 = tpu.memref_slice %arg2[%select_n3A_896, %dma_start3A_1018, %mul3A_943, %mul3A_961] : memref<8x19x512x512xf32, #tpu.memory_space<hbm>> -> memref<1x1x8x256xf32, #tpu.memory_space<hbm>>
        %dma_start3A_1031 = tpu.memref_squeeze %dma_start3A_1030 : memref<1x1x8x256xf32, #tpu.memory_space<hbm>> -> memref<8x256xf32, #tpu.memory_space<hbm>>
        tpu.enqueue_dma source(%dma_start3A_1031 : memref<8x256xf32, #tpu.memory_space<hbm>>) target(%dma_start3A_1029 : memref<8x256xf32, #tpu.memory_space<vmem>>) target_semaphore(%arg14 : memref<!tpu.dma_semaphore, #tpu.memory_space<semaphore_mem>>)
        %dma_start3A_1032 = arith.constant 5 : i32
        %dma_start3A_1033 = arith.constant 5 : i32
        %dma_start3A_1034 = arith.constant 0 : i32
        %dma_start3A_1035 = arith.constant 0 : i32
        %dma_start3A_1036 = tpu.memref_slice %arg7[%dma_start3A_1033, %dma_start3A_1034, %dma_start3A_1035] : memref<19x8x256xf32, #tpu.memory_space<vmem>> -> memref<1x8x256xf32, #tpu.memory_space<vmem>>
        %dma_start3A_1037 = tpu.memref_squeeze %dma_start3A_1036 : memref<1x8x256xf32, #tpu.memory_space<vmem>> -> memref<8x256xf32, #tpu.memory_space<vmem>>
        %dma_start3A_1038 = tpu.memref_slice %arg2[%select_n3A_896, %dma_start3A_1032, %mul3A_943, %mul3A_961] : memref<8x19x512x512xf32, #tpu.memory_space<hbm>> -> memref<1x1x8x256xf32, #tpu.memory_space<hbm>>
        %dma_start3A_1039 = tpu.memref_squeeze %dma_start3A_1038 : memref<1x1x8x256xf32, #tpu.memory_space<hbm>> -> memref<8x256xf32, #tpu.memory_space<hbm>>
        %dma_start3A_1040 = arith.constant 0 : i32
        %dma_start3A_1041 = arith.constant 0 : i32
        %dma_start3A_1042 = tpu.memref_slice %arg7[%dma_start3A_1033, %dma_start3A_1040, %dma_start3A_1041] : memref<19x8x256xf32, #tpu.memory_space<vmem>> -> memref<1x8x256xf32, #tpu.memory_space<vmem>>
        %dma_start3A_1043 = tpu.memref_squeeze %dma_start3A_1042 : memref<1x8x256xf32, #tpu.memory_space<vmem>> -> memref<8x256xf32, #tpu.memory_space<vmem>>
        %dma_start3A_1044 = tpu.memref_slice %arg2[%select_n3A_896, %dma_start3A_1032, %mul3A_943, %mul3A_961] : memref<8x19x512x512xf32, #tpu.memory_space<hbm>> -> memref<1x1x8x256xf32, #tpu.memory_space<hbm>>
        %dma_start3A_1045 = tpu.memref_squeeze %dma_start3A_1044 : memref<1x1x8x256xf32, #tpu.memory_space<hbm>> -> memref<8x256xf32, #tpu.memory_space<hbm>>
        tpu.enqueue_dma source(%dma_start3A_1045 : memref<8x256xf32, #tpu.memory_space<hbm>>) target(%dma_start3A_1043 : memref<8x256xf32, #tpu.memory_space<vmem>>) target_semaphore(%arg14 : memref<!tpu.dma_semaphore, #tpu.memory_space<semaphore_mem>>)
        %dma_start3A_1046 = arith.constant 6 : i32
        %dma_start3A_1047 = arith.constant 6 : i32
        %dma_start3A_1048 = arith.constant 0 : i32
        %dma_start3A_1049 = arith.constant 0 : i32
        %dma_start3A_1050 = tpu.memref_slice %arg7[%dma_start3A_1047, %dma_start3A_1048, %dma_start3A_1049] : memref<19x8x256xf32, #tpu.memory_space<vmem>> -> memref<1x8x256xf32, #tpu.memory_space<vmem>>
        %dma_start3A_1051 = tpu.memref_squeeze %dma_start3A_1050 : memref<1x8x256xf32, #tpu.memory_space<vmem>> -> memref<8x256xf32, #tpu.memory_space<vmem>>
        %dma_start3A_1052 = tpu.memref_slice %arg2[%select_n3A_896, %dma_start3A_1046, %mul3A_943, %mul3A_961] : memref<8x19x512x512xf32, #tpu.memory_space<hbm>> -> memref<1x1x8x256xf32, #tpu.memory_space<hbm>>
        %dma_start3A_1053 = tpu.memref_squeeze %dma_start3A_1052 : memref<1x1x8x256xf32, #tpu.memory_space<hbm>> -> memref<8x256xf32, #tpu.memory_space<hbm>>
        %dma_start3A_1054 = arith.constant 0 : i32
        %dma_start3A_1055 = arith.constant 0 : i32
        %dma_start3A_1056 = tpu.memref_slice %arg7[%dma_start3A_1047, %dma_start3A_1054, %dma_start3A_1055] : memref<19x8x256xf32, #tpu.memory_space<vmem>> -> memref<1x8x256xf32, #tpu.memory_space<vmem>>
        %dma_start3A_1057 = tpu.memref_squeeze %dma_start3A_1056 : memref<1x8x256xf32, #tpu.memory_space<vmem>> -> memref<8x256xf32, #tpu.memory_space<vmem>>
        %dma_start3A_1058 = tpu.memref_slice %arg2[%select_n3A_896, %dma_start3A_1046, %mul3A_943, %mul3A_961] : memref<8x19x512x512xf32, #tpu.memory_space<hbm>> -> memref<1x1x8x256xf32, #tpu.memory_space<hbm>>
        %dma_start3A_1059 = tpu.memref_squeeze %dma_start3A_1058 : memref<1x1x8x256xf32, #tpu.memory_space<hbm>> -> memref<8x256xf32, #tpu.memory_space<hbm>>
        tpu.enqueue_dma source(%dma_start3A_1059 : memref<8x256xf32, #tpu.memory_space<hbm>>) target(%dma_start3A_1057 : memref<8x256xf32, #tpu.memory_space<vmem>>) target_semaphore(%arg14 : memref<!tpu.dma_semaphore, #tpu.memory_space<semaphore_mem>>)
        %dma_start3A_1060 = arith.constant 7 : i32
        %dma_start3A_1061 = arith.constant 7 : i32
        %dma_start3A_1062 = arith.constant 0 : i32
        %dma_start3A_1063 = arith.constant 0 : i32
        %dma_start3A_1064 = tpu.memref_slice %arg7[%dma_start3A_1061, %dma_start3A_1062, %dma_start3A_1063] : memref<19x8x256xf32, #tpu.memory_space<vmem>> -> memref<1x8x256xf32, #tpu.memory_space<vmem>>
        %dma_start3A_1065 = tpu.memref_squeeze %dma_start3A_1064 : memref<1x8x256xf32, #tpu.memory_space<vmem>> -> memref<8x256xf32, #tpu.memory_space<vmem>>
        %dma_start3A_1066 = tpu.memref_slice %arg2[%select_n3A_896, %dma_start3A_1060, %mul3A_943, %mul3A_961] : memref<8x19x512x512xf32, #tpu.memory_space<hbm>> -> memref<1x1x8x256xf32, #tpu.memory_space<hbm>>
        %dma_start3A_1067 = tpu.memref_squeeze %dma_start3A_1066 : memref<1x1x8x256xf32, #tpu.memory_space<hbm>> -> memref<8x256xf32, #tpu.memory_space<hbm>>
        %dma_start3A_1068 = arith.constant 0 : i32
        %dma_start3A_1069 = arith.constant 0 : i32
        %dma_start3A_1070 = tpu.memref_slice %arg7[%dma_start3A_1061, %dma_start3A_1068, %dma_start3A_1069] : memref<19x8x256xf32, #tpu.memory_space<vmem>> -> memref<1x8x256xf32, #tpu.memory_space<vmem>>
        %dma_start3A_1071 = tpu.memref_squeeze %dma_start3A_1070 : memref<1x8x256xf32, #tpu.memory_space<vmem>> -> memref<8x256xf32, #tpu.memory_space<vmem>>
        %dma_start3A_1072 = tpu.memref_slice %arg2[%select_n3A_896, %dma_start3A_1060, %mul3A_943, %mul3A_961] : memref<8x19x512x512xf32, #tpu.memory_space<hbm>> -> memref<1x1x8x256xf32, #tpu.memory_space<hbm>>
        %dma_start3A_1073 = tpu.memref_squeeze %dma_start3A_1072 : memref<1x1x8x256xf32, #tpu.memory_space<hbm>> -> memref<8x256xf32, #tpu.memory_space<hbm>>
        tpu.enqueue_dma source(%dma_start3A_1073 : memref<8x256xf32, #tpu.memory_space<hbm>>) target(%dma_start3A_1071 : memref<8x256xf32, #tpu.memory_space<vmem>>) target_semaphore(%arg14 : memref<!tpu.dma_semaphore, #tpu.memory_space<semaphore_mem>>)
        %dma_start3A_1074 = arith.constant 8 : i32
        %dma_start3A_1075 = arith.constant 8 : i32
        %dma_start3A_1076 = arith.constant 0 : i32
        %dma_start3A_1077 = arith.constant 0 : i32
        %dma_start3A_1078 = tpu.memref_slice %arg7[%dma_start3A_1075, %dma_start3A_1076, %dma_start3A_1077] : memref<19x8x256xf32, #tpu.memory_space<vmem>> -> memref<1x8x256xf32, #tpu.memory_space<vmem>>
        %dma_start3A_1079 = tpu.memref_squeeze %dma_start3A_1078 : memref<1x8x256xf32, #tpu.memory_space<vmem>> -> memref<8x256xf32, #tpu.memory_space<vmem>>
        %dma_start3A_1080 = tpu.memref_slice %arg2[%select_n3A_896, %dma_start3A_1074, %mul3A_943, %mul3A_961] : memref<8x19x512x512xf32, #tpu.memory_space<hbm>> -> memref<1x1x8x256xf32, #tpu.memory_space<hbm>>
        %dma_start3A_1081 = tpu.memref_squeeze %dma_start3A_1080 : memref<1x1x8x256xf32, #tpu.memory_space<hbm>> -> memref<8x256xf32, #tpu.memory_space<hbm>>
        %dma_start3A_1082 = arith.constant 0 : i32
        %dma_start3A_1083 = arith.constant 0 : i32
        %dma_start3A_1084 = tpu.memref_slice %arg7[%dma_start3A_1075, %dma_start3A_1082, %dma_start3A_1083] : memref<19x8x256xf32, #tpu.memory_space<vmem>> -> memref<1x8x256xf32, #tpu.memory_space<vmem>>
        %dma_start3A_1085 = tpu.memref_squeeze %dma_start3A_1084 : memref<1x8x256xf32, #tpu.memory_space<vmem>> -> memref<8x256xf32, #tpu.memory_space<vmem>>
        %dma_start3A_1086 = tpu.memref_slice %arg2[%select_n3A_896, %dma_start3A_1074, %mul3A_943, %mul3A_961] : memref<8x19x512x512xf32, #tpu.memory_space<hbm>> -> memref<1x1x8x256xf32, #tpu.memory_space<hbm>>
        %dma_start3A_1087 = tpu.memref_squeeze %dma_start3A_1086 : memref<1x1x8x256xf32, #tpu.memory_space<hbm>> -> memref<8x256xf32, #tpu.memory_space<hbm>>
        tpu.enqueue_dma source(%dma_start3A_1087 : memref<8x256xf32, #tpu.memory_space<hbm>>) target(%dma_start3A_1085 : memref<8x256xf32, #tpu.memory_space<vmem>>) target_semaphore(%arg14 : memref<!tpu.dma_semaphore, #tpu.memory_space<semaphore_mem>>)
        %dma_start3A_1088 = arith.constant 9 : i32
        %dma_start3A_1089 = arith.constant 9 : i32
        %dma_start3A_1090 = arith.constant 0 : i32
        %dma_start3A_1091 = arith.constant 0 : i32
        %dma_start3A_1092 = tpu.memref_slice %arg7[%dma_start3A_1089, %dma_start3A_1090, %dma_start3A_1091] : memref<19x8x256xf32, #tpu.memory_space<vmem>> -> memref<1x8x256xf32, #tpu.memory_space<vmem>>
        %dma_start3A_1093 = tpu.memref_squeeze %dma_start3A_1092 : memref<1x8x256xf32, #tpu.memory_space<vmem>> -> memref<8x256xf32, #tpu.memory_space<vmem>>
        %dma_start3A_1094 = tpu.memref_slice %arg2[%select_n3A_896, %dma_start3A_1088, %mul3A_943, %mul3A_961] : memref<8x19x512x512xf32, #tpu.memory_space<hbm>> -> memref<1x1x8x256xf32, #tpu.memory_space<hbm>>
        %dma_start3A_1095 = tpu.memref_squeeze %dma_start3A_1094 : memref<1x1x8x256xf32, #tpu.memory_space<hbm>> -> memref<8x256xf32, #tpu.memory_space<hbm>>
        %dma_start3A_1096 = arith.constant 0 : i32
        %dma_start3A_1097 = arith.constant 0 : i32
        %dma_start3A_1098 = tpu.memref_slice %arg7[%dma_start3A_1089, %dma_start3A_1096, %dma_start3A_1097] : memref<19x8x256xf32, #tpu.memory_space<vmem>> -> memref<1x8x256xf32, #tpu.memory_space<vmem>>
        %dma_start3A_1099 = tpu.memref_squeeze %dma_start3A_1098 : memref<1x8x256xf32, #tpu.memory_space<vmem>> -> memref<8x256xf32, #tpu.memory_space<vmem>>
        %dma_start3A_1100 = tpu.memref_slice %arg2[%select_n3A_896, %dma_start3A_1088, %mul3A_943, %mul3A_961] : memref<8x19x512x512xf32, #tpu.memory_space<hbm>> -> memref<1x1x8x256xf32, #tpu.memory_space<hbm>>
        %dma_start3A_1101 = tpu.memref_squeeze %dma_start3A_1100 : memref<1x1x8x256xf32, #tpu.memory_space<hbm>> -> memref<8x256xf32, #tpu.memory_space<hbm>>
        tpu.enqueue_dma source(%dma_start3A_1101 : memref<8x256xf32, #tpu.memory_space<hbm>>) target(%dma_start3A_1099 : memref<8x256xf32, #tpu.memory_space<vmem>>) target_semaphore(%arg14 : memref<!tpu.dma_semaphore, #tpu.memory_space<semaphore_mem>>)
        %dma_start3A_1102 = arith.constant 10 : i32
        %dma_start3A_1103 = arith.constant 10 : i32
        %dma_start3A_1104 = arith.constant 0 : i32
        %dma_start3A_1105 = arith.constant 0 : i32
        %dma_start3A_1106 = tpu.memref_slice %arg7[%dma_start3A_1103, %dma_start3A_1104, %dma_start3A_1105] : memref<19x8x256xf32, #tpu.memory_space<vmem>> -> memref<1x8x256xf32, #tpu.memory_space<vmem>>
        %dma_start3A_1107 = tpu.memref_squeeze %dma_start3A_1106 : memref<1x8x256xf32, #tpu.memory_space<vmem>> -> memref<8x256xf32, #tpu.memory_space<vmem>>
        %dma_start3A_1108 = tpu.memref_slice %arg2[%select_n3A_896, %dma_start3A_1102, %mul3A_943, %mul3A_961] : memref<8x19x512x512xf32, #tpu.memory_space<hbm>> -> memref<1x1x8x256xf32, #tpu.memory_space<hbm>>
        %dma_start3A_1109 = tpu.memref_squeeze %dma_start3A_1108 : memref<1x1x8x256xf32, #tpu.memory_space<hbm>> -> memref<8x256xf32, #tpu.memory_space<hbm>>
        %dma_start3A_1110 = arith.constant 0 : i32
        %dma_start3A_1111 = arith.constant 0 : i32
        %dma_start3A_1112 = tpu.memref_slice %arg7[%dma_start3A_1103, %dma_start3A_1110, %dma_start3A_1111] : memref<19x8x256xf32, #tpu.memory_space<vmem>> -> memref<1x8x256xf32, #tpu.memory_space<vmem>>
        %dma_start3A_1113 = tpu.memref_squeeze %dma_start3A_1112 : memref<1x8x256xf32, #tpu.memory_space<vmem>> -> memref<8x256xf32, #tpu.memory_space<vmem>>
        %dma_start3A_1114 = tpu.memref_slice %arg2[%select_n3A_896, %dma_start3A_1102, %mul3A_943, %mul3A_961] : memref<8x19x512x512xf32, #tpu.memory_space<hbm>> -> memref<1x1x8x256xf32, #tpu.memory_space<hbm>>
        %dma_start3A_1115 = tpu.memref_squeeze %dma_start3A_1114 : memref<1x1x8x256xf32, #tpu.memory_space<hbm>> -> memref<8x256xf32, #tpu.memory_space<hbm>>
        tpu.enqueue_dma source(%dma_start3A_1115 : memref<8x256xf32, #tpu.memory_space<hbm>>) target(%dma_start3A_1113 : memref<8x256xf32, #tpu.memory_space<vmem>>) target_semaphore(%arg14 : memref<!tpu.dma_semaphore, #tpu.memory_space<semaphore_mem>>)
        %dma_start3A_1116 = arith.constant 11 : i32
        %dma_start3A_1117 = arith.constant 11 : i32
        %dma_start3A_1118 = arith.constant 0 : i32
        %dma_start3A_1119 = arith.constant 0 : i32
        %dma_start3A_1120 = tpu.memref_slice %arg7[%dma_start3A_1117, %dma_start3A_1118, %dma_start3A_1119] : memref<19x8x256xf32, #tpu.memory_space<vmem>> -> memref<1x8x256xf32, #tpu.memory_space<vmem>>
        %dma_start3A_1121 = tpu.memref_squeeze %dma_start3A_1120 : memref<1x8x256xf32, #tpu.memory_space<vmem>> -> memref<8x256xf32, #tpu.memory_space<vmem>>
        %dma_start3A_1122 = tpu.memref_slice %arg2[%select_n3A_896, %dma_start3A_1116, %mul3A_943, %mul3A_961] : memref<8x19x512x512xf32, #tpu.memory_space<hbm>> -> memref<1x1x8x256xf32, #tpu.memory_space<hbm>>
        %dma_start3A_1123 = tpu.memref_squeeze %dma_start3A_1122 : memref<1x1x8x256xf32, #tpu.memory_space<hbm>> -> memref<8x256xf32, #tpu.memory_space<hbm>>
        %dma_start3A_1124 = arith.constant 0 : i32
        %dma_start3A_1125 = arith.constant 0 : i32
        %dma_start3A_1126 = tpu.memref_slice %arg7[%dma_start3A_1117, %dma_start3A_1124, %dma_start3A_1125] : memref<19x8x256xf32, #tpu.memory_space<vmem>> -> memref<1x8x256xf32, #tpu.memory_space<vmem>>
        %dma_start3A_1127 = tpu.memref_squeeze %dma_start3A_1126 : memref<1x8x256xf32, #tpu.memory_space<vmem>> -> memref<8x256xf32, #tpu.memory_space<vmem>>
        %dma_start3A_1128 = tpu.memref_slice %arg2[%select_n3A_896, %dma_start3A_1116, %mul3A_943, %mul3A_961] : memref<8x19x512x512xf32, #tpu.memory_space<hbm>> -> memref<1x1x8x256xf32, #tpu.memory_space<hbm>>
        %dma_start3A_1129 = tpu.memref_squeeze %dma_start3A_1128 : memref<1x1x8x256xf32, #tpu.memory_space<hbm>> -> memref<8x256xf32, #tpu.memory_space<hbm>>
        tpu.enqueue_dma source(%dma_start3A_1129 : memref<8x256xf32, #tpu.memory_space<hbm>>) target(%dma_start3A_1127 : memref<8x256xf32, #tpu.memory_space<vmem>>) target_semaphore(%arg14 : memref<!tpu.dma_semaphore, #tpu.memory_space<semaphore_mem>>)
        %dma_start3A_1130 = arith.constant 12 : i32
        %dma_start3A_1131 = arith.constant 12 : i32
        %dma_start3A_1132 = arith.constant 0 : i32
        %dma_start3A_1133 = arith.constant 0 : i32
        %dma_start3A_1134 = tpu.memref_slice %arg7[%dma_start3A_1131, %dma_start3A_1132, %dma_start3A_1133] : memref<19x8x256xf32, #tpu.memory_space<vmem>> -> memref<1x8x256xf32, #tpu.memory_space<vmem>>
        %dma_start3A_1135 = tpu.memref_squeeze %dma_start3A_1134 : memref<1x8x256xf32, #tpu.memory_space<vmem>> -> memref<8x256xf32, #tpu.memory_space<vmem>>
        %dma_start3A_1136 = tpu.memref_slice %arg2[%select_n3A_896, %dma_start3A_1130, %mul3A_943, %mul3A_961] : memref<8x19x512x512xf32, #tpu.memory_space<hbm>> -> memref<1x1x8x256xf32, #tpu.memory_space<hbm>>
        %dma_start3A_1137 = tpu.memref_squeeze %dma_start3A_1136 : memref<1x1x8x256xf32, #tpu.memory_space<hbm>> -> memref<8x256xf32, #tpu.memory_space<hbm>>
        %dma_start3A_1138 = arith.constant 0 : i32
        %dma_start3A_1139 = arith.constant 0 : i32
        %dma_start3A_1140 = tpu.memref_slice %arg7[%dma_start3A_1131, %dma_start3A_1138, %dma_start3A_1139] : memref<19x8x256xf32, #tpu.memory_space<vmem>> -> memref<1x8x256xf32, #tpu.memory_space<vmem>>
        %dma_start3A_1141 = tpu.memref_squeeze %dma_start3A_1140 : memref<1x8x256xf32, #tpu.memory_space<vmem>> -> memref<8x256xf32, #tpu.memory_space<vmem>>
        %dma_start3A_1142 = tpu.memref_slice %arg2[%select_n3A_896, %dma_start3A_1130, %mul3A_943, %mul3A_961] : memref<8x19x512x512xf32, #tpu.memory_space<hbm>> -> memref<1x1x8x256xf32, #tpu.memory_space<hbm>>
        %dma_start3A_1143 = tpu.memref_squeeze %dma_start3A_1142 : memref<1x1x8x256xf32, #tpu.memory_space<hbm>> -> memref<8x256xf32, #tpu.memory_space<hbm>>
        tpu.enqueue_dma source(%dma_start3A_1143 : memref<8x256xf32, #tpu.memory_space<hbm>>) target(%dma_start3A_1141 : memref<8x256xf32, #tpu.memory_space<vmem>>) target_semaphore(%arg14 : memref<!tpu.dma_semaphore, #tpu.memory_space<semaphore_mem>>)
        %dma_start3A_1144 = arith.constant 13 : i32
        %dma_start3A_1145 = arith.constant 13 : i32
        %dma_start3A_1146 = arith.constant 0 : i32
        %dma_start3A_1147 = arith.constant 0 : i32
        %dma_start3A_1148 = tpu.memref_slice %arg7[%dma_start3A_1145, %dma_start3A_1146, %dma_start3A_1147] : memref<19x8x256xf32, #tpu.memory_space<vmem>> -> memref<1x8x256xf32, #tpu.memory_space<vmem>>
        %dma_start3A_1149 = tpu.memref_squeeze %dma_start3A_1148 : memref<1x8x256xf32, #tpu.memory_space<vmem>> -> memref<8x256xf32, #tpu.memory_space<vmem>>
        %dma_start3A_1150 = tpu.memref_slice %arg2[%select_n3A_896, %dma_start3A_1144, %mul3A_943, %mul3A_961] : memref<8x19x512x512xf32, #tpu.memory_space<hbm>> -> memref<1x1x8x256xf32, #tpu.memory_space<hbm>>
        %dma_start3A_1151 = tpu.memref_squeeze %dma_start3A_1150 : memref<1x1x8x256xf32, #tpu.memory_space<hbm>> -> memref<8x256xf32, #tpu.memory_space<hbm>>
        %dma_start3A_1152 = arith.constant 0 : i32
        %dma_start3A_1153 = arith.constant 0 : i32
        %dma_start3A_1154 = tpu.memref_slice %arg7[%dma_start3A_1145, %dma_start3A_1152, %dma_start3A_1153] : memref<19x8x256xf32, #tpu.memory_space<vmem>> -> memref<1x8x256xf32, #tpu.memory_space<vmem>>
        %dma_start3A_1155 = tpu.memref_squeeze %dma_start3A_1154 : memref<1x8x256xf32, #tpu.memory_space<vmem>> -> memref<8x256xf32, #tpu.memory_space<vmem>>
        %dma_start3A_1156 = tpu.memref_slice %arg2[%select_n3A_896, %dma_start3A_1144, %mul3A_943, %mul3A_961] : memref<8x19x512x512xf32, #tpu.memory_space<hbm>> -> memref<1x1x8x256xf32, #tpu.memory_space<hbm>>
        %dma_start3A_1157 = tpu.memref_squeeze %dma_start3A_1156 : memref<1x1x8x256xf32, #tpu.memory_space<hbm>> -> memref<8x256xf32, #tpu.memory_space<hbm>>
        tpu.enqueue_dma source(%dma_start3A_1157 : memref<8x256xf32, #tpu.memory_space<hbm>>) target(%dma_start3A_1155 : memref<8x256xf32, #tpu.memory_space<vmem>>) target_semaphore(%arg14 : memref<!tpu.dma_semaphore, #tpu.memory_space<semaphore_mem>>)
        %dma_start3A_1158 = arith.constant 14 : i32
        %dma_start3A_1159 = arith.constant 14 : i32
        %dma_start3A_1160 = arith.constant 0 : i32
        %dma_start3A_1161 = arith.constant 0 : i32
        %dma_start3A_1162 = tpu.memref_slice %arg7[%dma_start3A_1159, %dma_start3A_1160, %dma_start3A_1161] : memref<19x8x256xf32, #tpu.memory_space<vmem>> -> memref<1x8x256xf32, #tpu.memory_space<vmem>>
        %dma_start3A_1163 = tpu.memref_squeeze %dma_start3A_1162 : memref<1x8x256xf32, #tpu.memory_space<vmem>> -> memref<8x256xf32, #tpu.memory_space<vmem>>
        %dma_start3A_1164 = tpu.memref_slice %arg2[%select_n3A_896, %dma_start3A_1158, %mul3A_943, %mul3A_961] : memref<8x19x512x512xf32, #tpu.memory_space<hbm>> -> memref<1x1x8x256xf32, #tpu.memory_space<hbm>>
        %dma_start3A_1165 = tpu.memref_squeeze %dma_start3A_1164 : memref<1x1x8x256xf32, #tpu.memory_space<hbm>> -> memref<8x256xf32, #tpu.memory_space<hbm>>
        %dma_start3A_1166 = arith.constant 0 : i32
        %dma_start3A_1167 = arith.constant 0 : i32
        %dma_start3A_1168 = tpu.memref_slice %arg7[%dma_start3A_1159, %dma_start3A_1166, %dma_start3A_1167] : memref<19x8x256xf32, #tpu.memory_space<vmem>> -> memref<1x8x256xf32, #tpu.memory_space<vmem>>
        %dma_start3A_1169 = tpu.memref_squeeze %dma_start3A_1168 : memref<1x8x256xf32, #tpu.memory_space<vmem>> -> memref<8x256xf32, #tpu.memory_space<vmem>>
        %dma_start3A_1170 = tpu.memref_slice %arg2[%select_n3A_896, %dma_start3A_1158, %mul3A_943, %mul3A_961] : memref<8x19x512x512xf32, #tpu.memory_space<hbm>> -> memref<1x1x8x256xf32, #tpu.memory_space<hbm>>
        %dma_start3A_1171 = tpu.memref_squeeze %dma_start3A_1170 : memref<1x1x8x256xf32, #tpu.memory_space<hbm>> -> memref<8x256xf32, #tpu.memory_space<hbm>>
        tpu.enqueue_dma source(%dma_start3A_1171 : memref<8x256xf32, #tpu.memory_space<hbm>>) target(%dma_start3A_1169 : memref<8x256xf32, #tpu.memory_space<vmem>>) target_semaphore(%arg14 : memref<!tpu.dma_semaphore, #tpu.memory_space<semaphore_mem>>)
        %dma_start3A_1172 = arith.constant 15 : i32
        %dma_start3A_1173 = arith.constant 15 : i32
        %dma_start3A_1174 = arith.constant 0 : i32
        %dma_start3A_1175 = arith.constant 0 : i32
        %dma_start3A_1176 = tpu.memref_slice %arg7[%dma_start3A_1173, %dma_start3A_1174, %dma_start3A_1175] : memref<19x8x256xf32, #tpu.memory_space<vmem>> -> memref<1x8x256xf32, #tpu.memory_space<vmem>>
        %dma_start3A_1177 = tpu.memref_squeeze %dma_start3A_1176 : memref<1x8x256xf32, #tpu.memory_space<vmem>> -> memref<8x256xf32, #tpu.memory_space<vmem>>
        %dma_start3A_1178 = tpu.memref_slice %arg2[%select_n3A_896, %dma_start3A_1172, %mul3A_943, %mul3A_961] : memref<8x19x512x512xf32, #tpu.memory_space<hbm>> -> memref<1x1x8x256xf32, #tpu.memory_space<hbm>>
        %dma_start3A_1179 = tpu.memref_squeeze %dma_start3A_1178 : memref<1x1x8x256xf32, #tpu.memory_space<hbm>> -> memref<8x256xf32, #tpu.memory_space<hbm>>
        %dma_start3A_1180 = arith.constant 0 : i32
        %dma_start3A_1181 = arith.constant 0 : i32
        %dma_start3A_1182 = tpu.memref_slice %arg7[%dma_start3A_1173, %dma_start3A_1180, %dma_start3A_1181] : memref<19x8x256xf32, #tpu.memory_space<vmem>> -> memref<1x8x256xf32, #tpu.memory_space<vmem>>
        %dma_start3A_1183 = tpu.memref_squeeze %dma_start3A_1182 : memref<1x8x256xf32, #tpu.memory_space<vmem>> -> memref<8x256xf32, #tpu.memory_space<vmem>>
        %dma_start3A_1184 = tpu.memref_slice %arg2[%select_n3A_896, %dma_start3A_1172, %mul3A_943, %mul3A_961] : memref<8x19x512x512xf32, #tpu.memory_space<hbm>> -> memref<1x1x8x256xf32, #tpu.memory_space<hbm>>
        %dma_start3A_1185 = tpu.memref_squeeze %dma_start3A_1184 : memref<1x1x8x256xf32, #tpu.memory_space<hbm>> -> memref<8x256xf32, #tpu.memory_space<hbm>>
        tpu.enqueue_dma source(%dma_start3A_1185 : memref<8x256xf32, #tpu.memory_space<hbm>>) target(%dma_start3A_1183 : memref<8x256xf32, #tpu.memory_space<vmem>>) target_semaphore(%arg14 : memref<!tpu.dma_semaphore, #tpu.memory_space<semaphore_mem>>)
        %dma_start3A_1186 = arith.constant 16 : i32
        %dma_start3A_1187 = arith.constant 16 : i32
        %dma_start3A_1188 = arith.constant 0 : i32
        %dma_start3A_1189 = arith.constant 0 : i32
        %dma_start3A_1190 = tpu.memref_slice %arg7[%dma_start3A_1187, %dma_start3A_1188, %dma_start3A_1189] : memref<19x8x256xf32, #tpu.memory_space<vmem>> -> memref<1x8x256xf32, #tpu.memory_space<vmem>>
        %dma_start3A_1191 = tpu.memref_squeeze %dma_start3A_1190 : memref<1x8x256xf32, #tpu.memory_space<vmem>> -> memref<8x256xf32, #tpu.memory_space<vmem>>
        %dma_start3A_1192 = tpu.memref_slice %arg2[%select_n3A_896, %dma_start3A_1186, %mul3A_943, %mul3A_961] : memref<8x19x512x512xf32, #tpu.memory_space<hbm>> -> memref<1x1x8x256xf32, #tpu.memory_space<hbm>>
        %dma_start3A_1193 = tpu.memref_squeeze %dma_start3A_1192 : memref<1x1x8x256xf32, #tpu.memory_space<hbm>> -> memref<8x256xf32, #tpu.memory_space<hbm>>
        %dma_start3A_1194 = arith.constant 0 : i32
        %dma_start3A_1195 = arith.constant 0 : i32
        %dma_start3A_1196 = tpu.memref_slice %arg7[%dma_start3A_1187, %dma_start3A_1194, %dma_start3A_1195] : memref<19x8x256xf32, #tpu.memory_space<vmem>> -> memref<1x8x256xf32, #tpu.memory_space<vmem>>
        %dma_start3A_1197 = tpu.memref_squeeze %dma_start3A_1196 : memref<1x8x256xf32, #tpu.memory_space<vmem>> -> memref<8x256xf32, #tpu.memory_space<vmem>>
        %dma_start3A_1198 = tpu.memref_slice %arg2[%select_n3A_896, %dma_start3A_1186, %mul3A_943, %mul3A_961] : memref<8x19x512x512xf32, #tpu.memory_space<hbm>> -> memref<1x1x8x256xf32, #tpu.memory_space<hbm>>
        %dma_start3A_1199 = tpu.memref_squeeze %dma_start3A_1198 : memref<1x1x8x256xf32, #tpu.memory_space<hbm>> -> memref<8x256xf32, #tpu.memory_space<hbm>>
        tpu.enqueue_dma source(%dma_start3A_1199 : memref<8x256xf32, #tpu.memory_space<hbm>>) target(%dma_start3A_1197 : memref<8x256xf32, #tpu.memory_space<vmem>>) target_semaphore(%arg14 : memref<!tpu.dma_semaphore, #tpu.memory_space<semaphore_mem>>)
        %dma_start3A_1200 = arith.constant 17 : i32
        %dma_start3A_1201 = arith.constant 17 : i32
        %dma_start3A_1202 = arith.constant 0 : i32
        %dma_start3A_1203 = arith.constant 0 : i32
        %dma_start3A_1204 = tpu.memref_slice %arg7[%dma_start3A_1201, %dma_start3A_1202, %dma_start3A_1203] : memref<19x8x256xf32, #tpu.memory_space<vmem>> -> memref<1x8x256xf32, #tpu.memory_space<vmem>>
        %dma_start3A_1205 = tpu.memref_squeeze %dma_start3A_1204 : memref<1x8x256xf32, #tpu.memory_space<vmem>> -> memref<8x256xf32, #tpu.memory_space<vmem>>
        %dma_start3A_1206 = tpu.memref_slice %arg2[%select_n3A_896, %dma_start3A_1200, %mul3A_943, %mul3A_961] : memref<8x19x512x512xf32, #tpu.memory_space<hbm>> -> memref<1x1x8x256xf32, #tpu.memory_space<hbm>>
        %dma_start3A_1207 = tpu.memref_squeeze %dma_start3A_1206 : memref<1x1x8x256xf32, #tpu.memory_space<hbm>> -> memref<8x256xf32, #tpu.memory_space<hbm>>
        %dma_start3A_1208 = arith.constant 0 : i32
        %dma_start3A_1209 = arith.constant 0 : i32
        %dma_start3A_1210 = tpu.memref_slice %arg7[%dma_start3A_1201, %dma_start3A_1208, %dma_start3A_1209] : memref<19x8x256xf32, #tpu.memory_space<vmem>> -> memref<1x8x256xf32, #tpu.memory_space<vmem>>
        %dma_start3A_1211 = tpu.memref_squeeze %dma_start3A_1210 : memref<1x8x256xf32, #tpu.memory_space<vmem>> -> memref<8x256xf32, #tpu.memory_space<vmem>>
        %dma_start3A_1212 = tpu.memref_slice %arg2[%select_n3A_896, %dma_start3A_1200, %mul3A_943, %mul3A_961] : memref<8x19x512x512xf32, #tpu.memory_space<hbm>> -> memref<1x1x8x256xf32, #tpu.memory_space<hbm>>
        %dma_start3A_1213 = tpu.memref_squeeze %dma_start3A_1212 : memref<1x1x8x256xf32, #tpu.memory_space<hbm>> -> memref<8x256xf32, #tpu.memory_space<hbm>>
        tpu.enqueue_dma source(%dma_start3A_1213 : memref<8x256xf32, #tpu.memory_space<hbm>>) target(%dma_start3A_1211 : memref<8x256xf32, #tpu.memory_space<vmem>>) target_semaphore(%arg14 : memref<!tpu.dma_semaphore, #tpu.memory_space<semaphore_mem>>)
        %dma_start3A_1214 = arith.constant 18 : i32
        %dma_start3A_1215 = arith.constant 18 : i32
        %dma_start3A_1216 = arith.constant 0 : i32
        %dma_start3A_1217 = arith.constant 0 : i32
        %dma_start3A_1218 = tpu.memref_slice %arg7[%dma_start3A_1215, %dma_start3A_1216, %dma_start3A_1217] : memref<19x8x256xf32, #tpu.memory_space<vmem>> -> memref<1x8x256xf32, #tpu.memory_space<vmem>>
        %dma_start3A_1219 = tpu.memref_squeeze %dma_start3A_1218 : memref<1x8x256xf32, #tpu.memory_space<vmem>> -> memref<8x256xf32, #tpu.memory_space<vmem>>
        %dma_start3A_1220 = tpu.memref_slice %arg2[%select_n3A_896, %dma_start3A_1214, %mul3A_943, %mul3A_961] : memref<8x19x512x512xf32, #tpu.memory_space<hbm>> -> memref<1x1x8x256xf32, #tpu.memory_space<hbm>>
        %dma_start3A_1221 = tpu.memref_squeeze %dma_start3A_1220 : memref<1x1x8x256xf32, #tpu.memory_space<hbm>> -> memref<8x256xf32, #tpu.memory_space<hbm>>
        %dma_start3A_1222 = arith.constant 0 : i32
        %dma_start3A_1223 = arith.constant 0 : i32
        %dma_start3A_1224 = tpu.memref_slice %arg7[%dma_start3A_1215, %dma_start3A_1222, %dma_start3A_1223] : memref<19x8x256xf32, #tpu.memory_space<vmem>> -> memref<1x8x256xf32, #tpu.memory_space<vmem>>
        %dma_start3A_1225 = tpu.memref_squeeze %dma_start3A_1224 : memref<1x8x256xf32, #tpu.memory_space<vmem>> -> memref<8x256xf32, #tpu.memory_space<vmem>>
        %dma_start3A_1226 = tpu.memref_slice %arg2[%select_n3A_896, %dma_start3A_1214, %mul3A_943, %mul3A_961] : memref<8x19x512x512xf32, #tpu.memory_space<hbm>> -> memref<1x1x8x256xf32, #tpu.memory_space<hbm>>
        %dma_start3A_1227 = tpu.memref_squeeze %dma_start3A_1226 : memref<1x1x8x256xf32, #tpu.memory_space<hbm>> -> memref<8x256xf32, #tpu.memory_space<hbm>>
        tpu.enqueue_dma source(%dma_start3A_1227 : memref<8x256xf32, #tpu.memory_space<hbm>>) target(%dma_start3A_1225 : memref<8x256xf32, #tpu.memory_space<vmem>>) target_semaphore(%arg14 : memref<!tpu.dma_semaphore, #tpu.memory_space<semaphore_mem>>)
        %dma_start3A_1228 = tpu.memref_slice %arg3[%select_n3A_896, %mul3A_943, %mul3A_961] : memref<8x512x512xi32, #tpu.memory_space<hbm>> -> memref<1x8x256xi32, #tpu.memory_space<hbm>>
        %dma_start3A_1229 = tpu.memref_squeeze %dma_start3A_1228 : memref<1x8x256xi32, #tpu.memory_space<hbm>> -> memref<8x256xi32, #tpu.memory_space<hbm>>
        %dma_start3A_1230 = tpu.memref_slice %arg3[%select_n3A_896, %mul3A_943, %mul3A_961] : memref<8x512x512xi32, #tpu.memory_space<hbm>> -> memref<1x8x256xi32, #tpu.memory_space<hbm>>
        %dma_start3A_1231 = tpu.memref_squeeze %dma_start3A_1230 : memref<1x8x256xi32, #tpu.memory_space<hbm>> -> memref<8x256xi32, #tpu.memory_space<hbm>>
        tpu.enqueue_dma source(%dma_start3A_1231 : memref<8x256xi32, #tpu.memory_space<hbm>>) target(%arg9 : memref<8x256xi32, #tpu.memory_space<vmem>>) target_semaphore(%arg16 : memref<!tpu.dma_semaphore, #tpu.memory_space<semaphore_mem>>)
      } else {
      }
      scf.yield %parallel_loop3A_815#0, %parallel_loop3A_815#1, %parallel_loop3A_815#2, %parallel_loop3A_815#3, %parallel_loop3A_815#4, %parallel_loop3A_815#5, %parallel_loop3A_815#6, %parallel_loop3A_815#7 : vector<16xf32>, vector<16xf32>, vector<16xf32>, vector<16xf32>, vector<16xf32>, vector<16xf32>, vector<16xf32>, vector<16xf32>
    }
    %scan3A_673 = arith.constant 16 : i32
    %add3A_674 = arith.addf %scan3A_672#0, %scan3A_672#2 : vector<16xf32>
    %add3A_675 = arith.addf %scan3A_672#1, %scan3A_672#3 : vector<16xf32>
    %add3A_676 = arith.addf %add3A_674, %scan3A_672#4 : vector<16xf32>
    %add3A_677 = arith.addf %add3A_675, %scan3A_672#5 : vector<16xf32>
    %add3A_678 = arith.addf %add3A_676, %scan3A_672#6 : vector<16xf32>
    %add3A_679 = arith.addf %add3A_677, %scan3A_672#7 : vector<16xf32>
    %swap3A = arith.constant 0 : index
    %swap3A_680 = tpu.vector_load %arg12[%swap3A] {strides = array<i32>} : memref<32xf32, #tpu.memory_space<vmem>>, vector<16xf32>,
    tpu.vector_store %arg12[%swap3A], %add3A_678 {strides = array<i32>} : memref<32xf32, #tpu.memory_space<vmem>>, vector<16xf32>,
    %swap3A_681 = arith.constant 16 : index
    %swap3A_682 = tpu.vector_load %arg12[%swap3A_681] {strides = array<i32>} : memref<32xf32, #tpu.memory_space<vmem>>, vector<16xf32>,
    tpu.vector_store %arg12[%swap3A_681], %add3A_679 {strides = array<i32>} : memref<32xf32, #tpu.memory_space<vmem>>, vector<16xf32>,
    "tpu.region"() ({
      %run_scoped3A = tpu.sem_alloc : memref<!tpu.dma_semaphore, #tpu.memory_space<semaphore_mem>>
      %dma_start3A_690 = arith.constant 0 : i32
      %dma_start3A_691 = tpu.memref_slice %arg4[%add3A, %dma_start3A_690] : memref<32x32xf32, #tpu.memory_space<hbm>> -> memref<1x32xf32, #tpu.memory_space<hbm>>
      %dma_start3A_692 = tpu.memref_squeeze %dma_start3A_691 : memref<1x32xf32, #tpu.memory_space<hbm>> -> memref<32xf32, #tpu.memory_space<hbm>>
      %dma_start3A_693 = arith.constant 0 : i32
      %dma_start3A_694 = tpu.memref_slice %arg4[%add3A, %dma_start3A_693] : memref<32x32xf32, #tpu.memory_space<hbm>> -> memref<1x32xf32, #tpu.memory_space<hbm>>
      %dma_start3A_695 = tpu.memref_squeeze %dma_start3A_694 : memref<1x32xf32, #tpu.memory_space<hbm>> -> memref<32xf32, #tpu.memory_space<hbm>>
      tpu.enqueue_dma source(%arg12 : memref<32xf32, #tpu.memory_space<vmem>>) target(%dma_start3A_695 : memref<32xf32, #tpu.memory_space<hbm>>) target_semaphore(%run_scoped3A : memref<!tpu.dma_semaphore, #tpu.memory_space<semaphore_mem>>)
      %dma_wait3A_696 = arith.constant 0 : i32
      %dma_wait3A_697 = tpu.memref_slice %arg4[%add3A, %dma_wait3A_696] : memref<32x32xf32, #tpu.memory_space<hbm>> -> memref<1x32xf32, #tpu.memory_space<hbm>>
      %dma_wait3A_698 = tpu.memref_squeeze %dma_wait3A_697 : memref<1x32xf32, #tpu.memory_space<hbm>> -> memref<32xf32, #tpu.memory_space<hbm>>
      %dma_wait3A_699 = arith.constant 0 : i32
      %dma_wait3A_700 = tpu.memref_slice %arg4[%add3A, %dma_wait3A_699] : memref<32x32xf32, #tpu.memory_space<hbm>> -> memref<1x32xf32, #tpu.memory_space<hbm>>
      %dma_wait3A_701 = tpu.memref_squeeze %dma_wait3A_700 : memref<1x32xf32, #tpu.memory_space<hbm>> -> memref<32xf32, #tpu.memory_space<hbm>>
      tpu.wait_dma2 semaphore(%run_scoped3A : memref<!tpu.dma_semaphore, #tpu.memory_space<semaphore_mem>>) src(%arg12 : memref<32xf32, #tpu.memory_space<vmem>>) dst(%dma_wait3A_701 : memref<32xf32, #tpu.memory_space<hbm>>)
      tpu.yield
    }) : () -> ()
    %dma_wait3A = arith.constant 0 : i32
    %dma_wait3A_683 = tpu.memref_slice %arg5[%dma_wait3A] : memref<2097152xf32, #tpu.memory_space<hbm>> -> memref<2048xf32, #tpu.memory_space<hbm>>
    %dma_wait3A_684 = arith.constant 0 : i32
    %dma_wait3A_685 = tpu.memref_slice %arg5[%dma_wait3A_684] : memref<2097152xf32, #tpu.memory_space<hbm>> -> memref<2048xf32, #tpu.memory_space<hbm>>
    tpu.wait_dma2 semaphore(%arg17 : memref<!tpu.dma_semaphore, #tpu.memory_space<semaphore_mem>>) src(%arg10 : memref<2048xf32, #tpu.memory_space<vmem>>) dst(%dma_wait3A_685 : memref<2048xf32, #tpu.memory_space<hbm>>)
    %dma_wait3A_686 = arith.constant 0 : i32
    %dma_wait3A_687 = tpu.memref_slice %arg5[%dma_wait3A_686] : memref<2097152xf32, #tpu.memory_space<hbm>> -> memref<2048xf32, #tpu.memory_space<hbm>>
    %dma_wait3A_688 = arith.constant 0 : i32
    %dma_wait3A_689 = tpu.memref_slice %arg5[%dma_wait3A_688] : memref<2097152xf32, #tpu.memory_space<hbm>> -> memref<2048xf32, #tpu.memory_space<hbm>>
    tpu.wait_dma2 semaphore(%arg18 : memref<!tpu.dma_semaphore, #tpu.memory_space<semaphore_mem>>) src(%arg11 : memref<2048xf32, #tpu.memory_space<vmem>>) dst(%dma_wait3A_689 : memref<2048xf32, #tpu.memory_space<hbm>>)
    return
  }
}

module attributes {stable_mosaic.version = 14 : i64} {
  func.func @_topk_body(%arg0: memref<2048x1024xf32, #tpu.memory_space<vmem>>, %arg1: memref<1x1xf32, #tpu.memory_space<vmem>>) attributes {dimension_semantics = [], scalar_prefetch = 0 : i64, scratch_operands = 0 : i64, tpu.core_type = #tpu.core_type<tc>} {
    %get3A = arith.constant 0 : index
    %get3A_0 = arith.constant 0 : index
    %get3A_1 = vector.load %arg0[%get3A, %get3A_0] : memref<2048x1024xf32, #tpu.memory_space<vmem>>, vector<2048x1024xf32>
    %scan3A = arith.constant -1 : i32
    %scan3A_2 = arith.constant 2139095040 : i32
    %scan3A_3 = arith.constant 0 : i32
    %scan3A_4 = arith.constant 32 : i32
    %scan3A_5 = arith.addi %scan3A_3, %scan3A_4 : i32
    %scan3A_6 = arith.constant 1 : i32
    %scan3A_7:2 = scf.for %scan3A_30 = %scan3A_3 to %scan3A_5 step %scan3A_6 iter_args(%scan3A_31 = %scan3A, %scan3A_32 = %scan3A_2) -> (i32, i32)  : i32 {
      %add3A_33 = arith.addi %scan3A_31, %scan3A_32 : i32
      %div3A_34 = arith.constant 2 : i32
      %div3A_35 = arith.divsi %add3A_33, %div3A_34 : i32
      %bitcast_convert_type3A_36 = arith.bitcast %div3A_35 : i32 to f32
      %gt3A_37 = vector.broadcast %bitcast_convert_type3A_36 : f32 to vector<2048x1024xf32>
      %gt3A_38 = arith.cmpf ogt, %get3A_1, %gt3A_37 : vector<2048x1024xf32>
      %jit3A_39 = arith.constant 1.000000e+00 : f32
      %jit3A_40 = arith.constant 0.000000e+00 : f32
      %broadcast_in_dim3A_41 = vector.broadcast %jit3A_39 : f32 to vector<2048x1024xf32>
      %broadcast_in_dim3A_42 = vector.broadcast %jit3A_40 : f32 to vector<2048x1024xf32>
      %select_n3A_43 = arith.select %gt3A_38, %broadcast_in_dim3A_41, %broadcast_in_dim3A_42 : vector<2048x1024xi1>, vector<2048x1024xf32>
      %reduce_sum3A_44 = vector.shape_cast %select_n3A_43 : vector<2048x1024xf32> to vector<1x2048x1024xf32>
      %reduce_sum3A_45 = arith.constant dense<0.000000e+00> : vector<1xf32>
      %reduce_sum3A_46 = vector.multi_reduction <add>, %reduce_sum3A_44, %reduce_sum3A_45 [1, 2] : vector<1x2048x1024xf32> to vector<1xf32>
      %reduce_sum3A_47 = vector.shape_cast %reduce_sum3A_46 : vector<1xf32> to vector<1x1x1xf32>
      %reduce_sum3A_48 = vector.extract %reduce_sum3A_47[0, 0, 0] : f32 from vector<1x1x1xf32>
      %ge3A = arith.constant 1.100000e+05 : f32
      %ge3A_49 = arith.cmpf oge, %reduce_sum3A_48, %ge3A : f32
      %select_n3A_50 = arith.select %ge3A_49, %div3A_35, %scan3A_31 : i32
      %select_n3A_51 = arith.select %ge3A_49, %scan3A_32, %div3A_35 : i32
      scf.yield %select_n3A_50, %select_n3A_51 : i32, i32
    }
    %bitcast_convert_type3A = arith.bitcast %scan3A_7#1 : i32 to f32
    %gt3A = vector.broadcast %bitcast_convert_type3A : f32 to vector<2048x1024xf32>
    %gt3A_8 = arith.cmpf ogt, %get3A_1, %gt3A : vector<2048x1024xf32>
    %jit3A = arith.constant 1.000000e+00 : f32
    %jit3A_9 = arith.constant 0.000000e+00 : f32
    %broadcast_in_dim3A = vector.broadcast %jit3A : f32 to vector<2048x1024xf32>
    %broadcast_in_dim3A_10 = vector.broadcast %jit3A_9 : f32 to vector<2048x1024xf32>
    %select_n3A = arith.select %gt3A_8, %broadcast_in_dim3A, %broadcast_in_dim3A_10 : vector<2048x1024xi1>, vector<2048x1024xf32>
    %reduce_sum3A = vector.shape_cast %select_n3A : vector<2048x1024xf32> to vector<1x2048x1024xf32>
    %reduce_sum3A_11 = arith.constant dense<0.000000e+00> : vector<1xf32>
    %reduce_sum3A_12 = vector.multi_reduction <add>, %reduce_sum3A, %reduce_sum3A_11 [1, 2] : vector<1x2048x1024xf32> to vector<1xf32>
    %reduce_sum3A_13 = vector.shape_cast %reduce_sum3A_12 : vector<1xf32> to vector<1x1x1xf32>
    %reduce_sum3A_14 = vector.extract %reduce_sum3A_13[0, 0, 0] : f32 from vector<1x1x1xf32>
    %gt3A_15 = vector.broadcast %bitcast_convert_type3A : f32 to vector<2048x1024xf32>
    %gt3A_16 = arith.cmpf ogt, %get3A_1, %gt3A_15 : vector<2048x1024xf32>
    %jit3A_17 = arith.constant 0.000000e+00 : f32
    %broadcast_in_dim3A_18 = vector.broadcast %jit3A_17 : f32 to vector<2048x1024xf32>
    %select_n3A_19 = arith.select %gt3A_16, %get3A_1, %broadcast_in_dim3A_18 : vector<2048x1024xi1>, vector<2048x1024xf32>
    %reduce_sum3A_20 = vector.shape_cast %select_n3A_19 : vector<2048x1024xf32> to vector<1x2048x1024xf32>
    %reduce_sum3A_21 = arith.constant dense<0.000000e+00> : vector<1xf32>
    %reduce_sum3A_22 = vector.multi_reduction <add>, %reduce_sum3A_20, %reduce_sum3A_21 [1, 2] : vector<1x2048x1024xf32> to vector<1xf32>
    %reduce_sum3A_23 = vector.shape_cast %reduce_sum3A_22 : vector<1xf32> to vector<1x1x1xf32>
    %reduce_sum3A_24 = vector.extract %reduce_sum3A_23[0, 0, 0] : f32 from vector<1x1x1xf32>
    %sub3A = arith.constant 1.100000e+05 : f32
    %sub3A_25 = arith.subf %sub3A, %reduce_sum3A_14 : f32
    %mul3A = arith.mulf %sub3A_25, %bitcast_convert_type3A : f32
    %add3A = arith.addf %reduce_sum3A_24, %mul3A : f32
    %div3A = arith.constant 1.100000e+05 : f32
    %div3A_26 = arith.divf %add3A, %div3A : f32
    %broadcast_in_dim3A_27 = vector.broadcast %div3A_26 : f32 to vector<1x1xf32>
    %swap3A = arith.constant 0 : index
    %swap3A_28 = arith.constant 0 : index
    %swap3A_29 = vector.load %arg1[%swap3A, %swap3A_28] : memref<1x1xf32, #tpu.memory_space<vmem>>, vector<1x1xf32>
    tpu.vector_store %arg1[%swap3A, %swap3A_28], %broadcast_in_dim3A_27 {strides = array<i32>} : memref<1x1xf32, #tpu.memory_space<vmem>>, vector<1x1xf32>,
    return
  }
}

</mosaic_0001>

<sc_bundles>
// kernel: kernel.3.cloned.1.call-start
scs
__scs_entry_jumppad:
0x0: {  	(pc) =	sbr.rel $0x88, $3  }
0x1: {  	(tag) =	ssettag $0x0;
	lr =	simm.s32 $0x1  }
0x2: {  	[smem:$0x3F9F] =	sst lr;
	_ =	strace $0xD0000000  }
0x3: {  	_ = 	snop  }
0x4: {  	_ = 	snop  }
0x5: {  	_ = 	snop  }
0x6: {  	_ = 	snop  }
0x7: {  	_ = 	snop  }
__scs_overlays_trampoline_lowered:
0x8: {  	[smem:$0x3FAE] =	sst s0  }
0x9: {  	[smem:$0x3FAF] =	sst s1  }
0xa: {  	[smem:$0x3FB0] =	sst s2  }
0xb: {  	[smem:$0x3FB1] =	sst s3  }
0xc: {  	[smem:$0x3FB2] =	sst s4  }
0xd: {  	[smem:$0x3FB3] =	sst s5  }
0xe: {  	[smem:$0x3FB4] =	sst s6  }
0xf: {  	[smem:$0x3FB5] =	sst s7  }
0x10: {  	[smem:$0x3FB6] =	sst s8  }
0x11: {  	[smem:$0x3FB7] =	sst s9;
	s0 =	simm.s32 @!p0 $0x0  }
0x12: {  	s1 =	sld [smem:$0x3F9D];
	s0 =	simm.s32 @p0 $0x1  }
0x13: {  	[smem:$0x3FB8] =	sst s0;
	s0 =	simm.s32 @!p1 $0x0  }
0x14: {  	s2 =	sld [smem:$0x3F9C];
	s0 =	simm.s32 @p1 $0x1  }
0x15: {  	[smem:$0x3FB9] =	sst s0;
	s0 =	simm.s32 @!p2 $0x0  }
0x16: {  	s3 =	sld [smem:$0x3FDB];
	s0 =	simm.s32 @p2 $0x1  }
0x17: {  	s4 =	simm.s32 $0x1BF5;
	[smem:$0x3FBB] =	sst s0  }
0x18: {  	s0 =	sld [smem:$0x3F9E];
	_ =	swait.ge [sflag:s4], $0x0  }
0x19: {  	s7 =	sld [smem:$0x3F9F]  }
0x1a: {  	s8 =	sadd.s32 $0xFFFFE003, lr  }
0x1b: {  	s9 =	sadd.s32 $0xFFFFFEF7, lr;
	s5 =	simm.s32 $0xFFFFFFFF;
	p2 =	slt.u32 s8, $0xFFFFF086  }
0x1c: {  	p1 =	slt.u32 s9, $0xF7A;
	s5 =	simm.s32 @!p2 $0x0  }
0x1d: {  	s5 =	simm.s32 @p1 $0x1;
	p0 =	seq.s32 s7, s2  }
0x1e: {  	s7 =	smul.u32 @!p0 $0xF7A, s2;
	p2 =	seq.s32 @!p0 s5, $0x0  }
0x1f: {  	s9 =	smul.u32 $0xF7A, s1;
	s8 =	simm.s32 @!p0 $0x1BF5;
	p2 =	por !p2, p0  }
0x20: {  	[sflag:s8] =	ssyncset.s32 @!p0 $0xFFFFF086;
	s6 =	sadd.s32 @!p0 s3, s7;
	s7 =	simm.s32 @!p0 $0x108  }
0x21: {  	s3 =	sadd.s32 s3, s9;
	s6 =	sadd.s32 @!p0 $0x88, s6;
	s7 =	simm.s32 @p2 $0x1082  }
0x22: {  	[simem:s7], [sflag:s8] =	dma.local @!p0 [hbm:s6], $0xF7A  }
0x23: {  	s9 =	sor.u32 $0xD0000000, s2;
	s6 =	simm.s32 $0x108;
	_ =	swait.ge @!p0 [sflag:s8], $0x0  }
0x24: {  	s3 =	sadd.s32 $0x88, s3;
	s6 =	simm.s32 @!p1 $0x1082;
	[sflag:s4] =	ssyncset.s32 $0xFFFFF086  }
0x25: {  	[simem:s6], [sflag:s4] =	dma.local [hbm:s3], $0xF7A  }
0x26: {  	[smem:$0x3F9F] =	sst s1;
	(tag) =	ssettag s2;
	_ =	strace s9  }
0x27: {  	s1 =	sld [smem:$0x3FAF]  }
0x28: {  	s2 =	sld [smem:$0x3FB0]  }
0x29: {  	s4 =	sld [smem:$0x3FB2]  }
0x2a: {  	p0 =	seq.s32 s5, $0x0;
	s5 =	sld [smem:$0x3FB3]  }
0x2b: {  	s6 =	sld [smem:$0x3FB4]  }
0x2c: {  	s7 =	sld [smem:$0x3FB5]  }
0x2d: {  	s3 =	simm.s32 $0x108;
	s8 =	sld [smem:$0x3FB6]  }
0x2e: {  	s3 =	simm.s32 @!p0 $0x1082;
	s9 =	sld [smem:$0x3FB7]  }
0x2f: {  	lr =	sadd.s32 s0, s3;
	s0 =	sld [smem:$0x3FAE]  }
0x30: {  	s3 =	sld [smem:$0x3FB1]  }
0x31: {  	[smem:$0x3FBA] =	sst s10  }
0x32: {  	s10 =	sld [smem:$0x3FB8];
	_ =	sdelay $0x3  }
0x33: {  	p0 =	seq.s32 s10, $0x1;
	s10 =	sld [smem:$0x3FBA];
	_ =	sdelay $0x3  }
0x34: {  	[smem:$0x3FBA] =	sst s10  }
0x35: {  	s10 =	sld [smem:$0x3FB9];
	_ =	sdelay $0x3  }
0x36: {  	p1 =	seq.s32 s10, $0x1;
	s10 =	sld [smem:$0x3FBA];
	_ =	sdelay $0x3  }
0x37: {  	[smem:$0x3FBA] =	sst s10  }
0x38: {  	s10 =	sld [smem:$0x3FBB]  }
0x39: {  	_ = 	snop;
	(pc) =	sbr.ind lr, $3  }
0x3a: {  	_ = 	snop  }
0x3b: {  	_ = 	snop  }
0x3c: {  	p2 =	seq.s32 s10, $0x1;
	s10 =	sld [smem:$0x3FBA]  }
0x3d: {  	_ =	shalt  }
0x3e: {  	_ =	shalt  }
0x3f: {  	_ =	shalt  }
0x40: {  	_ =	shalt  }
0x41: {  	_ =	shalt  }
0x42: {  	_ =	shalt  }
0x43: {  	_ =	shalt  }
0x44: {  	_ =	shalt  }
0x45: {  	_ =	shalt  }
0x46: {  	_ =	shalt  }
0x47: {  	_ =	shalt  }
0x48: {  	_ =	shalt  }
0x49: {  	_ =	shalt  }
0x4a: {  	_ =	shalt  }
0x4b: {  	_ =	shalt  }
0x4c: {  	_ =	shalt  }
0x4d: {  	_ =	shalt  }
0x4e: {  	_ =	shalt  }
0x4f: {  	_ =	shalt  }
0x50: {  	_ =	shalt  }
0x51: {  	_ =	shalt  }
0x52: {  	_ =	shalt  }
0x53: {  	_ =	shalt  }
0x54: {  	_ =	shalt  }
0x55: {  	_ =	shalt  }
0x56: {  	_ =	shalt  }
0x57: {  	_ =	shalt  }
0x58: {  	_ =	shalt  }
0x59: {  	_ =	shalt  }
0x5a: {  	_ =	shalt  }
0x5b: {  	_ =	shalt  }
0x5c: {  	_ =	shalt  }
0x5d: {  	_ =	shalt  }
0x5e: {  	_ =	shalt  }
0x5f: {  	_ =	shalt  }
0x60: {  	_ =	shalt  }
0x61: {  	_ =	shalt  }
0x62: {  	_ =	shalt  }
0x63: {  	_ =	shalt  }
0x64: {  	_ =	shalt  }
0x65: {  	_ =	shalt  }
0x66: {  	_ =	shalt  }
0x67: {  	_ =	shalt  }
0x68: {  	_ =	shalt  }
0x69: {  	_ =	shalt  }
0x6a: {  	_ =	shalt  }
0x6b: {  	_ =	shalt  }
0x6c: {  	_ =	shalt  }
0x6d: {  	_ =	shalt  }
0x6e: {  	_ =	shalt  }
0x6f: {  	_ =	shalt  }
0x70: {  	_ =	shalt  }
0x71: {  	_ =	shalt  }
0x72: {  	_ =	shalt  }
0x73: {  	_ =	shalt  }
0x74: {  	_ =	shalt  }
0x75: {  	_ =	shalt  }
0x76: {  	_ =	shalt  }
0x77: {  	_ =	shalt  }
0x78: {  	_ =	shalt  }
0x79: {  	_ =	shalt  }
0x7a: {  	_ =	shalt  }
0x7b: {  	_ =	shalt  }
0x7c: {  	_ =	shalt  }
0x7d: {  	_ =	shalt  }
0x7e: {  	_ =	shalt  }
0x7f: {  	_ =	shalt  }
0x80: {  	_ =	shalt  }
0x81: {  	_ =	shalt  }
0x82: {  	_ =	shalt  }
0x83: {  	_ =	shalt  }
0x84: {  	_ =	shalt  }
0x85: {  	_ =	shalt  }
0x86: {  	_ =	shalt  }
0x87: {  	_ =	shalt  }
.Lfunc_end0:
.L_simem_size_0:
called_computation_lowered:
.L_overlay_start_0:
0x88: {  	s2 =	sld [smem:$0x3FD9]  }
0x89: {  	s3 =	sld [smem:$0x3FFE];
	_ =	sdelay $0x1  }
0x8a: {  	s1 =	srdreg.scid  }
0x8b: {  	s0 =	sand.u32 $0x1, s1  }
0x8c: {  	s17 =	sshll.u32 s0, $0xA;
	s2 =	sadd.s32 s3, s2  }
0x8d: {  	s2 =	sadd.s32 s2, s17  }
0x8e: {  	[smem:$0x3FC6] =	sst s2  }
0x8f: {  	_ = 	snop  }
0x90: {  	s2 =	sld [smem:$0x3FC9]  }
0x91: {  	s18 =	sld [smem:$0x3FC8];
	(tm) =	ssettm $0x1  }
0x92: {  	s4 =	sld [smem:$0x3FFB];
	_ =	sdelay $0x3  }
0x93: {  	_ =	strace s4  }
0x94: {  	s4 =	sld [smem:$0x3FFC];
	_ =	sdelay $0x3  }
0x95: {  	_ =	strace s4  }
0x96: {  	s4 =	sld [smem:$0x3FFD];
	_ =	sdelay $0x3  }
0x97: {  	_ =	strace s4  }
0x98: {  	_ =	strace $0x8FFFFFFF  }
0x99: {  	s19 =	sld [smem:$0x3FDB];
	_ =	sdelay $0x1  }
0x9a: {  	s5 =	simm.s32 $_scs_section_size  }
0x9b: {  	s6 =	simm.s32 $_size__tile_overlayer_lowered;
	s7 =	simm.s32 $_tile_overlayer_lowered  }
0x9c: {  	s22 =	simm.s32 $0x1BFF;
	s21 =	sshll.u32 s7, $0x1;
	s4 =	sadd.s32 s5, s19  }
0x9d: {  	s8 =	simm.s32 $0x0;
	s20 =	sshll.u32 s6, $0x1;
	s6 =	sadd.s32 s21, s4  }
0x9e: {  	[timem:s8], [sflag:s22] =	dma.local [hbm:s6], s20  }
0x9f: {  	_ =	swait.ge [sflag:s22], s20  }
0xa0: {  	s5 =	ssub.s32 $0x0, s20;
	[sflag:s22] =	ssyncset.done $0x0  }
0xa1: {  	[sflag:s22] =	ssyncadd.s32 s5;
	_ =	sdelay $0x1  }
0xa2: {  	s23 =	simm.s32 $0x1B8B  }
0xa3: {  	_ =	swait.ge [sflag:s23], $0x1  }
0xa4: {  	[sflag:s23] =	ssyncset.done $0x0  }
0xa5: {  	s25 =	simm.s32 $0x1B8E;
	s24 =	sld [smem:$0x3FFE];
	[sflag:s23] =	ssyncadd.s32 $0xFFFFFFFF  }
0xa6: {  	s26 =	simm.s32 $execute0_lowered;
	[smem:$0x3FD2] =	sst s25  }
0xa7: {  	s6 =	sshll.u32 s26, $0x1;
	_ =	strace $0x80000046;
	[dreg:$0x1] =	wrdreg $0xFFFFFFFF  }
0xa8: {  	s28 =	simm.s32 $_size_execute0_lowered;
	s4 =	sadd.s32 s4, s6;
	[dreg:$0x0] =	wrdreg $0x0  }
0xa9: {  	s6 =	sshll.u32 s28, $0x1;
	[dreg:$0x2] =	wrdreg s4  }
0xaa: {  	[dreg:$0x3] =	wrdreg s6  }
0xab: {  	[dreg:$0x4] =	wrdreg $0xC0  }
0xac: {  	_ =	task [dreg:s8], $0x5FFFF  }
0xad: {  	[dreg:$0x1] =	wrdreg $0xFFFFFFFF  }
0xae: {  	[dreg:$0x0] =	wrdreg $0x60  }
0xaf: {  	[dreg:$0x2] =	wrdreg s2  }
0xb0: {  	[dreg:$0x3] =	wrdreg s18  }
0xb1: {  	[dreg:$0x4] =	wrdreg s24  }
0xb2: {  	[dreg:$0x5] =	wrdreg $0x9  }
0xb3: {  	_ =	task.clear_ibuf [dreg:s8], $0x6FFFF;
	_ =	strace $0x90000046  }
0xb4: {  	s29 =	simm.s32 $0x9;
	_ =	strace $0x80000048  }
0xb5: {  	_ =	swait.ge [sflag:s29], $0x1  }
0xb6: {  	[sflag:s29] =	ssyncadd.s32 $0xFFFFFFFF  }
0xb7: {  	_ =	strace $0x90000048  }
0xb8: {  	_ =	sfence  }
0xb9: {  	s30 =	sld [smem:$0x0];
	_ =	sdelay $0x2  }
0xba: {  	s31 =	sshll.u32 s1, $0xD;
	s1 =	sshrl.u32 s1, $0x2  }
0xbb: {  	s3 =	sand.u32 $0x4000, s31;
	s1 =	sadd.s32 s1, s30  }
0xbc: {  	s0 =	sor.u32 s3, s0;
	s1 =	sshll.u32 s1, $0x11  }
0xbd: {  	s0 =	sor.u32 s1, s0  }
0xbe: {  	s0 =	sadd.s32 $0x8F2B, s0  }
0xbf: {  	[sflag:s0] =	ssyncadd.remote.s32 $0x1  }
0xc0: {  	_ =	sfence.sel $0xFFFF  }
0xc1: {  	[dreg:$0x0] =	wrdreg $0xFFFFFFFF;
	(pc) =	sbr.abs _section_cstart, $3  }
0xc2: {  	[dreg:$0x1] =	wrdreg $0xFFFFFFFF  }
0xc3: {  	_ =	task.clear_ibuf [dreg:s8], $0x2FFFF;
	_ =	strace $0x9FFFFFFF  }
0xc4: {  	(tm) =	ssettm $0x7FFFFFFF  }
0xc5: {  	_ =	shalt  }
tec
execute0_lowered:
.L_overlay_start_1:
0x0: {  	(tag) =	ssettag $0x1  }
0x1: {  	s1 =	rddreg [dreg:$0x0]  }
0x2: {  	s2 =	srdreg.scid;
	s3 =	stileid.u32  }
0x3: {  	s10 =	rddreg [dreg:$0x1];
	s2 =	sand.u32 $0x1, s2;
	s3 =	sshll.u32 s3, $0x1  }
0x4: {  	s0 =	rddreg [dreg:$0x2];
	s4 =	simm.s32 $0x0;
	s3 =	sor.u32 s2, s3  }
0x5: {  	[smem:$0x7FF] =	sst s4;
	s9 =	sshll.u32 s3, $0xA  }
0x6: {  	_ =	strace $0x80000047;
	s2 =	ssub.s32 $0x2, s2;
	s19 =	sadd.s32 s10, s9  }
0x7: {  	s5 =	sshll.u32 s3, $0x4;
	s11 =	sadd.s32 s1, s9;
	[dreg:$0x11] =	wrdreg s19  }
0x8: {  	s7 =	sshrl.u32 s2, $0x1;
	s22 =	sadd.s32 $0x8000, s11;
	[dreg:$0x4] =	wrdreg s11  }
0x9: {  	s8 =	sshll.u32 s3, $0x3;
	s23 =	sadd.s32 $0x10000, s11;
	[dreg:$0x5] =	wrdreg s22  }
0xa: {  	s6 =	sadd.s32 s5, s0;
	s24 =	sadd.s32 $0x18000, s11;
	[dreg:$0x6] =	wrdreg s23  }
0xb: {  	s5 =	sadd.s32 $0x600, s0;
	s25 =	sadd.s32 $0x20000, s11;
	[dreg:$0x7] =	wrdreg s24  }
0xc: {  	s0 =	ssub.s32 s2, s7;
	s26 =	sadd.s32 $0x28000, s11;
	[dreg:$0x8] =	wrdreg s25  }
0xd: {  	s7 =	sshll.u32 s3, $0xD;
	s3 =	sadd.s32 $0x30000, s11;
	[dreg:$0x9] =	wrdreg s26  }
0xe: {  	s12 =	sadd.s32 $0x38000, s11;
	[dreg:$0xa] =	wrdreg s3  }
0xf: {  	s13 =	sadd.s32 $0x40000, s11;
	[dreg:$0xb] =	wrdreg s12  }
0x10: {  	s14 =	sadd.s32 $0x48000, s11;
	[dreg:$0xc] =	wrdreg s13  }
0x11: {  	s15 =	sadd.s32 $0x50000, s11;
	[dreg:$0xd] =	wrdreg s14  }
0x12: {  	s16 =	sadd.s32 $0x58000, s11;
	[dreg:$0xe] =	wrdreg s15  }
0x13: {  	s18 =	sor.u32 $0x100, s9;
	s17 =	sadd.s32 $0x60000, s11;
	[dreg:$0xf] =	wrdreg s16  }
0x14: {  	s20 =	sadd.s32 s1, s18;
	[dreg:$0x10] =	wrdreg s17  }
0x15: {  	s2 =	sadd.s32 s10, s18;
	[dreg:$0x12] =	wrdreg s20  }
0x16: {  	s21 =	sadd.s32 $0x400, s6;
	[dreg:$0x13] =	wrdreg s2  }
0x17: {  	s0 =	smax.u32 s0, $0x1;
	[dreg:$0x14] =	wrdreg s21  }
0x18: {  	s6 =	sadd.s32 $0x10100, s11;
	[dreg:$0x15] =	wrdreg s0  }
0x19: {  	s9 =	sadd.s32 $0x18100, s11;
	[dreg:$0x1d] =	wrdreg s6  }
0x1a: {  	s18 =	sadd.s32 $0x50100, s11;
	[dreg:$0x1e] =	wrdreg s9  }
0x1b: {  	s19 =	sadd.s32 $0x58100, s11;
	[smem:$0x7F5] =	sst s18  }
0x1c: {  	s22 =	sadd.s32 $0x68000, s11;
	[smem:$0x7F6] =	sst s19  }
0x1d: {  	s23 =	sadd.s32 $0x70000, s11;
	[dreg:$0x16] =	wrdreg s22  }
0x1e: {  	s24 =	sadd.s32 $0x78000, s11;
	[dreg:$0x17] =	wrdreg s23  }
0x1f: {  	s25 =	sadd.s32 $0x80000, s11;
	[dreg:$0x18] =	wrdreg s24  }
0x20: {  	s26 =	sadd.s32 $0x88000, s11;
	[dreg:$0x19] =	wrdreg s25  }
0x21: {  	s2 =	sadd.s32 $0x90000, s11;
	[dreg:$0x1a] =	wrdreg s26  }
0x22: {  	s3 =	sadd.s32 $0x8100, s11;
	[dreg:$0x1b] =	wrdreg s2  }
0x23: {  	s12 =	sadd.s32 $0x20100, s11;
	[dreg:$0x1c] =	wrdreg s3  }
0x24: {  	s13 =	sadd.s32 $0x28100, s11;
	[dreg:$0x1f] =	wrdreg s12  }
0x25: {  	s14 =	sadd.s32 $0x30100, s11;
	[smem:$0x7F0] =	sst s13  }
0x26: {  	s29 =	simm.s32 $0x9800;
	s15 =	sadd.s32 $0x38100, s11;
	[smem:$0x7F1] =	sst s14  }
0x27: {  	s30 =	simm.s32 $0x4;
	s16 =	sadd.s32 $0x40100, s11;
	[smem:$0x7F2] =	sst s15  }
0x28: {  	s31 =	simm.s32 $0x14800;
	s17 =	sadd.s32 $0x48100, s11;
	[smem:$0x7F3] =	sst s16  }
0x29: {  	s28 =	sadd.s32 $0x100, s10;
	s20 =	sadd.s32 $0x60100, s11;
	[smem:$0x7F4] =	sst s17  }
0x2a: {  	s21 =	sadd.s32 $0x68100, s11;
	s6 =	simm.s32 $0x14000;
	[smem:$0x7F7] =	sst s20  }
0x2b: {  	s0 =	simm.s32 $0x6;
	[smem:$0x7F8] =	sst s21;
	s22 =	sadd.s32 $0x70100, s11  }
0x2c: {  	s9 =	simm.s32 $0x0;
	s23 =	sadd.s32 $0x78100, s11;
	[smem:$0x7F9] =	sst s22  }
.Ltmp0:
0x2d: {  	s24 =	sadd.s32 $0x80100, s11;
	[smem:$0x7FA] =	sst s23;
	(pc) =	sbr.rel .LBB2_1-.Ltmp0, $4  }
0x2e: {  	v0 =	vlaneseq.u32;
	s25 =	sadd.s32 $0x88100, s11;
	s26 =	sadd.s32 $0x90100, s11;
	[smem:$0x7FB] =	sst s24  }
0x2f: {  	v4 =	vimm.s32 $0xFFFFFF81;
	v5 =	vimm.f32 $0.0e+00;
	v1 =	vor.u32 $0x10, v0;
	s21 =	simm.s32 $0x12000;
	s3 =	simm.s32 $0x2;
	[smem:$0x7FC] =	sst s25  }
0x30: {  	v2 =	vor.u32 $0x20, v0;
	v3 =	vor.u32 $0x30, v0;
	v6 =	vor.u32 $0x40, v0;
	[smem:$0x7FD] =	sst s26;
	s26 =	sadd.s32 $0x100, s1;
	s22 =	simm.s32 $0x12800  }
0x31: {  	v7 =	vor.u32 $0x50, v0;
	v8 =	vor.u32 $0x60, v0;
	v9 =	vor.u32 $0x70, v0;
	s23 =	simm.s32 $0x13800;
	s24 =	simm.s32 $0x1;
	s25 =	simm.s32 $0x3  }
.LBB2_8:
0x32: {  	v15 =	vadd.f32 v15, v17  }
0x33: {  	v14 =	vadd.f32 v14, v16  }
0x34: {  	v13 =	vadd.f32 v13, v15  }
0x35: {  	v12 =	vadd.f32 v12, v14  }
0x36: {  	v11 =	vadd.f32 v11, v13  }
0x37: {  	v10 =	vadd.f32 v10, v12  }
0x38: {  	[tilespmem:$0x15000] =	vst v11  }
0x39: {  	s2 =	rddreg [dreg:$0x14];
	s9 =	simm.s32 $0x15000;
	s17 =	simm.s32 $0x7;
	[tilespmem:$0x15010] =	vst v10  }
0x3a: {  	[hbm4b:s2+s4] =	stream.linear.scatter [tilespmem:s9], [sflag:$0x7], $0x80, $0x38;
	[tilespmem:$0x15080] =	vst v63  }
0x3b: {  	_ =	swait.ge [sflag:s17], $0x80  }
0x3c: {  	[sflag:s17] =	ssyncset.done $0x0  }
0x3d: {  	s18 =	simm.s32 $0x5;
	[sflag:s17] =	ssyncadd.s32 $0xFFFFFF80  }
0x3e: {  	_ =	swait.ge [sflag:s18], $0x800  }
0x3f: {  	[sflag:s18] =	ssyncset.done $0x0  }
0x40: {  	[sflag:s18] =	ssyncadd.s32 $0xFFFFF800  }
0x41: {  	_ =	swait.ge [sflag:s0], $0x800  }
0x42: {  	s19 =	sld [smem:$0x7EF];
	_ =	sdelay $0x2  }
0x43: {  	s20 =	rddreg [dreg:$0x15];
	s9 =	sadd.s32 $0x1, s19  }
0x44: {  	p0 =	sne.s32 s9, s20  }
.Ltmp1:
0x45: {  	_ = 	snop;
	(pc) =	sbr.rel @!p0 .LBB2_9-.Ltmp1, $3  }
0x46: {  	_ =	sdelay $0x1  }
0x47: {  	[sflag:s0] =	ssyncset.done $0x0  }
0x48: {  	[sflag:s0] =	ssyncadd.s32 $0xFFFFF800  }
.LBB2_1:
0x49: {  	[smem:$0x7EF] =	sst s9  }
0x4a: {  	s2 =	rddreg [dreg:$0x4]  }
0x4b: {  	s17 =	rddreg [dreg:$0x5]  }
0x4c: {  	[tilespmem:s4], [sflag:$0x1] =	stream.linear.gather [hbm4b:s2+s4], $0x800, $0x38;
	[tilespmem:$0x15080] =	vst v63  }
0x4d: {  	s18 =	simm.s32 $0x800;
	s19 =	rddreg [dreg:$0x6]  }
0x4e: {  	[tilespmem:s18], [sflag:$0x1] =	stream.linear.gather [hbm4b:s17+s4], $0x800, $0x38;
	[tilespmem:$0x15080] =	vst v63  }
0x4f: {  	s20 =	simm.s32 $0x1000;
	s9 =	rddreg [dreg:$0x7]  }
0x50: {  	[tilespmem:s20], [sflag:$0x1] =	stream.linear.gather [hbm4b:s19+s4], $0x800, $0x38;
	[tilespmem:$0x15080] =	vst v63  }
0x51: {  	s10 =	simm.s32 $0x1800;
	s11 =	rddreg [dreg:$0x8]  }
0x52: {  	[tilespmem:s10], [sflag:$0x1] =	stream.linear.gather [hbm4b:s9+s4], $0x800, $0x38;
	[tilespmem:$0x15080] =	vst v63  }
0x53: {  	s12 =	simm.s32 $0x2000;
	s13 =	rddreg [dreg:$0x9]  }
0x54: {  	[tilespmem:s12], [sflag:$0x1] =	stream.linear.gather [hbm4b:s11+s4], $0x800, $0x38;
	[tilespmem:$0x15080] =	vst v63  }
0x55: {  	s14 =	simm.s32 $0x2800;
	s15 =	rddreg [dreg:$0xa]  }
0x56: {  	[tilespmem:s14], [sflag:$0x1] =	stream.linear.gather [hbm4b:s13+s4], $0x800, $0x38;
	[tilespmem:$0x15080] =	vst v63  }
0x57: {  	s16 =	simm.s32 $0x3000;
	s17 =	rddreg [dreg:$0xb]  }
0x58: {  	[tilespmem:s16], [sflag:$0x1] =	stream.linear.gather [hbm4b:s15+s4], $0x800, $0x38;
	[tilespmem:$0x15080] =	vst v63  }
0x59: {  	s18 =	simm.s32 $0x3800;
	s19 =	rddreg [dreg:$0xc]  }
0x5a: {  	[tilespmem:s18], [sflag:$0x1] =	stream.linear.gather [hbm4b:s17+s4], $0x800, $0x38;
	[tilespmem:$0x15080] =	vst v63  }
0x5b: {  	s20 =	simm.s32 $0x4000;
	s9 =	rddreg [dreg:$0xd]  }
0x5c: {  	[tilespmem:s20], [sflag:$0x1] =	stream.linear.gather [hbm4b:s19+s4], $0x800, $0x38;
	[tilespmem:$0x15080] =	vst v63  }
0x5d: {  	s10 =	simm.s32 $0x4800;
	s11 =	rddreg [dreg:$0xe]  }
0x5e: {  	[tilespmem:s10], [sflag:$0x1] =	stream.linear.gather [hbm4b:s9+s4], $0x800, $0x38;
	[tilespmem:$0x15080] =	vst v63  }
0x5f: {  	s12 =	simm.s32 $0x5000;
	s13 =	rddreg [dreg:$0xf]  }
0x60: {  	[tilespmem:s12], [sflag:$0x1] =	stream.linear.gather [hbm4b:s11+s4], $0x800, $0x38;
	[tilespmem:$0x15080] =	vst v63  }
0x61: {  	s14 =	simm.s32 $0x5800;
	s15 =	rddreg [dreg:$0x10]  }
0x62: {  	[tilespmem:s14], [sflag:$0x1] =	stream.linear.gather [hbm4b:s13+s4], $0x800, $0x38;
	[tilespmem:$0x15080] =	vst v63  }
0x63: {  	s16 =	simm.s32 $0x6000;
	s17 =	rddreg [dreg:$0x16]  }
0x64: {  	[tilespmem:s16], [sflag:$0x1] =	stream.linear.gather [hbm4b:s15+s4], $0x800, $0x38;
	[tilespmem:$0x15080] =	vst v63  }
0x65: {  	s18 =	simm.s32 $0x6800;
	s19 =	rddreg [dreg:$0x17]  }
0x66: {  	[tilespmem:s18], [sflag:$0x1] =	stream.linear.gather [hbm4b:s17+s4], $0x800, $0x38;
	[tilespmem:$0x15080] =	vst v63  }
0x67: {  	s20 =	simm.s32 $0x7000;
	s10 =	rddreg [dreg:$0x18]  }
0x68: {  	[tilespmem:s20], [sflag:$0x1] =	stream.linear.gather [hbm4b:s19+s4], $0x800, $0x38;
	[tilespmem:$0x15080] =	vst v63  }
0x69: {  	s9 =	rddreg [dreg:$0x1c];
	s11 =	simm.s32 $0x7800  }
0x6a: {  	[tilespmem:s11], [sflag:$0x1] =	stream.linear.gather [hbm4b:s10+s4], $0x800, $0x38;
	[tilespmem:$0x15080] =	vst v63  }
0x6b: {  	s12 =	rddreg [dreg:$0x19];
	s13 =	simm.s32 $0x8000  }
0x6c: {  	[tilespmem:s13], [sflag:$0x1] =	stream.linear.gather [hbm4b:s12+s4], $0x800, $0x38;
	[tilespmem:$0x15080] =	vst v63  }
0x6d: {  	s14 =	rddreg [dreg:$0x1a];
	s15 =	simm.s32 $0x8800  }
0x6e: {  	[tilespmem:s15], [sflag:$0x1] =	stream.linear.gather [hbm4b:s14+s4], $0x800, $0x38;
	[tilespmem:$0x15080] =	vst v63  }
0x6f: {  	s16 =	rddreg [dreg:$0x1b];
	s17 =	simm.s32 $0x9000  }
0x70: {  	[tilespmem:s17], [sflag:$0x1] =	stream.linear.gather [hbm4b:s16+s4], $0x800, $0x38;
	[tilespmem:$0x15080] =	vst v63  }
0x71: {  	s18 =	rddreg [dreg:$0x11];
	s19 =	simm.s32 $0x13000  }
0x72: {  	[tilespmem:s19], [sflag:$0x3] =	stream.linear.gather [hbm4b:s18+s4], $0x800, $0x38;
	[tilespmem:$0x15080] =	vst v63  }
0x73: {  	s20 =	rddreg [dreg:$0x12]  }
0x74: {  	[tilespmem:s29], [sflag:$0x2] =	stream.linear.gather [hbm4b:s20+s4], $0x800, $0x38;
	[tilespmem:$0x15080] =	vst v63  }
0x75: {  	s10 =	simm.s32 $0xA000;
	s11 =	rddreg [dreg:$0x1d]  }
0x76: {  	[tilespmem:s10], [sflag:$0x2] =	stream.linear.gather [hbm4b:s9+s4], $0x800, $0x38;
	[tilespmem:$0x15080] =	vst v63  }
0x77: {  	s12 =	simm.s32 $0xA800;
	s13 =	rddreg [dreg:$0x1e]  }
0x78: {  	[tilespmem:s12], [sflag:$0x2] =	stream.linear.gather [hbm4b:s11+s4], $0x800, $0x38;
	[tilespmem:$0x15080] =	vst v63  }
0x79: {  	s14 =	simm.s32 $0xB000;
	s15 =	rddreg [dreg:$0x1f]  }
0x7a: {  	[tilespmem:s14], [sflag:$0x2] =	stream.linear.gather [hbm4b:s13+s4], $0x800, $0x38;
	[tilespmem:$0x15080] =	vst v63  }
0x7b: {  	s16 =	simm.s32 $0xB800;
	s17 =	sld [smem:$0x7F0]  }
0x7c: {  	[tilespmem:s16], [sflag:$0x2] =	stream.linear.gather [hbm4b:s15+s4], $0x800, $0x38;
	[tilespmem:$0x15080] =	vst v63  }
0x7d: {  	s18 =	simm.s32 $0xC000;
	s19 =	sld [smem:$0x7F1]  }
0x7e: {  	[tilespmem:s18], [sflag:$0x2] =	stream.linear.gather [hbm4b:s17+s4], $0x800, $0x38;
	[tilespmem:$0x15080] =	vst v63  }
0x7f: {  	s20 =	simm.s32 $0xC800;
	s9 =	sld [smem:$0x7F2]  }
0x80: {  	[tilespmem:s20], [sflag:$0x2] =	stream.linear.gather [hbm4b:s19+s4], $0x800, $0x38;
	[tilespmem:$0x15080] =	vst v63  }
0x81: {  	s10 =	simm.s32 $0xD000;
	s11 =	sld [smem:$0x7F3]  }
0x82: {  	[tilespmem:s10], [sflag:$0x2] =	stream.linear.gather [hbm4b:s9+s4], $0x800, $0x38;
	[tilespmem:$0x15080] =	vst v63  }
0x83: {  	s12 =	simm.s32 $0xD800;
	s13 =	sld [smem:$0x7F4]  }
0x84: {  	[tilespmem:s12], [sflag:$0x2] =	stream.linear.gather [hbm4b:s11+s4], $0x800, $0x38;
	[tilespmem:$0x15080] =	vst v63  }
0x85: {  	s14 =	simm.s32 $0xE000;
	s15 =	sld [smem:$0x7F5]  }
0x86: {  	[tilespmem:s14], [sflag:$0x2] =	stream.linear.gather [hbm4b:s13+s4], $0x800, $0x38;
	[tilespmem:$0x15080] =	vst v63  }
0x87: {  	s16 =	simm.s32 $0xE800;
	s17 =	sld [smem:$0x7F6]  }
0x88: {  	[tilespmem:s16], [sflag:$0x2] =	stream.linear.gather [hbm4b:s15+s4], $0x800, $0x38;
	[tilespmem:$0x15080] =	vst v63  }
0x89: {  	s18 =	simm.s32 $0xF000;
	s19 =	sld [smem:$0x7F7]  }
0x8a: {  	[tilespmem:s18], [sflag:$0x2] =	stream.linear.gather [hbm4b:s17+s4], $0x800, $0x38;
	[tilespmem:$0x15080] =	vst v63  }
0x8b: {  	s20 =	simm.s32 $0xF800;
	s10 =	sld [smem:$0x7F8]  }
0x8c: {  	[tilespmem:s20], [sflag:$0x2] =	stream.linear.gather [hbm4b:s19+s4], $0x800, $0x38;
	[tilespmem:$0x15080] =	vst v63  }
0x8d: {  	s11 =	simm.s32 $0x10000;
	s12 =	sld [smem:$0x7F9]  }
0x8e: {  	[tilespmem:s11], [sflag:$0x2] =	stream.linear.gather [hbm4b:s10+s4], $0x800, $0x38;
	[tilespmem:$0x15080] =	vst v63  }
0x8f: {  	s13 =	simm.s32 $0x10800;
	s14 =	sld [smem:$0x7FA]  }
0x90: {  	[tilespmem:s13], [sflag:$0x2] =	stream.linear.gather [hbm4b:s12+s4], $0x800, $0x38;
	[tilespmem:$0x15080] =	vst v63  }
0x91: {  	s15 =	simm.s32 $0x11000;
	s16 =	sld [smem:$0x7FB]  }
0x92: {  	[tilespmem:s15], [sflag:$0x2] =	stream.linear.gather [hbm4b:s14+s4], $0x800, $0x38;
	[tilespmem:$0x15080] =	vst v63  }
0x93: {  	s17 =	simm.s32 $0x11800;
	s18 =	sld [smem:$0x7FC]  }
0x94: {  	[tilespmem:s17], [sflag:$0x2] =	stream.linear.gather [hbm4b:s16+s4], $0x800, $0x38;
	[tilespmem:$0x15080] =	vst v63  }
0x95: {  	s19 =	sld [smem:$0x7FD]  }
0x96: {  	[tilespmem:s21], [sflag:$0x2] =	stream.linear.gather [hbm4b:s18+s4], $0x800, $0x38;
	[tilespmem:$0x15080] =	vst v63  }
0x97: {  	_ = 	snop  }
0x98: {  	v10 =	vimm.f32 $0.0e+00;
	v11 =	vimm.f32 $0.0e+00;
	[tilespmem:s22], [sflag:$0x2] =	stream.linear.gather [hbm4b:s19+s4], $0x800, $0x38;
	[tilespmem:$0x15080] =	vst v63  }
0x99: {  	v12 =	vimm.f32 $0.0e+00;
	v13 =	vimm.f32 $0.0e+00;
	v14 =	vimm.f32 $0.0e+00;
	s2 =	simm.s32 $0x0;
	s20 =	rddreg [dreg:$0x13]  }
0x9a: {  	v15 =	vimm.f32 $0.0e+00;
	v16 =	vimm.f32 $0.0e+00;
	v17 =	vimm.f32 $0.0e+00;
	[tilespmem:s23], [sflag:$0x4] =	stream.linear.gather [hbm4b:s20+s4], $0x800, $0x38;
	[tilespmem:$0x15080] =	vst v63  }
.LBB2_2:
0x9b: {  	p0 =	seq.s32 s2, $0x0  }
0x9c: {  	s9 =	simm.s32 @!p0 $0x5  }
0x9d: {  	_ =	swait.ge @!p0 [sflag:s9], $0x800  }
0x9e: {  	[sflag:s9] =	ssyncset.done @!p0 $0x0  }
0x9f: {  	[sflag:s9] =	ssyncadd.s32 @!p0 $0xFFFFF800  }
0xa0: {  	_ =	swait.ge [sflag:s24], $0x9800  }
0xa1: {  	[sflag:s24] =	ssyncset.done $0x0  }
0xa2: {  	[sflag:s24] =	ssyncadd.s32 $0xFFFF6800  }
0xa3: {  	s10 =	simm.s32 $0xFFFFFFFE;
	_ =	swait.ge [sflag:s25], $0x800  }
0xa4: {  	s11 =	simm.s32 $0x40;
	s12 =	simm.s32 $0x0;
	[sflag:s25] =	ssyncset.done $0x0  }
0xa5: {  	s13 =	simm.s32 $0x14040;
	s9 =	sshll.u32 s2, $0x1;
	[sflag:s25] =	ssyncadd.s32 $0xFFFFF800  }
.LBB2_3:
0xa6: {  	s10 =	sadd.s32 $0x2, s10;
	s14 =	sadd.s32 $0xFFFFFFC0, s11  }
0xa7: {  	s16 =	sshrl.u32 s10, $0x2;
	s17 =	sand.u32 $0x80, s14  }
0xa8: {  	s18 =	sshll.u32 s17, $0x3;
	s14 =	sshll.u32 s16, $0x7  }
0xa9: {  	s15 =	sor.u32 s14, s18  }
0xaa: {  	v18 =	vld [tilespmem:s15+$0x0]  }
0xab: {  	v19 =	vld [tilespmem:s15+$0x10]  }
0xac: {  	v20 =	vld [tilespmem:s15+$0x20]  }
0xad: {  	s18 =	sadd.s32 s14, s18;
	v21 =	vld [tilespmem:s15+$0x30]  }
0xae: {  	v22 =	vld [tilespmem:s18+$0x800]  }
0xaf: {  	v23 =	vld [tilespmem:s18+$0x810];
	v18 =	vmul.f32 $1.442695020e+00, v18  }
0xb0: {  	v24 =	vld [tilespmem:s18+$0x820];
	v19 =	vmul.f32 $1.442695020e+00, v19  }
0xb1: {  	v36 =	vld [tilespmem:s18+$0x830];
	(erf) = vpow2.f32 v18;
	v18 =	vmul.f32 $1.442695020e+00, v20  }
0xb2: {  	v37 =	vld [tilespmem:s18+$0x1000];
	(erf) = vpow2.f32 v19;
	v19 =	vmul.f32 $1.442695020e+00, v21  }
0xb3: {  	v38 =	vld [tilespmem:s18+$0x1010];
	(erf) = vpow2.f32 v18;
	v18 =	vmul.f32 $1.442695020e+00, v22  }
0xb4: {  	v39 =	vld [tilespmem:s18+$0x1020];
	(erf) = vpow2.f32 v19;
	v19 =	vmul.f32 $1.442695020e+00, v23  }
0xb5: {  	v40 =	vld [tilespmem:s18+$0x1030];
	(erf) = vpow2.f32 v18;
	v18 =	vmul.f32 $1.442695020e+00, v24  }
0xb6: {  	v41 =	vld [tilespmem:s18+$0x1800];
	(erf) = vpow2.f32 v19;
	v19 =	vmul.f32 $1.442695020e+00, v36  }
0xb7: {  	v42 =	vld [tilespmem:s18+$0x1810];
	(erf) = vpow2.f32 v18;
	v18 =	vmul.f32 $1.442695020e+00, v37  }
0xb8: {  	v43 =	vld [tilespmem:s18+$0x1820];
	(erf) = vpow2.f32 v19;
	v19 =	vmul.f32 $1.442695020e+00, v38  }
0xb9: {  	v44 =	vld [tilespmem:s18+$0x1830];
	(erf) = vpow2.f32 v18;
	v18 =	vmul.f32 $1.442695020e+00, v39  }
0xba: {  	v45 =	vld [tilespmem:s18+$0x2000];
	v25 =	vpop (erf);
	(erf) = vpow2.f32 v19;
	v19 =	vmul.f32 $1.442695020e+00, v40  }
0xbb: {  	v46 =	vld [tilespmem:s18+$0x2010];
	v26 =	vpop (erf);
	(erf) = vpow2.f32 v18;
	v18 =	vmul.f32 $1.442695020e+00, v41  }
0xbc: {  	v47 =	vld [tilespmem:s18+$0x2020];
	v27 =	vpop (erf);
	(erf) = vpow2.f32 v19;
	v19 =	vmul.f32 $1.442695020e+00, v42  }
0xbd: {  	v48 =	vld [tilespmem:s18+$0x2030];
	v28 =	vpop (erf);
	(erf) = vpow2.f32 v18;
	v18 =	vmul.f32 $1.442695020e+00, v43  }
0xbe: {  	v49 =	vld [tilespmem:s18+$0x2800];
	v29 =	vpop (erf);
	(erf) = vpow2.f32 v19;
	v19 =	vmul.f32 $1.442695020e+00, v44  }
0xbf: {  	v50 =	vld [tilespmem:s18+$0x2810];
	v30 =	vpop (erf);
	(erf) = vpow2.f32 v18;
	v18 =	vmul.f32 $1.442695020e+00, v45  }
0xc0: {  	v51 =	vld [tilespmem:s18+$0x2820];
	v31 =	vpop (erf);
	(erf) = vpow2.f32 v19;
	v19 =	vmul.f32 $1.442695020e+00, v46  }
0xc1: {  	v52 =	vld [tilespmem:s18+$0x2830];
	v32 =	vpop (erf);
	(erf) = vpow2.f32 v18;
	v18 =	vmul.f32 $1.442695020e+00, v47  }
0xc2: {  	v53 =	vld [tilespmem:s18+$0x3000];
	v33 =	vpop (erf);
	(erf) = vpow2.f32 v19;
	v19 =	vmul.f32 $1.442695020e+00, v48  }
0xc3: {  	v54 =	vld [tilespmem:s18+$0x3010];
	v34 =	vpop (erf);
	(erf) = vpow2.f32 v18;
	v18 =	vmul.f32 $1.442695020e+00, v49  }
0xc4: {  	v55 =	vld [tilespmem:s18+$0x3020];
	v35 =	vpop (erf);
	(erf) = vpow2.f32 v19;
	v19 =	vmul.f32 $1.442695020e+00, v50  }
0xc5: {  	v56 =	vld [tilespmem:s18+$0x3030];
	v36 =	vpop (erf);
	(erf) = vpow2.f32 v18;
	v18 =	vmul.f32 $1.442695020e+00, v51  }
0xc6: {  	v57 =	vld [tilespmem:s18+$0x3800];
	v37 =	vpop (erf);
	(erf) = vpow2.f32 v19;
	v19 =	vmul.f32 $1.442695020e+00, v52  }
0xc7: {  	v58 =	vld [tilespmem:s18+$0x3810];
	v38 =	vpop (erf);
	(erf) = vpow2.f32 v18;
	v18 =	vmul.f32 $1.442695020e+00, v53  }
0xc8: {  	v59 =	vld [tilespmem:s18+$0x3820];
	v39 =	vpop (erf);
	(erf) = vpow2.f32 v19;
	v19 =	vmul.f32 $1.442695020e+00, v54  }
0xc9: {  	v60 =	vld [tilespmem:s18+$0x3830];
	v40 =	vpop (erf);
	(erf) = vpow2.f32 v18;
	v18 =	vmul.f32 $1.442695020e+00, v55  }
0xca: {  	v61 =	vld [tilespmem:s18+$0x4000];
	v41 =	vpop (erf);
	(erf) = vpow2.f32 v19;
	v19 =	vmul.f32 $1.442695020e+00, v56  }
0xcb: {  	v62 =	vld [tilespmem:s18+$0x4010];
	v42 =	vpop (erf);
	(erf) = vpow2.f32 v18;
	v18 =	vmul.f32 $1.442695020e+00, v57  }
0xcc: {  	v63 =	vld [tilespmem:s18+$0x4020];
	v43 =	vpop (erf);
	(erf) = vpow2.f32 v19;
	v19 =	vmul.f32 $1.442695020e+00, v58  }
0xcd: {  	v48 =	vld [tilespmem:s18+$0x4030];
	v44 =	vpop (erf);
	(erf) = vpow2.f32 v18;
	v18 =	vmul.f32 $1.442695020e+00, v59  }
0xce: {  	v25 =	vadd.f32 v33, v25;
	v50 =	vld [tilespmem:s18+$0x4800];
	v49 =	vpop (erf);
	(erf) = vpow2.f32 v19;
	v19 =	vmul.f32 $1.442695020e+00, v60  }
0xcf: {  	v26 =	vadd.f32 v34, v26;
	v52 =	vld [tilespmem:s18+$0x4810];
	v51 =	vpop (erf);
	(erf) = vpow2.f32 v18;
	v18 =	vmul.f32 $1.442695020e+00, v61  }
0xd0: {  	v27 =	vadd.f32 v35, v27;
	v54 =	vld [tilespmem:s18+$0x4820];
	v53 =	vpop (erf);
	(erf) = vpow2.f32 v19;
	v19 =	vmul.f32 $1.442695020e+00, v62  }
0xd1: {  	v28 =	vadd.f32 v36, v28;
	v56 =	vld [tilespmem:s18+$0x4830];
	v55 =	vpop (erf);
	(erf) = vpow2.f32 v18;
	v18 =	vmul.f32 $1.442695020e+00, v63  }
0xd2: {  	v29 =	vadd.f32 v37, v29;
	v57 =	vld [tilespmem:s18+$0x5000];
	v37 =	vpop (erf);
	(erf) = vpow2.f32 v19;
	v19 =	vmul.f32 $1.442695020e+00, v48  }
0xd3: {  	v30 =	vadd.f32 v38, v30;
	v58 =	vld [tilespmem:s18+$0x5010];
	v38 =	vpop (erf);
	(erf) = vpow2.f32 v18;
	v18 =	vmul.f32 $1.442695020e+00, v50  }
0xd4: {  	v31 =	vadd.f32 v39, v31;
	v59 =	vld [tilespmem:s18+$0x5020];
	v39 =	vpop (erf);
	(erf) = vpow2.f32 v19;
	v19 =	vmul.f32 $1.442695020e+00, v52  }
0xd5: {  	v32 =	vadd.f32 v40, v32;
	v60 =	vld [tilespmem:s18+$0x5030];
	v40 =	vpop (erf);
	(erf) = vpow2.f32 v18;
	v18 =	vmul.f32 $1.442695020e+00, v54  }
0xd6: {  	v25 =	vadd.f32 v41, v25;
	v61 =	vld [tilespmem:s18+$0x5800];
	v41 =	vpop (erf);
	(erf) = vpow2.f32 v19;
	v19 =	vmul.f32 $1.442695020e+00, v56  }
0xd7: {  	v26 =	vadd.f32 v42, v26;
	v62 =	vld [tilespmem:s18+$0x5810];
	v42 =	vpop (erf);
	(erf) = vpow2.f32 v18;
	v18 =	vmul.f32 $1.442695020e+00, v57  }
0xd8: {  	v27 =	vadd.f32 v43, v27;
	v63 =	vld [tilespmem:s18+$0x5820];
	v43 =	vpop (erf);
	(erf) = vpow2.f32 v19;
	v19 =	vmul.f32 $1.442695020e+00, v58  }
0xd9: {  	v28 =	vadd.f32 v44, v28;
	v48 =	vld [tilespmem:s18+$0x5830];
	v44 =	vpop (erf);
	(erf) = vpow2.f32 v18;
	v18 =	vmul.f32 $1.442695020e+00, v59  }
0xda: {  	v29 =	vadd.f32 v49, v29;
	v50 =	vld [tilespmem:s18+$0x6000];
	v49 =	vpop (erf);
	(erf) = vpow2.f32 v19;
	v19 =	vmul.f32 $1.442695020e+00, v60  }
0xdb: {  	v30 =	vadd.f32 v51, v30;
	v52 =	vld [tilespmem:s18+$0x6010];
	v51 =	vpop (erf);
	(erf) = vpow2.f32 v18;
	v18 =	vmul.f32 $1.442695020e+00, v61  }
0xdc: {  	v31 =	vadd.f32 v53, v31;
	v54 =	vld [tilespmem:s18+$0x6020];
	v53 =	vpop (erf);
	(erf) = vpow2.f32 v19;
	v19 =	vmul.f32 $1.442695020e+00, v62  }
0xdd: {  	v32 =	vadd.f32 v55, v32;
	v56 =	vld [tilespmem:s18+$0x6030];
	v55 =	vpop (erf);
	(erf) = vpow2.f32 v18;
	v18 =	vmul.f32 $1.442695020e+00, v63  }
0xde: {  	v25 =	vadd.f32 v37, v25;
	v57 =	vld [tilespmem:s18+$0x6800];
	v37 =	vpop (erf);
	(erf) = vpow2.f32 v19;
	v19 =	vmul.f32 $1.442695020e+00, v48  }
0xdf: {  	v26 =	vadd.f32 v38, v26;
	v58 =	vld [tilespmem:s18+$0x6810];
	v38 =	vpop (erf);
	(erf) = vpow2.f32 v18;
	v18 =	vmul.f32 $1.442695020e+00, v50  }
0xe0: {  	v27 =	vadd.f32 v39, v27;
	v59 =	vld [tilespmem:s18+$0x6820];
	v39 =	vpop (erf);
	(erf) = vpow2.f32 v19;
	v19 =	vmul.f32 $1.442695020e+00, v52  }
0xe1: {  	v28 =	vadd.f32 v40, v28;
	v60 =	vld [tilespmem:s18+$0x6830];
	v40 =	vpop (erf);
	(erf) = vpow2.f32 v18;
	v18 =	vmul.f32 $1.442695020e+00, v54  }
0xe2: {  	v29 =	vadd.f32 v41, v29;
	v61 =	vld [tilespmem:s18+$0x7000];
	v41 =	vpop (erf);
	(erf) = vpow2.f32 v19;
	v19 =	vmul.f32 $1.442695020e+00, v56  }
0xe3: {  	v30 =	vadd.f32 v42, v30;
	v62 =	vld [tilespmem:s18+$0x7010];
	v42 =	vpop (erf);
	(erf) = vpow2.f32 v18;
	v18 =	vmul.f32 $1.442695020e+00, v57  }
0xe4: {  	v31 =	vadd.f32 v43, v31;
	v63 =	vld [tilespmem:s18+$0x7020];
	v43 =	vpop (erf);
	(erf) = vpow2.f32 v19;
	v19 =	vmul.f32 $1.442695020e+00, v58  }
0xe5: {  	v32 =	vadd.f32 v44, v32;
	v48 =	vld [tilespmem:s18+$0x7030];
	v44 =	vpop (erf);
	(erf) = vpow2.f32 v18;
	v18 =	vmul.f32 $1.442695020e+00, v59  }
0xe6: {  	v25 =	vadd.f32 v49, v25;
	v50 =	vld [tilespmem:s18+$0x7800];
	v49 =	vpop (erf);
	(erf) = vpow2.f32 v19;
	v19 =	vmul.f32 $1.442695020e+00, v60  }
0xe7: {  	v26 =	vadd.f32 v51, v26;
	v52 =	vld [tilespmem:s18+$0x7810];
	v51 =	vpop (erf);
	(erf) = vpow2.f32 v18;
	v18 =	vmul.f32 $1.442695020e+00, v61  }
0xe8: {  	v27 =	vadd.f32 v53, v27;
	v54 =	vld [tilespmem:s18+$0x7820];
	v53 =	vpop (erf);
	(erf) = vpow2.f32 v19;
	v19 =	vmul.f32 $1.442695020e+00, v62  }
0xe9: {  	v28 =	vadd.f32 v55, v28;
	v56 =	vld [tilespmem:s18+$0x7830];
	v55 =	vpop (erf);
	(erf) = vpow2.f32 v18;
	v18 =	vmul.f32 $1.442695020e+00, v63  }
0xea: {  	v29 =	vadd.f32 v37, v29;
	v57 =	vld [tilespmem:s18+$0x8000];
	v37 =	vpop (erf);
	(erf) = vpow2.f32 v19;
	v19 =	vmul.f32 $1.442695020e+00, v48  }
0xeb: {  	v30 =	vadd.f32 v38, v30;
	v58 =	vld [tilespmem:s18+$0x8010];
	v38 =	vpop (erf);
	(erf) = vpow2.f32 v18;
	v18 =	vmul.f32 $1.442695020e+00, v50  }
0xec: {  	v31 =	vadd.f32 v39, v31;
	v59 =	vld [tilespmem:s18+$0x8020];
	v39 =	vpop (erf);
	(erf) = vpow2.f32 v19;
	v19 =	vmul.f32 $1.442695020e+00, v52  }
0xed: {  	v32 =	vadd.f32 v40, v32;
	v60 =	vld [tilespmem:s18+$0x8030];
	v40 =	vpop (erf);
	(erf) = vpow2.f32 v18;
	v18 =	vmul.f32 $1.442695020e+00, v54  }
0xee: {  	v25 =	vadd.f32 v41, v25;
	v61 =	vld [tilespmem:s18+$0x8800];
	v41 =	vpop (erf);
	(erf) = vpow2.f32 v19;
	v19 =	vmul.f32 $1.442695020e+00, v56  }
0xef: {  	v26 =	vadd.f32 v42, v26;
	v62 =	vld [tilespmem:s18+$0x8810];
	v42 =	vpop (erf);
	(erf) = vpow2.f32 v18;
	v18 =	vmul.f32 $1.442695020e+00, v57  }
0xf0: {  	v27 =	vadd.f32 v43, v27;
	v63 =	vld [tilespmem:s18+$0x8820];
	v43 =	vpop (erf);
	(erf) = vpow2.f32 v19;
	v19 =	vmul.f32 $1.442695020e+00, v58  }
0xf1: {  	v28 =	vadd.f32 v44, v28;
	v48 =	vld [tilespmem:s18+$0x8830];
	v44 =	vpop (erf);
	(erf) = vpow2.f32 v18;
	v18 =	vmul.f32 $1.442695020e+00, v59  }
0xf2: {  	v29 =	vadd.f32 v49, v29;
	v50 =	vld [tilespmem:s18+$0x9000];
	v49 =	vpop (erf);
	(erf) = vpow2.f32 v19;
	v19 =	vmul.f32 $1.442695020e+00, v60  }
0xf3: {  	v30 =	vadd.f32 v51, v30;
	v52 =	vld [tilespmem:s18+$0x9010];
	v51 =	vpop (erf);
	(erf) = vpow2.f32 v18;
	v18 =	vmul.f32 $1.442695020e+00, v61  }
0xf4: {  	v31 =	vadd.f32 v53, v31;
	v54 =	vld [tilespmem:s18+$0x9020];
	v53 =	vpop (erf);
	(erf) = vpow2.f32 v19;
	v19 =	vmul.f32 $1.442695020e+00, v62  }
0xf5: {  	v32 =	vadd.f32 v55, v32;
	v56 =	vld [tilespmem:s18+$0x9030];
	v55 =	vpop (erf);
	(erf) = vpow2.f32 v18;
	v18 =	vmul.f32 $1.442695020e+00, v63  }
0xf6: {  	v25 =	vadd.f32 v37, v25;
	v57 =	vpop (erf);
	(erf) = vpow2.f32 v19;
	v19 =	vmul.f32 $1.442695020e+00, v48  }
0xf7: {  	v58 =	vadd.f32 v38, v26;
	v59 =	vpop (erf);
	(erf) = vpow2.f32 v18;
	v18 =	vmul.f32 $1.442695020e+00, v50  }
0xf8: {  	v38 =	vadd.f32 v41, v29;
	v61 =	vpop (erf);
	(erf) = vpow2.f32 v19;
	v19 =	vmul.f32 $1.442695020e+00, v52  }
0xf9: {  	v41 =	vadd.f32 v43, v31;
	v63 =	vpop (erf);
	(erf) = vpow2.f32 v18;
	v18 =	vmul.f32 $1.442695020e+00, v54  }
0xfa: {  	v60 =	vadd.f32 v39, v27;
	v39 =	vpop (erf);
	(erf) = vpow2.f32 v19;
	v19 =	vmul.f32 $1.442695020e+00, v56  }
0xfb: {  	v62 =	vadd.f32 v40, v28;
	v40 =	vadd.f32 v42, v30;
	v42 =	vpop (erf);
	(erf) = vpow2.f32 v18  }
0xfc: {  	v25 =	vadd.f32 v49, v25;
	v20 =	vadd.f32 v53, v60;
	v43 =	vpop (erf);
	(erf) = vpow2.f32 v19  }
0xfd: {  	v21 =	vadd.f32 v55, v62;
	v52 =	vld [tilespmem:s15+$0x13000];
	v18 =	vadd.f32 v44, v32;
	v44 =	vpop (erf)  }
0xfe: {  	v22 =	vadd.f32 v57, v38;
	v23 =	vadd.f32 v59, v40;
	v54 =	vld [tilespmem:s15+$0x13010];
	v45 =	vpop (erf)  }
0xff: {  	v46 =	vadd.f32 v61, v41;
	v56 =	vld [tilespmem:s15+$0x13020];
	v19 =	vadd.f32 v51, v58;
	v47 =	vpop (erf)  }
0x100: {  	v57 =	vmov s16;
	v59 =	vld [tilespmem:s15+$0x13030];
	v25 =	vadd.f32 v39, v25;
	v18 =	vadd.f32 v63, v18;
	v48 =	vpop (erf)  }
0x101: {  	v58 =	vmov s17;
	v20 =	vadd.f32 v43, v20;
	v19 =	vadd.f32 v42, v19;
	v49 =	vpop (erf)  }
0x102: {  	v60 =	vshll.u32 v52, $0xB;
	v21 =	vadd.f32 v44, v21;
	v22 =	vadd.f32 v45, v22;
	v50 =	vpop (erf)  }
0x103: {  	v61 =	vshll.u32 v54, $0xB;
	v23 =	vadd.f32 v47, v23;
	v26 =	vadd.f32 v48, v46;
	v51 =	vpop (erf)  }
0x104: {  	v27 =	vshll.u32 v56, $0xB;
	v18 =	vadd.f32 v49, v18;
	v24 =	vadd.f32 v50, v25;
	v53 =	vpop (erf)  }
0x105: {  	v25 =	vshll.u32 v59, $0xB;
	v19 =	vadd.f32 v51, v19;
	v20 =	vadd.f32 v53, v20;
	v55 =	vpop (erf)  }
0x106: {  	v22 =	vadd.f32 v24, v22;
	v24 =	vshll.u32 v58, $0x3;
	v21 =	vadd.f32 v55, v21  }
0x107: {  	v19 =	vadd.f32 v19, v23;
	v23 =	vshll.u32 v57, $0x7;
	v24 =	vbroadcast v24, $0x0  }
0x108: {  	v20 =	vadd.f32 v20, v26;
	v62 =	vand.u32 $0x7FFFFF, v22;
	v22 =	vshra.s32 v22, $0x17  }
0x109: {  	v21 =	vadd.f32 v21, v18;
	v18 =	vand.u32 $0x380, v23;
	v23 =	vor.u32 v24, v60  }
0x10a: {  	v26 =	vor.u32 v24, v61;
	v27 =	vor.u32 v24, v27;
	v24 =	vor.u32 v24, v25  }
0x10b: {  	v63 =	vor.u32 $0x3F800000, v62;
	v35 =	vand.u32 $0x7FFFFF, v19;
	v19 =	vshra.s32 v19, $0x17  }
0x10c: {  	s19 =	sand.u32 $0x400, s12;
	v18 =	vbroadcast v18, $0x0;
	v28 =	vor.u32 $0x3F800000, v35;
	v36 =	vand.u32 $0x7FFFFF, v20  }
0x10d: {  	s20 =	sor.u32 s14, s19;
	v38 =	vmul.f32 $5.000000000e-01, v63;
	vm3 =	vgt.f32 v63, $1.414213540e+00;
	v20 =	vshra.s32 v20, $0x17  }
0x10e: {  	v57 =	vld [tilespmem:s20+$0x60];
	v37 =	vand.u32 $0x7FFFFF, v21;
	v29 =	vor.u32 $0x3F800000, v36;
	vm2 =	vgt.f32 v28, $1.414213540e+00  }
0x10f: {  	v39 =	vmul.f32 $5.000000000e-01, v28;
	v21 =	vshra.s32 v21, $0x17;
	v46 =	vsel vm3, $0xFFFFFF82, v4  }
0x110: {  	v23 =	vor.u32 v18, v23;
	v26 =	vor.u32 v18, v26;
	v30 =	vor.u32 $0x3F800000, v37  }
0x111: {  	v55 =	vld [tilespmem:s20+$0x40];
	vm1 =	vgt.f32 v29, $1.414213540e+00;
	v25 =	vsel vm3, v38, v63;
	v40 =	vmul.f32 $5.000000000e-01, v29  }
0x112: {  	v58 =	vld [tilespmem:s20+$0x70];
	v24 =	vor.u32 v18, v24;
	v35 =	vadd.s32 v22, v46;
	v48 =	vsel vm2, $0xFFFFFF82, v4  }
0x113: {  	v62 =	vmul.f32 $1.442695020e+00, v57;
	v23 =	vor.u32 v0, v23;
	v26 =	vor.u32 v1, v26  }
0x114: {  	v28 =	vsel vm2, v39, v28;
	v41 =	vmul.f32 $5.000000000e-01, v30;
	v25 =	vadd.f32 $-1.000000000e+00, v25  }
0x115: {  	vm0 =	vgt.f32 v30, $1.414213540e+00;
	v24 =	vor.u32 v3, v24;
	v19 =	vadd.s32 v19, v48  }
0x116: {  	v49 =	vsel vm1, $0xFFFFFF82, v4;
	v54 =	vcvt.s32.f32 v35;
	v35 =	vmul.f32 $1.442695020e+00, v55  }
0x117: {  	v39 =	vmul.f32 $1.442695020e+00, v58;
	v29 =	vsel vm1, v40, v29;
	v28 =	vadd.f32 $-1.000000000e+00, v28  }
0x118: {  	v20 =	vadd.s32 v20, v49;
	v29 =	vadd.f32 $-1.000000000e+00, v29;
	v42 =	vmul.f32 $1.722455770e-01, v25  }
0x119: {  	v51 =	vsel vm0, $0xFFFFFF82, v4;
	v19 =	vcvt.s32.f32 v19;
	v30 =	vsel vm0, v41, v30  }
0x11a: {  	s14 =	sadd.s32 s14, s19;
	v21 =	vadd.s32 v21, v51;
	v31 =	vadd.f32 $-2.740795020e-01, v42;
	v44 =	vmul.f32 $1.722455770e-01, v29  }
0x11b: {  	v60 =	vld [tilespmem:s14+$0x850];
	v20 =	vcvt.s32.f32 v20;
	v30 =	vadd.f32 $-1.000000000e+00, v30;
	v43 =	vmul.f32 $1.722455770e-01, v28  }
0x11c: {  	v63 =	vld [tilespmem:s14+$0x870];
	(erf) = vpow2.f32 v35;
	v33 =	vadd.f32 $-2.740795020e-01, v44;
	v31 =	vmul.f32 v31, v25  }
0x11d: {  	v19 =	vmul.f32 $6.931471820e-01, v19;
	v32 =	vadd.f32 $-2.740795020e-01, v43;
	v45 =	vmul.f32 $1.722455770e-01, v30  }
0x11e: {  	v61 =	vld [tilespmem:s14+$0x860];
	v21 =	vcvt.s32.f32 v21;
	v31 =	vadd.f32 $3.380055430e-01, v31;
	v33 =	vmul.f32 v33, v29  }
0x11f: {  	v40 =	vld [tilespmem:s14+$0x1040];
	v20 =	vmul.f32 $6.931471820e-01, v20;
	v34 =	vadd.f32 $-2.740795020e-01, v45;
	v32 =	vmul.f32 v32, v28  }
0x120: {  	v42 =	vmul.f32 $1.442695020e+00, v60;
	v60 =	vld [tilespmem:s14+$0x2060];
	v47 =	vadd.f32 $3.380055430e-01, v33;
	v31 =	vmul.f32 v31, v25  }
0x121: {  	v46 =	vmul.f32 $1.442695020e+00, v63;
	v32 =	vadd.f32 $3.380055430e-01, v32;
	v34 =	vmul.f32 v34, v30  }
0x122: {  	v21 =	vmul.f32 $6.931471820e-01, v21;
	v45 =	vld [tilespmem:s14+$0x1070];
	v31 =	vadd.f32 $-4.991101620e-01, v31;
	v22 =	vmul.f32 v47, v29  }
0x123: {  	v56 =	vld [tilespmem:s20+$0x50];
	v44 =	vmul.f32 $1.442695020e+00, v61;
	v34 =	vadd.f32 $3.380055430e-01, v34;
	v32 =	vmul.f32 v32, v28  }
0x124: {  	v41 =	vld [tilespmem:s14+$0x1050];
	v48 =	vmul.f32 $1.442695020e+00, v40;
	v50 =	vadd.f32 $-4.991101620e-01, v22;
	v31 =	vmul.f32 v31, v25  }
0x125: {  	v59 =	vld [tilespmem:s14+$0x840];
	v37 =	vmul.f32 $1.442695020e+00, v60;
	v32 =	vadd.f32 $-4.991101620e-01, v32;
	v34 =	vmul.f32 v34, v30  }
0x126: {  	v49 =	vld [tilespmem:s14+$0x1850];
	v33 =	vmul.f32 $6.931471820e-01, v54;
	v52 =	vadd.f32 $9.998871080e-01, v31;
	v53 =	vmul.f32 v50, v29  }
0x127: {  	v47 =	vld [tilespmem:s14+$0x1840];
	v55 =	vmul.f32 $1.442695020e+00, v45;
	v34 =	vadd.f32 $-4.991101620e-01, v34;
	v32 =	vmul.f32 v32, v28  }
0x128: {  	v22 =	vld.idx.msk [tilespmem:v24+s4+$0x0], $0xffff;
	v24 =	vmul.f32 v52, v25;
	v31 =	vadd.f32 $9.998871080e-01, v53;
	v25 =	vmul.f32 $1.442695020e+00, v56  }
0x129: {  	v43 =	vld [tilespmem:s14+$0x1060];
	v50 =	vmul.f32 $1.442695020e+00, v41;
	v34 =	vmul.f32 v34, v30  }
0x12a: {  	v27 =	vor.u32 v18, v27;
	v51 =	vld [tilespmem:s14+$0x1860];
	v29 =	vmul.f32 v31, v29;
	(erf) = vpow2.f32 v25  }
0x12b: {  	v23 =	vld.idx.msk [tilespmem:v23+s4+$0x0], $0xffff;
	v32 =	vadd.f32 $9.998871080e-01, v32;
	v31 =	vmul.f32 $1.442695020e+00, v59;
	(erf) = vpow2.f32 v62  }
0x12c: {  	v27 =	vor.u32 v2, v27;
	v61 =	vld [tilespmem:s14+$0x2070];
	v57 =	vmul.f32 $1.442695020e+00, v47;
	(erf) = vpow2.f32 v39  }
0x12d: {  	v26 =	vld.idx.msk [tilespmem:v26+s4+$0x0], $0xffff;
	v28 =	vmul.f32 v32, v28;
	v34 =	vadd.f32 $9.998871080e-01, v34;
	(erf) = vpow2.f32 v31  }
0x12e: {  	v52 =	vmul.f32 $1.442695020e+00, v43;
	v53 =	vld [tilespmem:s14+$0x1870];
	v24 =	vadd.f32 v24, v33;
	(erf) = vpow2.f32 v42  }
0x12f: {  	v56 =	vld [tilespmem:s14+$0x2040];
	v30 =	vmul.f32 v34, v30;
	v28 =	vadd.f32 v28, v19;
	(erf) = vpow2.f32 v44  }
0x130: {  	v63 =	vld [tilespmem:s14+$0x2840];
	v19 =	vsub.f32 v24, v23;
	v24 =	vmul.f32 $1.442695020e+00, v49;
	(erf) = vpow2.f32 v46  }
0x131: {  	v23 =	vmul.f32 $1.442695020e+00, v61;
	(erf) = vpow2.f32 v48  }
0x132: {  	v33 =	vpop (erf);
	v30 =	vadd.f32 v30, v21;
	v21 =	vmul.f32 $1.442695020e+00, v51;
	(erf) = vpow2.f32 v50  }
0x133: {  	v58 =	vld [tilespmem:s14+$0x2050];
	v29 =	vadd.f32 v29, v20;
	v62 =	vmul.f32 $1.442695020e+00, v53;
	v32 =	vpop (erf);
	(erf) = vpow2.f32 v52  }
0x134: {  	v20 =	vsub.f32 v28, v26;
	v45 =	vmul.f32 $1.442695020e+00, v56;
	v36 =	vpop (erf);
	(erf) = vpow2.f32 v55  }
0x135: {  	v27 =	vld.idx.msk [tilespmem:v27+s4+$0x0], $0xffff;
	v53 =	vmul.f32 $1.442695020e+00, v63;
	vm4 =	vgt.f32 v19, $1.053605150e-01;
	v26 =	vpop (erf);
	(erf) = vpow2.f32 v57  }
0x136: {  	v49 =	vld [tilespmem:s14+$0x2860];
	v54 =	vnsel vm4, $0x0, v19;
	v59 =	vsel vm4, $0x3F800000, v5;
	v28 =	vpop (erf);
	(erf) = vpow2.f32 v24  }
0x137: {  	vm5 =	vgt.f32 v20, $1.053605150e-01;
	v22 =	vsub.f32 v30, v22;
	v46 =	vld [tilespmem:s14+$0x2850];
	v35 =	vpop (erf);
	(erf) = vpow2.f32 v21  }
0x138: {  	v56 =	vld [tilespmem:s14+$0x3060];
	v17 =	vadd.f32 v54, v17;
	v48 =	vmul.f32 $1.442695020e+00, v58;
	v39 =	vpop (erf);
	(erf) = vpow2.f32 v62  }
0x139: {  	v16 =	vadd.f32 v59, v16;
	v47 =	vnsel vm5, $0x0, v20;
	v50 =	vld [tilespmem:s14+$0x2870];
	v38 =	vpop (erf);
	(erf) = vpow2.f32 v45  }
0x13a: {  	v51 =	vsel vm5, $0x3F800000, v5;
	v15 =	vadd.f32 v47, v15;
	v52 =	vld [tilespmem:s14+$0x3040];
	v42 =	vpop (erf);
	(erf) = vpow2.f32 v48  }
0x13b: {  	v54 =	vld [tilespmem:s14+$0x3050];
	v25 =	vmul.f32 $1.442695020e+00, v49;
	v21 =	vsub.f32 v29, v27;
	v27 =	vpop (erf);
	(erf) = vpow2.f32 v37  }
0x13c: {  	v14 =	vadd.f32 v51, v14;
	v55 =	vmul.f32 $1.442695020e+00, v46;
	v37 =	vpop (erf);
	(erf) = vpow2.f32 v23  }
0x13d: {  	vm7 =	vgt.f32 v22, $1.053605150e-01;
	v51 =	vmul.f32 $1.442695020e+00, v56;
	v57 =	vld [tilespmem:s14+$0x3070];
	v41 =	vpop (erf);
	(erf) = vpow2.f32 v53  }
0x13e: {  	v60 =	vld [tilespmem:s14+$0x3840];
	v59 =	vmul.f32 $1.442695020e+00, v50;
	vm6 =	vgt.f32 v21, $1.053605150e-01;
	v44 =	vpop (erf);
	(erf) = vpow2.f32 v55  }
0x13f: {  	v61 =	vld [tilespmem:s14+$0x3850];
	v24 =	vmul.f32 $1.442695020e+00, v52;
	v45 =	vsel vm6, $0x3F800000, v5;
	v43 =	vpop (erf);
	(erf) = vpow2.f32 v25  }
0x140: {  	v63 =	vld [tilespmem:s14+$0x3860];
	v62 =	vmul.f32 $1.442695020e+00, v54;
	v58 =	vnsel vm6, $0x0, v21;
	v46 =	vpop (erf);
	(erf) = vpow2.f32 v59  }
0x141: {  	v52 =	vld [tilespmem:s14+$0x3870];
	v48 =	vnsel vm7, $0x0, v22;
	v13 =	vadd.f32 v58, v13;
	v30 =	vpop (erf);
	(erf) = vpow2.f32 v24  }
0x142: {  	v54 =	vld [tilespmem:s14+$0x4040];
	v12 =	vadd.f32 v45, v12;
	v53 =	vmul.f32 $1.442695020e+00, v57;
	v45 =	vpop (erf);
	(erf) = vpow2.f32 v62  }
0x143: {  	v56 =	vld [tilespmem:s14+$0x4050];
	v11 =	vadd.f32 v48, v11;
	v55 =	vmul.f32 $1.442695020e+00, v60;
	v47 =	vpop (erf);
	(erf) = vpow2.f32 v51  }
0x144: {  	v58 =	vld [tilespmem:s14+$0x4060];
	v33 =	vadd.f32 v42, v33;
	v57 =	vmul.f32 $1.442695020e+00, v61;
	v49 =	vpop (erf);
	(erf) = vpow2.f32 v53  }
0x145: {  	v27 =	vadd.f32 v27, v32;
	v60 =	vld [tilespmem:s14+$0x4070];
	v59 =	vmul.f32 $1.442695020e+00, v63;
	v48 =	vpop (erf);
	(erf) = vpow2.f32 v55  }
0x146: {  	v61 =	vmul.f32 $1.442695020e+00, v52;
	v36 =	vadd.f32 v37, v36;
	v62 =	vld [tilespmem:s14+$0x4840];
	v42 =	vpop (erf);
	(erf) = vpow2.f32 v57  }
0x147: {  	v50 =	vld [tilespmem:s14+$0x4850];
	v26 =	vadd.f32 v41, v26;
	v63 =	vmul.f32 $1.442695020e+00, v54;
	v32 =	vpop (erf);
	(erf) = vpow2.f32 v59  }
0x148: {  	v52 =	vld [tilespmem:s14+$0x4860];
	v28 =	vadd.f32 v44, v28;
	v51 =	vmul.f32 $1.442695020e+00, v56;
	v37 =	vpop (erf);
	(erf) = vpow2.f32 v61  }
0x149: {  	v54 =	vld [tilespmem:s14+$0x4870];
	v35 =	vadd.f32 v43, v35;
	v53 =	vmul.f32 $1.442695020e+00, v58;
	v41 =	vpop (erf);
	(erf) = vpow2.f32 v63  }
0x14a: {  	v39 =	vadd.f32 v46, v39;
	v56 =	vld [tilespmem:s14+$0x5040];
	v55 =	vmul.f32 $1.442695020e+00, v60;
	v44 =	vpop (erf);
	(erf) = vpow2.f32 v51  }
0x14b: {  	v30 =	vadd.f32 v30, v38;
	v58 =	vld [tilespmem:s14+$0x5050];
	v57 =	vmul.f32 $1.442695020e+00, v62;
	v43 =	vpop (erf);
	(erf) = vpow2.f32 v53  }
0x14c: {  	v33 =	vadd.f32 v45, v33;
	v60 =	vld [tilespmem:s14+$0x5060];
	v59 =	vmul.f32 $1.442695020e+00, v50;
	v46 =	vpop (erf);
	(erf) = vpow2.f32 v55  }
0x14d: {  	v27 =	vadd.f32 v47, v27;
	v62 =	vld [tilespmem:s14+$0x5070];
	v61 =	vmul.f32 $1.442695020e+00, v52;
	v38 =	vpop (erf);
	(erf) = vpow2.f32 v57  }
0x14e: {  	v36 =	vadd.f32 v49, v36;
	v52 =	vld [tilespmem:s14+$0x5840];
	v63 =	vmul.f32 $1.442695020e+00, v54;
	v45 =	vpop (erf);
	(erf) = vpow2.f32 v59  }
0x14f: {  	v26 =	vadd.f32 v48, v26;
	v54 =	vld [tilespmem:s14+$0x5850];
	v53 =	vmul.f32 $1.442695020e+00, v56;
	v47 =	vpop (erf);
	(erf) = vpow2.f32 v61  }
0x150: {  	v28 =	vadd.f32 v42, v28;
	v56 =	vld [tilespmem:s14+$0x5860];
	v55 =	vmul.f32 $1.442695020e+00, v58;
	v49 =	vpop (erf);
	(erf) = vpow2.f32 v63  }
0x151: {  	v32 =	vadd.f32 v32, v35;
	v58 =	vld [tilespmem:s14+$0x5870];
	v57 =	vmul.f32 $1.442695020e+00, v60;
	v48 =	vpop (erf);
	(erf) = vpow2.f32 v53  }
0x152: {  	v37 =	vadd.f32 v37, v39;
	v60 =	vld [tilespmem:s14+$0x6040];
	v59 =	vmul.f32 $1.442695020e+00, v62;
	v42 =	vpop (erf);
	(erf) = vpow2.f32 v55  }
0x153: {  	v30 =	vadd.f32 v41, v30;
	v62 =	vld [tilespmem:s14+$0x6050];
	v61 =	vmul.f32 $1.442695020e+00, v52;
	v35 =	vpop (erf);
	(erf) = vpow2.f32 v57  }
0x154: {  	v50 =	vld [tilespmem:s14+$0x6060];
	v33 =	vadd.f32 v44, v33;
	v63 =	vmul.f32 $1.442695020e+00, v54;
	v39 =	vpop (erf);
	(erf) = vpow2.f32 v59  }
0x155: {  	v27 =	vadd.f32 v43, v27;
	v52 =	vld [tilespmem:s14+$0x6070];
	v51 =	vmul.f32 $1.442695020e+00, v56;
	v41 =	vpop (erf);
	(erf) = vpow2.f32 v61  }
0x156: {  	v36 =	vadd.f32 v46, v36;
	v54 =	vld [tilespmem:s14+$0x6840];
	v53 =	vmul.f32 $1.442695020e+00, v58;
	v44 =	vpop (erf);
	(erf) = vpow2.f32 v63  }
0x157: {  	v26 =	vadd.f32 v38, v26;
	v56 =	vld [tilespmem:s14+$0x6850];
	v55 =	vmul.f32 $1.442695020e+00, v60;
	v43 =	vpop (erf);
	(erf) = vpow2.f32 v51  }
0x158: {  	v28 =	vadd.f32 v45, v28;
	v58 =	vld [tilespmem:s14+$0x6860];
	v57 =	vmul.f32 $1.442695020e+00, v62;
	v46 =	vpop (erf);
	(erf) = vpow2.f32 v53  }
0x159: {  	v32 =	vadd.f32 v47, v32;
	v60 =	vld [tilespmem:s14+$0x6870];
	v59 =	vmul.f32 $1.442695020e+00, v50;
	v38 =	vpop (erf);
	(erf) = vpow2.f32 v55  }
0x15a: {  	v37 =	vadd.f32 v49, v37;
	v62 =	vld [tilespmem:s14+$0x7040];
	v61 =	vmul.f32 $1.442695020e+00, v52;
	v45 =	vpop (erf);
	(erf) = vpow2.f32 v57  }
0x15b: {  	v30 =	vadd.f32 v48, v30;
	v52 =	vld [tilespmem:s14+$0x7050];
	v63 =	vmul.f32 $1.442695020e+00, v54;
	v47 =	vpop (erf);
	(erf) = vpow2.f32 v59  }
0x15c: {  	v33 =	vadd.f32 v42, v33;
	v54 =	vld [tilespmem:s14+$0x7060];
	v53 =	vmul.f32 $1.442695020e+00, v56;
	v49 =	vpop (erf);
	(erf) = vpow2.f32 v61  }
0x15d: {  	v27 =	vadd.f32 v35, v27;
	v56 =	vld [tilespmem:s14+$0x7070];
	v55 =	vmul.f32 $1.442695020e+00, v58;
	v48 =	vpop (erf);
	(erf) = vpow2.f32 v63  }
0x15e: {  	v36 =	vadd.f32 v39, v36;
	v58 =	vld [tilespmem:s14+$0x7840];
	v57 =	vmul.f32 $1.442695020e+00, v60;
	v42 =	vpop (erf);
	(erf) = vpow2.f32 v53  }
0x15f: {  	v26 =	vadd.f32 v41, v26;
	v60 =	vld [tilespmem:s14+$0x7850];
	v59 =	vmul.f32 $1.442695020e+00, v62;
	v35 =	vpop (erf);
	(erf) = vpow2.f32 v55  }
0x160: {  	v28 =	vadd.f32 v44, v28;
	v62 =	vld [tilespmem:s14+$0x7860];
	v61 =	vmul.f32 $1.442695020e+00, v52;
	v39 =	vpop (erf);
	(erf) = vpow2.f32 v57  }
0x161: {  	v50 =	vld [tilespmem:s14+$0x7870];
	v32 =	vadd.f32 v43, v32;
	v63 =	vmul.f32 $1.442695020e+00, v54;
	v41 =	vpop (erf);
	(erf) = vpow2.f32 v59  }
0x162: {  	v37 =	vadd.f32 v46, v37;
	v52 =	vld [tilespmem:s14+$0x8040];
	v51 =	vmul.f32 $1.442695020e+00, v56;
	v44 =	vpop (erf);
	(erf) = vpow2.f32 v61  }
0x163: {  	v30 =	vadd.f32 v38, v30;
	v54 =	vld [tilespmem:s14+$0x8050];
	v53 =	vmul.f32 $1.442695020e+00, v58;
	v43 =	vpop (erf);
	(erf) = vpow2.f32 v63  }
0x164: {  	v33 =	vadd.f32 v45, v33;
	v56 =	vld [tilespmem:s14+$0x8060];
	v55 =	vmul.f32 $1.442695020e+00, v60;
	v46 =	vpop (erf);
	(erf) = vpow2.f32 v51  }
0x165: {  	v27 =	vadd.f32 v47, v27;
	v58 =	vld [tilespmem:s14+$0x8070];
	v57 =	vmul.f32 $1.442695020e+00, v62;
	v38 =	vpop (erf);
	(erf) = vpow2.f32 v53  }
0x166: {  	v36 =	vadd.f32 v49, v36;
	v60 =	vld [tilespmem:s14+$0x8840];
	v59 =	vmul.f32 $1.442695020e+00, v50;
	v45 =	vpop (erf);
	(erf) = vpow2.f32 v55  }
0x167: {  	v26 =	vadd.f32 v48, v26;
	v62 =	vld [tilespmem:s14+$0x8850];
	v61 =	vmul.f32 $1.442695020e+00, v52;
	v47 =	vpop (erf);
	(erf) = vpow2.f32 v57  }
0x168: {  	v28 =	vadd.f32 v42, v28;
	v52 =	vld [tilespmem:s14+$0x8860];
	v63 =	vmul.f32 $1.442695020e+00, v54;
	v49 =	vpop (erf);
	(erf) = vpow2.f32 v59  }
0x169: {  	v32 =	vadd.f32 v35, v32;
	v54 =	vld [tilespmem:s14+$0x8870];
	v53 =	vmul.f32 $1.442695020e+00, v56;
	v48 =	vpop (erf);
	(erf) = vpow2.f32 v61  }
0x16a: {  	v37 =	vadd.f32 v39, v37;
	v56 =	vld [tilespmem:s14+$0x9040];
	v55 =	vmul.f32 $1.442695020e+00, v58;
	v42 =	vpop (erf);
	(erf) = vpow2.f32 v63  }
0x16b: {  	v30 =	vadd.f32 v41, v30;
	v58 =	vld [tilespmem:s14+$0x9050];
	v57 =	vmul.f32 $1.442695020e+00, v60;
	v35 =	vpop (erf);
	(erf) = vpow2.f32 v53  }
0x16c: {  	v33 =	vadd.f32 v44, v33;
	v60 =	vld [tilespmem:s14+$0x9060];
	v59 =	vmul.f32 $1.442695020e+00, v62;
	v39 =	vpop (erf);
	(erf) = vpow2.f32 v55  }
0x16d: {  	v27 =	vadd.f32 v43, v27;
	v62 =	vld [tilespmem:s14+$0x9070];
	v61 =	vmul.f32 $1.442695020e+00, v52;
	v41 =	vpop (erf);
	(erf) = vpow2.f32 v57  }
0x16e: {  	v26 =	vadd.f32 v38, v26;
	v63 =	vmul.f32 $1.442695020e+00, v54;
	v44 =	vpop (erf);
	(erf) = vpow2.f32 v59  }
0x16f: {  	v52 =	vadd.f32 v46, v36;
	v51 =	vmul.f32 $1.442695020e+00, v56;
	v50 =	vpop (erf);
	(erf) = vpow2.f32 v61  }
0x170: {  	v54 =	vmul.f32 $1.442695020e+00, v58;
	v43 =	vadd.f32 v42, v33;
	v53 =	vpop (erf);
	(erf) = vpow2.f32 v63  }
0x171: {  	v56 =	vmul.f32 $1.442695020e+00, v60;
	v60 =	vadd.f32 v47, v32;
	v55 =	vpop (erf);
	(erf) = vpow2.f32 v51  }
0x172: {  	v27 =	vadd.f32 v35, v27;
	v59 =	vmul.f32 $1.442695020e+00, v62;
	v58 =	vpop (erf);
	(erf) = vpow2.f32 v54  }
0x173: {  	v57 =	vadd.f32 v45, v28;
	v29 =	vadd.f32 v39, v52;
	v62 =	vpop (erf);
	(erf) = vpow2.f32 v56  }
0x174: {  	v26 =	vadd.f32 v41, v26;
	v61 =	vadd.f32 v49, v37;
	v51 =	vld [tilespmem:s20+$0x13040];
	v45 =	vpop (erf);
	(erf) = vpow2.f32 v59  }
0x175: {  	v25 =	vadd.f32 v44, v57;
	v63 =	vadd.f32 v48, v30;
	v59 =	vld [tilespmem:s20+$0x13060];
	v46 =	vpop (erf)  }
0x176: {  	v31 =	vadd.f32 v50, v60;
	v32 =	vadd.f32 v53, v61;
	v53 =	vmov s11;
	v56 =	vld [tilespmem:s20+$0x13050];
	v47 =	vpop (erf)  }
0x177: {  	v24 =	vadd.f32 v55, v63;
	v23 =	vadd.f32 v46, v26;
	v26 =	vshll.u32 v53, $0x3;
	v48 =	vpop (erf)  }
0x178: {  	v28 =	vadd.f32 v58, v43;
	v27 =	vadd.f32 v62, v27;
	v26 =	vand.u32 $0x400, v26;
	v49 =	vpop (erf)  }
0x179: {  	v29 =	vadd.f32 v45, v29;
	v58 =	vshll.u32 v51, $0xB;
	v26 =	vbroadcast v26, $0x0;
	v50 =	vpop (erf)  }
0x17a: {  	v62 =	vld [tilespmem:s20+$0x13070];
	v25 =	vadd.f32 v47, v25;
	v31 =	vadd.f32 v48, v31;
	v30 =	vshll.u32 v59, $0xB;
	v52 =	vpop (erf)  }
0x17b: {  	v63 =	vshll.u32 v56, $0xB;
	v32 =	vadd.f32 v49, v32;
	v30 =	vor.u32 v26, v30;
	v54 =	vpop (erf)  }
0x17c: {  	v24 =	vadd.f32 v50, v24;
	v28 =	vadd.f32 v52, v28;
	v30 =	vor.u32 v18, v30;
	v55 =	vpop (erf)  }
0x17d: {  	v27 =	vadd.f32 v54, v27;
	v30 =	vor.u32 v8, v30;
	v29 =	vadd.f32 v55, v29;
	v57 =	vpop (erf)  }
0x17e: {  	v25 =	vadd.f32 v28, v25;
	v28 =	vor.u32 v26, v58;
	v23 =	vadd.f32 v57, v23  }
0x17f: {  	v27 =	vadd.f32 v27, v31;
	v60 =	vor.u32 v18, v28;
	v31 =	vshll.u32 v62, $0xB  }
0x180: {  	v29 =	vadd.f32 v29, v32;
	v61 =	vand.u32 $0x7FFFFF, v25;
	v32 =	vor.u32 v26, v63  }
0x181: {  	v26 =	vor.u32 v26, v31;
	v25 =	vshra.s32 v25, $0x17;
	v28 =	vor.u32 $0x3F800000, v61  }
0x182: {  	v23 =	vadd.f32 v23, v24;
	v36 =	vand.u32 $0x7FFFFF, v27;
	v37 =	vmul.f32 $5.000000000e-01, v28  }
0x183: {  	v32 =	vor.u32 v18, v32;
	v33 =	vor.u32 $0x3F800000, v36;
	vm8 =	vgt.f32 v28, $1.414213540e+00  }
0x184: {  	v18 =	vor.u32 v18, v26;
	v38 =	vmul.f32 $5.000000000e-01, v33;
	v28 =	vsel vm8, v37, v28  }
0x185: {  	v39 =	vand.u32 $0x7FFFFF, v29;
	vm9 =	vgt.f32 v33, $1.414213540e+00;
	v28 =	vadd.f32 $-1.000000000e+00, v28  }
0x186: {  	v41 =	vor.u32 $0x3F800000, v39;
	v43 =	vand.u32 $0x7FFFFF, v23;
	v33 =	vsel vm9, v38, v33  }
0x187: {  	v35 =	vor.u32 $0x3F800000, v43;
	v33 =	vadd.f32 $-1.000000000e+00, v33;
	v40 =	vmul.f32 $1.722455770e-01, v28  }
0x188: {  	v44 =	vmul.f32 $5.000000000e-01, v41;
	vm10 =	vgt.f32 v41, $1.414213540e+00;
	v45 =	vmul.f32 $5.000000000e-01, v35  }
0x189: {  	vm11 =	vgt.f32 v35, $1.414213540e+00;
	v42 =	vmul.f32 $1.722455770e-01, v33;
	v34 =	vadd.f32 $-2.740795020e-01, v40  }
0x18a: {  	v27 =	vshra.s32 v27, $0x17;
	v26 =	vsel vm10, v44, v41;
	v35 =	vsel vm11, v45, v35  }
0x18b: {  	v26 =	vadd.f32 $-1.000000000e+00, v26;
	v31 =	vadd.f32 $-2.740795020e-01, v42;
	v34 =	vmul.f32 v34, v28  }
0x18c: {  	v24 =	vor.u32 v6, v60;
	v29 =	vshra.s32 v29, $0x17;
	v35 =	vadd.f32 $-1.000000000e+00, v35  }
0x18d: {  	v47 =	vmul.f32 $1.722455770e-01, v26;
	v31 =	vmul.f32 v31, v33;
	v34 =	vadd.f32 $3.380055430e-01, v34  }
0x18e: {  	v32 =	vor.u32 v7, v32;
	v18 =	vor.u32 v9, v18;
	v48 =	vmul.f32 $1.722455770e-01, v35  }
0x18f: {  	v36 =	vadd.f32 $-2.740795020e-01, v47;
	v31 =	vadd.f32 $3.380055430e-01, v31;
	v34 =	vmul.f32 v34, v28  }
0x190: {  	v46 =	vsel vm8, $0xFFFFFF82, v4;
	v23 =	vshra.s32 v23, $0x17;
	v37 =	vadd.f32 $-2.740795020e-01, v48  }
0x191: {  	v36 =	vmul.f32 v36, v26;
	v31 =	vmul.f32 v31, v33;
	v34 =	vadd.f32 $-4.991101620e-01, v34  }
0x192: {  	v25 =	vadd.s32 v25, v46;
	v49 =	vsel vm9, $0xFFFFFF82, v4;
	v37 =	vmul.f32 v37, v35  }
0x193: {  	v36 =	vadd.f32 $3.380055430e-01, v36;
	v31 =	vadd.f32 $-4.991101620e-01, v31;
	v34 =	vmul.f32 v34, v28  }
0x194: {  	v27 =	vadd.s32 v27, v49;
	v50 =	vsel vm10, $0xFFFFFF82, v4;
	v37 =	vadd.f32 $3.380055430e-01, v37  }
0x195: {  	v51 =	vmul.f32 v36, v26;
	v31 =	vmul.f32 v31, v33;
	v34 =	vadd.f32 $9.998871080e-01, v34  }
0x196: {  	v25 =	vcvt.s32.f32 v25;
	v29 =	vadd.s32 v29, v50;
	v52 =	vmul.f32 v37, v35  }
0x197: {  	v31 =	vadd.f32 $9.998871080e-01, v31;
	v28 =	vmul.f32 v34, v28;
	v34 =	vadd.f32 $-4.991101620e-01, v51  }
0x198: {  	v24 =	vld.idx.msk [tilespmem:v24+s4+$0x0], $0xffff;
	v27 =	vcvt.s32.f32 v27;
	v53 =	vsel vm11, $0xFFFFFF82, v4;
	v25 =	vmul.f32 $6.931471820e-01, v25  }
0x199: {  	v32 =	vld.idx.msk [tilespmem:v32+s4+$0x0], $0xffff;
	v31 =	vmul.f32 v31, v33;
	v33 =	vadd.f32 $-4.991101620e-01, v52;
	v34 =	vmul.f32 v34, v26  }
0x19a: {  	v23 =	vadd.s32 v23, v53;
	v29 =	vcvt.s32.f32 v29;
	v27 =	vmul.f32 $6.931471820e-01, v27  }
0x19b: {  	v25 =	vadd.f32 v28, v25;
	v33 =	vmul.f32 v33, v35;
	v54 =	vadd.f32 $9.998871080e-01, v34  }
0x19c: {  	v30 =	vld.idx.msk [tilespmem:v30+s4+$0x0], $0xffff;
	v23 =	vcvt.s32.f32 v23;
	v29 =	vmul.f32 $6.931471820e-01, v29;
	v27 =	vadd.f32 v31, v27  }
0x19d: {  	v24 =	vsub.f32 v25, v24;
	v33 =	vadd.f32 $9.998871080e-01, v33;
	v26 =	vmul.f32 v54, v26  }
0x19e: {  	v55 =	vsel vm7, $0x3F800000, v5;
	v18 =	vld.idx.msk [tilespmem:v18+s4+$0x0], $0xffff;
	v23 =	vmul.f32 $6.931471820e-01, v23;
	v57 =	vsub.f32 v27, v32  }
0x19f: {  	[tilespmem:s13+$0xFFFFFFC0] =	vst v19;
	vm12 =	vgt.f32 v24, $1.053605150e-01;
	v56 =	vmul.f32 v33, v35;
	v19 =	vadd.f32 v26, v29  }
0x1a0: {  	v10 =	vadd.f32 v55, v10;
	v59 =	vnsel vm12, $0x0, v24;
	v60 =	vsel vm12, $0x3F800000, v5  }
0x1a1: {  	[tilespmem:s13+$0xFFFFFFD0] =	vst v20;
	vm13 =	vgt.f32 v57, $1.053605150e-01;
	v58 =	vadd.f32 v56, v23;
	v19 =	vsub.f32 v19, v30  }
0x1a2: {  	p0 =	slt.u32 s10, $0x1E;
	[tilespmem:s13+$0xFFFFFFF0] =	vst v22;
	v17 =	vadd.f32 v59, v17;
	v16 =	vadd.f32 v60, v16;
	v61 =	vnsel vm13, $0x0, v57  }
.Ltmp2:
0x1a3: {  	[tilespmem:s13+$0xFFFFFFE0] =	vst v21;
	v62 =	vsel vm13, $0x3F800000, v5;
	v18 =	vsub.f32 v58, v18;
	vm14 =	vgt.f32 v19, $1.053605150e-01;
	(pc) =	sbr.rel @p0 .LBB2_3-.Ltmp2, $4  }
0x1a4: {  	[tilespmem:s13+$0x0] =	vst v24;
	v15 =	vadd.f32 v61, v15;
	v14 =	vadd.f32 v62, v14;
	v63 =	vnsel vm14, $0x0, v19  }
0x1a5: {  	[tilespmem:s13+$0x20] =	vst v19;
	v19 =	vsel vm14, $0x3F800000, v5;
	vm15 =	vgt.f32 v18, $1.053605150e-01;
	v13 =	vadd.f32 v63, v13  }
0x1a6: {  	[tilespmem:s13+$0x30] =	vst v18;
	v12 =	vadd.f32 v19, v12;
	v18 =	vnsel vm15, $0x0, v18;
	v19 =	vsel vm15, $0x3F800000, v5  }
0x1a7: {  	s12 =	sadd.s32 $0x400, s12;
	s11 =	sadd.s32 $0x80, s11;
	[tilespmem:s13+$0x10] =	vst v57;
	s13 =	sadd.s32 $0x80, s13;
	v11 =	vadd.f32 v18, v11;
	v10 =	vadd.f32 v19, v10  }
0x1a8: {  	s10 =	sshll.u32 s2, $0xC  }
0x1a9: {  	s11 =	sshll.u32 s2, $0x11;
	s10 =	sand.u32 $0x1000, s10  }
0x1aa: {  	p0 =	seq.s32 s2, $0xF;
	s11 =	sand.u32 $0x1C0000, s11;
	s10 =	sor.u32 s7, s10  }
0x1ab: {  	s10 =	sor.u32 s11, s10;
	s11 =	sadd.s32 @!p0 $0x2, s9  }
0x1ac: {  	s10 =	sshrl.u32 s10, $0x3;
	s12 =	sshll.u32 @!p0 s11, $0x1  }
0x1ad: {  	s11 =	sshrl.u32 @!p0 s11, $0x2;
	s20 =	sadd.s32 s5, s10;
	s12 =	sand.u32 @!p0 $0x4, s12  }
0x1ae: {  	[hbm4b:s20+s4] =	stream.linear.scatter [tilespmem:s6], [sflag:$0x5], $0x800, $0x38;
	[tilespmem:$0x15080] =	vst v63  }
0x1af: {  	s13 =	smul.u32 @!p0 $0x4C0000, s11;
	s12 =	sor.u32 @!p0 s8, s12  }
0x1b0: {  	s12 =	sshll.u32 @!p0 s12, $0xA  }
0x1b1: {  	s13 =	sor.u32 @!p0 s13, s12  }
0x1b2: {  	s13 =	sshrl.u32 @!p0 s13, $0x3  }
0x1b3: {  	s14 =	simm.s32 @!p0 $0x0;
	s13 =	sadd.s32 @!p0 s1, s13  }
0x1b4: {  	[tilespmem:s14], [sflag:$0x1] =	stream.linear.gather @!p0 [hbm4b:s13+s14], $0x800, $0x38;
	[tilespmem:$0x15080] =	vst v63  }
0x1b5: {  	s16 =	simm.s32 @!p0 $0x800;
	s15 =	sadd.s32 @!p0 $0x8000, s13  }
0x1b6: {  	[tilespmem:s16], [sflag:$0x1] =	stream.linear.gather @!p0 [hbm4b:s15+s14], $0x800, $0x38;
	[tilespmem:$0x15080] =	vst v63  }
0x1b7: {  	s15 =	sadd.s32 @!p0 $0x10000, s13;
	s16 =	simm.s32 @!p0 $0x1000  }
0x1b8: {  	[tilespmem:s16], [sflag:$0x1] =	stream.linear.gather @!p0 [hbm4b:s15+s14], $0x800, $0x38;
	[tilespmem:$0x15080] =	vst v63  }
0x1b9: {  	s15 =	sadd.s32 @!p0 $0x18000, s13;
	s16 =	simm.s32 @!p0 $0x1800  }
0x1ba: {  	[tilespmem:s16], [sflag:$0x1] =	stream.linear.gather @!p0 [hbm4b:s15+s14], $0x800, $0x38;
	[tilespmem:$0x15080] =	vst v63  }
0x1bb: {  	s15 =	sadd.s32 @!p0 $0x20000, s13;
	s16 =	simm.s32 @!p0 $0x2000  }
0x1bc: {  	[tilespmem:s16], [sflag:$0x1] =	stream.linear.gather @!p0 [hbm4b:s15+s14], $0x800, $0x38;
	[tilespmem:$0x15080] =	vst v63  }
0x1bd: {  	s15 =	sadd.s32 @!p0 $0x28000, s13;
	s16 =	simm.s32 @!p0 $0x2800  }
0x1be: {  	[tilespmem:s16], [sflag:$0x1] =	stream.linear.gather @!p0 [hbm4b:s15+s14], $0x800, $0x38;
	[tilespmem:$0x15080] =	vst v63  }
0x1bf: {  	s15 =	sadd.s32 @!p0 $0x30000, s13;
	s16 =	simm.s32 @!p0 $0x3000  }
0x1c0: {  	[tilespmem:s16], [sflag:$0x1] =	stream.linear.gather @!p0 [hbm4b:s15+s14], $0x800, $0x38;
	[tilespmem:$0x15080] =	vst v63  }
0x1c1: {  	s15 =	sadd.s32 @!p0 $0x38000, s13;
	s16 =	simm.s32 @!p0 $0x3800  }
0x1c2: {  	[tilespmem:s16], [sflag:$0x1] =	stream.linear.gather @!p0 [hbm4b:s15+s14], $0x800, $0x38;
	[tilespmem:$0x15080] =	vst v63  }
0x1c3: {  	s15 =	sadd.s32 @!p0 $0x40000, s13;
	s16 =	simm.s32 @!p0 $0x4000  }
0x1c4: {  	[tilespmem:s16], [sflag:$0x1] =	stream.linear.gather @!p0 [hbm4b:s15+s14], $0x800, $0x38;
	[tilespmem:$0x15080] =	vst v63  }
0x1c5: {  	s15 =	sadd.s32 @!p0 $0x48000, s13;
	s16 =	simm.s32 @!p0 $0x4800  }
0x1c6: {  	[tilespmem:s16], [sflag:$0x1] =	stream.linear.gather @!p0 [hbm4b:s15+s14], $0x800, $0x38;
	[tilespmem:$0x15080] =	vst v63  }
0x1c7: {  	s15 =	sadd.s32 @!p0 $0x50000, s13;
	s16 =	simm.s32 @!p0 $0x5000  }
0x1c8: {  	[tilespmem:s16], [sflag:$0x1] =	stream.linear.gather @!p0 [hbm4b:s15+s14], $0x800, $0x38;
	[tilespmem:$0x15080] =	vst v63  }
0x1c9: {  	s15 =	sadd.s32 @!p0 $0x58000, s13;
	s16 =	simm.s32 @!p0 $0x5800  }
0x1ca: {  	[tilespmem:s16], [sflag:$0x1] =	stream.linear.gather @!p0 [hbm4b:s15+s14], $0x800, $0x38;
	[tilespmem:$0x15080] =	vst v63  }
0x1cb: {  	s15 =	sadd.s32 @!p0 $0x60000, s13;
	s16 =	simm.s32 @!p0 $0x6000  }
0x1cc: {  	[tilespmem:s16], [sflag:$0x1] =	stream.linear.gather @!p0 [hbm4b:s15+s14], $0x800, $0x38;
	[tilespmem:$0x15080] =	vst v63  }
0x1cd: {  	s15 =	sadd.s32 @!p0 $0x68000, s13;
	s16 =	simm.s32 @!p0 $0x6800  }
0x1ce: {  	[tilespmem:s16], [sflag:$0x1] =	stream.linear.gather @!p0 [hbm4b:s15+s14], $0x800, $0x38;
	[tilespmem:$0x15080] =	vst v63  }
0x1cf: {  	p1 =	seq.s32 @!p0 s2, $0x0;
	s15 =	sadd.s32 @!p0 $0x70000, s13;
	s16 =	simm.s32 @!p0 $0x7000  }
0x1d0: {  	[tilespmem:s16], [sflag:$0x1] =	stream.linear.gather @!p0 [hbm4b:s15+s14], $0x800, $0x38;
	[tilespmem:$0x15080] =	vst v63  }
0x1d1: {  	s11 =	sshll.u32 @!p0 s11, $0x12;
	s15 =	sadd.s32 @!p0 $0x78000, s13;
	s16 =	simm.s32 @!p0 $0x7800  }
0x1d2: {  	[tilespmem:s16], [sflag:$0x1] =	stream.linear.gather @!p0 [hbm4b:s15+s14], $0x800, $0x38;
	[tilespmem:$0x15080] =	vst v63  }
0x1d3: {  	s11 =	sor.u32 @!p0 s11, s12;
	s15 =	sadd.s32 @!p0 $0x80000, s13;
	s16 =	simm.s32 @!p0 $0x8000  }
0x1d4: {  	[tilespmem:s16], [sflag:$0x1] =	stream.linear.gather @!p0 [hbm4b:s15+s14], $0x800, $0x38;
	[tilespmem:$0x15080] =	vst v63  }
0x1d5: {  	s12 =	rddreg [dreg:$0x1];
	s15 =	sadd.s32 @!p0 $0x88000, s13;
	s16 =	simm.s32 @!p0 $0x8800  }
0x1d6: {  	[tilespmem:s16], [sflag:$0x1] =	stream.linear.gather @!p0 [hbm4b:s15+s14], $0x800, $0x38;
	[tilespmem:$0x15080] =	vst v63  }
0x1d7: {  	s11 =	sshrl.u32 @!p0 s11, $0x3;
	s13 =	sadd.s32 @!p0 $0x90000, s13;
	s15 =	simm.s32 @!p0 $0x9000  }
0x1d8: {  	[tilespmem:s15], [sflag:$0x1] =	stream.linear.gather @!p0 [hbm4b:s13+s14], $0x800, $0x38;
	[tilespmem:$0x15080] =	vst v63  }
0x1d9: {  	p1 =	por p0, !p1;
	s11 =	sadd.s32 @!p0 s12, s11;
	s12 =	simm.s32 @!p0 $0x13000  }
0x1da: {  	[tilespmem:s12], [sflag:$0x3] =	stream.linear.gather @!p0 [hbm4b:s11+s14], $0x800, $0x38;
	[tilespmem:$0x15080] =	vst v63  }
0x1db: {  	_ =	swait.ge @p1 [sflag:s0], $0x800  }
0x1dc: {  	[sflag:s0] =	ssyncset.done @p1 $0x0  }
0x1dd: {  	[sflag:s0] =	ssyncadd.s32 @p1 $0xFFFFF800  }
0x1de: {  	_ =	swait.ge [sflag:s3], $0x9800  }
0x1df: {  	[sflag:s3] =	ssyncset.done $0x0  }
0x1e0: {  	[sflag:s3] =	ssyncadd.s32 $0xFFFF6800  }
0x1e1: {  	_ =	swait.ge [sflag:s30], $0x800  }
0x1e2: {  	s13 =	simm.s32 $0x0;
	s11 =	simm.s32 $0xFFFFFFFE;
	[sflag:s30] =	ssyncset.done $0x0  }
0x1e3: {  	s12 =	simm.s32 $0x40;
	s14 =	simm.s32 $0x14840;
	[sflag:s30] =	ssyncadd.s32 $0xFFFFF800  }
.LBB2_5:
0x1e4: {  	s11 =	sadd.s32 $0x2, s11;
	s15 =	sadd.s32 $0xFFFFFFC0, s12  }
0x1e5: {  	s17 =	sshrl.u32 s11, $0x2;
	s18 =	sand.u32 $0x80, s15  }
0x1e6: {  	s19 =	sshll.u32 s18, $0x3;
	s15 =	sshll.u32 s17, $0x7  }
0x1e7: {  	s16 =	sor.u32 s15, s19  }
0x1e8: {  	v18 =	vld [tilespmem:s16+$0x9800]  }
0x1e9: {  	v19 =	vld [tilespmem:s16+$0x9810]  }
0x1ea: {  	v20 =	vld [tilespmem:s16+$0x9820]  }
0x1eb: {  	s19 =	sadd.s32 s15, s19;
	v21 =	vld [tilespmem:s16+$0x9830]  }
0x1ec: {  	v22 =	vld [tilespmem:s19+$0xA000]  }
0x1ed: {  	v23 =	vld [tilespmem:s19+$0xA010];
	v18 =	vmul.f32 $1.442695020e+00, v18  }
0x1ee: {  	v24 =	vld [tilespmem:s19+$0xA020];
	v19 =	vmul.f32 $1.442695020e+00, v19  }
0x1ef: {  	v37 =	vld [tilespmem:s19+$0xA030];
	(erf) = vpow2.f32 v18;
	v18 =	vmul.f32 $1.442695020e+00, v20  }
0x1f0: {  	v38 =	vld [tilespmem:s19+$0xA800];
	(erf) = vpow2.f32 v19;
	v19 =	vmul.f32 $1.442695020e+00, v21  }
0x1f1: {  	v39 =	vld [tilespmem:s19+$0xA810];
	(erf) = vpow2.f32 v18;
	v18 =	vmul.f32 $1.442695020e+00, v22  }
0x1f2: {  	v40 =	vld [tilespmem:s19+$0xA820];
	(erf) = vpow2.f32 v19;
	v19 =	vmul.f32 $1.442695020e+00, v23  }
0x1f3: {  	v41 =	vld [tilespmem:s19+$0xA830];
	(erf) = vpow2.f32 v18;
	v18 =	vmul.f32 $1.442695020e+00, v24  }
0x1f4: {  	v42 =	vld [tilespmem:s19+$0xB000];
	(erf) = vpow2.f32 v19;
	v19 =	vmul.f32 $1.442695020e+00, v37  }
0x1f5: {  	v43 =	vld [tilespmem:s19+$0xB010];
	(erf) = vpow2.f32 v18;
	v18 =	vmul.f32 $1.442695020e+00, v38  }
0x1f6: {  	v44 =	vld [tilespmem:s19+$0xB020];
	(erf) = vpow2.f32 v19;
	v19 =	vmul.f32 $1.442695020e+00, v39  }
0x1f7: {  	v45 =	vld [tilespmem:s19+$0xB030];
	(erf) = vpow2.f32 v18;
	v18 =	vmul.f32 $1.442695020e+00, v40  }
0x1f8: {  	v46 =	vld [tilespmem:s19+$0xB800];
	v25 =	vpop (erf);
	(erf) = vpow2.f32 v19;
	v19 =	vmul.f32 $1.442695020e+00, v41  }
0x1f9: {  	v47 =	vld [tilespmem:s19+$0xB810];
	v26 =	vpop (erf);
	(erf) = vpow2.f32 v18;
	v18 =	vmul.f32 $1.442695020e+00, v42  }
0x1fa: {  	v48 =	vld [tilespmem:s19+$0xB820];
	v27 =	vpop (erf);
	(erf) = vpow2.f32 v19;
	v19 =	vmul.f32 $1.442695020e+00, v43  }
0x1fb: {  	v49 =	vld [tilespmem:s19+$0xB830];
	v28 =	vpop (erf);
	(erf) = vpow2.f32 v18;
	v18 =	vmul.f32 $1.442695020e+00, v44  }
0x1fc: {  	v50 =	vld [tilespmem:s19+$0xC000];
	v29 =	vpop (erf);
	(erf) = vpow2.f32 v19;
	v19 =	vmul.f32 $1.442695020e+00, v45  }
0x1fd: {  	v51 =	vld [tilespmem:s19+$0xC010];
	v30 =	vpop (erf);
	(erf) = vpow2.f32 v18;
	v18 =	vmul.f32 $1.442695020e+00, v46  }
0x1fe: {  	v52 =	vld [tilespmem:s19+$0xC020];
	v31 =	vpop (erf);
	(erf) = vpow2.f32 v19;
	v19 =	vmul.f32 $1.442695020e+00, v47  }
0x1ff: {  	v53 =	vld [tilespmem:s19+$0xC030];
	v32 =	vpop (erf);
	(erf) = vpow2.f32 v18;
	v18 =	vmul.f32 $1.442695020e+00, v48  }
0x200: {  	v54 =	vld [tilespmem:s19+$0xC800];
	v33 =	vpop (erf);
	(erf) = vpow2.f32 v19;
	v19 =	vmul.f32 $1.442695020e+00, v49  }
0x201: {  	v55 =	vld [tilespmem:s19+$0xC810];
	v34 =	vpop (erf);
	(erf) = vpow2.f32 v18;
	v18 =	vmul.f32 $1.442695020e+00, v50  }
0x202: {  	v56 =	vld [tilespmem:s19+$0xC820];
	v35 =	vpop (erf);
	(erf) = vpow2.f32 v19;
	v19 =	vmul.f32 $1.442695020e+00, v51  }
0x203: {  	v57 =	vld [tilespmem:s19+$0xC830];
	v36 =	vpop (erf);
	(erf) = vpow2.f32 v18;
	v18 =	vmul.f32 $1.442695020e+00, v52  }
0x204: {  	v58 =	vld [tilespmem:s19+$0xD000];
	v37 =	vpop (erf);
	(erf) = vpow2.f32 v19;
	v19 =	vmul.f32 $1.442695020e+00, v53  }
0x205: {  	v59 =	vld [tilespmem:s19+$0xD010];
	v38 =	vpop (erf);
	(erf) = vpow2.f32 v18;
	v18 =	vmul.f32 $1.442695020e+00, v54  }
0x206: {  	v60 =	vld [tilespmem:s19+$0xD020];
	v39 =	vpop (erf);
	(erf) = vpow2.f32 v19;
	v19 =	vmul.f32 $1.442695020e+00, v55  }
0x207: {  	v61 =	vld [tilespmem:s19+$0xD030];
	v40 =	vpop (erf);
	(erf) = vpow2.f32 v18;
	v18 =	vmul.f32 $1.442695020e+00, v56  }
0x208: {  	v62 =	vld [tilespmem:s19+$0xD800];
	v41 =	vpop (erf);
	(erf) = vpow2.f32 v19;
	v19 =	vmul.f32 $1.442695020e+00, v57  }
0x209: {  	v63 =	vld [tilespmem:s19+$0xD810];
	v42 =	vpop (erf);
	(erf) = vpow2.f32 v18;
	v18 =	vmul.f32 $1.442695020e+00, v58  }
0x20a: {  	v48 =	vld [tilespmem:s19+$0xD820];
	v43 =	vpop (erf);
	(erf) = vpow2.f32 v19;
	v19 =	vmul.f32 $1.442695020e+00, v59  }
0x20b: {  	v49 =	vld [tilespmem:s19+$0xD830];
	v25 =	vadd.f32 v33, v25;
	v44 =	vpop (erf);
	(erf) = vpow2.f32 v18;
	v18 =	vmul.f32 $1.442695020e+00, v60  }
0x20c: {  	v51 =	vld [tilespmem:s19+$0xE000];
	v26 =	vadd.f32 v34, v26;
	v50 =	vpop (erf);
	(erf) = vpow2.f32 v19;
	v19 =	vmul.f32 $1.442695020e+00, v61  }
0x20d: {  	v27 =	vadd.f32 v35, v27;
	v53 =	vld [tilespmem:s19+$0xE010];
	v52 =	vpop (erf);
	(erf) = vpow2.f32 v18;
	v18 =	vmul.f32 $1.442695020e+00, v62  }
0x20e: {  	v28 =	vadd.f32 v36, v28;
	v55 =	vld [tilespmem:s19+$0xE020];
	v54 =	vpop (erf);
	(erf) = vpow2.f32 v19;
	v19 =	vmul.f32 $1.442695020e+00, v63  }
0x20f: {  	v29 =	vadd.f32 v37, v29;
	v56 =	vld [tilespmem:s19+$0xE030];
	v36 =	vpop (erf);
	(erf) = vpow2.f32 v18;
	v18 =	vmul.f32 $1.442695020e+00, v48  }
0x210: {  	v30 =	vadd.f32 v38, v30;
	v57 =	vld [tilespmem:s19+$0xE800];
	v37 =	vpop (erf);
	(erf) = vpow2.f32 v19;
	v19 =	vmul.f32 $1.442695020e+00, v49  }
0x211: {  	v31 =	vadd.f32 v39, v31;
	v58 =	vld [tilespmem:s19+$0xE810];
	v38 =	vpop (erf);
	(erf) = vpow2.f32 v18;
	v18 =	vmul.f32 $1.442695020e+00, v51  }
0x212: {  	v32 =	vadd.f32 v40, v32;
	v59 =	vld [tilespmem:s19+$0xE820];
	v39 =	vpop (erf);
	(erf) = vpow2.f32 v19;
	v19 =	vmul.f32 $1.442695020e+00, v53  }
0x213: {  	v25 =	vadd.f32 v41, v25;
	v60 =	vld [tilespmem:s19+$0xE830];
	v40 =	vpop (erf);
	(erf) = vpow2.f32 v18;
	v18 =	vmul.f32 $1.442695020e+00, v55  }
0x214: {  	v26 =	vadd.f32 v42, v26;
	v61 =	vld [tilespmem:s19+$0xF000];
	v41 =	vpop (erf);
	(erf) = vpow2.f32 v19;
	v19 =	vmul.f32 $1.442695020e+00, v56  }
0x215: {  	v27 =	vadd.f32 v43, v27;
	v62 =	vld [tilespmem:s19+$0xF010];
	v42 =	vpop (erf);
	(erf) = vpow2.f32 v18;
	v18 =	vmul.f32 $1.442695020e+00, v57  }
0x216: {  	v28 =	vadd.f32 v44, v28;
	v63 =	vld [tilespmem:s19+$0xF020];
	v43 =	vpop (erf);
	(erf) = vpow2.f32 v19;
	v19 =	vmul.f32 $1.442695020e+00, v58  }
0x217: {  	v29 =	vadd.f32 v50, v29;
	v49 =	vld [tilespmem:s19+$0xF030];
	v48 =	vpop (erf);
	(erf) = vpow2.f32 v18;
	v18 =	vmul.f32 $1.442695020e+00, v59  }
0x218: {  	v30 =	vadd.f32 v52, v30;
	v51 =	vld [tilespmem:s19+$0xF800];
	v50 =	vpop (erf);
	(erf) = vpow2.f32 v19;
	v19 =	vmul.f32 $1.442695020e+00, v60  }
0x219: {  	v31 =	vadd.f32 v54, v31;
	v53 =	vld [tilespmem:s19+$0xF810];
	v52 =	vpop (erf);
	(erf) = vpow2.f32 v18;
	v18 =	vmul.f32 $1.442695020e+00, v61  }
0x21a: {  	v32 =	vadd.f32 v36, v32;
	v55 =	vld [tilespmem:s19+$0xF820];
	v54 =	vpop (erf);
	(erf) = vpow2.f32 v19;
	v19 =	vmul.f32 $1.442695020e+00, v62  }
0x21b: {  	v25 =	vadd.f32 v37, v25;
	v56 =	vld [tilespmem:s19+$0xF830];
	v36 =	vpop (erf);
	(erf) = vpow2.f32 v18;
	v18 =	vmul.f32 $1.442695020e+00, v63  }
0x21c: {  	s20 =	sadd.s32 $0x9800, s19;
	v26 =	vadd.f32 v38, v26;
	v57 =	vld [tilespmem:s19+$0x10000];
	v37 =	vpop (erf);
	(erf) = vpow2.f32 v19;
	v19 =	vmul.f32 $1.442695020e+00, v49  }
0x21d: {  	v27 =	vadd.f32 v39, v27;
	v58 =	vld [tilespmem:s20+$0x6810];
	v38 =	vpop (erf);
	(erf) = vpow2.f32 v18;
	v18 =	vmul.f32 $1.442695020e+00, v51  }
0x21e: {  	v28 =	vadd.f32 v40, v28;
	v59 =	vld [tilespmem:s20+$0x6820];
	v39 =	vpop (erf);
	(erf) = vpow2.f32 v19;
	v19 =	vmul.f32 $1.442695020e+00, v53  }
0x21f: {  	v29 =	vadd.f32 v41, v29;
	v60 =	vld [tilespmem:s20+$0x6830];
	v40 =	vpop (erf);
	(erf) = vpow2.f32 v18;
	v18 =	vmul.f32 $1.442695020e+00, v55  }
0x220: {  	v30 =	vadd.f32 v42, v30;
	v61 =	vld [tilespmem:s19+$0x10800];
	v41 =	vpop (erf);
	(erf) = vpow2.f32 v19;
	v19 =	vmul.f32 $1.442695020e+00, v56  }
0x221: {  	v31 =	vadd.f32 v43, v31;
	v62 =	vld [tilespmem:s20+$0x7010];
	v42 =	vpop (erf);
	(erf) = vpow2.f32 v18;
	v18 =	vmul.f32 $1.442695020e+00, v57  }
0x222: {  	v32 =	vadd.f32 v48, v32;
	v63 =	vld [tilespmem:s20+$0x7020];
	v43 =	vpop (erf);
	(erf) = vpow2.f32 v19;
	v19 =	vmul.f32 $1.442695020e+00, v58  }
0x223: {  	v25 =	vadd.f32 v50, v25;
	v49 =	vld [tilespmem:s20+$0x7030];
	v48 =	vpop (erf);
	(erf) = vpow2.f32 v18;
	v18 =	vmul.f32 $1.442695020e+00, v59  }
0x224: {  	v26 =	vadd.f32 v52, v26;
	v51 =	vld [tilespmem:s19+$0x11000];
	v50 =	vpop (erf);
	(erf) = vpow2.f32 v19;
	v19 =	vmul.f32 $1.442695020e+00, v60  }
0x225: {  	v27 =	vadd.f32 v54, v27;
	v53 =	vld [tilespmem:s20+$0x7810];
	v52 =	vpop (erf);
	(erf) = vpow2.f32 v18;
	v18 =	vmul.f32 $1.442695020e+00, v61  }
0x226: {  	v28 =	vadd.f32 v36, v28;
	v55 =	vld [tilespmem:s20+$0x7820];
	v54 =	vpop (erf);
	(erf) = vpow2.f32 v19;
	v19 =	vmul.f32 $1.442695020e+00, v62  }
0x227: {  	v29 =	vadd.f32 v37, v29;
	v56 =	vld [tilespmem:s20+$0x7830];
	v36 =	vpop (erf);
	(erf) = vpow2.f32 v18;
	v18 =	vmul.f32 $1.442695020e+00, v63  }
0x228: {  	v30 =	vadd.f32 v38, v30;
	v57 =	vld [tilespmem:s19+$0x11800];
	v37 =	vpop (erf);
	(erf) = vpow2.f32 v19;
	v19 =	vmul.f32 $1.442695020e+00, v49  }
0x229: {  	v31 =	vadd.f32 v39, v31;
	v58 =	vld [tilespmem:s20+$0x8010];
	v38 =	vpop (erf);
	(erf) = vpow2.f32 v18;
	v18 =	vmul.f32 $1.442695020e+00, v51  }
0x22a: {  	v32 =	vadd.f32 v40, v32;
	v59 =	vld [tilespmem:s20+$0x8020];
	v39 =	vpop (erf);
	(erf) = vpow2.f32 v19;
	v19 =	vmul.f32 $1.442695020e+00, v53  }
0x22b: {  	v25 =	vadd.f32 v41, v25;
	v60 =	vld [tilespmem:s20+$0x8030];
	v40 =	vpop (erf);
	(erf) = vpow2.f32 v18;
	v18 =	vmul.f32 $1.442695020e+00, v55  }
0x22c: {  	v26 =	vadd.f32 v42, v26;
	v61 =	vld [tilespmem:s19+$0x12000];
	v41 =	vpop (erf);
	(erf) = vpow2.f32 v19;
	v19 =	vmul.f32 $1.442695020e+00, v56  }
0x22d: {  	v27 =	vadd.f32 v43, v27;
	v62 =	vld [tilespmem:s20+$0x8810];
	v42 =	vpop (erf);
	(erf) = vpow2.f32 v18;
	v18 =	vmul.f32 $1.442695020e+00, v57  }
0x22e: {  	v28 =	vadd.f32 v48, v28;
	v63 =	vld [tilespmem:s20+$0x8820];
	v43 =	vpop (erf);
	(erf) = vpow2.f32 v19;
	v19 =	vmul.f32 $1.442695020e+00, v58  }
0x22f: {  	v29 =	vadd.f32 v50, v29;
	v49 =	vld [tilespmem:s20+$0x8830];
	v48 =	vpop (erf);
	(erf) = vpow2.f32 v18;
	v18 =	vmul.f32 $1.442695020e+00, v59  }
0x230: {  	v45 =	vld [tilespmem:s19+$0x12800];
	v31 =	vadd.f32 v54, v31;
	v50 =	vpop (erf);
	(erf) = vpow2.f32 v19;
	v19 =	vmul.f32 $1.442695020e+00, v60  }
0x231: {  	v51 =	vadd.f32 v52, v30;
	v53 =	vld [tilespmem:s20+$0x9010];
	v52 =	vpop (erf);
	(erf) = vpow2.f32 v18;
	v18 =	vmul.f32 $1.442695020e+00, v61  }
0x232: {  	v32 =	vadd.f32 v36, v32;
	v55 =	vld [tilespmem:s20+$0x9020];
	v54 =	vpop (erf);
	(erf) = vpow2.f32 v19;
	v19 =	vmul.f32 $1.442695020e+00, v62  }
0x233: {  	v25 =	vadd.f32 v37, v25;
	v57 =	vld [tilespmem:s20+$0x9030];
	v56 =	vpop (erf);
	(erf) = vpow2.f32 v18;
	v18 =	vmul.f32 $1.442695020e+00, v63  }
0x234: {  	v27 =	vadd.f32 v39, v27;
	v58 =	vpop (erf);
	(erf) = vpow2.f32 v19;
	v19 =	vmul.f32 $1.442695020e+00, v49  }
0x235: {  	v20 =	vadd.f32 v42, v51;
	v60 =	vpop (erf);
	(erf) = vpow2.f32 v18;
	v18 =	vmul.f32 $1.442695020e+00, v45  }
0x236: {  	v59 =	vadd.f32 v38, v26;
	v61 =	vpop (erf);
	(erf) = vpow2.f32 v19;
	v19 =	vmul.f32 $1.442695020e+00, v53  }
0x237: {  	v38 =	vadd.f32 v41, v29;
	v63 =	vpop (erf);
	(erf) = vpow2.f32 v18;
	v18 =	vmul.f32 $1.442695020e+00, v55  }
0x238: {  	v62 =	vadd.f32 v40, v28;
	v39 =	vpop (erf);
	(erf) = vpow2.f32 v19;
	v19 =	vmul.f32 $1.442695020e+00, v57  }
0x239: {  	v25 =	vadd.f32 v50, v25;
	v40 =	vadd.f32 v43, v31;
	v41 =	vpop (erf);
	(erf) = vpow2.f32 v18  }
0x23a: {  	v51 =	vld [tilespmem:s16+$0x13800];
	v43 =	vadd.f32 v54, v27;
	v21 =	vadd.f32 v56, v62;
	v42 =	vpop (erf);
	(erf) = vpow2.f32 v19  }
0x23b: {  	v22 =	vadd.f32 v58, v38;
	v20 =	vadd.f32 v60, v20;
	v44 =	vpop (erf)  }
0x23c: {  	v23 =	vadd.f32 v61, v40;
	v18 =	vadd.f32 v48, v32;
	v45 =	vpop (erf)  }
0x23d: {  	v53 =	vld [tilespmem:s16+$0x13810];
	v25 =	vadd.f32 v39, v25;
	v19 =	vadd.f32 v52, v59;
	v46 =	vpop (erf)  }
0x23e: {  	v56 =	vmov s17;
	v55 =	vld [tilespmem:s16+$0x13820];
	v18 =	vadd.f32 v63, v18;
	v24 =	vadd.f32 v42, v43;
	v47 =	vpop (erf)  }
0x23f: {  	v60 =	vshll.u32 v51, $0xB;
	v59 =	vld [tilespmem:s16+$0x13830];
	v19 =	vadd.f32 v41, v19;
	v21 =	vadd.f32 v44, v21;
	v48 =	vpop (erf)  }
0x240: {  	v57 =	vmov s18;
	v22 =	vadd.f32 v45, v22;
	v20 =	vadd.f32 v46, v20;
	v49 =	vpop (erf)  }
0x241: {  	v58 =	vshll.u32 v57, $0x3;
	v23 =	vadd.f32 v47, v23;
	v50 =	vpop (erf);
	v25 =	vadd.f32 v49, v25  }
0x242: {  	v61 =	vshll.u32 v53, $0xB;
	v18 =	vadd.f32 v48, v18;
	v52 =	vpop (erf);
	v19 =	vadd.f32 v50, v19  }
0x243: {  	v27 =	vshll.u32 v55, $0xB;
	v24 =	vadd.f32 v52, v24;
	v54 =	vpop (erf);
	v22 =	vadd.f32 v25, v22  }
0x244: {  	v25 =	vshll.u32 v59, $0xB;
	v21 =	vadd.f32 v54, v21;
	v19 =	vadd.f32 v19, v20  }
0x245: {  	v20 =	vshll.u32 v56, $0x7;
	v23 =	vadd.f32 v24, v23;
	v24 =	vbroadcast v58, $0x0  }
0x246: {  	v62 =	vand.u32 $0x7FFFFF, v22;
	v22 =	vshra.s32 v22, $0x17;
	v21 =	vadd.f32 v21, v18  }
0x247: {  	v18 =	vand.u32 $0x380, v20;
	v63 =	vor.u32 $0x3F800000, v62;
	v34 =	vand.u32 $0x7FFFFF, v19  }
0x248: {  	v19 =	vshra.s32 v19, $0x17;
	v18 =	vbroadcast v18, $0x0;
	v20 =	vor.u32 v24, v60  }
0x249: {  	s19 =	sand.u32 $0x400, s13;
	v26 =	vor.u32 v24, v61;
	v27 =	vor.u32 v24, v27;
	v24 =	vor.u32 v24, v25  }
0x24a: {  	s20 =	sor.u32 s15, s19;
	v28 =	vor.u32 $0x3F800000, v34;
	v35 =	vand.u32 $0x7FFFFF, v23;
	v37 =	vmul.f32 $5.000000000e-01, v63  }
0x24b: {  	v57 =	vld [tilespmem:s20+$0x9870];
	vm3 =	vgt.f32 v63, $1.414213540e+00;
	v23 =	vshra.s32 v23, $0x17;
	v36 =	vand.u32 $0x7FFFFF, v21  }
0x24c: {  	v56 =	vld [tilespmem:s20+$0x9860];
	v29 =	vor.u32 $0x3F800000, v35;
	vm2 =	vgt.f32 v28, $1.414213540e+00;
	v38 =	vmul.f32 $5.000000000e-01, v28  }
0x24d: {  	v21 =	vshra.s32 v21, $0x17;
	v45 =	vsel vm3, $0xFFFFFF82, v4;
	v20 =	vor.u32 v18, v20  }
0x24e: {  	v26 =	vor.u32 v18, v26;
	v27 =	vor.u32 v18, v27;
	v30 =	vor.u32 $0x3F800000, v36  }
0x24f: {  	vm1 =	vgt.f32 v29, $1.414213540e+00;
	v25 =	vsel vm3, v37, v63;
	v39 =	vmul.f32 $5.000000000e-01, v29  }
0x250: {  	v54 =	vld [tilespmem:s20+$0x9840];
	v24 =	vor.u32 v18, v24;
	v35 =	vadd.s32 v22, v45;
	v47 =	vsel vm2, $0xFFFFFF82, v4  }
0x251: {  	v61 =	vmul.f32 $1.442695020e+00, v56;
	v63 =	vmul.f32 $1.442695020e+00, v57;
	v20 =	vor.u32 v0, v20  }
0x252: {  	v28 =	vsel vm2, v38, v28;
	v40 =	vmul.f32 $5.000000000e-01, v30;
	v25 =	vadd.f32 $-1.000000000e+00, v25  }
0x253: {  	vm0 =	vgt.f32 v30, $1.414213540e+00;
	v24 =	vor.u32 v3, v24;
	v19 =	vadd.s32 v19, v47  }
0x254: {  	s15 =	sadd.s32 s15, s19;
	v48 =	vsel vm1, $0xFFFFFF82, v4;
	v53 =	vcvt.s32.f32 v35;
	v29 =	vsel vm1, v39, v29  }
0x255: {  	v59 =	vld [tilespmem:s15+$0xA050];
	v35 =	vmul.f32 $1.442695020e+00, v54;
	v29 =	vadd.f32 $-1.000000000e+00, v29;
	v41 =	vmul.f32 $1.722455770e-01, v25  }
0x256: {  	v28 =	vadd.f32 $-1.000000000e+00, v28;
	v23 =	vadd.s32 v23, v48;
	v50 =	vsel vm0, $0xFFFFFF82, v4  }
0x257: {  	v19 =	vcvt.s32.f32 v19;
	v31 =	vadd.f32 $-2.740795020e-01, v41;
	v43 =	vmul.f32 $1.722455770e-01, v29  }
0x258: {  	v30 =	vsel vm0, v40, v30;
	v21 =	vadd.s32 v21, v50;
	v23 =	vcvt.s32.f32 v23  }
0x259: {  	(erf) = vpow2.f32 v35;
	v33 =	vadd.f32 $-2.740795020e-01, v43;
	v31 =	vmul.f32 v31, v25  }
0x25a: {  	v60 =	vld [tilespmem:s15+$0xA060];
	v40 =	vmul.f32 $1.442695020e+00, v59;
	v30 =	vadd.f32 $-1.000000000e+00, v30;
	v42 =	vmul.f32 $1.722455770e-01, v28  }
0x25b: {  	v47 =	vld [tilespmem:s15+$0xB050];
	v19 =	vmul.f32 $6.931471820e-01, v19;
	v31 =	vadd.f32 $3.380055430e-01, v31;
	v33 =	vmul.f32 v33, v29  }
0x25c: {  	v39 =	vld [tilespmem:s15+$0xA850];
	v21 =	vcvt.s32.f32 v21;
	v32 =	vadd.f32 $-2.740795020e-01, v42;
	v44 =	vmul.f32 $1.722455770e-01, v30  }
0x25d: {  	v62 =	vld [tilespmem:s15+$0xA070];
	v23 =	vmul.f32 $6.931471820e-01, v23;
	v46 =	vadd.f32 $3.380055430e-01, v33;
	v31 =	vmul.f32 v31, v25  }
0x25e: {  	v54 =	vld [tilespmem:s15+$0xB840];
	v21 =	vmul.f32 $6.931471820e-01, v21;
	v34 =	vadd.f32 $-2.740795020e-01, v44;
	v32 =	vmul.f32 v32, v28  }
0x25f: {  	v41 =	vld [tilespmem:s15+$0xA860];
	v42 =	vmul.f32 $1.442695020e+00, v60;
	v31 =	vadd.f32 $-4.991101620e-01, v31;
	v22 =	vmul.f32 v46, v29  }
0x260: {  	v55 =	vld [tilespmem:s20+$0x9850];
	v57 =	vmul.f32 $1.442695020e+00, v47;
	v32 =	vadd.f32 $3.380055430e-01, v32;
	v34 =	vmul.f32 v34, v30  }
0x261: {  	v48 =	vmul.f32 $1.442695020e+00, v39;
	v49 =	vadd.f32 $-4.991101620e-01, v22;
	v31 =	vmul.f32 v31, v25  }
0x262: {  	v44 =	vmul.f32 $1.442695020e+00, v62;
	v34 =	vadd.f32 $3.380055430e-01, v34;
	v32 =	vmul.f32 v32, v28  }
0x263: {  	v58 =	vld [tilespmem:s15+$0xA040];
	v62 =	vmul.f32 $1.442695020e+00, v54;
	v51 =	vadd.f32 $9.998871080e-01, v31;
	v52 =	vmul.f32 v49, v29  }
0x264: {  	v43 =	vld [tilespmem:s15+$0xA870];
	v50 =	vmul.f32 $1.442695020e+00, v41;
	v32 =	vadd.f32 $-4.991101620e-01, v32;
	v34 =	vmul.f32 v34, v30  }
0x265: {  	v22 =	vld.idx.msk [tilespmem:v24+s29+$0x0], $0xffff;
	v24 =	vmul.f32 v51, v25;
	v31 =	vadd.f32 $9.998871080e-01, v52;
	v25 =	vmul.f32 $1.442695020e+00, v55  }
0x266: {  	v45 =	vld [tilespmem:s15+$0xB040];
	v26 =	vor.u32 v1, v26;
	v33 =	vmul.f32 $6.931471820e-01, v53;
	v32 =	vmul.f32 v32, v28  }
0x267: {  	v38 =	vld [tilespmem:s15+$0xA840];
	v34 =	vadd.f32 $-4.991101620e-01, v34;
	v29 =	vmul.f32 v31, v29;
	(erf) = vpow2.f32 v25  }
0x268: {  	v27 =	vor.u32 v2, v27;
	v59 =	vld [tilespmem:s15+$0xB870];
	v31 =	vmul.f32 $1.442695020e+00, v58;
	(erf) = vpow2.f32 v61  }
0x269: {  	v49 =	vld [tilespmem:s15+$0xB060];
	v34 =	vmul.f32 v34, v30;
	v32 =	vadd.f32 $9.998871080e-01, v32;
	(erf) = vpow2.f32 v63  }
0x26a: {  	v20 =	vld.idx.msk [tilespmem:v20+s29+$0x0], $0xffff;
	v53 =	vmul.f32 $1.442695020e+00, v43;
	(erf) = vpow2.f32 v31  }
0x26b: {  	v51 =	vld [tilespmem:s15+$0xB070];
	v28 =	vmul.f32 v32, v28;
	v34 =	vadd.f32 $9.998871080e-01, v34;
	(erf) = vpow2.f32 v40  }
0x26c: {  	v26 =	vld.idx.msk [tilespmem:v26+s29+$0x0], $0xffff;
	v46 =	vmul.f32 $1.442695020e+00, v38;
	v24 =	vadd.f32 v24, v33;
	(erf) = vpow2.f32 v42  }
0x26d: {  	v27 =	vld.idx.msk [tilespmem:v27+s29+$0x0], $0xffff;
	v30 =	vmul.f32 v34, v30;
	v28 =	vadd.f32 v28, v19;
	(erf) = vpow2.f32 v44  }
0x26e: {  	v25 =	vmul.f32 $1.442695020e+00, v49;
	v23 =	vadd.f32 v29, v23;
	(erf) = vpow2.f32 v46  }
0x26f: {  	v33 =	vpop (erf);
	v58 =	vld [tilespmem:s15+$0xB860];
	v19 =	vsub.f32 v24, v20;
	v29 =	vmul.f32 $1.442695020e+00, v45;
	(erf) = vpow2.f32 v48  }
0x270: {  	v55 =	vld [tilespmem:s15+$0xB850];
	v30 =	vadd.f32 v30, v21;
	v60 =	vmul.f32 $1.442695020e+00, v51;
	v32 =	vpop (erf);
	(erf) = vpow2.f32 v50  }
0x271: {  	v20 =	vsub.f32 v28, v26;
	v28 =	vmul.f32 $1.442695020e+00, v59;
	v37 =	vpop (erf);
	(erf) = vpow2.f32 v53  }
0x272: {  	vm4 =	vgt.f32 v19, $1.053605150e-01;
	v21 =	vsub.f32 v23, v27;
	v26 =	vpop (erf);
	(erf) = vpow2.f32 v29  }
0x273: {  	v61 =	vld [tilespmem:s15+$0xC040];
	v52 =	vnsel vm4, $0x0, v19;
	v56 =	vsel vm4, $0x3F800000, v5;
	v29 =	vpop (erf);
	(erf) = vpow2.f32 v57  }
0x274: {  	v63 =	vld [tilespmem:s15+$0xC050];
	vm5 =	vgt.f32 v20, $1.053605150e-01;
	v24 =	vmul.f32 $1.442695020e+00, v58;
	v36 =	vpop (erf);
	(erf) = vpow2.f32 v25  }
0x275: {  	v47 =	vld [tilespmem:s15+$0xC060];
	v22 =	vsub.f32 v30, v22;
	v46 =	vmul.f32 $1.442695020e+00, v55;
	v39 =	vpop (erf);
	(erf) = vpow2.f32 v60  }
0x276: {  	v17 =	vadd.f32 v52, v17;
	v16 =	vadd.f32 v56, v16;
	v48 =	vld [tilespmem:s15+$0xC070];
	v38 =	vpop (erf);
	(erf) = vpow2.f32 v62  }
0x277: {  	v45 =	vnsel vm5, $0x0, v20;
	v49 =	vsel vm5, $0x3F800000, v5;
	v50 =	vld [tilespmem:s15+$0xC840];
	v41 =	vpop (erf);
	(erf) = vpow2.f32 v46  }
0x278: {  	v51 =	vmul.f32 $1.442695020e+00, v61;
	v52 =	vld [tilespmem:s15+$0xC850];
	vm6 =	vgt.f32 v21, $1.053605150e-01;
	v23 =	vpop (erf);
	(erf) = vpow2.f32 v24  }
0x279: {  	v54 =	vld [tilespmem:s15+$0xC860];
	v15 =	vadd.f32 v45, v15;
	v53 =	vmul.f32 $1.442695020e+00, v63;
	v31 =	vpop (erf);
	(erf) = vpow2.f32 v28  }
0x27a: {  	v56 =	vld [tilespmem:s15+$0xC870];
	v14 =	vadd.f32 v49, v14;
	v55 =	vmul.f32 $1.442695020e+00, v47;
	v40 =	vpop (erf);
	(erf) = vpow2.f32 v51  }
0x27b: {  	v58 =	vld [tilespmem:s15+$0xD040];
	v61 =	vsel vm6, $0x3F800000, v5;
	v25 =	vmul.f32 $1.442695020e+00, v48;
	v44 =	vpop (erf);
	(erf) = vpow2.f32 v53  }
0x27c: {  	vm7 =	vgt.f32 v22, $1.053605150e-01;
	v59 =	vmul.f32 $1.442695020e+00, v50;
	v60 =	vld [tilespmem:s15+$0xD050];
	v43 =	vpop (erf);
	(erf) = vpow2.f32 v55  }
0x27d: {  	v12 =	vadd.f32 v61, v12;
	v63 =	vld [tilespmem:s15+$0xD060];
	v62 =	vmul.f32 $1.442695020e+00, v52;
	v46 =	vpop (erf);
	(erf) = vpow2.f32 v25  }
0x27e: {  	v57 =	vnsel vm6, $0x0, v21;
	v52 =	vld [tilespmem:s15+$0xD070];
	v51 =	vmul.f32 $1.442695020e+00, v54;
	v30 =	vpop (erf);
	(erf) = vpow2.f32 v59  }
0x27f: {  	v48 =	vnsel vm7, $0x0, v22;
	v54 =	vld [tilespmem:s15+$0xD840];
	v53 =	vmul.f32 $1.442695020e+00, v56;
	v45 =	vpop (erf);
	(erf) = vpow2.f32 v62  }
0x280: {  	v13 =	vadd.f32 v57, v13;
	v56 =	vld [tilespmem:s15+$0xD850];
	v55 =	vmul.f32 $1.442695020e+00, v58;
	v47 =	vpop (erf);
	(erf) = vpow2.f32 v51  }
0x281: {  	v11 =	vadd.f32 v48, v11;
	v57 =	vmul.f32 $1.442695020e+00, v60;
	v58 =	vld [tilespmem:s15+$0xD860];
	v49 =	vpop (erf);
	(erf) = vpow2.f32 v53  }
0x282: {  	v33 =	vadd.f32 v41, v33;
	v60 =	vld [tilespmem:s15+$0xD870];
	v59 =	vmul.f32 $1.442695020e+00, v63;
	v48 =	vpop (erf);
	(erf) = vpow2.f32 v55  }
0x283: {  	v23 =	vadd.f32 v23, v32;
	v61 =	vmul.f32 $1.442695020e+00, v52;
	v62 =	vld [tilespmem:s15+$0xE040];
	v41 =	vpop (erf);
	(erf) = vpow2.f32 v57  }
0x284: {  	v50 =	vld [tilespmem:s15+$0xE050];
	v31 =	vadd.f32 v31, v37;
	v63 =	vmul.f32 $1.442695020e+00, v54;
	v32 =	vpop (erf);
	(erf) = vpow2.f32 v59  }
0x285: {  	v52 =	vld [tilespmem:s15+$0xE060];
	v26 =	vadd.f32 v40, v26;
	v51 =	vmul.f32 $1.442695020e+00, v56;
	v37 =	vpop (erf);
	(erf) = vpow2.f32 v61  }
0x286: {  	v29 =	vadd.f32 v44, v29;
	v54 =	vld [tilespmem:s15+$0xE070];
	v53 =	vmul.f32 $1.442695020e+00, v58;
	v40 =	vpop (erf);
	(erf) = vpow2.f32 v63  }
0x287: {  	v36 =	vadd.f32 v43, v36;
	v56 =	vld [tilespmem:s15+$0xE840];
	v55 =	vmul.f32 $1.442695020e+00, v60;
	v44 =	vpop (erf);
	(erf) = vpow2.f32 v51  }
0x288: {  	v39 =	vadd.f32 v46, v39;
	v58 =	vld [tilespmem:s15+$0xE850];
	v57 =	vmul.f32 $1.442695020e+00, v62;
	v43 =	vpop (erf);
	(erf) = vpow2.f32 v53  }
0x289: {  	v30 =	vadd.f32 v30, v38;
	v60 =	vld [tilespmem:s15+$0xE860];
	v59 =	vmul.f32 $1.442695020e+00, v50;
	v46 =	vpop (erf);
	(erf) = vpow2.f32 v55  }
0x28a: {  	v33 =	vadd.f32 v45, v33;
	v62 =	vld [tilespmem:s15+$0xE870];
	v61 =	vmul.f32 $1.442695020e+00, v52;
	v38 =	vpop (erf);
	(erf) = vpow2.f32 v57  }
0x28b: {  	v23 =	vadd.f32 v47, v23;
	v52 =	vld [tilespmem:s15+$0xF040];
	v63 =	vmul.f32 $1.442695020e+00, v54;
	v45 =	vpop (erf);
	(erf) = vpow2.f32 v59  }
0x28c: {  	v31 =	vadd.f32 v49, v31;
	v54 =	vld [tilespmem:s15+$0xF050];
	v53 =	vmul.f32 $1.442695020e+00, v56;
	v47 =	vpop (erf);
	(erf) = vpow2.f32 v61  }
0x28d: {  	v26 =	vadd.f32 v48, v26;
	v56 =	vld [tilespmem:s15+$0xF060];
	v55 =	vmul.f32 $1.442695020e+00, v58;
	v49 =	vpop (erf);
	(erf) = vpow2.f32 v63  }
0x28e: {  	v29 =	vadd.f32 v41, v29;
	v58 =	vld [tilespmem:s15+$0xF070];
	v57 =	vmul.f32 $1.442695020e+00, v60;
	v48 =	vpop (erf);
	(erf) = vpow2.f32 v53  }
0x28f: {  	v32 =	vadd.f32 v32, v36;
	v60 =	vld [tilespmem:s15+$0xF840];
	v59 =	vmul.f32 $1.442695020e+00, v62;
	v41 =	vpop (erf);
	(erf) = vpow2.f32 v55  }
0x290: {  	v37 =	vadd.f32 v37, v39;
	v62 =	vld [tilespmem:s15+$0xF850];
	v61 =	vmul.f32 $1.442695020e+00, v52;
	v36 =	vpop (erf);
	(erf) = vpow2.f32 v57  }
0x291: {  	v50 =	vld [tilespmem:s15+$0xF860];
	v30 =	vadd.f32 v40, v30;
	v63 =	vmul.f32 $1.442695020e+00, v54;
	v39 =	vpop (erf);
	(erf) = vpow2.f32 v59  }
0x292: {  	s17 =	sadd.s32 $0x9800, s15;
	v33 =	vadd.f32 v44, v33;
	v52 =	vld [tilespmem:s15+$0xF870];
	v51 =	vmul.f32 $1.442695020e+00, v56;
	v40 =	vpop (erf);
	(erf) = vpow2.f32 v61  }
0x293: {  	v23 =	vadd.f32 v43, v23;
	v54 =	vld [tilespmem:s17+$0x6840];
	v53 =	vmul.f32 $1.442695020e+00, v58;
	v44 =	vpop (erf);
	(erf) = vpow2.f32 v63  }
0x294: {  	v31 =	vadd.f32 v46, v31;
	v56 =	vld [tilespmem:s17+$0x6850];
	v55 =	vmul.f32 $1.442695020e+00, v60;
	v43 =	vpop (erf);
	(erf) = vpow2.f32 v51  }
0x295: {  	v26 =	vadd.f32 v38, v26;
	v58 =	vld [tilespmem:s17+$0x6860];
	v57 =	vmul.f32 $1.442695020e+00, v62;
	v46 =	vpop (erf);
	(erf) = vpow2.f32 v53  }
0x296: {  	v29 =	vadd.f32 v45, v29;
	v60 =	vld [tilespmem:s17+$0x6870];
	v59 =	vmul.f32 $1.442695020e+00, v50;
	v38 =	vpop (erf);
	(erf) = vpow2.f32 v55  }
0x297: {  	v32 =	vadd.f32 v47, v32;
	v62 =	vld [tilespmem:s17+$0x7040];
	v61 =	vmul.f32 $1.442695020e+00, v52;
	v45 =	vpop (erf);
	(erf) = vpow2.f32 v57  }
0x298: {  	v37 =	vadd.f32 v49, v37;
	v52 =	vld [tilespmem:s17+$0x7050];
	v63 =	vmul.f32 $1.442695020e+00, v54;
	v47 =	vpop (erf);
	(erf) = vpow2.f32 v59  }
0x299: {  	v30 =	vadd.f32 v48, v30;
	v54 =	vld [tilespmem:s17+$0x7060];
	v53 =	vmul.f32 $1.442695020e+00, v56;
	v49 =	vpop (erf);
	(erf) = vpow2.f32 v61  }
0x29a: {  	v33 =	vadd.f32 v41, v33;
	v56 =	vld [tilespmem:s17+$0x7070];
	v55 =	vmul.f32 $1.442695020e+00, v58;
	v48 =	vpop (erf);
	(erf) = vpow2.f32 v63  }
0x29b: {  	v23 =	vadd.f32 v36, v23;
	v58 =	vld [tilespmem:s17+$0x7840];
	v57 =	vmul.f32 $1.442695020e+00, v60;
	v41 =	vpop (erf);
	(erf) = vpow2.f32 v53  }
0x29c: {  	v31 =	vadd.f32 v39, v31;
	v60 =	vld [tilespmem:s17+$0x7850];
	v59 =	vmul.f32 $1.442695020e+00, v62;
	v36 =	vpop (erf);
	(erf) = vpow2.f32 v55  }
0x29d: {  	v26 =	vadd.f32 v40, v26;
	v62 =	vld [tilespmem:s17+$0x7860];
	v61 =	vmul.f32 $1.442695020e+00, v52;
	v39 =	vpop (erf);
	(erf) = vpow2.f32 v57  }
0x29e: {  	v50 =	vld [tilespmem:s17+$0x7870];
	v29 =	vadd.f32 v44, v29;
	v63 =	vmul.f32 $1.442695020e+00, v54;
	v40 =	vpop (erf);
	(erf) = vpow2.f32 v59  }
0x29f: {  	v32 =	vadd.f32 v43, v32;
	v52 =	vld [tilespmem:s17+$0x8040];
	v51 =	vmul.f32 $1.442695020e+00, v56;
	v44 =	vpop (erf);
	(erf) = vpow2.f32 v61  }
0x2a0: {  	v37 =	vadd.f32 v46, v37;
	v54 =	vld [tilespmem:s17+$0x8050];
	v53 =	vmul.f32 $1.442695020e+00, v58;
	v43 =	vpop (erf);
	(erf) = vpow2.f32 v63  }
0x2a1: {  	v30 =	vadd.f32 v38, v30;
	v56 =	vld [tilespmem:s17+$0x8060];
	v55 =	vmul.f32 $1.442695020e+00, v60;
	v46 =	vpop (erf);
	(erf) = vpow2.f32 v51  }
0x2a2: {  	v33 =	vadd.f32 v45, v33;
	v58 =	vld [tilespmem:s17+$0x8070];
	v57 =	vmul.f32 $1.442695020e+00, v62;
	v38 =	vpop (erf);
	(erf) = vpow2.f32 v53  }
0x2a3: {  	v23 =	vadd.f32 v47, v23;
	v60 =	vld [tilespmem:s17+$0x8840];
	v59 =	vmul.f32 $1.442695020e+00, v50;
	v45 =	vpop (erf);
	(erf) = vpow2.f32 v55  }
0x2a4: {  	v31 =	vadd.f32 v49, v31;
	v62 =	vld [tilespmem:s17+$0x8850];
	v61 =	vmul.f32 $1.442695020e+00, v52;
	v47 =	vpop (erf);
	(erf) = vpow2.f32 v57  }
0x2a5: {  	v26 =	vadd.f32 v48, v26;
	v52 =	vld [tilespmem:s17+$0x8860];
	v63 =	vmul.f32 $1.442695020e+00, v54;
	v49 =	vpop (erf);
	(erf) = vpow2.f32 v59  }
0x2a6: {  	v29 =	vadd.f32 v41, v29;
	v54 =	vld [tilespmem:s17+$0x8870];
	v53 =	vmul.f32 $1.442695020e+00, v56;
	v48 =	vpop (erf);
	(erf) = vpow2.f32 v61  }
0x2a7: {  	v32 =	vadd.f32 v36, v32;
	v56 =	vld [tilespmem:s17+$0x9040];
	v55 =	vmul.f32 $1.442695020e+00, v58;
	v41 =	vpop (erf);
	(erf) = vpow2.f32 v63  }
0x2a8: {  	v37 =	vadd.f32 v39, v37;
	v58 =	vld [tilespmem:s17+$0x9050];
	v57 =	vmul.f32 $1.442695020e+00, v60;
	v36 =	vpop (erf);
	(erf) = vpow2.f32 v53  }
0x2a9: {  	v30 =	vadd.f32 v40, v30;
	v60 =	vld [tilespmem:s17+$0x9060];
	v59 =	vmul.f32 $1.442695020e+00, v62;
	v39 =	vpop (erf);
	(erf) = vpow2.f32 v55  }
0x2aa: {  	v33 =	vadd.f32 v44, v33;
	v61 =	vmul.f32 $1.442695020e+00, v52;
	v40 =	vpop (erf);
	(erf) = vpow2.f32 v57  }
0x2ab: {  	v23 =	vadd.f32 v43, v23;
	v62 =	vld [tilespmem:s17+$0x9070];
	v63 =	vmul.f32 $1.442695020e+00, v54;
	v44 =	vpop (erf);
	(erf) = vpow2.f32 v59  }
0x2ac: {  	v31 =	vadd.f32 v46, v31;
	v51 =	vmul.f32 $1.442695020e+00, v56;
	v50 =	vpop (erf);
	(erf) = vpow2.f32 v61  }
0x2ad: {  	v26 =	vadd.f32 v38, v26;
	v53 =	vmul.f32 $1.442695020e+00, v58;
	v52 =	vpop (erf);
	(erf) = vpow2.f32 v63  }
0x2ae: {  	v29 =	vadd.f32 v45, v29;
	v55 =	vmul.f32 $1.442695020e+00, v60;
	v54 =	vpop (erf);
	(erf) = vpow2.f32 v51  }
0x2af: {  	v58 =	vadd.f32 v47, v32;
	v23 =	vadd.f32 v36, v23;
	v56 =	vpop (erf);
	(erf) = vpow2.f32 v53  }
0x2b0: {  	v57 =	vmul.f32 $1.442695020e+00, v62;
	v62 =	vadd.f32 v41, v33;
	v60 =	vpop (erf);
	(erf) = vpow2.f32 v55  }
0x2b1: {  	v31 =	vadd.f32 v39, v31;
	v59 =	vadd.f32 v49, v37;
	v49 =	vld [tilespmem:s20+$0x13840];
	v63 =	vpop (erf)  }
0x2b2: {  	v26 =	vadd.f32 v40, v26;
	v61 =	vadd.f32 v48, v30;
	(erf) = vpow2.f32 v57;
	v42 =	vpop (erf)  }
0x2b3: {  	v29 =	vadd.f32 v44, v29;
	v27 =	vadd.f32 v50, v58;
	v55 =	vld [tilespmem:s20+$0x13850];
	v43 =	vpop (erf)  }
0x2b4: {  	v32 =	vadd.f32 v52, v59;
	v24 =	vadd.f32 v54, v61;
	v45 =	vpop (erf)  }
0x2b5: {  	v52 =	vmov s12;
	v47 =	vadd.f32 v56, v62;
	v31 =	vadd.f32 v63, v31;
	v63 =	vld [tilespmem:s20+$0x13870];
	v46 =	vpop (erf)  }
0x2b6: {  	v59 =	vld [tilespmem:s20+$0x13860];
	v58 =	vshll.u32 v49, $0xB;
	v23 =	vadd.f32 v60, v23;
	v25 =	vadd.f32 v42, v26;
	v48 =	vpop (erf)  }
0x2b7: {  	v51 =	vadd.f32 v43, v29;
	v29 =	vshll.u32 v52, $0x3;
	v27 =	vadd.f32 v45, v27;
	v50 =	vpop (erf)  }
0x2b8: {  	v29 =	vand.u32 $0x400, v29;
	v36 =	vshll.u32 v55, $0xB;
	v32 =	vadd.f32 v46, v32;
	v53 =	vpop (erf)  }
0x2b9: {  	v29 =	vbroadcast v29, $0x0;
	v24 =	vadd.f32 v48, v24;
	v28 =	vadd.f32 v50, v47;
	v54 =	vpop (erf)  }
0x2ba: {  	v30 =	vshll.u32 v63, $0xB;
	v23 =	vadd.f32 v53, v23;
	v56 =	vadd.f32 v54, v31  }
0x2bb: {  	v57 =	vpop (erf);
	v26 =	vadd.f32 v28, v51;
	v28 =	vor.u32 v29, v58;
	v31 =	vshll.u32 v59, $0xB  }
0x2bc: {  	v25 =	vadd.f32 v57, v25;
	v23 =	vadd.f32 v23, v27;
	v61 =	vor.u32 v18, v28  }
0x2bd: {  	v31 =	vor.u32 v29, v31;
	v60 =	vadd.f32 v56, v32;
	v62 =	vand.u32 $0x7FFFFF, v26  }
0x2be: {  	v32 =	vor.u32 v29, v36;
	v31 =	vor.u32 v18, v31;
	v29 =	vor.u32 v29, v30  }
0x2bf: {  	v26 =	vshra.s32 v26, $0x17;
	v24 =	vadd.f32 v25, v24;
	v28 =	vor.u32 $0x3F800000, v62  }
0x2c0: {  	v37 =	vand.u32 $0x7FFFFF, v23;
	v32 =	vor.u32 v18, v32;
	v38 =	vmul.f32 $5.000000000e-01, v28  }
0x2c1: {  	v18 =	vor.u32 v18, v29;
	v33 =	vor.u32 $0x3F800000, v37;
	vm8 =	vgt.f32 v28, $1.414213540e+00  }
0x2c2: {  	v23 =	vshra.s32 v23, $0x17;
	v39 =	vmul.f32 $5.000000000e-01, v33;
	v28 =	vsel vm8, v38, v28  }
0x2c3: {  	v40 =	vand.u32 $0x7FFFFF, v60;
	vm9 =	vgt.f32 v33, $1.414213540e+00;
	v28 =	vadd.f32 $-1.000000000e+00, v28  }
0x2c4: {  	v42 =	vor.u32 $0x3F800000, v40;
	v44 =	vand.u32 $0x7FFFFF, v24;
	v33 =	vsel vm9, v39, v33  }
0x2c5: {  	v35 =	vor.u32 $0x3F800000, v44;
	v33 =	vadd.f32 $-1.000000000e+00, v33;
	v41 =	vmul.f32 $1.722455770e-01, v28  }
0x2c6: {  	v45 =	vmul.f32 $5.000000000e-01, v42;
	vm10 =	vgt.f32 v42, $1.414213540e+00;
	v46 =	vmul.f32 $5.000000000e-01, v35  }
0x2c7: {  	vm11 =	vgt.f32 v35, $1.414213540e+00;
	v43 =	vmul.f32 $1.722455770e-01, v33;
	v34 =	vadd.f32 $-2.740795020e-01, v41  }
0x2c8: {  	v25 =	vor.u32 v6, v61;
	v29 =	vsel vm10, v45, v42;
	v35 =	vsel vm11, v46, v35  }
0x2c9: {  	v29 =	vadd.f32 $-1.000000000e+00, v29;
	v30 =	vadd.f32 $-2.740795020e-01, v43;
	v34 =	vmul.f32 v34, v28  }
0x2ca: {  	v31 =	vor.u32 v8, v31;
	v27 =	vshra.s32 v60, $0x17;
	v35 =	vadd.f32 $-1.000000000e+00, v35  }
0x2cb: {  	v48 =	vmul.f32 $1.722455770e-01, v29;
	v30 =	vmul.f32 v30, v33;
	v34 =	vadd.f32 $3.380055430e-01, v34  }
0x2cc: {  	v32 =	vor.u32 v7, v32;
	v18 =	vor.u32 v9, v18;
	v49 =	vmul.f32 $1.722455770e-01, v35  }
0x2cd: {  	v36 =	vadd.f32 $-2.740795020e-01, v48;
	v30 =	vadd.f32 $3.380055430e-01, v30;
	v34 =	vmul.f32 v34, v28  }
0x2ce: {  	v47 =	vsel vm8, $0xFFFFFF82, v4;
	v24 =	vshra.s32 v24, $0x17;
	v37 =	vadd.f32 $-2.740795020e-01, v49  }
0x2cf: {  	v36 =	vmul.f32 v36, v29;
	v30 =	vmul.f32 v30, v33;
	v34 =	vadd.f32 $-4.991101620e-01, v34  }
0x2d0: {  	v26 =	vadd.s32 v26, v47;
	v50 =	vsel vm9, $0xFFFFFF82, v4;
	v37 =	vmul.f32 v37, v35  }
0x2d1: {  	v36 =	vadd.f32 $3.380055430e-01, v36;
	v30 =	vadd.f32 $-4.991101620e-01, v30;
	v34 =	vmul.f32 v34, v28  }
0x2d2: {  	v23 =	vadd.s32 v23, v50;
	v51 =	vsel vm10, $0xFFFFFF82, v4;
	v37 =	vadd.f32 $3.380055430e-01, v37  }
0x2d3: {  	v52 =	vmul.f32 v36, v29;
	v30 =	vmul.f32 v30, v33;
	v34 =	vadd.f32 $9.998871080e-01, v34  }
0x2d4: {  	v26 =	vcvt.s32.f32 v26;
	v27 =	vadd.s32 v27, v51;
	v53 =	vmul.f32 v37, v35  }
0x2d5: {  	v30 =	vadd.f32 $9.998871080e-01, v30;
	v28 =	vmul.f32 v34, v28;
	v34 =	vadd.f32 $-4.991101620e-01, v52  }
0x2d6: {  	v25 =	vld.idx.msk [tilespmem:v25+s29+$0x0], $0xffff;
	v23 =	vcvt.s32.f32 v23;
	v54 =	vsel vm11, $0xFFFFFF82, v4;
	v26 =	vmul.f32 $6.931471820e-01, v26  }
0x2d7: {  	v32 =	vld.idx.msk [tilespmem:v32+s29+$0x0], $0xffff;
	v30 =	vmul.f32 v30, v33;
	v33 =	vadd.f32 $-4.991101620e-01, v53;
	v34 =	vmul.f32 v34, v29  }
0x2d8: {  	v24 =	vadd.s32 v24, v54;
	v27 =	vcvt.s32.f32 v27;
	v23 =	vmul.f32 $6.931471820e-01, v23  }
0x2d9: {  	v26 =	vadd.f32 v28, v26;
	v33 =	vmul.f32 v33, v35;
	v55 =	vadd.f32 $9.998871080e-01, v34  }
0x2da: {  	v31 =	vld.idx.msk [tilespmem:v31+s29+$0x0], $0xffff;
	v24 =	vcvt.s32.f32 v24;
	v27 =	vmul.f32 $6.931471820e-01, v27;
	v23 =	vadd.f32 v30, v23  }
0x2db: {  	v25 =	vsub.f32 v26, v25;
	v33 =	vadd.f32 $9.998871080e-01, v33;
	v28 =	vmul.f32 v55, v29  }
0x2dc: {  	v56 =	vsel vm7, $0x3F800000, v5;
	v18 =	vld.idx.msk [tilespmem:v18+s29+$0x0], $0xffff;
	v24 =	vmul.f32 $6.931471820e-01, v24;
	v23 =	vsub.f32 v23, v32  }
0x2dd: {  	[tilespmem:s14+$0xFFFFFFC0] =	vst v19;
	vm12 =	vgt.f32 v25, $1.053605150e-01;
	v57 =	vmul.f32 v33, v35;
	v19 =	vadd.f32 v28, v27  }
0x2de: {  	v10 =	vadd.f32 v56, v10;
	v59 =	vnsel vm12, $0x0, v25;
	v60 =	vsel vm12, $0x3F800000, v5  }
0x2df: {  	[tilespmem:s14+$0xFFFFFFD0] =	vst v20;
	vm13 =	vgt.f32 v23, $1.053605150e-01;
	v58 =	vadd.f32 v57, v24;
	v19 =	vsub.f32 v19, v31  }
0x2e0: {  	p1 =	slt.u32 s11, $0x1E;
	[tilespmem:s14+$0xFFFFFFE0] =	vst v21;
	v17 =	vadd.f32 v59, v17;
	v16 =	vadd.f32 v60, v16;
	v61 =	vnsel vm13, $0x0, v23  }
.Ltmp3:
0x2e1: {  	[tilespmem:s14+$0xFFFFFFF0] =	vst v22;
	v62 =	vsel vm13, $0x3F800000, v5;
	v18 =	vsub.f32 v58, v18;
	vm14 =	vgt.f32 v19, $1.053605150e-01;
	(pc) =	sbr.rel @p1 .LBB2_5-.Ltmp3, $4  }
0x2e2: {  	[tilespmem:s14+$0x0] =	vst v25;
	v15 =	vadd.f32 v61, v15;
	v14 =	vadd.f32 v62, v14;
	v63 =	vnsel vm14, $0x0, v19  }
0x2e3: {  	[tilespmem:s14+$0x20] =	vst v19;
	v19 =	vsel vm14, $0x3F800000, v5;
	vm15 =	vgt.f32 v18, $1.053605150e-01;
	v13 =	vadd.f32 v63, v13  }
0x2e4: {  	[tilespmem:s14+$0x30] =	vst v18;
	v12 =	vadd.f32 v19, v12;
	v18 =	vnsel vm15, $0x0, v18;
	v19 =	vsel vm15, $0x3F800000, v5  }
0x2e5: {  	s13 =	sadd.s32 $0x400, s13;
	s12 =	sadd.s32 $0x80, s12;
	[tilespmem:s14+$0x10] =	vst v23;
	s14 =	sadd.s32 $0x80, s14;
	v11 =	vadd.f32 v18, v11;
	v10 =	vadd.f32 v19, v10  }
.Ltmp4:
0x2e6: {  	(pc) =	sbr.rel @p0 .LBB2_8-.Ltmp4, $4  }
0x2e7: {  	_ = 	snop  }
0x2e8: {  	s10 =	sadd.s32 s10, s5  }
0x2e9: {  	s10 =	sadd.s32 $0x100, s10  }
0x2ea: {  	[hbm4b:s10+s4] =	stream.linear.scatter [tilespmem:s31], [sflag:$0x6], $0x800, $0x38;
	[tilespmem:$0x15080] =	vst v63  }
0x2eb: {  	s9 =	sadd.s32 $0x3, s9  }
0x2ec: {  	s10 =	sshll.u32 s9, $0x1  }
0x2ed: {  	s9 =	sshrl.u32 s9, $0x2;
	s10 =	sand.u32 $0x4, s10  }
0x2ee: {  	s11 =	smul.u32 $0x4C0000, s9;
	s10 =	sor.u32 s8, s10  }
0x2ef: {  	s10 =	sshll.u32 s10, $0xA  }
0x2f0: {  	s11 =	sor.u32 s11, s10  }
0x2f1: {  	s11 =	sshrl.u32 s11, $0x3  }
0x2f2: {  	s12 =	sadd.s32 s11, s26;
	s11 =	sadd.s32 s1, s11  }
0x2f3: {  	[tilespmem:s29], [sflag:$0x2] =	stream.linear.gather [hbm4b:s12+s4], $0x800, $0x38;
	[tilespmem:$0x15080] =	vst v63  }
0x2f4: {  	s13 =	simm.s32 $0xA000;
	s20 =	sadd.s32 $0x8100, s11  }
0x2f5: {  	[tilespmem:s13], [sflag:$0x2] =	stream.linear.gather [hbm4b:s20+s4], $0x800, $0x38;
	[tilespmem:$0x15080] =	vst v63  }
0x2f6: {  	s14 =	simm.s32 $0xA800;
	s13 =	sadd.s32 $0x10100, s11  }
0x2f7: {  	[tilespmem:s14], [sflag:$0x2] =	stream.linear.gather [hbm4b:s13+s4], $0x800, $0x38;
	[tilespmem:$0x15080] =	vst v63  }
0x2f8: {  	s16 =	simm.s32 $0xB000;
	s15 =	sadd.s32 $0x18100, s11  }
0x2f9: {  	[tilespmem:s16], [sflag:$0x2] =	stream.linear.gather [hbm4b:s15+s4], $0x800, $0x38;
	[tilespmem:$0x15080] =	vst v63  }
0x2fa: {  	s18 =	simm.s32 $0xB800;
	s17 =	sadd.s32 $0x20100, s11  }
0x2fb: {  	[tilespmem:s18], [sflag:$0x2] =	stream.linear.gather [hbm4b:s17+s4], $0x800, $0x38;
	[tilespmem:$0x15080] =	vst v63  }
0x2fc: {  	s19 =	sadd.s32 $0x28100, s11;
	s20 =	simm.s32 $0xC000  }
0x2fd: {  	[tilespmem:s20], [sflag:$0x2] =	stream.linear.gather [hbm4b:s19+s4], $0x800, $0x38;
	[tilespmem:$0x15080] =	vst v63  }
0x2fe: {  	s13 =	sadd.s32 $0x30100, s11;
	s14 =	simm.s32 $0xC800  }
0x2ff: {  	[tilespmem:s14], [sflag:$0x2] =	stream.linear.gather [hbm4b:s13+s4], $0x800, $0x38;
	[tilespmem:$0x15080] =	vst v63  }
0x300: {  	s15 =	sadd.s32 $0x38100, s11;
	s16 =	simm.s32 $0xD000  }
0x301: {  	[tilespmem:s16], [sflag:$0x2] =	stream.linear.gather [hbm4b:s15+s4], $0x800, $0x38;
	[tilespmem:$0x15080] =	vst v63  }
0x302: {  	s17 =	sadd.s32 $0x40100, s11;
	s18 =	simm.s32 $0xD800  }
0x303: {  	[tilespmem:s18], [sflag:$0x2] =	stream.linear.gather [hbm4b:s17+s4], $0x800, $0x38;
	[tilespmem:$0x15080] =	vst v63  }
0x304: {  	s19 =	sadd.s32 $0x48100, s11;
	s20 =	simm.s32 $0xE000  }
0x305: {  	[tilespmem:s20], [sflag:$0x2] =	stream.linear.gather [hbm4b:s19+s4], $0x800, $0x38;
	[tilespmem:$0x15080] =	vst v63  }
0x306: {  	s13 =	sadd.s32 $0x50100, s11;
	s14 =	simm.s32 $0xE800  }
0x307: {  	[tilespmem:s14], [sflag:$0x2] =	stream.linear.gather [hbm4b:s13+s4], $0x800, $0x38;
	[tilespmem:$0x15080] =	vst v63  }
0x308: {  	s15 =	sadd.s32 $0x58100, s11;
	s16 =	simm.s32 $0xF000  }
0x309: {  	[tilespmem:s16], [sflag:$0x2] =	stream.linear.gather [hbm4b:s15+s4], $0x800, $0x38;
	[tilespmem:$0x15080] =	vst v63  }
0x30a: {  	s17 =	sadd.s32 $0x60100, s11;
	s18 =	simm.s32 $0xF800  }
0x30b: {  	[tilespmem:s18], [sflag:$0x2] =	stream.linear.gather [hbm4b:s17+s4], $0x800, $0x38;
	[tilespmem:$0x15080] =	vst v63  }
0x30c: {  	s19 =	sadd.s32 $0x68100, s11;
	s20 =	simm.s32 $0x10000  }
0x30d: {  	[tilespmem:s20], [sflag:$0x2] =	stream.linear.gather [hbm4b:s19+s4], $0x800, $0x38;
	[tilespmem:$0x15080] =	vst v63  }
0x30e: {  	s14 =	sadd.s32 $0x70100, s11;
	s15 =	simm.s32 $0x10800  }
0x30f: {  	[tilespmem:s15], [sflag:$0x2] =	stream.linear.gather [hbm4b:s14+s4], $0x800, $0x38;
	[tilespmem:$0x15080] =	vst v63  }
0x310: {  	s16 =	sadd.s32 $0x78100, s11;
	s17 =	simm.s32 $0x11000  }
0x311: {  	[tilespmem:s17], [sflag:$0x2] =	stream.linear.gather [hbm4b:s16+s4], $0x800, $0x38;
	[tilespmem:$0x15080] =	vst v63  }
0x312: {  	s18 =	sadd.s32 $0x80100, s11;
	s19 =	simm.s32 $0x11800  }
0x313: {  	[tilespmem:s19], [sflag:$0x2] =	stream.linear.gather [hbm4b:s18+s4], $0x800, $0x38;
	[tilespmem:$0x15080] =	vst v63  }
0x314: {  	s9 =	sshll.u32 s9, $0x12;
	s20 =	sadd.s32 $0x88100, s11  }
0x315: {  	[tilespmem:s21], [sflag:$0x2] =	stream.linear.gather [hbm4b:s20+s4], $0x800, $0x38;
	[tilespmem:$0x15080] =	vst v63  }
.Ltmp5:
0x316: {  	s9 =	sor.u32 s9, s10;
	(pc) =	sbr.rel .LBB2_2-.Ltmp5, $4  }
0x317: {  	s9 =	sshrl.u32 s9, $0x3;
	s11 =	sadd.s32 $0x90100, s11  }
0x318: {  	[tilespmem:s22], [sflag:$0x2] =	stream.linear.gather [hbm4b:s11+s4], $0x800, $0x38;
	[tilespmem:$0x15080] =	vst v63  }
0x319: {  	s2 =	sadd.s32 $0x1, s2;
	s9 =	sadd.s32 s9, s28  }
0x31a: {  	[tilespmem:s23], [sflag:$0x4] =	stream.linear.gather [hbm4b:s9+s4], $0x800, $0x38;
	[tilespmem:$0x15080] =	vst v63  }
.LBB2_9:
0x31b: {  	_ =	sfence.sel $0x180000  }
0x31c: {  	[bflag:$0x0] =	sbarrier.arrive $0xFFFF  }
0x31d: {  	_ =	strace $0x90000047  }
0x31e: {  	s0 =	stileid.u32;
	[bflag:$0x2] =	sbarrier.arrive $0xFFFF  }
0x31f: {  	p0 =	sne.s32 s0, $0x0;
	s0 =	rddreg [dreg:$0x3]  }
0x320: {  	s0 =	sadd.s32 @!p0 $0x100000, s0  }
0x321: {  	[sflag:s0] =	ssyncadd.tile.s32 @!p0 $0x1;
	_ =	shalt  }
.Lfunc_end2:
_tile_overlayer_lowered:
.L_overlay_start_2:
0x322: {  	(tag) =	ssettag $0x2  }
0x323: {  	s0 =	rddreg [dreg:$0x0];
	s2 =	stileid.u32  }
0x324: {  	s1 =	rddreg [dreg:$0x1];
	p0 =	sne.s32 s2, $0x0  }
0x325: {  	s3 =	rddreg [dreg:$0x2];
	[bflag:$0x3] =	sbarrier.arrive $0xFFFF;
	s2 =	simm.s32 @!p0 $0x1C07  }
0x326: {  	[timem:s3], [sflag:s2] =	dma.local @!p0 [hbm:s0], s1  }
0x327: {  	s0 =	simm.s32 @!p0 $0x7  }
0x328: {  	_ =	swait.ge @!p0 [sflag:s0], s1  }
0x329: {  	s1 =	ssub.s32 @!p0 $0x0, s1;
	[sflag:s0] =	ssyncset.done @!p0 $0x0  }
0x32a: {  	[sflag:s0] =	ssyncadd.s32 @!p0 s1  }
0x32b: {  	[bflag:$0x3] =	sbarrier.arrive $0xFFFF  }
0x32c: {  	_ =	shalt  }

</sc_bundles>
